<compile_context>
chip_gen: v7x
topology: tpu7x:2x2x1
jax: 0.10.2.dev20260603
libtpu: 0.0.44.dev20260713+nightly
codegen_flags: <defaults>
</compile_context>

<pallas_src>
import functools

import jax
import jax.numpy as jnp
from jax import lax
from jax.experimental import pallas as pl
from jax.experimental.pallas import tpu as pltpu
from jax.experimental.pallas import tpu_sc as plsc

_NC = 2
_NS = 16
_NW = _NC * _NS
_LANES = 16
_BB = 128
_VC = 128


@functools.lru_cache(maxsize=None)
def _build_retile(vocab: int, dim: int):
    vb = 512
    grid = -(-vocab // vb)

    def body(t0_ref, t1_ref, t2_ref, t3_ref, out_ref):
        for j, t in enumerate((t0_ref, t1_ref, t2_ref, t3_ref)):
            out_ref[:, j * dim:(j + 1) * dim] = t[...].T

    return pl.pallas_call(
        body,
        grid=(grid,),
        in_specs=[pl.BlockSpec((dim, vb), lambda i: (0, i))] * 4,
        out_specs=pl.BlockSpec((vb, 4 * dim), lambda i: (i, 0)),
        out_shape=jax.ShapeDtypeStruct((vocab, 4 * dim), jnp.float32),
    )


@functools.lru_cache(maxsize=None)
def _build_gather(batch: int, seq: int, vocab: int, dim: int):
    assert batch == _NW * _BB and seq % 2 == 0
    n_bchunk = _BB // _LANES
    row = 4 * dim

    mesh = plsc.VectorSubcoreMesh(core_axis_name="c", subcore_axis_name="s")

    @functools.partial(
        pl.kernel,
        mesh=mesh,
        out_type=jax.ShapeDtypeStruct((seq, dim, _NW, 4, _BB), jnp.float32),
        compiler_params=pltpu.CompilerParams(needs_layout_passes=False,
                                             use_tc_tiling_on_sc=False),
        scratch_types=[
            pltpu.VMEM((_BB * seq,), jnp.int32),
            pltpu.VMEM((2, _BB), jnp.int32),
            pltpu.VMEM((2, _BB, row), jnp.float32),
            pltpu.VMEM((2, dim, 4, _BB), jnp.float32),
            pltpu.SemaphoreType.DMA,
            pltpu.SemaphoreType.DMA,
            pltpu.SemaphoreType.DMA,
            pltpu.SemaphoreType.DMA,
        ],
    )
    def gather_kernel(x_hbm, tab, out_hbm, xt_v, idx_v, rall, o_v,
                      semg0, semg1, semo0, semo1):
        wid = lax.axis_index("s") * _NC + lax.axis_index("c")
        iota = lax.iota(jnp.int32, _LANES)
        semg = (semg0, semg1)
        semo = (semo0, semo1)
        xrows = [(iota + bc * _LANES) * seq for bc in range(n_bchunk)]
        brows = [iota + bc * _LANES for bc in range(n_bchunk)]
        zeros = jnp.full((_LANES,), 0, jnp.int32)

        pltpu.sync_copy(x_hbm.at[pl.ds(wid * (_BB * seq), _BB * seq)], xt_v)

        def start_gather(l, buf):
            l_vec = zeros + l
            for bc in range(n_bchunk):
                idx_v[buf, pl.ds(bc * _LANES, _LANES)] = plsc.load_gather(
                    xt_v, [xrows[bc] + l_vec])
            pltpu.async_copy(tab.at[idx_v.at[buf]], rall.at[buf], semg[buf])

        def wait_gather(buf):
            pltpu.make_async_copy(tab.at[idx_v.at[buf]], rall.at[buf],
                                  semg[buf]).wait()

        def interleave(buf):
            rbuf = rall.at[buf]

            @plsc.parallel_loop(0, dim, unroll=4)
            def dim_body(d):
                d_vec = zeros + d
                for t in range(4):
                    c_vec = d_vec + t * dim
                    for bc in range(n_bchunk):
                        v = plsc.load_gather(rbuf, [brows[bc], c_vec])
                        o_v[buf, d, t, pl.ds(bc * _LANES, _LANES)] = v

        def start_out(l, buf):
            pltpu.async_copy(o_v.at[buf], out_hbm.at[l, :, wid], semo[buf])

        def wait_out(l, buf):
            pltpu.make_async_copy(o_v.at[buf], out_hbm.at[l, :, wid],
                                  semo[buf]).wait()

        start_gather(0, 0)

        def seq_body(i2, _):
            for phase in range(2):
                l = i2 * 2 + phase
                wait_gather(phase)

                @pl.when(l + 1 < seq)
                def _():
                    start_gather(l + 1, 1 - phase)

                @pl.when(i2 > 0)
                def _():
                    wait_out(l - 2, phase)

                interleave(phase)
                start_out(l, phase)
            return 0

        lax.fori_loop(0, seq // 2, seq_body, 0)
        wait_out(seq - 2, 0)
        wait_out(seq - 1, 1)

    return gather_kernel


def kernel(x, scalar, vector_i, vector_j, vector_k):
    b, l = x.shape
    vocab, dim = scalar.shape
    x_flat = x.reshape(b * l).astype(jnp.int32)
    tables = (scalar, vector_i, vector_j, vector_k)
    tabs_t = [jnp.swapaxes(t, 0, 1) for t in tables]
    tab = _build_retile(vocab, dim)(*tabs_t)
    o5 = _build_gather(b, l, vocab, dim)(x_flat, tab)
    return o5.transpose(2, 4, 0, 1, 3).reshape(b, l, dim, 4)

# --- scband reference (transcript-rebuilt; emitter-appended) ---
"""Pipeline reference for scband-quaternion-embedding-7361573945754 (READ-ONLY COPY).

The authoritative reference and input builder live on the scoring server;
editing this copy changes nothing except your own understanding.
"""

import jax, jax.numpy as jnp
import numpy as np

VOCAB = 1000000
DIM = 32
B = 4096
L = 50

def setup_inputs(seed: int = 0) -> dict:
    key = jax.random.key(seed)
    k_x, k_s, k_i, k_j, k_k = jax.random.split(key, 5)
    x = jax.random.randint(k_x, (B, L), 0, VOCAB, dtype=jnp.int64 if jax.config.jax_enable_x64 else jnp.int32)
    scalar = jax.random.normal(k_s, (VOCAB, DIM), dtype=jnp.float32)
    vector_i = jax.random.normal(k_i, (VOCAB, DIM), dtype=jnp.float32)
    vector_j = jax.random.normal(k_j, (VOCAB, DIM), dtype=jnp.float32)
    vector_k = jax.random.normal(k_k, (VOCAB, DIM), dtype=jnp.float32)
    return {"x": x, "scalar": scalar, "vector_i": vector_i, "vector_j": vector_j, "vector_k": vector_k}

def reference(x, scalar, vector_i, vector_j, vector_k):
    a = jnp.take(scalar, x, axis=0)
    b = jnp.take(vector_i, x, axis=0)
    c = jnp.take(vector_j, x, axis=0)
    d = jnp.take(vector_k, x, axis=0)
    return jnp.stack([a, b, c, d], axis=-1)

if __name__ == "__main__":
    import jax
    _d = setup_inputs()
    print(jax.jit(kernel)(*tuple(_d.values())))

</pallas_src>

<mosaic_0001>
#map = affine_map<(d0, d1) -> (0)>
#map1 = affine_map<(d0, d1) -> (0, 0)>
#map2 = affine_map<(d0, d1) -> (0, 0, 0, 0, 0)>
module attributes {stable_mosaic.version = 14 : i64} {
  func.func @gather_kernel(%arg0: i32, %arg1: i32, %arg2: memref<204800xi32, #tpu.memory_space<hbm>>, %arg3: memref<1000000x128xf32, #tpu.memory_space<hbm>>, %arg4: memref<50x32x32x4x128xf32, #tpu.memory_space<hbm>>, %arg5: memref<6400xi32, #tpu.memory_space<vmem>>, %arg6: memref<2x128xi32, #tpu.memory_space<vmem>>, %arg7: memref<2x128x128xf32, #tpu.memory_space<vmem>>, %arg8: memref<2x32x4x128xf32, #tpu.memory_space<vmem>>, %arg9: memref<!tpu.dma_semaphore, #tpu.memory_space<semaphore_mem>>, %arg10: memref<!tpu.dma_semaphore, #tpu.memory_space<semaphore_mem>>, %arg11: memref<!tpu.dma_semaphore, #tpu.memory_space<semaphore_mem>>, %arg12: memref<!tpu.dma_semaphore, #tpu.memory_space<semaphore_mem>>) attributes {dimension_semantics = [#tpu.dimension_semantics<core_parallel>, #tpu.dimension_semantics<subcore_parallel>], iteration_bounds = array<i64: 2, 16>, scalar_prefetch = 0 : i64, scratch_operands = 8 : i64, tpu.core_type = #tpu.core_type<sc_vector_subcore>, window_params = [{transform_indices = #map}, {transform_indices = #map1}, {transform_indices = #map2}]} {
    %mul3A = arith.constant 2 : i32
    %mul3A_0 = arith.muli %arg1, %mul3A : i32
    %add3A = arith.addi %mul3A_0, %arg0 : i32
    %iota3A = tpu.iota {dimensions = array<i32: 0>} : vector<16xi32>
    %add3A_1 = arith.constant 0 : i32
    %add3A_2 = vector.broadcast %add3A_1 : i32 to vector<16xi32>
    %add3A_3 = arith.addi %iota3A, %add3A_2 : vector<16xi32>
    %mul3A_4 = arith.constant 50 : i32
    %mul3A_5 = vector.broadcast %mul3A_4 : i32 to vector<16xi32>
    %mul3A_6 = arith.muli %add3A_3, %mul3A_5 : vector<16xi32>
    %add3A_7 = arith.constant 16 : i32
    %add3A_8 = vector.broadcast %add3A_7 : i32 to vector<16xi32>
    %add3A_9 = arith.addi %iota3A, %add3A_8 : vector<16xi32>
    %mul3A_10 = arith.constant 50 : i32
    %mul3A_11 = vector.broadcast %mul3A_10 : i32 to vector<16xi32>
    %mul3A_12 = arith.muli %add3A_9, %mul3A_11 : vector<16xi32>
    %add3A_13 = arith.constant 32 : i32
    %add3A_14 = vector.broadcast %add3A_13 : i32 to vector<16xi32>
    %add3A_15 = arith.addi %iota3A, %add3A_14 : vector<16xi32>
    %mul3A_16 = arith.constant 50 : i32
    %mul3A_17 = vector.broadcast %mul3A_16 : i32 to vector<16xi32>
    %mul3A_18 = arith.muli %add3A_15, %mul3A_17 : vector<16xi32>
    %add3A_19 = arith.constant 48 : i32
    %add3A_20 = vector.broadcast %add3A_19 : i32 to vector<16xi32>
    %add3A_21 = arith.addi %iota3A, %add3A_20 : vector<16xi32>
    %mul3A_22 = arith.constant 50 : i32
    %mul3A_23 = vector.broadcast %mul3A_22 : i32 to vector<16xi32>
    %mul3A_24 = arith.muli %add3A_21, %mul3A_23 : vector<16xi32>
    %add3A_25 = arith.constant 64 : i32
    %add3A_26 = vector.broadcast %add3A_25 : i32 to vector<16xi32>
    %add3A_27 = arith.addi %iota3A, %add3A_26 : vector<16xi32>
    %mul3A_28 = arith.constant 50 : i32
    %mul3A_29 = vector.broadcast %mul3A_28 : i32 to vector<16xi32>
    %mul3A_30 = arith.muli %add3A_27, %mul3A_29 : vector<16xi32>
    %add3A_31 = arith.constant 80 : i32
    %add3A_32 = vector.broadcast %add3A_31 : i32 to vector<16xi32>
    %add3A_33 = arith.addi %iota3A, %add3A_32 : vector<16xi32>
    %mul3A_34 = arith.constant 50 : i32
    %mul3A_35 = vector.broadcast %mul3A_34 : i32 to vector<16xi32>
    %mul3A_36 = arith.muli %add3A_33, %mul3A_35 : vector<16xi32>
    %add3A_37 = arith.constant 96 : i32
    %add3A_38 = vector.broadcast %add3A_37 : i32 to vector<16xi32>
    %add3A_39 = arith.addi %iota3A, %add3A_38 : vector<16xi32>
    %mul3A_40 = arith.constant 50 : i32
    %mul3A_41 = vector.broadcast %mul3A_40 : i32 to vector<16xi32>
    %mul3A_42 = arith.muli %add3A_39, %mul3A_41 : vector<16xi32>
    %add3A_43 = arith.constant 112 : i32
    %add3A_44 = vector.broadcast %add3A_43 : i32 to vector<16xi32>
    %add3A_45 = arith.addi %iota3A, %add3A_44 : vector<16xi32>
    %mul3A_46 = arith.constant 50 : i32
    %mul3A_47 = vector.broadcast %mul3A_46 : i32 to vector<16xi32>
    %mul3A_48 = arith.muli %add3A_45, %mul3A_47 : vector<16xi32>
    %add3A_49 = arith.constant 0 : i32
    %add3A_50 = vector.broadcast %add3A_49 : i32 to vector<16xi32>
    %add3A_51 = arith.addi %iota3A, %add3A_50 : vector<16xi32>
    %add3A_52 = arith.constant 16 : i32
    %add3A_53 = vector.broadcast %add3A_52 : i32 to vector<16xi32>
    %add3A_54 = arith.addi %iota3A, %add3A_53 : vector<16xi32>
    %add3A_55 = arith.constant 32 : i32
    %add3A_56 = vector.broadcast %add3A_55 : i32 to vector<16xi32>
    %add3A_57 = arith.addi %iota3A, %add3A_56 : vector<16xi32>
    %add3A_58 = arith.constant 48 : i32
    %add3A_59 = vector.broadcast %add3A_58 : i32 to vector<16xi32>
    %add3A_60 = arith.addi %iota3A, %add3A_59 : vector<16xi32>
    %add3A_61 = arith.constant 64 : i32
    %add3A_62 = vector.broadcast %add3A_61 : i32 to vector<16xi32>
    %add3A_63 = arith.addi %iota3A, %add3A_62 : vector<16xi32>
    %add3A_64 = arith.constant 80 : i32
    %add3A_65 = vector.broadcast %add3A_64 : i32 to vector<16xi32>
    %add3A_66 = arith.addi %iota3A, %add3A_65 : vector<16xi32>
    %add3A_67 = arith.constant 96 : i32
    %add3A_68 = vector.broadcast %add3A_67 : i32 to vector<16xi32>
    %add3A_69 = arith.addi %iota3A, %add3A_68 : vector<16xi32>
    %add3A_70 = arith.constant 112 : i32
    %add3A_71 = vector.broadcast %add3A_70 : i32 to vector<16xi32>
    %add3A_72 = arith.addi %iota3A, %add3A_71 : vector<16xi32>
    %broadcast_in_dim3A = arith.constant 0 : i32
    %broadcast_in_dim3A_73 = vector.broadcast %broadcast_in_dim3A : i32 to vector<16xi32>
    %mul3A_74 = arith.constant 6400 : i32
    %mul3A_75 = arith.muli %add3A, %mul3A_74 : i32
    "tpu.region"() ({
      %run_scoped3A = tpu.sem_alloc : memref<!tpu.dma_semaphore, #tpu.memory_space<semaphore_mem>>
      %dma_start3A_185 = tpu.memref_slice %arg2[%mul3A_75] : memref<204800xi32, #tpu.memory_space<hbm>> -> memref<6400xi32, #tpu.memory_space<hbm>>
      %dma_start3A_186 = tpu.memref_slice %arg2[%mul3A_75] : memref<204800xi32, #tpu.memory_space<hbm>> -> memref<6400xi32, #tpu.memory_space<hbm>>
      tpu.enqueue_dma source(%dma_start3A_186 : memref<6400xi32, #tpu.memory_space<hbm>>) target(%arg5 : memref<6400xi32, #tpu.memory_space<vmem>>) target_semaphore(%run_scoped3A : memref<!tpu.dma_semaphore, #tpu.memory_space<semaphore_mem>>)
      %dma_wait3A_187 = tpu.memref_slice %arg2[%mul3A_75] : memref<204800xi32, #tpu.memory_space<hbm>> -> memref<6400xi32, #tpu.memory_space<hbm>>
      %dma_wait3A_188 = tpu.memref_slice %arg2[%mul3A_75] : memref<204800xi32, #tpu.memory_space<hbm>> -> memref<6400xi32, #tpu.memory_space<hbm>>
      tpu.wait_dma2 semaphore(%run_scoped3A : memref<!tpu.dma_semaphore, #tpu.memory_space<semaphore_mem>>) src(%dma_wait3A_188 : memref<6400xi32, #tpu.memory_space<hbm>>) dst(%arg5 : memref<6400xi32, #tpu.memory_space<vmem>>)
      tpu.yield
    }) : () -> ()
    %add3A_76 = arith.constant 0 : i32
    %add3A_77 = vector.broadcast %add3A_76 : i32 to vector<16xi32>
    %add3A_78 = arith.addi %broadcast_in_dim3A_73, %add3A_77 : vector<16xi32>
    %add3A_79 = arith.addi %mul3A_6, %add3A_78 : vector<16xi32>
    %gather3A = tpu.vector_load_idx %arg5[%add3A_79] : memref<6400xi32, #tpu.memory_space<vmem>>[vector<16xi32>], vector<16xi32>,
    %swap3A = arith.constant 0 : i32
    %swap3A_80 = arith.index_cast %swap3A : i32 to index
    %swap3A_81 = arith.constant 0 : index
    %swap3A_82 = tpu.vector_load %arg6[%swap3A_80, %swap3A_81] {strides = array<i32>} : memref<2x128xi32, #tpu.memory_space<vmem>>, vector<16xi32>,
    tpu.vector_store %arg6[%swap3A_80, %swap3A_81], %gather3A {strides = array<i32>} : memref<2x128xi32, #tpu.memory_space<vmem>>, vector<16xi32>,
    %add3A_83 = arith.addi %mul3A_12, %add3A_78 : vector<16xi32>
    %gather3A_84 = tpu.vector_load_idx %arg5[%add3A_83] : memref<6400xi32, #tpu.memory_space<vmem>>[vector<16xi32>], vector<16xi32>,
    %swap3A_85 = arith.constant 0 : i32
    %swap3A_86 = arith.index_cast %swap3A_85 : i32 to index
    %swap3A_87 = arith.constant 16 : index
    %swap3A_88 = tpu.vector_load %arg6[%swap3A_86, %swap3A_87] {strides = array<i32>} : memref<2x128xi32, #tpu.memory_space<vmem>>, vector<16xi32>,
    tpu.vector_store %arg6[%swap3A_86, %swap3A_87], %gather3A_84 {strides = array<i32>} : memref<2x128xi32, #tpu.memory_space<vmem>>, vector<16xi32>,
    %add3A_89 = arith.addi %mul3A_18, %add3A_78 : vector<16xi32>
    %gather3A_90 = tpu.vector_load_idx %arg5[%add3A_89] : memref<6400xi32, #tpu.memory_space<vmem>>[vector<16xi32>], vector<16xi32>,
    %swap3A_91 = arith.constant 0 : i32
    %swap3A_92 = arith.index_cast %swap3A_91 : i32 to index
    %swap3A_93 = arith.constant 32 : index
    %swap3A_94 = tpu.vector_load %arg6[%swap3A_92, %swap3A_93] {strides = array<i32>} : memref<2x128xi32, #tpu.memory_space<vmem>>, vector<16xi32>,
    tpu.vector_store %arg6[%swap3A_92, %swap3A_93], %gather3A_90 {strides = array<i32>} : memref<2x128xi32, #tpu.memory_space<vmem>>, vector<16xi32>,
    %add3A_95 = arith.addi %mul3A_24, %add3A_78 : vector<16xi32>
    %gather3A_96 = tpu.vector_load_idx %arg5[%add3A_95] : memref<6400xi32, #tpu.memory_space<vmem>>[vector<16xi32>], vector<16xi32>,
    %swap3A_97 = arith.constant 0 : i32
    %swap3A_98 = arith.index_cast %swap3A_97 : i32 to index
    %swap3A_99 = arith.constant 48 : index
    %swap3A_100 = tpu.vector_load %arg6[%swap3A_98, %swap3A_99] {strides = array<i32>} : memref<2x128xi32, #tpu.memory_space<vmem>>, vector<16xi32>,
    tpu.vector_store %arg6[%swap3A_98, %swap3A_99], %gather3A_96 {strides = array<i32>} : memref<2x128xi32, #tpu.memory_space<vmem>>, vector<16xi32>,
    %add3A_101 = arith.addi %mul3A_30, %add3A_78 : vector<16xi32>
    %gather3A_102 = tpu.vector_load_idx %arg5[%add3A_101] : memref<6400xi32, #tpu.memory_space<vmem>>[vector<16xi32>], vector<16xi32>,
    %swap3A_103 = arith.constant 0 : i32
    %swap3A_104 = arith.index_cast %swap3A_103 : i32 to index
    %swap3A_105 = arith.constant 64 : index
    %swap3A_106 = tpu.vector_load %arg6[%swap3A_104, %swap3A_105] {strides = array<i32>} : memref<2x128xi32, #tpu.memory_space<vmem>>, vector<16xi32>,
    tpu.vector_store %arg6[%swap3A_104, %swap3A_105], %gather3A_102 {strides = array<i32>} : memref<2x128xi32, #tpu.memory_space<vmem>>, vector<16xi32>,
    %add3A_107 = arith.addi %mul3A_36, %add3A_78 : vector<16xi32>
    %gather3A_108 = tpu.vector_load_idx %arg5[%add3A_107] : memref<6400xi32, #tpu.memory_space<vmem>>[vector<16xi32>], vector<16xi32>,
    %swap3A_109 = arith.constant 0 : i32
    %swap3A_110 = arith.index_cast %swap3A_109 : i32 to index
    %swap3A_111 = arith.constant 80 : index
    %swap3A_112 = tpu.vector_load %arg6[%swap3A_110, %swap3A_111] {strides = array<i32>} : memref<2x128xi32, #tpu.memory_space<vmem>>, vector<16xi32>,
    tpu.vector_store %arg6[%swap3A_110, %swap3A_111], %gather3A_108 {strides = array<i32>} : memref<2x128xi32, #tpu.memory_space<vmem>>, vector<16xi32>,
    %add3A_113 = arith.addi %mul3A_42, %add3A_78 : vector<16xi32>
    %gather3A_114 = tpu.vector_load_idx %arg5[%add3A_113] : memref<6400xi32, #tpu.memory_space<vmem>>[vector<16xi32>], vector<16xi32>,
    %swap3A_115 = arith.constant 0 : i32
    %swap3A_116 = arith.index_cast %swap3A_115 : i32 to index
    %swap3A_117 = arith.constant 96 : index
    %swap3A_118 = tpu.vector_load %arg6[%swap3A_116, %swap3A_117] {strides = array<i32>} : memref<2x128xi32, #tpu.memory_space<vmem>>, vector<16xi32>,
    tpu.vector_store %arg6[%swap3A_116, %swap3A_117], %gather3A_114 {strides = array<i32>} : memref<2x128xi32, #tpu.memory_space<vmem>>, vector<16xi32>,
    %add3A_119 = arith.addi %mul3A_48, %add3A_78 : vector<16xi32>
    %gather3A_120 = tpu.vector_load_idx %arg5[%add3A_119] : memref<6400xi32, #tpu.memory_space<vmem>>[vector<16xi32>], vector<16xi32>,
    %swap3A_121 = arith.constant 0 : i32
    %swap3A_122 = arith.index_cast %swap3A_121 : i32 to index
    %swap3A_123 = arith.constant 112 : index
    %swap3A_124 = tpu.vector_load %arg6[%swap3A_122, %swap3A_123] {strides = array<i32>} : memref<2x128xi32, #tpu.memory_space<vmem>>, vector<16xi32>,
    tpu.vector_store %arg6[%swap3A_122, %swap3A_123], %gather3A_120 {strides = array<i32>} : memref<2x128xi32, #tpu.memory_space<vmem>>, vector<16xi32>,
    %dma_start3A = arith.constant 0 : i32
    %dma_start3A_125 = arith.constant 0 : i32
    %dma_start3A_126 = arith.constant 0 : i32
    %dma_start3A_127 = arith.constant 0 : i32
    %dma_start3A_128 = tpu.memref_slice %arg7[%dma_start3A_125, %dma_start3A_126, %dma_start3A_127] : memref<2x128x128xf32, #tpu.memory_space<vmem>> -> memref<1x128x128xf32, #tpu.memory_space<vmem>>
    %dma_start3A_129 = tpu.memref_squeeze %dma_start3A_128 : memref<1x128x128xf32, #tpu.memory_space<vmem>> -> memref<128x128xf32, #tpu.memory_space<vmem>>
    %dma_start3A_130 = arith.constant 0 : i32
    %dma_start3A_131 = tpu.memref_slice %arg6[%dma_start3A, %dma_start3A_130] : memref<2x128xi32, #tpu.memory_space<vmem>> -> memref<1x128xi32, #tpu.memory_space<vmem>>
    %dma_start3A_132 = tpu.memref_squeeze %dma_start3A_131 : memref<1x128xi32, #tpu.memory_space<vmem>> -> memref<128xi32, #tpu.memory_space<vmem>>
    %dma_start3A_133 = arith.constant 0 : i32
    %dma_start3A_134 = arith.constant 0 : i32
    %dma_start3A_135 = tpu.memref_slice %arg3[%dma_start3A_133, %dma_start3A_134] : memref<1000000x128xf32, #tpu.memory_space<hbm>> -> memref<1000000x128xf32, #tpu.memory_space<hbm>>
    tpu.enqueue_indirect_dma source(%dma_start3A_135 : memref<1000000x128xf32, #tpu.memory_space<hbm>>) target(%dma_start3A_129 : memref<128x128xf32, #tpu.memory_space<vmem>>) offsets(%dma_start3A_132 : memref<128xi32, #tpu.memory_space<vmem>>) semaphore(%arg9 : memref<!tpu.dma_semaphore, #tpu.memory_space<semaphore_mem>>)
    %scan3A = arith.constant 0 : i32
    %scan3A_136 = arith.constant 0 : i32
    %scan3A_137 = arith.constant 25 : i32
    %scan3A_138 = arith.addi %scan3A_136, %scan3A_137 : i32
    %scan3A_139 = arith.constant 1 : i32
    %scan3A_140 = scf.for %scan3A_185 = %scan3A_136 to %scan3A_138 step %scan3A_139 iter_args(%scan3A_186 = %scan3A) -> (i32)  : i32 {
      %mul3A_187 = arith.constant 2 : i32
      %mul3A_188 = arith.muli %scan3A_185, %mul3A_187 : i32
      %add3A_189 = arith.constant 0 : i32
      %add3A_190 = arith.addi %mul3A_188, %add3A_189 : i32
      %dma_wait3A_191 = arith.constant 0 : i32
      %dma_wait3A_192 = arith.constant 0 : i32
      %dma_wait3A_193 = arith.constant 0 : i32
      %dma_wait3A_194 = arith.constant 0 : i32
      %dma_wait3A_195 = tpu.memref_slice %arg7[%dma_wait3A_192, %dma_wait3A_193, %dma_wait3A_194] : memref<2x128x128xf32, #tpu.memory_space<vmem>> -> memref<1x128x128xf32, #tpu.memory_space<vmem>>
      %dma_wait3A_196 = tpu.memref_squeeze %dma_wait3A_195 : memref<1x128x128xf32, #tpu.memory_space<vmem>> -> memref<128x128xf32, #tpu.memory_space<vmem>>
      %dma_wait3A_197 = arith.constant 0 : i32
      %dma_wait3A_198 = tpu.memref_slice %arg6[%dma_wait3A_191, %dma_wait3A_197] : memref<2x128xi32, #tpu.memory_space<vmem>> -> memref<1x128xi32, #tpu.memory_space<vmem>>
      %dma_wait3A_199 = tpu.memref_squeeze %dma_wait3A_198 : memref<1x128xi32, #tpu.memory_space<vmem>> -> memref<128xi32, #tpu.memory_space<vmem>>
      %dma_wait3A_200 = arith.constant 0 : i32
      %dma_wait3A_201 = arith.constant 0 : i32
      %dma_wait3A_202 = tpu.memref_slice %arg3[%dma_wait3A_200, %dma_wait3A_201] : memref<1000000x128xf32, #tpu.memory_space<hbm>> -> memref<1000000x128xf32, #tpu.memory_space<hbm>>
      tpu.wait_indirect_dma semaphore(%arg9 : memref<!tpu.dma_semaphore, #tpu.memory_space<semaphore_mem>>) src(%dma_wait3A_202 : memref<1000000x128xf32, #tpu.memory_space<hbm>>) dst(%dma_wait3A_196 : memref<128x128xf32, #tpu.memory_space<vmem>>)
      %add3A_203 = arith.constant 1 : i32
      %add3A_204 = arith.addi %add3A_190, %add3A_203 : i32
      %lt3A = arith.constant 50 : i32
      %lt3A_205 = arith.cmpi slt, %add3A_204, %lt3A : i32
      %convert_element_type3A = arith.extui %lt3A_205 : i1 to i32
      %cond3A = arith.constant 0 : i32
      %cond3A_206 = arith.cmpi ne, %convert_element_type3A, %cond3A : i32
      scf.if %cond3A_206 {
        %add3A_289 = arith.constant 1 : i32
        %add3A_290 = arith.addi %add3A_190, %add3A_289 : i32
        %add3A_291 = vector.broadcast %add3A_290 : i32 to vector<16xi32>
        %add3A_292 = arith.addi %broadcast_in_dim3A_73, %add3A_291 : vector<16xi32>
        %add3A_293 = arith.addi %mul3A_6, %add3A_292 : vector<16xi32>
        %gather3A_294 = tpu.vector_load_idx %arg5[%add3A_293] : memref<6400xi32, #tpu.memory_space<vmem>>[vector<16xi32>], vector<16xi32>,
        %swap3A_295 = arith.constant 1 : i32
        %swap3A_296 = arith.index_cast %swap3A_295 : i32 to index
        %swap3A_297 = arith.constant 0 : index
        %swap3A_298 = tpu.vector_load %arg6[%swap3A_296, %swap3A_297] {strides = array<i32>} : memref<2x128xi32, #tpu.memory_space<vmem>>, vector<16xi32>,
        tpu.vector_store %arg6[%swap3A_296, %swap3A_297], %gather3A_294 {strides = array<i32>} : memref<2x128xi32, #tpu.memory_space<vmem>>, vector<16xi32>,
        %add3A_299 = arith.addi %mul3A_12, %add3A_292 : vector<16xi32>
        %gather3A_300 = tpu.vector_load_idx %arg5[%add3A_299] : memref<6400xi32, #tpu.memory_space<vmem>>[vector<16xi32>], vector<16xi32>,
        %swap3A_301 = arith.constant 1 : i32
        %swap3A_302 = arith.index_cast %swap3A_301 : i32 to index
        %swap3A_303 = arith.constant 16 : index
        %swap3A_304 = tpu.vector_load %arg6[%swap3A_302, %swap3A_303] {strides = array<i32>} : memref<2x128xi32, #tpu.memory_space<vmem>>, vector<16xi32>,
        tpu.vector_store %arg6[%swap3A_302, %swap3A_303], %gather3A_300 {strides = array<i32>} : memref<2x128xi32, #tpu.memory_space<vmem>>, vector<16xi32>,
        %add3A_305 = arith.addi %mul3A_18, %add3A_292 : vector<16xi32>
        %gather3A_306 = tpu.vector_load_idx %arg5[%add3A_305] : memref<6400xi32, #tpu.memory_space<vmem>>[vector<16xi32>], vector<16xi32>,
        %swap3A_307 = arith.constant 1 : i32
        %swap3A_308 = arith.index_cast %swap3A_307 : i32 to index
        %swap3A_309 = arith.constant 32 : index
        %swap3A_310 = tpu.vector_load %arg6[%swap3A_308, %swap3A_309] {strides = array<i32>} : memref<2x128xi32, #tpu.memory_space<vmem>>, vector<16xi32>,
        tpu.vector_store %arg6[%swap3A_308, %swap3A_309], %gather3A_306 {strides = array<i32>} : memref<2x128xi32, #tpu.memory_space<vmem>>, vector<16xi32>,
        %add3A_311 = arith.addi %mul3A_24, %add3A_292 : vector<16xi32>
        %gather3A_312 = tpu.vector_load_idx %arg5[%add3A_311] : memref<6400xi32, #tpu.memory_space<vmem>>[vector<16xi32>], vector<16xi32>,
        %swap3A_313 = arith.constant 1 : i32
        %swap3A_314 = arith.index_cast %swap3A_313 : i32 to index
        %swap3A_315 = arith.constant 48 : index
        %swap3A_316 = tpu.vector_load %arg6[%swap3A_314, %swap3A_315] {strides = array<i32>} : memref<2x128xi32, #tpu.memory_space<vmem>>, vector<16xi32>,
        tpu.vector_store %arg6[%swap3A_314, %swap3A_315], %gather3A_312 {strides = array<i32>} : memref<2x128xi32, #tpu.memory_space<vmem>>, vector<16xi32>,
        %add3A_317 = arith.addi %mul3A_30, %add3A_292 : vector<16xi32>
        %gather3A_318 = tpu.vector_load_idx %arg5[%add3A_317] : memref<6400xi32, #tpu.memory_space<vmem>>[vector<16xi32>], vector<16xi32>,
        %swap3A_319 = arith.constant 1 : i32
        %swap3A_320 = arith.index_cast %swap3A_319 : i32 to index
        %swap3A_321 = arith.constant 64 : index
        %swap3A_322 = tpu.vector_load %arg6[%swap3A_320, %swap3A_321] {strides = array<i32>} : memref<2x128xi32, #tpu.memory_space<vmem>>, vector<16xi32>,
        tpu.vector_store %arg6[%swap3A_320, %swap3A_321], %gather3A_318 {strides = array<i32>} : memref<2x128xi32, #tpu.memory_space<vmem>>, vector<16xi32>,
        %add3A_323 = arith.addi %mul3A_36, %add3A_292 : vector<16xi32>
        %gather3A_324 = tpu.vector_load_idx %arg5[%add3A_323] : memref<6400xi32, #tpu.memory_space<vmem>>[vector<16xi32>], vector<16xi32>,
        %swap3A_325 = arith.constant 1 : i32
        %swap3A_326 = arith.index_cast %swap3A_325 : i32 to index
        %swap3A_327 = arith.constant 80 : index
        %swap3A_328 = tpu.vector_load %arg6[%swap3A_326, %swap3A_327] {strides = array<i32>} : memref<2x128xi32, #tpu.memory_space<vmem>>, vector<16xi32>,
        tpu.vector_store %arg6[%swap3A_326, %swap3A_327], %gather3A_324 {strides = array<i32>} : memref<2x128xi32, #tpu.memory_space<vmem>>, vector<16xi32>,
        %add3A_329 = arith.addi %mul3A_42, %add3A_292 : vector<16xi32>
        %gather3A_330 = tpu.vector_load_idx %arg5[%add3A_329] : memref<6400xi32, #tpu.memory_space<vmem>>[vector<16xi32>], vector<16xi32>,
        %swap3A_331 = arith.constant 1 : i32
        %swap3A_332 = arith.index_cast %swap3A_331 : i32 to index
        %swap3A_333 = arith.constant 96 : index
        %swap3A_334 = tpu.vector_load %arg6[%swap3A_332, %swap3A_333] {strides = array<i32>} : memref<2x128xi32, #tpu.memory_space<vmem>>, vector<16xi32>,
        tpu.vector_store %arg6[%swap3A_332, %swap3A_333], %gather3A_330 {strides = array<i32>} : memref<2x128xi32, #tpu.memory_space<vmem>>, vector<16xi32>,
        %add3A_335 = arith.addi %mul3A_48, %add3A_292 : vector<16xi32>
        %gather3A_336 = tpu.vector_load_idx %arg5[%add3A_335] : memref<6400xi32, #tpu.memory_space<vmem>>[vector<16xi32>], vector<16xi32>,
        %swap3A_337 = arith.constant 1 : i32
        %swap3A_338 = arith.index_cast %swap3A_337 : i32 to index
        %swap3A_339 = arith.constant 112 : index
        %swap3A_340 = tpu.vector_load %arg6[%swap3A_338, %swap3A_339] {strides = array<i32>} : memref<2x128xi32, #tpu.memory_space<vmem>>, vector<16xi32>,
        tpu.vector_store %arg6[%swap3A_338, %swap3A_339], %gather3A_336 {strides = array<i32>} : memref<2x128xi32, #tpu.memory_space<vmem>>, vector<16xi32>,
        %dma_start3A_341 = arith.constant 1 : i32
        %dma_start3A_342 = arith.constant 1 : i32
        %dma_start3A_343 = arith.constant 0 : i32
        %dma_start3A_344 = arith.constant 0 : i32
        %dma_start3A_345 = tpu.memref_slice %arg7[%dma_start3A_342, %dma_start3A_343, %dma_start3A_344] : memref<2x128x128xf32, #tpu.memory_space<vmem>> -> memref<1x128x128xf32, #tpu.memory_space<vmem>>
        %dma_start3A_346 = tpu.memref_squeeze %dma_start3A_345 : memref<1x128x128xf32, #tpu.memory_space<vmem>> -> memref<128x128xf32, #tpu.memory_space<vmem>>
        %dma_start3A_347 = arith.constant 0 : i32
        %dma_start3A_348 = tpu.memref_slice %arg6[%dma_start3A_341, %dma_start3A_347] : memref<2x128xi32, #tpu.memory_space<vmem>> -> memref<1x128xi32, #tpu.memory_space<vmem>>
        %dma_start3A_349 = tpu.memref_squeeze %dma_start3A_348 : memref<1x128xi32, #tpu.memory_space<vmem>> -> memref<128xi32, #tpu.memory_space<vmem>>
        %dma_start3A_350 = arith.constant 0 : i32
        %dma_start3A_351 = arith.constant 0 : i32
        %dma_start3A_352 = tpu.memref_slice %arg3[%dma_start3A_350, %dma_start3A_351] : memref<1000000x128xf32, #tpu.memory_space<hbm>> -> memref<1000000x128xf32, #tpu.memory_space<hbm>>
        tpu.enqueue_indirect_dma source(%dma_start3A_352 : memref<1000000x128xf32, #tpu.memory_space<hbm>>) target(%dma_start3A_346 : memref<128x128xf32, #tpu.memory_space<vmem>>) offsets(%dma_start3A_349 : memref<128xi32, #tpu.memory_space<vmem>>) semaphore(%arg10 : memref<!tpu.dma_semaphore, #tpu.memory_space<semaphore_mem>>)
      } else {
      }
      %gt3A = arith.constant 0 : i32
      %gt3A_207 = arith.cmpi sgt, %scan3A_185, %gt3A : i32
      %convert_element_type3A_208 = arith.extui %gt3A_207 : i1 to i32
      %cond3A_209 = arith.constant 0 : i32
      %cond3A_210 = arith.cmpi ne, %convert_element_type3A_208, %cond3A_209 : i32
      scf.if %cond3A_210 {
        %sub3A = arith.constant 2 : i32
        %sub3A_289 = arith.subi %add3A_190, %sub3A : i32
        %dma_wait3A_290 = arith.constant 0 : i32
        %dma_wait3A_291 = arith.constant 0 : i32
        %dma_wait3A_292 = arith.constant 0 : i32
        %dma_wait3A_293 = arith.constant 0 : i32
        %dma_wait3A_294 = tpu.memref_slice %arg8[%dma_wait3A_290, %dma_wait3A_291, %dma_wait3A_292, %dma_wait3A_293] : memref<2x32x4x128xf32, #tpu.memory_space<vmem>> -> memref<1x32x4x128xf32, #tpu.memory_space<vmem>>
        %dma_wait3A_295 = tpu.memref_squeeze %dma_wait3A_294 : memref<1x32x4x128xf32, #tpu.memory_space<vmem>> -> memref<32x4x128xf32, #tpu.memory_space<vmem>>
        %dma_wait3A_296 = arith.constant 0 : i32
        %dma_wait3A_297 = arith.constant 0 : i32
        %dma_wait3A_298 = arith.constant 0 : i32
        %dma_wait3A_299 = tpu.memref_slice %arg4[%sub3A_289, %dma_wait3A_296, %add3A, %dma_wait3A_297, %dma_wait3A_298] : memref<50x32x32x4x128xf32, #tpu.memory_space<hbm>> -> memref<1x32x1x4x128xf32, #tpu.memory_space<hbm>>
        %dma_wait3A_300 = tpu.memref_squeeze %dma_wait3A_299 : memref<1x32x1x4x128xf32, #tpu.memory_space<hbm>> -> memref<32x4x128xf32, #tpu.memory_space<hbm>>
        %dma_wait3A_301 = arith.constant 0 : i32
        %dma_wait3A_302 = arith.constant 0 : i32
        %dma_wait3A_303 = arith.constant 0 : i32
        %dma_wait3A_304 = tpu.memref_slice %arg4[%sub3A_289, %dma_wait3A_301, %add3A, %dma_wait3A_302, %dma_wait3A_303] : memref<50x32x32x4x128xf32, #tpu.memory_space<hbm>> -> memref<1x32x1x4x128xf32, #tpu.memory_space<hbm>>
        %dma_wait3A_305 = tpu.memref_squeeze %dma_wait3A_304 : memref<1x32x1x4x128xf32, #tpu.memory_space<hbm>> -> memref<32x4x128xf32, #tpu.memory_space<hbm>>
        %dma_wait3A_306 = arith.constant 0 : i32
        %dma_wait3A_307 = arith.constant 0 : i32
        %dma_wait3A_308 = arith.constant 0 : i32
        %dma_wait3A_309 = tpu.memref_slice %arg8[%dma_wait3A_290, %dma_wait3A_306, %dma_wait3A_307, %dma_wait3A_308] : memref<2x32x4x128xf32, #tpu.memory_space<vmem>> -> memref<1x32x4x128xf32, #tpu.memory_space<vmem>>
        %dma_wait3A_310 = tpu.memref_squeeze %dma_wait3A_309 : memref<1x32x4x128xf32, #tpu.memory_space<vmem>> -> memref<32x4x128xf32, #tpu.memory_space<vmem>>
        tpu.wait_dma2 semaphore(%arg11 : memref<!tpu.dma_semaphore, #tpu.memory_space<semaphore_mem>>) src(%dma_wait3A_310 : memref<32x4x128xf32, #tpu.memory_space<vmem>>) dst(%dma_wait3A_305 : memref<32x4x128xf32, #tpu.memory_space<hbm>>)
      } else {
      }
      %parallel_loop3A = arith.constant 0 : i32
      %parallel_loop3A_211 = arith.constant 32 : i32
      %parallel_loop3A_212 = arith.constant 1 : i32
      %parallel_loop3A_213 = arith.constant 0 : i32
      scf.for %parallel_loop3A_289 = %parallel_loop3A to %parallel_loop3A_211 step %parallel_loop3A_212  : i32 {
        %parallel_loop3A_290 = vector.broadcast %parallel_loop3A_289 : i32 to vector<16xi32>
        %parallel_loop3A_291 = arith.addi %broadcast_in_dim3A_73, %parallel_loop3A_290 : vector<16xi32>
        %parallel_loop3A_292 = arith.constant 0 : i32
        %parallel_loop3A_293 = vector.broadcast %parallel_loop3A_292 : i32 to vector<16xi32>
        %parallel_loop3A_294 = arith.addi %parallel_loop3A_291, %parallel_loop3A_293 : vector<16xi32>
        %parallel_loop3A_295 = arith.constant 0 : i32
        %parallel_loop3A_296 = arith.constant 0 : i32
        %parallel_loop3A_297 = tpu.memref_slice %arg7[%parallel_loop3A_213, %parallel_loop3A_295, %parallel_loop3A_296] : memref<2x128x128xf32, #tpu.memory_space<vmem>> -> memref<1x128x128xf32, #tpu.memory_space<vmem>>
        %parallel_loop3A_298 = tpu.memref_squeeze %parallel_loop3A_297 : memref<1x128x128xf32, #tpu.memory_space<vmem>> -> memref<128x128xf32, #tpu.memory_space<vmem>>
        %parallel_loop3A_299 = tpu.vector_load_idx %parallel_loop3A_298[%add3A_51, %parallel_loop3A_294] : memref<128x128xf32, #tpu.memory_space<vmem>>[vector<16xi32>, vector<16xi32>], vector<16xf32>,
        %parallel_loop3A_300 = arith.constant 0 : i32
        %parallel_loop3A_301 = arith.constant 0 : i32
        %parallel_loop3A_302 = arith.index_cast %parallel_loop3A_300 : i32 to index
        %parallel_loop3A_303 = arith.index_cast %parallel_loop3A_289 : i32 to index
        %parallel_loop3A_304 = arith.index_cast %parallel_loop3A_301 : i32 to index
        %parallel_loop3A_305 = arith.constant 0 : index
        %parallel_loop3A_306 = tpu.vector_load %arg8[%parallel_loop3A_302, %parallel_loop3A_303, %parallel_loop3A_304, %parallel_loop3A_305] {strides = array<i32>} : memref<2x32x4x128xf32, #tpu.memory_space<vmem>>, vector<16xf32>,
        tpu.vector_store %arg8[%parallel_loop3A_302, %parallel_loop3A_303, %parallel_loop3A_304, %parallel_loop3A_305], %parallel_loop3A_299 {strides = array<i32>} : memref<2x32x4x128xf32, #tpu.memory_space<vmem>>, vector<16xf32>,
        %parallel_loop3A_307 = arith.constant 0 : i32
        %parallel_loop3A_308 = arith.constant 0 : i32
        %parallel_loop3A_309 = tpu.memref_slice %arg7[%parallel_loop3A_213, %parallel_loop3A_307, %parallel_loop3A_308] : memref<2x128x128xf32, #tpu.memory_space<vmem>> -> memref<1x128x128xf32, #tpu.memory_space<vmem>>
        %parallel_loop3A_310 = tpu.memref_squeeze %parallel_loop3A_309 : memref<1x128x128xf32, #tpu.memory_space<vmem>> -> memref<128x128xf32, #tpu.memory_space<vmem>>
        %parallel_loop3A_311 = tpu.vector_load_idx %parallel_loop3A_310[%add3A_54, %parallel_loop3A_294] : memref<128x128xf32, #tpu.memory_space<vmem>>[vector<16xi32>, vector<16xi32>], vector<16xf32>,
        %parallel_loop3A_312 = arith.constant 0 : i32
        %parallel_loop3A_313 = arith.constant 0 : i32
        %parallel_loop3A_314 = arith.index_cast %parallel_loop3A_312 : i32 to index
        %parallel_loop3A_315 = arith.index_cast %parallel_loop3A_289 : i32 to index
        %parallel_loop3A_316 = arith.index_cast %parallel_loop3A_313 : i32 to index
        %parallel_loop3A_317 = arith.constant 16 : index
        %parallel_loop3A_318 = tpu.vector_load %arg8[%parallel_loop3A_314, %parallel_loop3A_315, %parallel_loop3A_316, %parallel_loop3A_317] {strides = array<i32>} : memref<2x32x4x128xf32, #tpu.memory_space<vmem>>, vector<16xf32>,
        tpu.vector_store %arg8[%parallel_loop3A_314, %parallel_loop3A_315, %parallel_loop3A_316, %parallel_loop3A_317], %parallel_loop3A_311 {strides = array<i32>} : memref<2x32x4x128xf32, #tpu.memory_space<vmem>>, vector<16xf32>,
        %parallel_loop3A_319 = arith.constant 0 : i32
        %parallel_loop3A_320 = arith.constant 0 : i32
        %parallel_loop3A_321 = tpu.memref_slice %arg7[%parallel_loop3A_213, %parallel_loop3A_319, %parallel_loop3A_320] : memref<2x128x128xf32, #tpu.memory_space<vmem>> -> memref<1x128x128xf32, #tpu.memory_space<vmem>>
        %parallel_loop3A_322 = tpu.memref_squeeze %parallel_loop3A_321 : memref<1x128x128xf32, #tpu.memory_space<vmem>> -> memref<128x128xf32, #tpu.memory_space<vmem>>
        %parallel_loop3A_323 = tpu.vector_load_idx %parallel_loop3A_322[%add3A_57, %parallel_loop3A_294] : memref<128x128xf32, #tpu.memory_space<vmem>>[vector<16xi32>, vector<16xi32>], vector<16xf32>,
        %parallel_loop3A_324 = arith.constant 0 : i32
        %parallel_loop3A_325 = arith.constant 0 : i32
        %parallel_loop3A_326 = arith.index_cast %parallel_loop3A_324 : i32 to index
        %parallel_loop3A_327 = arith.index_cast %parallel_loop3A_289 : i32 to index
        %parallel_loop3A_328 = arith.index_cast %parallel_loop3A_325 : i32 to index
        %parallel_loop3A_329 = arith.constant 32 : index
        %parallel_loop3A_330 = tpu.vector_load %arg8[%parallel_loop3A_326, %parallel_loop3A_327, %parallel_loop3A_328, %parallel_loop3A_329] {strides = array<i32>} : memref<2x32x4x128xf32, #tpu.memory_space<vmem>>, vector<16xf32>,
        tpu.vector_store %arg8[%parallel_loop3A_326, %parallel_loop3A_327, %parallel_loop3A_328, %parallel_loop3A_329], %parallel_loop3A_323 {strides = array<i32>} : memref<2x32x4x128xf32, #tpu.memory_space<vmem>>, vector<16xf32>,
        %parallel_loop3A_331 = arith.constant 0 : i32
        %parallel_loop3A_332 = arith.constant 0 : i32
        %parallel_loop3A_333 = tpu.memref_slice %arg7[%parallel_loop3A_213, %parallel_loop3A_331, %parallel_loop3A_332] : memref<2x128x128xf32, #tpu.memory_space<vmem>> -> memref<1x128x128xf32, #tpu.memory_space<vmem>>
        %parallel_loop3A_334 = tpu.memref_squeeze %parallel_loop3A_333 : memref<1x128x128xf32, #tpu.memory_space<vmem>> -> memref<128x128xf32, #tpu.memory_space<vmem>>
        %parallel_loop3A_335 = tpu.vector_load_idx %parallel_loop3A_334[%add3A_60, %parallel_loop3A_294] : memref<128x128xf32, #tpu.memory_space<vmem>>[vector<16xi32>, vector<16xi32>], vector<16xf32>,
        %parallel_loop3A_336 = arith.constant 0 : i32
        %parallel_loop3A_337 = arith.constant 0 : i32
        %parallel_loop3A_338 = arith.index_cast %parallel_loop3A_336 : i32 to index
        %parallel_loop3A_339 = arith.index_cast %parallel_loop3A_289 : i32 to index
        %parallel_loop3A_340 = arith.index_cast %parallel_loop3A_337 : i32 to index
        %parallel_loop3A_341 = arith.constant 48 : index
        %parallel_loop3A_342 = tpu.vector_load %arg8[%parallel_loop3A_338, %parallel_loop3A_339, %parallel_loop3A_340, %parallel_loop3A_341] {strides = array<i32>} : memref<2x32x4x128xf32, #tpu.memory_space<vmem>>, vector<16xf32>,
        tpu.vector_store %arg8[%parallel_loop3A_338, %parallel_loop3A_339, %parallel_loop3A_340, %parallel_loop3A_341], %parallel_loop3A_335 {strides = array<i32>} : memref<2x32x4x128xf32, #tpu.memory_space<vmem>>, vector<16xf32>,
        %parallel_loop3A_343 = arith.constant 0 : i32
        %parallel_loop3A_344 = arith.constant 0 : i32
        %parallel_loop3A_345 = tpu.memref_slice %arg7[%parallel_loop3A_213, %parallel_loop3A_343, %parallel_loop3A_344] : memref<2x128x128xf32, #tpu.memory_space<vmem>> -> memref<1x128x128xf32, #tpu.memory_space<vmem>>
        %parallel_loop3A_346 = tpu.memref_squeeze %parallel_loop3A_345 : memref<1x128x128xf32, #tpu.memory_space<vmem>> -> memref<128x128xf32, #tpu.memory_space<vmem>>
        %parallel_loop3A_347 = tpu.vector_load_idx %parallel_loop3A_346[%add3A_63, %parallel_loop3A_294] : memref<128x128xf32, #tpu.memory_space<vmem>>[vector<16xi32>, vector<16xi32>], vector<16xf32>,
        %parallel_loop3A_348 = arith.constant 0 : i32
        %parallel_loop3A_349 = arith.constant 0 : i32
        %parallel_loop3A_350 = arith.index_cast %parallel_loop3A_348 : i32 to index
        %parallel_loop3A_351 = arith.index_cast %parallel_loop3A_289 : i32 to index
        %parallel_loop3A_352 = arith.index_cast %parallel_loop3A_349 : i32 to index
        %parallel_loop3A_353 = arith.constant 64 : index
        %parallel_loop3A_354 = tpu.vector_load %arg8[%parallel_loop3A_350, %parallel_loop3A_351, %parallel_loop3A_352, %parallel_loop3A_353] {strides = array<i32>} : memref<2x32x4x128xf32, #tpu.memory_space<vmem>>, vector<16xf32>,
        tpu.vector_store %arg8[%parallel_loop3A_350, %parallel_loop3A_351, %parallel_loop3A_352, %parallel_loop3A_353], %parallel_loop3A_347 {strides = array<i32>} : memref<2x32x4x128xf32, #tpu.memory_space<vmem>>, vector<16xf32>,
        %parallel_loop3A_355 = arith.constant 0 : i32
        %parallel_loop3A_356 = arith.constant 0 : i32
        %parallel_loop3A_357 = tpu.memref_slice %arg7[%parallel_loop3A_213, %parallel_loop3A_355, %parallel_loop3A_356] : memref<2x128x128xf32, #tpu.memory_space<vmem>> -> memref<1x128x128xf32, #tpu.memory_space<vmem>>
        %parallel_loop3A_358 = tpu.memref_squeeze %parallel_loop3A_357 : memref<1x128x128xf32, #tpu.memory_space<vmem>> -> memref<128x128xf32, #tpu.memory_space<vmem>>
        %parallel_loop3A_359 = tpu.vector_load_idx %parallel_loop3A_358[%add3A_66, %parallel_loop3A_294] : memref<128x128xf32, #tpu.memory_space<vmem>>[vector<16xi32>, vector<16xi32>], vector<16xf32>,
        %parallel_loop3A_360 = arith.constant 0 : i32
        %parallel_loop3A_361 = arith.constant 0 : i32
        %parallel_loop3A_362 = arith.index_cast %parallel_loop3A_360 : i32 to index
        %parallel_loop3A_363 = arith.index_cast %parallel_loop3A_289 : i32 to index
        %parallel_loop3A_364 = arith.index_cast %parallel_loop3A_361 : i32 to index
        %parallel_loop3A_365 = arith.constant 80 : index
        %parallel_loop3A_366 = tpu.vector_load %arg8[%parallel_loop3A_362, %parallel_loop3A_363, %parallel_loop3A_364, %parallel_loop3A_365] {strides = array<i32>} : memref<2x32x4x128xf32, #tpu.memory_space<vmem>>, vector<16xf32>,
        tpu.vector_store %arg8[%parallel_loop3A_362, %parallel_loop3A_363, %parallel_loop3A_364, %parallel_loop3A_365], %parallel_loop3A_359 {strides = array<i32>} : memref<2x32x4x128xf32, #tpu.memory_space<vmem>>, vector<16xf32>,
        %parallel_loop3A_367 = arith.constant 0 : i32
        %parallel_loop3A_368 = arith.constant 0 : i32
        %parallel_loop3A_369 = tpu.memref_slice %arg7[%parallel_loop3A_213, %parallel_loop3A_367, %parallel_loop3A_368] : memref<2x128x128xf32, #tpu.memory_space<vmem>> -> memref<1x128x128xf32, #tpu.memory_space<vmem>>
        %parallel_loop3A_370 = tpu.memref_squeeze %parallel_loop3A_369 : memref<1x128x128xf32, #tpu.memory_space<vmem>> -> memref<128x128xf32, #tpu.memory_space<vmem>>
        %parallel_loop3A_371 = tpu.vector_load_idx %parallel_loop3A_370[%add3A_69, %parallel_loop3A_294] : memref<128x128xf32, #tpu.memory_space<vmem>>[vector<16xi32>, vector<16xi32>], vector<16xf32>,
        %parallel_loop3A_372 = arith.constant 0 : i32
        %parallel_loop3A_373 = arith.constant 0 : i32
        %parallel_loop3A_374 = arith.index_cast %parallel_loop3A_372 : i32 to index
        %parallel_loop3A_375 = arith.index_cast %parallel_loop3A_289 : i32 to index
        %parallel_loop3A_376 = arith.index_cast %parallel_loop3A_373 : i32 to index
        %parallel_loop3A_377 = arith.constant 96 : index
        %parallel_loop3A_378 = tpu.vector_load %arg8[%parallel_loop3A_374, %parallel_loop3A_375, %parallel_loop3A_376, %parallel_loop3A_377] {strides = array<i32>} : memref<2x32x4x128xf32, #tpu.memory_space<vmem>>, vector<16xf32>,
        tpu.vector_store %arg8[%parallel_loop3A_374, %parallel_loop3A_375, %parallel_loop3A_376, %parallel_loop3A_377], %parallel_loop3A_371 {strides = array<i32>} : memref<2x32x4x128xf32, #tpu.memory_space<vmem>>, vector<16xf32>,
        %parallel_loop3A_379 = arith.constant 0 : i32
        %parallel_loop3A_380 = arith.constant 0 : i32
        %parallel_loop3A_381 = tpu.memref_slice %arg7[%parallel_loop3A_213, %parallel_loop3A_379, %parallel_loop3A_380] : memref<2x128x128xf32, #tpu.memory_space<vmem>> -> memref<1x128x128xf32, #tpu.memory_space<vmem>>
        %parallel_loop3A_382 = tpu.memref_squeeze %parallel_loop3A_381 : memref<1x128x128xf32, #tpu.memory_space<vmem>> -> memref<128x128xf32, #tpu.memory_space<vmem>>
        %parallel_loop3A_383 = tpu.vector_load_idx %parallel_loop3A_382[%add3A_72, %parallel_loop3A_294] : memref<128x128xf32, #tpu.memory_space<vmem>>[vector<16xi32>, vector<16xi32>], vector<16xf32>,
        %parallel_loop3A_384 = arith.constant 0 : i32
        %parallel_loop3A_385 = arith.constant 0 : i32
        %parallel_loop3A_386 = arith.index_cast %parallel_loop3A_384 : i32 to index
        %parallel_loop3A_387 = arith.index_cast %parallel_loop3A_289 : i32 to index
        %parallel_loop3A_388 = arith.index_cast %parallel_loop3A_385 : i32 to index
        %parallel_loop3A_389 = arith.constant 112 : index
        %parallel_loop3A_390 = tpu.vector_load %arg8[%parallel_loop3A_386, %parallel_loop3A_387, %parallel_loop3A_388, %parallel_loop3A_389] {strides = array<i32>} : memref<2x32x4x128xf32, #tpu.memory_space<vmem>>, vector<16xf32>,
        tpu.vector_store %arg8[%parallel_loop3A_386, %parallel_loop3A_387, %parallel_loop3A_388, %parallel_loop3A_389], %parallel_loop3A_383 {strides = array<i32>} : memref<2x32x4x128xf32, #tpu.memory_space<vmem>>, vector<16xf32>,
        %parallel_loop3A_391 = arith.constant 32 : i32
        %parallel_loop3A_392 = vector.broadcast %parallel_loop3A_391 : i32 to vector<16xi32>
        %parallel_loop3A_393 = arith.addi %parallel_loop3A_291, %parallel_loop3A_392 : vector<16xi32>
        %parallel_loop3A_394 = arith.constant 0 : i32
        %parallel_loop3A_395 = arith.constant 0 : i32
        %parallel_loop3A_396 = tpu.memref_slice %arg7[%parallel_loop3A_213, %parallel_loop3A_394, %parallel_loop3A_395] : memref<2x128x128xf32, #tpu.memory_space<vmem>> -> memref<1x128x128xf32, #tpu.memory_space<vmem>>
        %parallel_loop3A_397 = tpu.memref_squeeze %parallel_loop3A_396 : memref<1x128x128xf32, #tpu.memory_space<vmem>> -> memref<128x128xf32, #tpu.memory_space<vmem>>
        %parallel_loop3A_398 = tpu.vector_load_idx %parallel_loop3A_397[%add3A_51, %parallel_loop3A_393] : memref<128x128xf32, #tpu.memory_space<vmem>>[vector<16xi32>, vector<16xi32>], vector<16xf32>,
        %parallel_loop3A_399 = arith.constant 0 : i32
        %parallel_loop3A_400 = arith.constant 1 : i32
        %parallel_loop3A_401 = arith.index_cast %parallel_loop3A_399 : i32 to index
        %parallel_loop3A_402 = arith.index_cast %parallel_loop3A_289 : i32 to index
        %parallel_loop3A_403 = arith.index_cast %parallel_loop3A_400 : i32 to index
        %parallel_loop3A_404 = arith.constant 0 : index
        %parallel_loop3A_405 = tpu.vector_load %arg8[%parallel_loop3A_401, %parallel_loop3A_402, %parallel_loop3A_403, %parallel_loop3A_404] {strides = array<i32>} : memref<2x32x4x128xf32, #tpu.memory_space<vmem>>, vector<16xf32>,
        tpu.vector_store %arg8[%parallel_loop3A_401, %parallel_loop3A_402, %parallel_loop3A_403, %parallel_loop3A_404], %parallel_loop3A_398 {strides = array<i32>} : memref<2x32x4x128xf32, #tpu.memory_space<vmem>>, vector<16xf32>,
        %parallel_loop3A_406 = arith.constant 0 : i32
        %parallel_loop3A_407 = arith.constant 0 : i32
        %parallel_loop3A_408 = tpu.memref_slice %arg7[%parallel_loop3A_213, %parallel_loop3A_406, %parallel_loop3A_407] : memref<2x128x128xf32, #tpu.memory_space<vmem>> -> memref<1x128x128xf32, #tpu.memory_space<vmem>>
        %parallel_loop3A_409 = tpu.memref_squeeze %parallel_loop3A_408 : memref<1x128x128xf32, #tpu.memory_space<vmem>> -> memref<128x128xf32, #tpu.memory_space<vmem>>
        %parallel_loop3A_410 = tpu.vector_load_idx %parallel_loop3A_409[%add3A_54, %parallel_loop3A_393] : memref<128x128xf32, #tpu.memory_space<vmem>>[vector<16xi32>, vector<16xi32>], vector<16xf32>,
        %parallel_loop3A_411 = arith.constant 0 : i32
        %parallel_loop3A_412 = arith.constant 1 : i32
        %parallel_loop3A_413 = arith.index_cast %parallel_loop3A_411 : i32 to index
        %parallel_loop3A_414 = arith.index_cast %parallel_loop3A_289 : i32 to index
        %parallel_loop3A_415 = arith.index_cast %parallel_loop3A_412 : i32 to index
        %parallel_loop3A_416 = arith.constant 16 : index
        %parallel_loop3A_417 = tpu.vector_load %arg8[%parallel_loop3A_413, %parallel_loop3A_414, %parallel_loop3A_415, %parallel_loop3A_416] {strides = array<i32>} : memref<2x32x4x128xf32, #tpu.memory_space<vmem>>, vector<16xf32>,
        tpu.vector_store %arg8[%parallel_loop3A_413, %parallel_loop3A_414, %parallel_loop3A_415, %parallel_loop3A_416], %parallel_loop3A_410 {strides = array<i32>} : memref<2x32x4x128xf32, #tpu.memory_space<vmem>>, vector<16xf32>,
        %parallel_loop3A_418 = arith.constant 0 : i32
        %parallel_loop3A_419 = arith.constant 0 : i32
        %parallel_loop3A_420 = tpu.memref_slice %arg7[%parallel_loop3A_213, %parallel_loop3A_418, %parallel_loop3A_419] : memref<2x128x128xf32, #tpu.memory_space<vmem>> -> memref<1x128x128xf32, #tpu.memory_space<vmem>>
        %parallel_loop3A_421 = tpu.memref_squeeze %parallel_loop3A_420 : memref<1x128x128xf32, #tpu.memory_space<vmem>> -> memref<128x128xf32, #tpu.memory_space<vmem>>
        %parallel_loop3A_422 = tpu.vector_load_idx %parallel_loop3A_421[%add3A_57, %parallel_loop3A_393] : memref<128x128xf32, #tpu.memory_space<vmem>>[vector<16xi32>, vector<16xi32>], vector<16xf32>,
        %parallel_loop3A_423 = arith.constant 0 : i32
        %parallel_loop3A_424 = arith.constant 1 : i32
        %parallel_loop3A_425 = arith.index_cast %parallel_loop3A_423 : i32 to index
        %parallel_loop3A_426 = arith.index_cast %parallel_loop3A_289 : i32 to index
        %parallel_loop3A_427 = arith.index_cast %parallel_loop3A_424 : i32 to index
        %parallel_loop3A_428 = arith.constant 32 : index
        %parallel_loop3A_429 = tpu.vector_load %arg8[%parallel_loop3A_425, %parallel_loop3A_426, %parallel_loop3A_427, %parallel_loop3A_428] {strides = array<i32>} : memref<2x32x4x128xf32, #tpu.memory_space<vmem>>, vector<16xf32>,
        tpu.vector_store %arg8[%parallel_loop3A_425, %parallel_loop3A_426, %parallel_loop3A_427, %parallel_loop3A_428], %parallel_loop3A_422 {strides = array<i32>} : memref<2x32x4x128xf32, #tpu.memory_space<vmem>>, vector<16xf32>,
        %parallel_loop3A_430 = arith.constant 0 : i32
        %parallel_loop3A_431 = arith.constant 0 : i32
        %parallel_loop3A_432 = tpu.memref_slice %arg7[%parallel_loop3A_213, %parallel_loop3A_430, %parallel_loop3A_431] : memref<2x128x128xf32, #tpu.memory_space<vmem>> -> memref<1x128x128xf32, #tpu.memory_space<vmem>>
        %parallel_loop3A_433 = tpu.memref_squeeze %parallel_loop3A_432 : memref<1x128x128xf32, #tpu.memory_space<vmem>> -> memref<128x128xf32, #tpu.memory_space<vmem>>
        %parallel_loop3A_434 = tpu.vector_load_idx %parallel_loop3A_433[%add3A_60, %parallel_loop3A_393] : memref<128x128xf32, #tpu.memory_space<vmem>>[vector<16xi32>, vector<16xi32>], vector<16xf32>,
        %parallel_loop3A_435 = arith.constant 0 : i32
        %parallel_loop3A_436 = arith.constant 1 : i32
        %parallel_loop3A_437 = arith.index_cast %parallel_loop3A_435 : i32 to index
        %parallel_loop3A_438 = arith.index_cast %parallel_loop3A_289 : i32 to index
        %parallel_loop3A_439 = arith.index_cast %parallel_loop3A_436 : i32 to index
        %parallel_loop3A_440 = arith.constant 48 : index
        %parallel_loop3A_441 = tpu.vector_load %arg8[%parallel_loop3A_437, %parallel_loop3A_438, %parallel_loop3A_439, %parallel_loop3A_440] {strides = array<i32>} : memref<2x32x4x128xf32, #tpu.memory_space<vmem>>, vector<16xf32>,
        tpu.vector_store %arg8[%parallel_loop3A_437, %parallel_loop3A_438, %parallel_loop3A_439, %parallel_loop3A_440], %parallel_loop3A_434 {strides = array<i32>} : memref<2x32x4x128xf32, #tpu.memory_space<vmem>>, vector<16xf32>,
        %parallel_loop3A_442 = arith.constant 0 : i32
        %parallel_loop3A_443 = arith.constant 0 : i32
        %parallel_loop3A_444 = tpu.memref_slice %arg7[%parallel_loop3A_213, %parallel_loop3A_442, %parallel_loop3A_443] : memref<2x128x128xf32, #tpu.memory_space<vmem>> -> memref<1x128x128xf32, #tpu.memory_space<vmem>>
        %parallel_loop3A_445 = tpu.memref_squeeze %parallel_loop3A_444 : memref<1x128x128xf32, #tpu.memory_space<vmem>> -> memref<128x128xf32, #tpu.memory_space<vmem>>
        %parallel_loop3A_446 = tpu.vector_load_idx %parallel_loop3A_445[%add3A_63, %parallel_loop3A_393] : memref<128x128xf32, #tpu.memory_space<vmem>>[vector<16xi32>, vector<16xi32>], vector<16xf32>,
        %parallel_loop3A_447 = arith.constant 0 : i32
        %parallel_loop3A_448 = arith.constant 1 : i32
        %parallel_loop3A_449 = arith.index_cast %parallel_loop3A_447 : i32 to index
        %parallel_loop3A_450 = arith.index_cast %parallel_loop3A_289 : i32 to index
        %parallel_loop3A_451 = arith.index_cast %parallel_loop3A_448 : i32 to index
        %parallel_loop3A_452 = arith.constant 64 : index
        %parallel_loop3A_453 = tpu.vector_load %arg8[%parallel_loop3A_449, %parallel_loop3A_450, %parallel_loop3A_451, %parallel_loop3A_452] {strides = array<i32>} : memref<2x32x4x128xf32, #tpu.memory_space<vmem>>, vector<16xf32>,
        tpu.vector_store %arg8[%parallel_loop3A_449, %parallel_loop3A_450, %parallel_loop3A_451, %parallel_loop3A_452], %parallel_loop3A_446 {strides = array<i32>} : memref<2x32x4x128xf32, #tpu.memory_space<vmem>>, vector<16xf32>,
        %parallel_loop3A_454 = arith.constant 0 : i32
        %parallel_loop3A_455 = arith.constant 0 : i32
        %parallel_loop3A_456 = tpu.memref_slice %arg7[%parallel_loop3A_213, %parallel_loop3A_454, %parallel_loop3A_455] : memref<2x128x128xf32, #tpu.memory_space<vmem>> -> memref<1x128x128xf32, #tpu.memory_space<vmem>>
        %parallel_loop3A_457 = tpu.memref_squeeze %parallel_loop3A_456 : memref<1x128x128xf32, #tpu.memory_space<vmem>> -> memref<128x128xf32, #tpu.memory_space<vmem>>
        %parallel_loop3A_458 = tpu.vector_load_idx %parallel_loop3A_457[%add3A_66, %parallel_loop3A_393] : memref<128x128xf32, #tpu.memory_space<vmem>>[vector<16xi32>, vector<16xi32>], vector<16xf32>,
        %parallel_loop3A_459 = arith.constant 0 : i32
        %parallel_loop3A_460 = arith.constant 1 : i32
        %parallel_loop3A_461 = arith.index_cast %parallel_loop3A_459 : i32 to index
        %parallel_loop3A_462 = arith.index_cast %parallel_loop3A_289 : i32 to index
        %parallel_loop3A_463 = arith.index_cast %parallel_loop3A_460 : i32 to index
        %parallel_loop3A_464 = arith.constant 80 : index
        %parallel_loop3A_465 = tpu.vector_load %arg8[%parallel_loop3A_461, %parallel_loop3A_462, %parallel_loop3A_463, %parallel_loop3A_464] {strides = array<i32>} : memref<2x32x4x128xf32, #tpu.memory_space<vmem>>, vector<16xf32>,
        tpu.vector_store %arg8[%parallel_loop3A_461, %parallel_loop3A_462, %parallel_loop3A_463, %parallel_loop3A_464], %parallel_loop3A_458 {strides = array<i32>} : memref<2x32x4x128xf32, #tpu.memory_space<vmem>>, vector<16xf32>,
        %parallel_loop3A_466 = arith.constant 0 : i32
        %parallel_loop3A_467 = arith.constant 0 : i32
        %parallel_loop3A_468 = tpu.memref_slice %arg7[%parallel_loop3A_213, %parallel_loop3A_466, %parallel_loop3A_467] : memref<2x128x128xf32, #tpu.memory_space<vmem>> -> memref<1x128x128xf32, #tpu.memory_space<vmem>>
        %parallel_loop3A_469 = tpu.memref_squeeze %parallel_loop3A_468 : memref<1x128x128xf32, #tpu.memory_space<vmem>> -> memref<128x128xf32, #tpu.memory_space<vmem>>
        %parallel_loop3A_470 = tpu.vector_load_idx %parallel_loop3A_469[%add3A_69, %parallel_loop3A_393] : memref<128x128xf32, #tpu.memory_space<vmem>>[vector<16xi32>, vector<16xi32>], vector<16xf32>,
        %parallel_loop3A_471 = arith.constant 0 : i32
        %parallel_loop3A_472 = arith.constant 1 : i32
        %parallel_loop3A_473 = arith.index_cast %parallel_loop3A_471 : i32 to index
        %parallel_loop3A_474 = arith.index_cast %parallel_loop3A_289 : i32 to index
        %parallel_loop3A_475 = arith.index_cast %parallel_loop3A_472 : i32 to index
        %parallel_loop3A_476 = arith.constant 96 : index
        %parallel_loop3A_477 = tpu.vector_load %arg8[%parallel_loop3A_473, %parallel_loop3A_474, %parallel_loop3A_475, %parallel_loop3A_476] {strides = array<i32>} : memref<2x32x4x128xf32, #tpu.memory_space<vmem>>, vector<16xf32>,
        tpu.vector_store %arg8[%parallel_loop3A_473, %parallel_loop3A_474, %parallel_loop3A_475, %parallel_loop3A_476], %parallel_loop3A_470 {strides = array<i32>} : memref<2x32x4x128xf32, #tpu.memory_space<vmem>>, vector<16xf32>,
        %parallel_loop3A_478 = arith.constant 0 : i32
        %parallel_loop3A_479 = arith.constant 0 : i32
        %parallel_loop3A_480 = tpu.memref_slice %arg7[%parallel_loop3A_213, %parallel_loop3A_478, %parallel_loop3A_479] : memref<2x128x128xf32, #tpu.memory_space<vmem>> -> memref<1x128x128xf32, #tpu.memory_space<vmem>>
        %parallel_loop3A_481 = tpu.memref_squeeze %parallel_loop3A_480 : memref<1x128x128xf32, #tpu.memory_space<vmem>> -> memref<128x128xf32, #tpu.memory_space<vmem>>
        %parallel_loop3A_482 = tpu.vector_load_idx %parallel_loop3A_481[%add3A_72, %parallel_loop3A_393] : memref<128x128xf32, #tpu.memory_space<vmem>>[vector<16xi32>, vector<16xi32>], vector<16xf32>,
        %parallel_loop3A_483 = arith.constant 0 : i32
        %parallel_loop3A_484 = arith.constant 1 : i32
        %parallel_loop3A_485 = arith.index_cast %parallel_loop3A_483 : i32 to index
        %parallel_loop3A_486 = arith.index_cast %parallel_loop3A_289 : i32 to index
        %parallel_loop3A_487 = arith.index_cast %parallel_loop3A_484 : i32 to index
        %parallel_loop3A_488 = arith.constant 112 : index
        %parallel_loop3A_489 = tpu.vector_load %arg8[%parallel_loop3A_485, %parallel_loop3A_486, %parallel_loop3A_487, %parallel_loop3A_488] {strides = array<i32>} : memref<2x32x4x128xf32, #tpu.memory_space<vmem>>, vector<16xf32>,
        tpu.vector_store %arg8[%parallel_loop3A_485, %parallel_loop3A_486, %parallel_loop3A_487, %parallel_loop3A_488], %parallel_loop3A_482 {strides = array<i32>} : memref<2x32x4x128xf32, #tpu.memory_space<vmem>>, vector<16xf32>,
        %parallel_loop3A_490 = arith.constant 64 : i32
        %parallel_loop3A_491 = vector.broadcast %parallel_loop3A_490 : i32 to vector<16xi32>
        %parallel_loop3A_492 = arith.addi %parallel_loop3A_291, %parallel_loop3A_491 : vector<16xi32>
        %parallel_loop3A_493 = arith.constant 0 : i32
        %parallel_loop3A_494 = arith.constant 0 : i32
        %parallel_loop3A_495 = tpu.memref_slice %arg7[%parallel_loop3A_213, %parallel_loop3A_493, %parallel_loop3A_494] : memref<2x128x128xf32, #tpu.memory_space<vmem>> -> memref<1x128x128xf32, #tpu.memory_space<vmem>>
        %parallel_loop3A_496 = tpu.memref_squeeze %parallel_loop3A_495 : memref<1x128x128xf32, #tpu.memory_space<vmem>> -> memref<128x128xf32, #tpu.memory_space<vmem>>
        %parallel_loop3A_497 = tpu.vector_load_idx %parallel_loop3A_496[%add3A_51, %parallel_loop3A_492] : memref<128x128xf32, #tpu.memory_space<vmem>>[vector<16xi32>, vector<16xi32>], vector<16xf32>,
        %parallel_loop3A_498 = arith.constant 0 : i32
        %parallel_loop3A_499 = arith.constant 2 : i32
        %parallel_loop3A_500 = arith.index_cast %parallel_loop3A_498 : i32 to index
        %parallel_loop3A_501 = arith.index_cast %parallel_loop3A_289 : i32 to index
        %parallel_loop3A_502 = arith.index_cast %parallel_loop3A_499 : i32 to index
        %parallel_loop3A_503 = arith.constant 0 : index
        %parallel_loop3A_504 = tpu.vector_load %arg8[%parallel_loop3A_500, %parallel_loop3A_501, %parallel_loop3A_502, %parallel_loop3A_503] {strides = array<i32>} : memref<2x32x4x128xf32, #tpu.memory_space<vmem>>, vector<16xf32>,
        tpu.vector_store %arg8[%parallel_loop3A_500, %parallel_loop3A_501, %parallel_loop3A_502, %parallel_loop3A_503], %parallel_loop3A_497 {strides = array<i32>} : memref<2x32x4x128xf32, #tpu.memory_space<vmem>>, vector<16xf32>,
        %parallel_loop3A_505 = arith.constant 0 : i32
        %parallel_loop3A_506 = arith.constant 0 : i32
        %parallel_loop3A_507 = tpu.memref_slice %arg7[%parallel_loop3A_213, %parallel_loop3A_505, %parallel_loop3A_506] : memref<2x128x128xf32, #tpu.memory_space<vmem>> -> memref<1x128x128xf32, #tpu.memory_space<vmem>>
        %parallel_loop3A_508 = tpu.memref_squeeze %parallel_loop3A_507 : memref<1x128x128xf32, #tpu.memory_space<vmem>> -> memref<128x128xf32, #tpu.memory_space<vmem>>
        %parallel_loop3A_509 = tpu.vector_load_idx %parallel_loop3A_508[%add3A_54, %parallel_loop3A_492] : memref<128x128xf32, #tpu.memory_space<vmem>>[vector<16xi32>, vector<16xi32>], vector<16xf32>,
        %parallel_loop3A_510 = arith.constant 0 : i32
        %parallel_loop3A_511 = arith.constant 2 : i32
        %parallel_loop3A_512 = arith.index_cast %parallel_loop3A_510 : i32 to index
        %parallel_loop3A_513 = arith.index_cast %parallel_loop3A_289 : i32 to index
        %parallel_loop3A_514 = arith.index_cast %parallel_loop3A_511 : i32 to index
        %parallel_loop3A_515 = arith.constant 16 : index
        %parallel_loop3A_516 = tpu.vector_load %arg8[%parallel_loop3A_512, %parallel_loop3A_513, %parallel_loop3A_514, %parallel_loop3A_515] {strides = array<i32>} : memref<2x32x4x128xf32, #tpu.memory_space<vmem>>, vector<16xf32>,
        tpu.vector_store %arg8[%parallel_loop3A_512, %parallel_loop3A_513, %parallel_loop3A_514, %parallel_loop3A_515], %parallel_loop3A_509 {strides = array<i32>} : memref<2x32x4x128xf32, #tpu.memory_space<vmem>>, vector<16xf32>,
        %parallel_loop3A_517 = arith.constant 0 : i32
        %parallel_loop3A_518 = arith.constant 0 : i32
        %parallel_loop3A_519 = tpu.memref_slice %arg7[%parallel_loop3A_213, %parallel_loop3A_517, %parallel_loop3A_518] : memref<2x128x128xf32, #tpu.memory_space<vmem>> -> memref<1x128x128xf32, #tpu.memory_space<vmem>>
        %parallel_loop3A_520 = tpu.memref_squeeze %parallel_loop3A_519 : memref<1x128x128xf32, #tpu.memory_space<vmem>> -> memref<128x128xf32, #tpu.memory_space<vmem>>
        %parallel_loop3A_521 = tpu.vector_load_idx %parallel_loop3A_520[%add3A_57, %parallel_loop3A_492] : memref<128x128xf32, #tpu.memory_space<vmem>>[vector<16xi32>, vector<16xi32>], vector<16xf32>,
        %parallel_loop3A_522 = arith.constant 0 : i32
        %parallel_loop3A_523 = arith.constant 2 : i32
        %parallel_loop3A_524 = arith.index_cast %parallel_loop3A_522 : i32 to index
        %parallel_loop3A_525 = arith.index_cast %parallel_loop3A_289 : i32 to index
        %parallel_loop3A_526 = arith.index_cast %parallel_loop3A_523 : i32 to index
        %parallel_loop3A_527 = arith.constant 32 : index
        %parallel_loop3A_528 = tpu.vector_load %arg8[%parallel_loop3A_524, %parallel_loop3A_525, %parallel_loop3A_526, %parallel_loop3A_527] {strides = array<i32>} : memref<2x32x4x128xf32, #tpu.memory_space<vmem>>, vector<16xf32>,
        tpu.vector_store %arg8[%parallel_loop3A_524, %parallel_loop3A_525, %parallel_loop3A_526, %parallel_loop3A_527], %parallel_loop3A_521 {strides = array<i32>} : memref<2x32x4x128xf32, #tpu.memory_space<vmem>>, vector<16xf32>,
        %parallel_loop3A_529 = arith.constant 0 : i32
        %parallel_loop3A_530 = arith.constant 0 : i32
        %parallel_loop3A_531 = tpu.memref_slice %arg7[%parallel_loop3A_213, %parallel_loop3A_529, %parallel_loop3A_530] : memref<2x128x128xf32, #tpu.memory_space<vmem>> -> memref<1x128x128xf32, #tpu.memory_space<vmem>>
        %parallel_loop3A_532 = tpu.memref_squeeze %parallel_loop3A_531 : memref<1x128x128xf32, #tpu.memory_space<vmem>> -> memref<128x128xf32, #tpu.memory_space<vmem>>
        %parallel_loop3A_533 = tpu.vector_load_idx %parallel_loop3A_532[%add3A_60, %parallel_loop3A_492] : memref<128x128xf32, #tpu.memory_space<vmem>>[vector<16xi32>, vector<16xi32>], vector<16xf32>,
        %parallel_loop3A_534 = arith.constant 0 : i32
        %parallel_loop3A_535 = arith.constant 2 : i32
        %parallel_loop3A_536 = arith.index_cast %parallel_loop3A_534 : i32 to index
        %parallel_loop3A_537 = arith.index_cast %parallel_loop3A_289 : i32 to index
        %parallel_loop3A_538 = arith.index_cast %parallel_loop3A_535 : i32 to index
        %parallel_loop3A_539 = arith.constant 48 : index
        %parallel_loop3A_540 = tpu.vector_load %arg8[%parallel_loop3A_536, %parallel_loop3A_537, %parallel_loop3A_538, %parallel_loop3A_539] {strides = array<i32>} : memref<2x32x4x128xf32, #tpu.memory_space<vmem>>, vector<16xf32>,
        tpu.vector_store %arg8[%parallel_loop3A_536, %parallel_loop3A_537, %parallel_loop3A_538, %parallel_loop3A_539], %parallel_loop3A_533 {strides = array<i32>} : memref<2x32x4x128xf32, #tpu.memory_space<vmem>>, vector<16xf32>,
        %parallel_loop3A_541 = arith.constant 0 : i32
        %parallel_loop3A_542 = arith.constant 0 : i32
        %parallel_loop3A_543 = tpu.memref_slice %arg7[%parallel_loop3A_213, %parallel_loop3A_541, %parallel_loop3A_542] : memref<2x128x128xf32, #tpu.memory_space<vmem>> -> memref<1x128x128xf32, #tpu.memory_space<vmem>>
        %parallel_loop3A_544 = tpu.memref_squeeze %parallel_loop3A_543 : memref<1x128x128xf32, #tpu.memory_space<vmem>> -> memref<128x128xf32, #tpu.memory_space<vmem>>
        %parallel_loop3A_545 = tpu.vector_load_idx %parallel_loop3A_544[%add3A_63, %parallel_loop3A_492] : memref<128x128xf32, #tpu.memory_space<vmem>>[vector<16xi32>, vector<16xi32>], vector<16xf32>,
        %parallel_loop3A_546 = arith.constant 0 : i32
        %parallel_loop3A_547 = arith.constant 2 : i32
        %parallel_loop3A_548 = arith.index_cast %parallel_loop3A_546 : i32 to index
        %parallel_loop3A_549 = arith.index_cast %parallel_loop3A_289 : i32 to index
        %parallel_loop3A_550 = arith.index_cast %parallel_loop3A_547 : i32 to index
        %parallel_loop3A_551 = arith.constant 64 : index
        %parallel_loop3A_552 = tpu.vector_load %arg8[%parallel_loop3A_548, %parallel_loop3A_549, %parallel_loop3A_550, %parallel_loop3A_551] {strides = array<i32>} : memref<2x32x4x128xf32, #tpu.memory_space<vmem>>, vector<16xf32>,
        tpu.vector_store %arg8[%parallel_loop3A_548, %parallel_loop3A_549, %parallel_loop3A_550, %parallel_loop3A_551], %parallel_loop3A_545 {strides = array<i32>} : memref<2x32x4x128xf32, #tpu.memory_space<vmem>>, vector<16xf32>,
        %parallel_loop3A_553 = arith.constant 0 : i32
        %parallel_loop3A_554 = arith.constant 0 : i32
        %parallel_loop3A_555 = tpu.memref_slice %arg7[%parallel_loop3A_213, %parallel_loop3A_553, %parallel_loop3A_554] : memref<2x128x128xf32, #tpu.memory_space<vmem>> -> memref<1x128x128xf32, #tpu.memory_space<vmem>>
        %parallel_loop3A_556 = tpu.memref_squeeze %parallel_loop3A_555 : memref<1x128x128xf32, #tpu.memory_space<vmem>> -> memref<128x128xf32, #tpu.memory_space<vmem>>
        %parallel_loop3A_557 = tpu.vector_load_idx %parallel_loop3A_556[%add3A_66, %parallel_loop3A_492] : memref<128x128xf32, #tpu.memory_space<vmem>>[vector<16xi32>, vector<16xi32>], vector<16xf32>,
        %parallel_loop3A_558 = arith.constant 0 : i32
        %parallel_loop3A_559 = arith.constant 2 : i32
        %parallel_loop3A_560 = arith.index_cast %parallel_loop3A_558 : i32 to index
        %parallel_loop3A_561 = arith.index_cast %parallel_loop3A_289 : i32 to index
        %parallel_loop3A_562 = arith.index_cast %parallel_loop3A_559 : i32 to index
        %parallel_loop3A_563 = arith.constant 80 : index
        %parallel_loop3A_564 = tpu.vector_load %arg8[%parallel_loop3A_560, %parallel_loop3A_561, %parallel_loop3A_562, %parallel_loop3A_563] {strides = array<i32>} : memref<2x32x4x128xf32, #tpu.memory_space<vmem>>, vector<16xf32>,
        tpu.vector_store %arg8[%parallel_loop3A_560, %parallel_loop3A_561, %parallel_loop3A_562, %parallel_loop3A_563], %parallel_loop3A_557 {strides = array<i32>} : memref<2x32x4x128xf32, #tpu.memory_space<vmem>>, vector<16xf32>,
        %parallel_loop3A_565 = arith.constant 0 : i32
        %parallel_loop3A_566 = arith.constant 0 : i32
        %parallel_loop3A_567 = tpu.memref_slice %arg7[%parallel_loop3A_213, %parallel_loop3A_565, %parallel_loop3A_566] : memref<2x128x128xf32, #tpu.memory_space<vmem>> -> memref<1x128x128xf32, #tpu.memory_space<vmem>>
        %parallel_loop3A_568 = tpu.memref_squeeze %parallel_loop3A_567 : memref<1x128x128xf32, #tpu.memory_space<vmem>> -> memref<128x128xf32, #tpu.memory_space<vmem>>
        %parallel_loop3A_569 = tpu.vector_load_idx %parallel_loop3A_568[%add3A_69, %parallel_loop3A_492] : memref<128x128xf32, #tpu.memory_space<vmem>>[vector<16xi32>, vector<16xi32>], vector<16xf32>,
        %parallel_loop3A_570 = arith.constant 0 : i32
        %parallel_loop3A_571 = arith.constant 2 : i32
        %parallel_loop3A_572 = arith.index_cast %parallel_loop3A_570 : i32 to index
        %parallel_loop3A_573 = arith.index_cast %parallel_loop3A_289 : i32 to index
        %parallel_loop3A_574 = arith.index_cast %parallel_loop3A_571 : i32 to index
        %parallel_loop3A_575 = arith.constant 96 : index
        %parallel_loop3A_576 = tpu.vector_load %arg8[%parallel_loop3A_572, %parallel_loop3A_573, %parallel_loop3A_574, %parallel_loop3A_575] {strides = array<i32>} : memref<2x32x4x128xf32, #tpu.memory_space<vmem>>, vector<16xf32>,
        tpu.vector_store %arg8[%parallel_loop3A_572, %parallel_loop3A_573, %parallel_loop3A_574, %parallel_loop3A_575], %parallel_loop3A_569 {strides = array<i32>} : memref<2x32x4x128xf32, #tpu.memory_space<vmem>>, vector<16xf32>,
        %parallel_loop3A_577 = arith.constant 0 : i32
        %parallel_loop3A_578 = arith.constant 0 : i32
        %parallel_loop3A_579 = tpu.memref_slice %arg7[%parallel_loop3A_213, %parallel_loop3A_577, %parallel_loop3A_578] : memref<2x128x128xf32, #tpu.memory_space<vmem>> -> memref<1x128x128xf32, #tpu.memory_space<vmem>>
        %parallel_loop3A_580 = tpu.memref_squeeze %parallel_loop3A_579 : memref<1x128x128xf32, #tpu.memory_space<vmem>> -> memref<128x128xf32, #tpu.memory_space<vmem>>
        %parallel_loop3A_581 = tpu.vector_load_idx %parallel_loop3A_580[%add3A_72, %parallel_loop3A_492] : memref<128x128xf32, #tpu.memory_space<vmem>>[vector<16xi32>, vector<16xi32>], vector<16xf32>,
        %parallel_loop3A_582 = arith.constant 0 : i32
        %parallel_loop3A_583 = arith.constant 2 : i32
        %parallel_loop3A_584 = arith.index_cast %parallel_loop3A_582 : i32 to index
        %parallel_loop3A_585 = arith.index_cast %parallel_loop3A_289 : i32 to index
        %parallel_loop3A_586 = arith.index_cast %parallel_loop3A_583 : i32 to index
        %parallel_loop3A_587 = arith.constant 112 : index
        %parallel_loop3A_588 = tpu.vector_load %arg8[%parallel_loop3A_584, %parallel_loop3A_585, %parallel_loop3A_586, %parallel_loop3A_587] {strides = array<i32>} : memref<2x32x4x128xf32, #tpu.memory_space<vmem>>, vector<16xf32>,
        tpu.vector_store %arg8[%parallel_loop3A_584, %parallel_loop3A_585, %parallel_loop3A_586, %parallel_loop3A_587], %parallel_loop3A_581 {strides = array<i32>} : memref<2x32x4x128xf32, #tpu.memory_space<vmem>>, vector<16xf32>,
        %parallel_loop3A_589 = arith.constant 96 : i32
        %parallel_loop3A_590 = vector.broadcast %parallel_loop3A_589 : i32 to vector<16xi32>
        %parallel_loop3A_591 = arith.addi %parallel_loop3A_291, %parallel_loop3A_590 : vector<16xi32>
        %parallel_loop3A_592 = arith.constant 0 : i32
        %parallel_loop3A_593 = arith.constant 0 : i32
        %parallel_loop3A_594 = tpu.memref_slice %arg7[%parallel_loop3A_213, %parallel_loop3A_592, %parallel_loop3A_593] : memref<2x128x128xf32, #tpu.memory_space<vmem>> -> memref<1x128x128xf32, #tpu.memory_space<vmem>>
        %parallel_loop3A_595 = tpu.memref_squeeze %parallel_loop3A_594 : memref<1x128x128xf32, #tpu.memory_space<vmem>> -> memref<128x128xf32, #tpu.memory_space<vmem>>
        %parallel_loop3A_596 = tpu.vector_load_idx %parallel_loop3A_595[%add3A_51, %parallel_loop3A_591] : memref<128x128xf32, #tpu.memory_space<vmem>>[vector<16xi32>, vector<16xi32>], vector<16xf32>,
        %parallel_loop3A_597 = arith.constant 0 : i32
        %parallel_loop3A_598 = arith.constant 3 : i32
        %parallel_loop3A_599 = arith.index_cast %parallel_loop3A_597 : i32 to index
        %parallel_loop3A_600 = arith.index_cast %parallel_loop3A_289 : i32 to index
        %parallel_loop3A_601 = arith.index_cast %parallel_loop3A_598 : i32 to index
        %parallel_loop3A_602 = arith.constant 0 : index
        %parallel_loop3A_603 = tpu.vector_load %arg8[%parallel_loop3A_599, %parallel_loop3A_600, %parallel_loop3A_601, %parallel_loop3A_602] {strides = array<i32>} : memref<2x32x4x128xf32, #tpu.memory_space<vmem>>, vector<16xf32>,
        tpu.vector_store %arg8[%parallel_loop3A_599, %parallel_loop3A_600, %parallel_loop3A_601, %parallel_loop3A_602], %parallel_loop3A_596 {strides = array<i32>} : memref<2x32x4x128xf32, #tpu.memory_space<vmem>>, vector<16xf32>,
        %parallel_loop3A_604 = arith.constant 0 : i32
        %parallel_loop3A_605 = arith.constant 0 : i32
        %parallel_loop3A_606 = tpu.memref_slice %arg7[%parallel_loop3A_213, %parallel_loop3A_604, %parallel_loop3A_605] : memref<2x128x128xf32, #tpu.memory_space<vmem>> -> memref<1x128x128xf32, #tpu.memory_space<vmem>>
        %parallel_loop3A_607 = tpu.memref_squeeze %parallel_loop3A_606 : memref<1x128x128xf32, #tpu.memory_space<vmem>> -> memref<128x128xf32, #tpu.memory_space<vmem>>
        %parallel_loop3A_608 = tpu.vector_load_idx %parallel_loop3A_607[%add3A_54, %parallel_loop3A_591] : memref<128x128xf32, #tpu.memory_space<vmem>>[vector<16xi32>, vector<16xi32>], vector<16xf32>,
        %parallel_loop3A_609 = arith.constant 0 : i32
        %parallel_loop3A_610 = arith.constant 3 : i32
        %parallel_loop3A_611 = arith.index_cast %parallel_loop3A_609 : i32 to index
        %parallel_loop3A_612 = arith.index_cast %parallel_loop3A_289 : i32 to index
        %parallel_loop3A_613 = arith.index_cast %parallel_loop3A_610 : i32 to index
        %parallel_loop3A_614 = arith.constant 16 : index
        %parallel_loop3A_615 = tpu.vector_load %arg8[%parallel_loop3A_611, %parallel_loop3A_612, %parallel_loop3A_613, %parallel_loop3A_614] {strides = array<i32>} : memref<2x32x4x128xf32, #tpu.memory_space<vmem>>, vector<16xf32>,
        tpu.vector_store %arg8[%parallel_loop3A_611, %parallel_loop3A_612, %parallel_loop3A_613, %parallel_loop3A_614], %parallel_loop3A_608 {strides = array<i32>} : memref<2x32x4x128xf32, #tpu.memory_space<vmem>>, vector<16xf32>,
        %parallel_loop3A_616 = arith.constant 0 : i32
        %parallel_loop3A_617 = arith.constant 0 : i32
        %parallel_loop3A_618 = tpu.memref_slice %arg7[%parallel_loop3A_213, %parallel_loop3A_616, %parallel_loop3A_617] : memref<2x128x128xf32, #tpu.memory_space<vmem>> -> memref<1x128x128xf32, #tpu.memory_space<vmem>>
        %parallel_loop3A_619 = tpu.memref_squeeze %parallel_loop3A_618 : memref<1x128x128xf32, #tpu.memory_space<vmem>> -> memref<128x128xf32, #tpu.memory_space<vmem>>
        %parallel_loop3A_620 = tpu.vector_load_idx %parallel_loop3A_619[%add3A_57, %parallel_loop3A_591] : memref<128x128xf32, #tpu.memory_space<vmem>>[vector<16xi32>, vector<16xi32>], vector<16xf32>,
        %parallel_loop3A_621 = arith.constant 0 : i32
        %parallel_loop3A_622 = arith.constant 3 : i32
        %parallel_loop3A_623 = arith.index_cast %parallel_loop3A_621 : i32 to index
        %parallel_loop3A_624 = arith.index_cast %parallel_loop3A_289 : i32 to index
        %parallel_loop3A_625 = arith.index_cast %parallel_loop3A_622 : i32 to index
        %parallel_loop3A_626 = arith.constant 32 : index
        %parallel_loop3A_627 = tpu.vector_load %arg8[%parallel_loop3A_623, %parallel_loop3A_624, %parallel_loop3A_625, %parallel_loop3A_626] {strides = array<i32>} : memref<2x32x4x128xf32, #tpu.memory_space<vmem>>, vector<16xf32>,
        tpu.vector_store %arg8[%parallel_loop3A_623, %parallel_loop3A_624, %parallel_loop3A_625, %parallel_loop3A_626], %parallel_loop3A_620 {strides = array<i32>} : memref<2x32x4x128xf32, #tpu.memory_space<vmem>>, vector<16xf32>,
        %parallel_loop3A_628 = arith.constant 0 : i32
        %parallel_loop3A_629 = arith.constant 0 : i32
        %parallel_loop3A_630 = tpu.memref_slice %arg7[%parallel_loop3A_213, %parallel_loop3A_628, %parallel_loop3A_629] : memref<2x128x128xf32, #tpu.memory_space<vmem>> -> memref<1x128x128xf32, #tpu.memory_space<vmem>>
        %parallel_loop3A_631 = tpu.memref_squeeze %parallel_loop3A_630 : memref<1x128x128xf32, #tpu.memory_space<vmem>> -> memref<128x128xf32, #tpu.memory_space<vmem>>
        %parallel_loop3A_632 = tpu.vector_load_idx %parallel_loop3A_631[%add3A_60, %parallel_loop3A_591] : memref<128x128xf32, #tpu.memory_space<vmem>>[vector<16xi32>, vector<16xi32>], vector<16xf32>,
        %parallel_loop3A_633 = arith.constant 0 : i32
        %parallel_loop3A_634 = arith.constant 3 : i32
        %parallel_loop3A_635 = arith.index_cast %parallel_loop3A_633 : i32 to index
        %parallel_loop3A_636 = arith.index_cast %parallel_loop3A_289 : i32 to index
        %parallel_loop3A_637 = arith.index_cast %parallel_loop3A_634 : i32 to index
        %parallel_loop3A_638 = arith.constant 48 : index
        %parallel_loop3A_639 = tpu.vector_load %arg8[%parallel_loop3A_635, %parallel_loop3A_636, %parallel_loop3A_637, %parallel_loop3A_638] {strides = array<i32>} : memref<2x32x4x128xf32, #tpu.memory_space<vmem>>, vector<16xf32>,
        tpu.vector_store %arg8[%parallel_loop3A_635, %parallel_loop3A_636, %parallel_loop3A_637, %parallel_loop3A_638], %parallel_loop3A_632 {strides = array<i32>} : memref<2x32x4x128xf32, #tpu.memory_space<vmem>>, vector<16xf32>,
        %parallel_loop3A_640 = arith.constant 0 : i32
        %parallel_loop3A_641 = arith.constant 0 : i32
        %parallel_loop3A_642 = tpu.memref_slice %arg7[%parallel_loop3A_213, %parallel_loop3A_640, %parallel_loop3A_641] : memref<2x128x128xf32, #tpu.memory_space<vmem>> -> memref<1x128x128xf32, #tpu.memory_space<vmem>>
        %parallel_loop3A_643 = tpu.memref_squeeze %parallel_loop3A_642 : memref<1x128x128xf32, #tpu.memory_space<vmem>> -> memref<128x128xf32, #tpu.memory_space<vmem>>
        %parallel_loop3A_644 = tpu.vector_load_idx %parallel_loop3A_643[%add3A_63, %parallel_loop3A_591] : memref<128x128xf32, #tpu.memory_space<vmem>>[vector<16xi32>, vector<16xi32>], vector<16xf32>,
        %parallel_loop3A_645 = arith.constant 0 : i32
        %parallel_loop3A_646 = arith.constant 3 : i32
        %parallel_loop3A_647 = arith.index_cast %parallel_loop3A_645 : i32 to index
        %parallel_loop3A_648 = arith.index_cast %parallel_loop3A_289 : i32 to index
        %parallel_loop3A_649 = arith.index_cast %parallel_loop3A_646 : i32 to index
        %parallel_loop3A_650 = arith.constant 64 : index
        %parallel_loop3A_651 = tpu.vector_load %arg8[%parallel_loop3A_647, %parallel_loop3A_648, %parallel_loop3A_649, %parallel_loop3A_650] {strides = array<i32>} : memref<2x32x4x128xf32, #tpu.memory_space<vmem>>, vector<16xf32>,
        tpu.vector_store %arg8[%parallel_loop3A_647, %parallel_loop3A_648, %parallel_loop3A_649, %parallel_loop3A_650], %parallel_loop3A_644 {strides = array<i32>} : memref<2x32x4x128xf32, #tpu.memory_space<vmem>>, vector<16xf32>,
        %parallel_loop3A_652 = arith.constant 0 : i32
        %parallel_loop3A_653 = arith.constant 0 : i32
        %parallel_loop3A_654 = tpu.memref_slice %arg7[%parallel_loop3A_213, %parallel_loop3A_652, %parallel_loop3A_653] : memref<2x128x128xf32, #tpu.memory_space<vmem>> -> memref<1x128x128xf32, #tpu.memory_space<vmem>>
        %parallel_loop3A_655 = tpu.memref_squeeze %parallel_loop3A_654 : memref<1x128x128xf32, #tpu.memory_space<vmem>> -> memref<128x128xf32, #tpu.memory_space<vmem>>
        %parallel_loop3A_656 = tpu.vector_load_idx %parallel_loop3A_655[%add3A_66, %parallel_loop3A_591] : memref<128x128xf32, #tpu.memory_space<vmem>>[vector<16xi32>, vector<16xi32>], vector<16xf32>,
        %parallel_loop3A_657 = arith.constant 0 : i32
        %parallel_loop3A_658 = arith.constant 3 : i32
        %parallel_loop3A_659 = arith.index_cast %parallel_loop3A_657 : i32 to index
        %parallel_loop3A_660 = arith.index_cast %parallel_loop3A_289 : i32 to index
        %parallel_loop3A_661 = arith.index_cast %parallel_loop3A_658 : i32 to index
        %parallel_loop3A_662 = arith.constant 80 : index
        %parallel_loop3A_663 = tpu.vector_load %arg8[%parallel_loop3A_659, %parallel_loop3A_660, %parallel_loop3A_661, %parallel_loop3A_662] {strides = array<i32>} : memref<2x32x4x128xf32, #tpu.memory_space<vmem>>, vector<16xf32>,
        tpu.vector_store %arg8[%parallel_loop3A_659, %parallel_loop3A_660, %parallel_loop3A_661, %parallel_loop3A_662], %parallel_loop3A_656 {strides = array<i32>} : memref<2x32x4x128xf32, #tpu.memory_space<vmem>>, vector<16xf32>,
        %parallel_loop3A_664 = arith.constant 0 : i32
        %parallel_loop3A_665 = arith.constant 0 : i32
        %parallel_loop3A_666 = tpu.memref_slice %arg7[%parallel_loop3A_213, %parallel_loop3A_664, %parallel_loop3A_665] : memref<2x128x128xf32, #tpu.memory_space<vmem>> -> memref<1x128x128xf32, #tpu.memory_space<vmem>>
        %parallel_loop3A_667 = tpu.memref_squeeze %parallel_loop3A_666 : memref<1x128x128xf32, #tpu.memory_space<vmem>> -> memref<128x128xf32, #tpu.memory_space<vmem>>
        %parallel_loop3A_668 = tpu.vector_load_idx %parallel_loop3A_667[%add3A_69, %parallel_loop3A_591] : memref<128x128xf32, #tpu.memory_space<vmem>>[vector<16xi32>, vector<16xi32>], vector<16xf32>,
        %parallel_loop3A_669 = arith.constant 0 : i32
        %parallel_loop3A_670 = arith.constant 3 : i32
        %parallel_loop3A_671 = arith.index_cast %parallel_loop3A_669 : i32 to index
        %parallel_loop3A_672 = arith.index_cast %parallel_loop3A_289 : i32 to index
        %parallel_loop3A_673 = arith.index_cast %parallel_loop3A_670 : i32 to index
        %parallel_loop3A_674 = arith.constant 96 : index
        %parallel_loop3A_675 = tpu.vector_load %arg8[%parallel_loop3A_671, %parallel_loop3A_672, %parallel_loop3A_673, %parallel_loop3A_674] {strides = array<i32>} : memref<2x32x4x128xf32, #tpu.memory_space<vmem>>, vector<16xf32>,
        tpu.vector_store %arg8[%parallel_loop3A_671, %parallel_loop3A_672, %parallel_loop3A_673, %parallel_loop3A_674], %parallel_loop3A_668 {strides = array<i32>} : memref<2x32x4x128xf32, #tpu.memory_space<vmem>>, vector<16xf32>,
        %parallel_loop3A_676 = arith.constant 0 : i32
        %parallel_loop3A_677 = arith.constant 0 : i32
        %parallel_loop3A_678 = tpu.memref_slice %arg7[%parallel_loop3A_213, %parallel_loop3A_676, %parallel_loop3A_677] : memref<2x128x128xf32, #tpu.memory_space<vmem>> -> memref<1x128x128xf32, #tpu.memory_space<vmem>>
        %parallel_loop3A_679 = tpu.memref_squeeze %parallel_loop3A_678 : memref<1x128x128xf32, #tpu.memory_space<vmem>> -> memref<128x128xf32, #tpu.memory_space<vmem>>
        %parallel_loop3A_680 = tpu.vector_load_idx %parallel_loop3A_679[%add3A_72, %parallel_loop3A_591] : memref<128x128xf32, #tpu.memory_space<vmem>>[vector<16xi32>, vector<16xi32>], vector<16xf32>,
        %parallel_loop3A_681 = arith.constant 0 : i32
        %parallel_loop3A_682 = arith.constant 3 : i32
        %parallel_loop3A_683 = arith.index_cast %parallel_loop3A_681 : i32 to index
        %parallel_loop3A_684 = arith.index_cast %parallel_loop3A_289 : i32 to index
        %parallel_loop3A_685 = arith.index_cast %parallel_loop3A_682 : i32 to index
        %parallel_loop3A_686 = arith.constant 112 : index
        %parallel_loop3A_687 = tpu.vector_load %arg8[%parallel_loop3A_683, %parallel_loop3A_684, %parallel_loop3A_685, %parallel_loop3A_686] {strides = array<i32>} : memref<2x32x4x128xf32, #tpu.memory_space<vmem>>, vector<16xf32>,
        tpu.vector_store %arg8[%parallel_loop3A_683, %parallel_loop3A_684, %parallel_loop3A_685, %parallel_loop3A_686], %parallel_loop3A_680 {strides = array<i32>} : memref<2x32x4x128xf32, #tpu.memory_space<vmem>>, vector<16xf32>,
      } {sc.loop_unroll_factor = 4 : i64, sc.parallel_access}
      %dma_start3A_214 = arith.constant 0 : i32
      %dma_start3A_215 = arith.constant 0 : i32
      %dma_start3A_216 = arith.constant 0 : i32
      %dma_start3A_217 = arith.constant 0 : i32
      %dma_start3A_218 = tpu.memref_slice %arg8[%dma_start3A_214, %dma_start3A_215, %dma_start3A_216, %dma_start3A_217] : memref<2x32x4x128xf32, #tpu.memory_space<vmem>> -> memref<1x32x4x128xf32, #tpu.memory_space<vmem>>
      %dma_start3A_219 = tpu.memref_squeeze %dma_start3A_218 : memref<1x32x4x128xf32, #tpu.memory_space<vmem>> -> memref<32x4x128xf32, #tpu.memory_space<vmem>>
      %dma_start3A_220 = arith.constant 0 : i32
      %dma_start3A_221 = arith.constant 0 : i32
      %dma_start3A_222 = arith.constant 0 : i32
      %dma_start3A_223 = tpu.memref_slice %arg4[%add3A_190, %dma_start3A_220, %add3A, %dma_start3A_221, %dma_start3A_222] : memref<50x32x32x4x128xf32, #tpu.memory_space<hbm>> -> memref<1x32x1x4x128xf32, #tpu.memory_space<hbm>>
      %dma_start3A_224 = tpu.memref_squeeze %dma_start3A_223 : memref<1x32x1x4x128xf32, #tpu.memory_space<hbm>> -> memref<32x4x128xf32, #tpu.memory_space<hbm>>
      %dma_start3A_225 = arith.constant 0 : i32
      %dma_start3A_226 = arith.constant 0 : i32
      %dma_start3A_227 = arith.constant 0 : i32
      %dma_start3A_228 = tpu.memref_slice %arg4[%add3A_190, %dma_start3A_225, %add3A, %dma_start3A_226, %dma_start3A_227] : memref<50x32x32x4x128xf32, #tpu.memory_space<hbm>> -> memref<1x32x1x4x128xf32, #tpu.memory_space<hbm>>
      %dma_start3A_229 = tpu.memref_squeeze %dma_start3A_228 : memref<1x32x1x4x128xf32, #tpu.memory_space<hbm>> -> memref<32x4x128xf32, #tpu.memory_space<hbm>>
      %dma_start3A_230 = arith.constant 0 : i32
      %dma_start3A_231 = arith.constant 0 : i32
      %dma_start3A_232 = arith.constant 0 : i32
      %dma_start3A_233 = tpu.memref_slice %arg8[%dma_start3A_214, %dma_start3A_230, %dma_start3A_231, %dma_start3A_232] : memref<2x32x4x128xf32, #tpu.memory_space<vmem>> -> memref<1x32x4x128xf32, #tpu.memory_space<vmem>>
      %dma_start3A_234 = tpu.memref_squeeze %dma_start3A_233 : memref<1x32x4x128xf32, #tpu.memory_space<vmem>> -> memref<32x4x128xf32, #tpu.memory_space<vmem>>
      tpu.enqueue_dma source(%dma_start3A_234 : memref<32x4x128xf32, #tpu.memory_space<vmem>>) target(%dma_start3A_229 : memref<32x4x128xf32, #tpu.memory_space<hbm>>) target_semaphore(%arg11 : memref<!tpu.dma_semaphore, #tpu.memory_space<semaphore_mem>>)
      %mul3A_235 = arith.constant 2 : i32
      %mul3A_236 = arith.muli %scan3A_185, %mul3A_235 : i32
      %add3A_237 = arith.constant 1 : i32
      %add3A_238 = arith.addi %mul3A_236, %add3A_237 : i32
      %dma_wait3A_239 = arith.constant 1 : i32
      %dma_wait3A_240 = arith.constant 1 : i32
      %dma_wait3A_241 = arith.constant 0 : i32
      %dma_wait3A_242 = arith.constant 0 : i32
      %dma_wait3A_243 = tpu.memref_slice %arg7[%dma_wait3A_240, %dma_wait3A_241, %dma_wait3A_242] : memref<2x128x128xf32, #tpu.memory_space<vmem>> -> memref<1x128x128xf32, #tpu.memory_space<vmem>>
      %dma_wait3A_244 = tpu.memref_squeeze %dma_wait3A_243 : memref<1x128x128xf32, #tpu.memory_space<vmem>> -> memref<128x128xf32, #tpu.memory_space<vmem>>
      %dma_wait3A_245 = arith.constant 0 : i32
      %dma_wait3A_246 = tpu.memref_slice %arg6[%dma_wait3A_239, %dma_wait3A_245] : memref<2x128xi32, #tpu.memory_space<vmem>> -> memref<1x128xi32, #tpu.memory_space<vmem>>
      %dma_wait3A_247 = tpu.memref_squeeze %dma_wait3A_246 : memref<1x128xi32, #tpu.memory_space<vmem>> -> memref<128xi32, #tpu.memory_space<vmem>>
      %dma_wait3A_248 = arith.constant 0 : i32
      %dma_wait3A_249 = arith.constant 0 : i32
      %dma_wait3A_250 = tpu.memref_slice %arg3[%dma_wait3A_248, %dma_wait3A_249] : memref<1000000x128xf32, #tpu.memory_space<hbm>> -> memref<1000000x128xf32, #tpu.memory_space<hbm>>
      tpu.wait_indirect_dma semaphore(%arg10 : memref<!tpu.dma_semaphore, #tpu.memory_space<semaphore_mem>>) src(%dma_wait3A_250 : memref<1000000x128xf32, #tpu.memory_space<hbm>>) dst(%dma_wait3A_244 : memref<128x128xf32, #tpu.memory_space<vmem>>)
      %add3A_251 = arith.constant 1 : i32
      %add3A_252 = arith.addi %add3A_238, %add3A_251 : i32
      %lt3A_253 = arith.constant 50 : i32
      %lt3A_254 = arith.cmpi slt, %add3A_252, %lt3A_253 : i32
      %convert_element_type3A_255 = arith.extui %lt3A_254 : i1 to i32
      %cond3A_256 = arith.constant 0 : i32
      %cond3A_257 = arith.cmpi ne, %convert_element_type3A_255, %cond3A_256 : i32
      scf.if %cond3A_257 {
        %add3A_289 = arith.constant 1 : i32
        %add3A_290 = arith.addi %add3A_238, %add3A_289 : i32
        %add3A_291 = vector.broadcast %add3A_290 : i32 to vector<16xi32>
        %add3A_292 = arith.addi %broadcast_in_dim3A_73, %add3A_291 : vector<16xi32>
        %add3A_293 = arith.addi %mul3A_6, %add3A_292 : vector<16xi32>
        %gather3A_294 = tpu.vector_load_idx %arg5[%add3A_293] : memref<6400xi32, #tpu.memory_space<vmem>>[vector<16xi32>], vector<16xi32>,
        %swap3A_295 = arith.constant 0 : i32
        %swap3A_296 = arith.index_cast %swap3A_295 : i32 to index
        %swap3A_297 = arith.constant 0 : index
        %swap3A_298 = tpu.vector_load %arg6[%swap3A_296, %swap3A_297] {strides = array<i32>} : memref<2x128xi32, #tpu.memory_space<vmem>>, vector<16xi32>,
        tpu.vector_store %arg6[%swap3A_296, %swap3A_297], %gather3A_294 {strides = array<i32>} : memref<2x128xi32, #tpu.memory_space<vmem>>, vector<16xi32>,
        %add3A_299 = arith.addi %mul3A_12, %add3A_292 : vector<16xi32>
        %gather3A_300 = tpu.vector_load_idx %arg5[%add3A_299] : memref<6400xi32, #tpu.memory_space<vmem>>[vector<16xi32>], vector<16xi32>,
        %swap3A_301 = arith.constant 0 : i32
        %swap3A_302 = arith.index_cast %swap3A_301 : i32 to index
        %swap3A_303 = arith.constant 16 : index
        %swap3A_304 = tpu.vector_load %arg6[%swap3A_302, %swap3A_303] {strides = array<i32>} : memref<2x128xi32, #tpu.memory_space<vmem>>, vector<16xi32>,
        tpu.vector_store %arg6[%swap3A_302, %swap3A_303], %gather3A_300 {strides = array<i32>} : memref<2x128xi32, #tpu.memory_space<vmem>>, vector<16xi32>,
        %add3A_305 = arith.addi %mul3A_18, %add3A_292 : vector<16xi32>
        %gather3A_306 = tpu.vector_load_idx %arg5[%add3A_305] : memref<6400xi32, #tpu.memory_space<vmem>>[vector<16xi32>], vector<16xi32>,
        %swap3A_307 = arith.constant 0 : i32
        %swap3A_308 = arith.index_cast %swap3A_307 : i32 to index
        %swap3A_309 = arith.constant 32 : index
        %swap3A_310 = tpu.vector_load %arg6[%swap3A_308, %swap3A_309] {strides = array<i32>} : memref<2x128xi32, #tpu.memory_space<vmem>>, vector<16xi32>,
        tpu.vector_store %arg6[%swap3A_308, %swap3A_309], %gather3A_306 {strides = array<i32>} : memref<2x128xi32, #tpu.memory_space<vmem>>, vector<16xi32>,
        %add3A_311 = arith.addi %mul3A_24, %add3A_292 : vector<16xi32>
        %gather3A_312 = tpu.vector_load_idx %arg5[%add3A_311] : memref<6400xi32, #tpu.memory_space<vmem>>[vector<16xi32>], vector<16xi32>,
        %swap3A_313 = arith.constant 0 : i32
        %swap3A_314 = arith.index_cast %swap3A_313 : i32 to index
        %swap3A_315 = arith.constant 48 : index
        %swap3A_316 = tpu.vector_load %arg6[%swap3A_314, %swap3A_315] {strides = array<i32>} : memref<2x128xi32, #tpu.memory_space<vmem>>, vector<16xi32>,
        tpu.vector_store %arg6[%swap3A_314, %swap3A_315], %gather3A_312 {strides = array<i32>} : memref<2x128xi32, #tpu.memory_space<vmem>>, vector<16xi32>,
        %add3A_317 = arith.addi %mul3A_30, %add3A_292 : vector<16xi32>
        %gather3A_318 = tpu.vector_load_idx %arg5[%add3A_317] : memref<6400xi32, #tpu.memory_space<vmem>>[vector<16xi32>], vector<16xi32>,
        %swap3A_319 = arith.constant 0 : i32
        %swap3A_320 = arith.index_cast %swap3A_319 : i32 to index
        %swap3A_321 = arith.constant 64 : index
        %swap3A_322 = tpu.vector_load %arg6[%swap3A_320, %swap3A_321] {strides = array<i32>} : memref<2x128xi32, #tpu.memory_space<vmem>>, vector<16xi32>,
        tpu.vector_store %arg6[%swap3A_320, %swap3A_321], %gather3A_318 {strides = array<i32>} : memref<2x128xi32, #tpu.memory_space<vmem>>, vector<16xi32>,
        %add3A_323 = arith.addi %mul3A_36, %add3A_292 : vector<16xi32>
        %gather3A_324 = tpu.vector_load_idx %arg5[%add3A_323] : memref<6400xi32, #tpu.memory_space<vmem>>[vector<16xi32>], vector<16xi32>,
        %swap3A_325 = arith.constant 0 : i32
        %swap3A_326 = arith.index_cast %swap3A_325 : i32 to index
        %swap3A_327 = arith.constant 80 : index
        %swap3A_328 = tpu.vector_load %arg6[%swap3A_326, %swap3A_327] {strides = array<i32>} : memref<2x128xi32, #tpu.memory_space<vmem>>, vector<16xi32>,
        tpu.vector_store %arg6[%swap3A_326, %swap3A_327], %gather3A_324 {strides = array<i32>} : memref<2x128xi32, #tpu.memory_space<vmem>>, vector<16xi32>,
        %add3A_329 = arith.addi %mul3A_42, %add3A_292 : vector<16xi32>
        %gather3A_330 = tpu.vector_load_idx %arg5[%add3A_329] : memref<6400xi32, #tpu.memory_space<vmem>>[vector<16xi32>], vector<16xi32>,
        %swap3A_331 = arith.constant 0 : i32
        %swap3A_332 = arith.index_cast %swap3A_331 : i32 to index
        %swap3A_333 = arith.constant 96 : index
        %swap3A_334 = tpu.vector_load %arg6[%swap3A_332, %swap3A_333] {strides = array<i32>} : memref<2x128xi32, #tpu.memory_space<vmem>>, vector<16xi32>,
        tpu.vector_store %arg6[%swap3A_332, %swap3A_333], %gather3A_330 {strides = array<i32>} : memref<2x128xi32, #tpu.memory_space<vmem>>, vector<16xi32>,
        %add3A_335 = arith.addi %mul3A_48, %add3A_292 : vector<16xi32>
        %gather3A_336 = tpu.vector_load_idx %arg5[%add3A_335] : memref<6400xi32, #tpu.memory_space<vmem>>[vector<16xi32>], vector<16xi32>,
        %swap3A_337 = arith.constant 0 : i32
        %swap3A_338 = arith.index_cast %swap3A_337 : i32 to index
        %swap3A_339 = arith.constant 112 : index
        %swap3A_340 = tpu.vector_load %arg6[%swap3A_338, %swap3A_339] {strides = array<i32>} : memref<2x128xi32, #tpu.memory_space<vmem>>, vector<16xi32>,
        tpu.vector_store %arg6[%swap3A_338, %swap3A_339], %gather3A_336 {strides = array<i32>} : memref<2x128xi32, #tpu.memory_space<vmem>>, vector<16xi32>,
        %dma_start3A_341 = arith.constant 0 : i32
        %dma_start3A_342 = arith.constant 0 : i32
        %dma_start3A_343 = arith.constant 0 : i32
        %dma_start3A_344 = arith.constant 0 : i32
        %dma_start3A_345 = tpu.memref_slice %arg7[%dma_start3A_342, %dma_start3A_343, %dma_start3A_344] : memref<2x128x128xf32, #tpu.memory_space<vmem>> -> memref<1x128x128xf32, #tpu.memory_space<vmem>>
        %dma_start3A_346 = tpu.memref_squeeze %dma_start3A_345 : memref<1x128x128xf32, #tpu.memory_space<vmem>> -> memref<128x128xf32, #tpu.memory_space<vmem>>
        %dma_start3A_347 = arith.constant 0 : i32
        %dma_start3A_348 = tpu.memref_slice %arg6[%dma_start3A_341, %dma_start3A_347] : memref<2x128xi32, #tpu.memory_space<vmem>> -> memref<1x128xi32, #tpu.memory_space<vmem>>
        %dma_start3A_349 = tpu.memref_squeeze %dma_start3A_348 : memref<1x128xi32, #tpu.memory_space<vmem>> -> memref<128xi32, #tpu.memory_space<vmem>>
        %dma_start3A_350 = arith.constant 0 : i32
        %dma_start3A_351 = arith.constant 0 : i32
        %dma_start3A_352 = tpu.memref_slice %arg3[%dma_start3A_350, %dma_start3A_351] : memref<1000000x128xf32, #tpu.memory_space<hbm>> -> memref<1000000x128xf32, #tpu.memory_space<hbm>>
        tpu.enqueue_indirect_dma source(%dma_start3A_352 : memref<1000000x128xf32, #tpu.memory_space<hbm>>) target(%dma_start3A_346 : memref<128x128xf32, #tpu.memory_space<vmem>>) offsets(%dma_start3A_349 : memref<128xi32, #tpu.memory_space<vmem>>) semaphore(%arg9 : memref<!tpu.dma_semaphore, #tpu.memory_space<semaphore_mem>>)
      } else {
      }
      %gt3A_258 = arith.constant 0 : i32
      %gt3A_259 = arith.cmpi sgt, %scan3A_185, %gt3A_258 : i32
      %convert_element_type3A_260 = arith.extui %gt3A_259 : i1 to i32
      %cond3A_261 = arith.constant 0 : i32
      %cond3A_262 = arith.cmpi ne, %convert_element_type3A_260, %cond3A_261 : i32
      scf.if %cond3A_262 {
        %sub3A = arith.constant 2 : i32
        %sub3A_289 = arith.subi %add3A_238, %sub3A : i32
        %dma_wait3A_290 = arith.constant 1 : i32
        %dma_wait3A_291 = arith.constant 0 : i32
        %dma_wait3A_292 = arith.constant 0 : i32
        %dma_wait3A_293 = arith.constant 0 : i32
        %dma_wait3A_294 = tpu.memref_slice %arg8[%dma_wait3A_290, %dma_wait3A_291, %dma_wait3A_292, %dma_wait3A_293] : memref<2x32x4x128xf32, #tpu.memory_space<vmem>> -> memref<1x32x4x128xf32, #tpu.memory_space<vmem>>
        %dma_wait3A_295 = tpu.memref_squeeze %dma_wait3A_294 : memref<1x32x4x128xf32, #tpu.memory_space<vmem>> -> memref<32x4x128xf32, #tpu.memory_space<vmem>>
        %dma_wait3A_296 = arith.constant 0 : i32
        %dma_wait3A_297 = arith.constant 0 : i32
        %dma_wait3A_298 = arith.constant 0 : i32
        %dma_wait3A_299 = tpu.memref_slice %arg4[%sub3A_289, %dma_wait3A_296, %add3A, %dma_wait3A_297, %dma_wait3A_298] : memref<50x32x32x4x128xf32, #tpu.memory_space<hbm>> -> memref<1x32x1x4x128xf32, #tpu.memory_space<hbm>>
        %dma_wait3A_300 = tpu.memref_squeeze %dma_wait3A_299 : memref<1x32x1x4x128xf32, #tpu.memory_space<hbm>> -> memref<32x4x128xf32, #tpu.memory_space<hbm>>
        %dma_wait3A_301 = arith.constant 0 : i32
        %dma_wait3A_302 = arith.constant 0 : i32
        %dma_wait3A_303 = arith.constant 0 : i32
        %dma_wait3A_304 = tpu.memref_slice %arg4[%sub3A_289, %dma_wait3A_301, %add3A, %dma_wait3A_302, %dma_wait3A_303] : memref<50x32x32x4x128xf32, #tpu.memory_space<hbm>> -> memref<1x32x1x4x128xf32, #tpu.memory_space<hbm>>
        %dma_wait3A_305 = tpu.memref_squeeze %dma_wait3A_304 : memref<1x32x1x4x128xf32, #tpu.memory_space<hbm>> -> memref<32x4x128xf32, #tpu.memory_space<hbm>>
        %dma_wait3A_306 = arith.constant 0 : i32
        %dma_wait3A_307 = arith.constant 0 : i32
        %dma_wait3A_308 = arith.constant 0 : i32
        %dma_wait3A_309 = tpu.memref_slice %arg8[%dma_wait3A_290, %dma_wait3A_306, %dma_wait3A_307, %dma_wait3A_308] : memref<2x32x4x128xf32, #tpu.memory_space<vmem>> -> memref<1x32x4x128xf32, #tpu.memory_space<vmem>>
        %dma_wait3A_310 = tpu.memref_squeeze %dma_wait3A_309 : memref<1x32x4x128xf32, #tpu.memory_space<vmem>> -> memref<32x4x128xf32, #tpu.memory_space<vmem>>
        tpu.wait_dma2 semaphore(%arg12 : memref<!tpu.dma_semaphore, #tpu.memory_space<semaphore_mem>>) src(%dma_wait3A_310 : memref<32x4x128xf32, #tpu.memory_space<vmem>>) dst(%dma_wait3A_305 : memref<32x4x128xf32, #tpu.memory_space<hbm>>)
      } else {
      }
      %parallel_loop3A_263 = arith.constant 0 : i32
      %parallel_loop3A_264 = arith.constant 32 : i32
      %parallel_loop3A_265 = arith.constant 1 : i32
      %parallel_loop3A_266 = arith.constant 1 : i32
      scf.for %parallel_loop3A_289 = %parallel_loop3A_263 to %parallel_loop3A_264 step %parallel_loop3A_265  : i32 {
        %parallel_loop3A_290 = vector.broadcast %parallel_loop3A_289 : i32 to vector<16xi32>
        %parallel_loop3A_291 = arith.addi %broadcast_in_dim3A_73, %parallel_loop3A_290 : vector<16xi32>
        %parallel_loop3A_292 = arith.constant 0 : i32
        %parallel_loop3A_293 = vector.broadcast %parallel_loop3A_292 : i32 to vector<16xi32>
        %parallel_loop3A_294 = arith.addi %parallel_loop3A_291, %parallel_loop3A_293 : vector<16xi32>
        %parallel_loop3A_295 = arith.constant 0 : i32
        %parallel_loop3A_296 = arith.constant 0 : i32
        %parallel_loop3A_297 = tpu.memref_slice %arg7[%parallel_loop3A_266, %parallel_loop3A_295, %parallel_loop3A_296] : memref<2x128x128xf32, #tpu.memory_space<vmem>> -> memref<1x128x128xf32, #tpu.memory_space<vmem>>
        %parallel_loop3A_298 = tpu.memref_squeeze %parallel_loop3A_297 : memref<1x128x128xf32, #tpu.memory_space<vmem>> -> memref<128x128xf32, #tpu.memory_space<vmem>>
        %parallel_loop3A_299 = tpu.vector_load_idx %parallel_loop3A_298[%add3A_51, %parallel_loop3A_294] : memref<128x128xf32, #tpu.memory_space<vmem>>[vector<16xi32>, vector<16xi32>], vector<16xf32>,
        %parallel_loop3A_300 = arith.constant 1 : i32
        %parallel_loop3A_301 = arith.constant 0 : i32
        %parallel_loop3A_302 = arith.index_cast %parallel_loop3A_300 : i32 to index
        %parallel_loop3A_303 = arith.index_cast %parallel_loop3A_289 : i32 to index
        %parallel_loop3A_304 = arith.index_cast %parallel_loop3A_301 : i32 to index
        %parallel_loop3A_305 = arith.constant 0 : index
        %parallel_loop3A_306 = tpu.vector_load %arg8[%parallel_loop3A_302, %parallel_loop3A_303, %parallel_loop3A_304, %parallel_loop3A_305] {strides = array<i32>} : memref<2x32x4x128xf32, #tpu.memory_space<vmem>>, vector<16xf32>,
        tpu.vector_store %arg8[%parallel_loop3A_302, %parallel_loop3A_303, %parallel_loop3A_304, %parallel_loop3A_305], %parallel_loop3A_299 {strides = array<i32>} : memref<2x32x4x128xf32, #tpu.memory_space<vmem>>, vector<16xf32>,
        %parallel_loop3A_307 = arith.constant 0 : i32
        %parallel_loop3A_308 = arith.constant 0 : i32
        %parallel_loop3A_309 = tpu.memref_slice %arg7[%parallel_loop3A_266, %parallel_loop3A_307, %parallel_loop3A_308] : memref<2x128x128xf32, #tpu.memory_space<vmem>> -> memref<1x128x128xf32, #tpu.memory_space<vmem>>
        %parallel_loop3A_310 = tpu.memref_squeeze %parallel_loop3A_309 : memref<1x128x128xf32, #tpu.memory_space<vmem>> -> memref<128x128xf32, #tpu.memory_space<vmem>>
        %parallel_loop3A_311 = tpu.vector_load_idx %parallel_loop3A_310[%add3A_54, %parallel_loop3A_294] : memref<128x128xf32, #tpu.memory_space<vmem>>[vector<16xi32>, vector<16xi32>], vector<16xf32>,
        %parallel_loop3A_312 = arith.constant 1 : i32
        %parallel_loop3A_313 = arith.constant 0 : i32
        %parallel_loop3A_314 = arith.index_cast %parallel_loop3A_312 : i32 to index
        %parallel_loop3A_315 = arith.index_cast %parallel_loop3A_289 : i32 to index
        %parallel_loop3A_316 = arith.index_cast %parallel_loop3A_313 : i32 to index
        %parallel_loop3A_317 = arith.constant 16 : index
        %parallel_loop3A_318 = tpu.vector_load %arg8[%parallel_loop3A_314, %parallel_loop3A_315, %parallel_loop3A_316, %parallel_loop3A_317] {strides = array<i32>} : memref<2x32x4x128xf32, #tpu.memory_space<vmem>>, vector<16xf32>,
        tpu.vector_store %arg8[%parallel_loop3A_314, %parallel_loop3A_315, %parallel_loop3A_316, %parallel_loop3A_317], %parallel_loop3A_311 {strides = array<i32>} : memref<2x32x4x128xf32, #tpu.memory_space<vmem>>, vector<16xf32>,
        %parallel_loop3A_319 = arith.constant 0 : i32
        %parallel_loop3A_320 = arith.constant 0 : i32
        %parallel_loop3A_321 = tpu.memref_slice %arg7[%parallel_loop3A_266, %parallel_loop3A_319, %parallel_loop3A_320] : memref<2x128x128xf32, #tpu.memory_space<vmem>> -> memref<1x128x128xf32, #tpu.memory_space<vmem>>
        %parallel_loop3A_322 = tpu.memref_squeeze %parallel_loop3A_321 : memref<1x128x128xf32, #tpu.memory_space<vmem>> -> memref<128x128xf32, #tpu.memory_space<vmem>>
        %parallel_loop3A_323 = tpu.vector_load_idx %parallel_loop3A_322[%add3A_57, %parallel_loop3A_294] : memref<128x128xf32, #tpu.memory_space<vmem>>[vector<16xi32>, vector<16xi32>], vector<16xf32>,
        %parallel_loop3A_324 = arith.constant 1 : i32
        %parallel_loop3A_325 = arith.constant 0 : i32
        %parallel_loop3A_326 = arith.index_cast %parallel_loop3A_324 : i32 to index
        %parallel_loop3A_327 = arith.index_cast %parallel_loop3A_289 : i32 to index
        %parallel_loop3A_328 = arith.index_cast %parallel_loop3A_325 : i32 to index
        %parallel_loop3A_329 = arith.constant 32 : index
        %parallel_loop3A_330 = tpu.vector_load %arg8[%parallel_loop3A_326, %parallel_loop3A_327, %parallel_loop3A_328, %parallel_loop3A_329] {strides = array<i32>} : memref<2x32x4x128xf32, #tpu.memory_space<vmem>>, vector<16xf32>,
        tpu.vector_store %arg8[%parallel_loop3A_326, %parallel_loop3A_327, %parallel_loop3A_328, %parallel_loop3A_329], %parallel_loop3A_323 {strides = array<i32>} : memref<2x32x4x128xf32, #tpu.memory_space<vmem>>, vector<16xf32>,
        %parallel_loop3A_331 = arith.constant 0 : i32
        %parallel_loop3A_332 = arith.constant 0 : i32
        %parallel_loop3A_333 = tpu.memref_slice %arg7[%parallel_loop3A_266, %parallel_loop3A_331, %parallel_loop3A_332] : memref<2x128x128xf32, #tpu.memory_space<vmem>> -> memref<1x128x128xf32, #tpu.memory_space<vmem>>
        %parallel_loop3A_334 = tpu.memref_squeeze %parallel_loop3A_333 : memref<1x128x128xf32, #tpu.memory_space<vmem>> -> memref<128x128xf32, #tpu.memory_space<vmem>>
        %parallel_loop3A_335 = tpu.vector_load_idx %parallel_loop3A_334[%add3A_60, %parallel_loop3A_294] : memref<128x128xf32, #tpu.memory_space<vmem>>[vector<16xi32>, vector<16xi32>], vector<16xf32>,
        %parallel_loop3A_336 = arith.constant 1 : i32
        %parallel_loop3A_337 = arith.constant 0 : i32
        %parallel_loop3A_338 = arith.index_cast %parallel_loop3A_336 : i32 to index
        %parallel_loop3A_339 = arith.index_cast %parallel_loop3A_289 : i32 to index
        %parallel_loop3A_340 = arith.index_cast %parallel_loop3A_337 : i32 to index
        %parallel_loop3A_341 = arith.constant 48 : index
        %parallel_loop3A_342 = tpu.vector_load %arg8[%parallel_loop3A_338, %parallel_loop3A_339, %parallel_loop3A_340, %parallel_loop3A_341] {strides = array<i32>} : memref<2x32x4x128xf32, #tpu.memory_space<vmem>>, vector<16xf32>,
        tpu.vector_store %arg8[%parallel_loop3A_338, %parallel_loop3A_339, %parallel_loop3A_340, %parallel_loop3A_341], %parallel_loop3A_335 {strides = array<i32>} : memref<2x32x4x128xf32, #tpu.memory_space<vmem>>, vector<16xf32>,
        %parallel_loop3A_343 = arith.constant 0 : i32
        %parallel_loop3A_344 = arith.constant 0 : i32
        %parallel_loop3A_345 = tpu.memref_slice %arg7[%parallel_loop3A_266, %parallel_loop3A_343, %parallel_loop3A_344] : memref<2x128x128xf32, #tpu.memory_space<vmem>> -> memref<1x128x128xf32, #tpu.memory_space<vmem>>
        %parallel_loop3A_346 = tpu.memref_squeeze %parallel_loop3A_345 : memref<1x128x128xf32, #tpu.memory_space<vmem>> -> memref<128x128xf32, #tpu.memory_space<vmem>>
        %parallel_loop3A_347 = tpu.vector_load_idx %parallel_loop3A_346[%add3A_63, %parallel_loop3A_294] : memref<128x128xf32, #tpu.memory_space<vmem>>[vector<16xi32>, vector<16xi32>], vector<16xf32>,
        %parallel_loop3A_348 = arith.constant 1 : i32
        %parallel_loop3A_349 = arith.constant 0 : i32
        %parallel_loop3A_350 = arith.index_cast %parallel_loop3A_348 : i32 to index
        %parallel_loop3A_351 = arith.index_cast %parallel_loop3A_289 : i32 to index
        %parallel_loop3A_352 = arith.index_cast %parallel_loop3A_349 : i32 to index
        %parallel_loop3A_353 = arith.constant 64 : index
        %parallel_loop3A_354 = tpu.vector_load %arg8[%parallel_loop3A_350, %parallel_loop3A_351, %parallel_loop3A_352, %parallel_loop3A_353] {strides = array<i32>} : memref<2x32x4x128xf32, #tpu.memory_space<vmem>>, vector<16xf32>,
        tpu.vector_store %arg8[%parallel_loop3A_350, %parallel_loop3A_351, %parallel_loop3A_352, %parallel_loop3A_353], %parallel_loop3A_347 {strides = array<i32>} : memref<2x32x4x128xf32, #tpu.memory_space<vmem>>, vector<16xf32>,
        %parallel_loop3A_355 = arith.constant 0 : i32
        %parallel_loop3A_356 = arith.constant 0 : i32
        %parallel_loop3A_357 = tpu.memref_slice %arg7[%parallel_loop3A_266, %parallel_loop3A_355, %parallel_loop3A_356] : memref<2x128x128xf32, #tpu.memory_space<vmem>> -> memref<1x128x128xf32, #tpu.memory_space<vmem>>
        %parallel_loop3A_358 = tpu.memref_squeeze %parallel_loop3A_357 : memref<1x128x128xf32, #tpu.memory_space<vmem>> -> memref<128x128xf32, #tpu.memory_space<vmem>>
        %parallel_loop3A_359 = tpu.vector_load_idx %parallel_loop3A_358[%add3A_66, %parallel_loop3A_294] : memref<128x128xf32, #tpu.memory_space<vmem>>[vector<16xi32>, vector<16xi32>], vector<16xf32>,
        %parallel_loop3A_360 = arith.constant 1 : i32
        %parallel_loop3A_361 = arith.constant 0 : i32
        %parallel_loop3A_362 = arith.index_cast %parallel_loop3A_360 : i32 to index
        %parallel_loop3A_363 = arith.index_cast %parallel_loop3A_289 : i32 to index
        %parallel_loop3A_364 = arith.index_cast %parallel_loop3A_361 : i32 to index
        %parallel_loop3A_365 = arith.constant 80 : index
        %parallel_loop3A_366 = tpu.vector_load %arg8[%parallel_loop3A_362, %parallel_loop3A_363, %parallel_loop3A_364, %parallel_loop3A_365] {strides = array<i32>} : memref<2x32x4x128xf32, #tpu.memory_space<vmem>>, vector<16xf32>,
        tpu.vector_store %arg8[%parallel_loop3A_362, %parallel_loop3A_363, %parallel_loop3A_364, %parallel_loop3A_365], %parallel_loop3A_359 {strides = array<i32>} : memref<2x32x4x128xf32, #tpu.memory_space<vmem>>, vector<16xf32>,
        %parallel_loop3A_367 = arith.constant 0 : i32
        %parallel_loop3A_368 = arith.constant 0 : i32
        %parallel_loop3A_369 = tpu.memref_slice %arg7[%parallel_loop3A_266, %parallel_loop3A_367, %parallel_loop3A_368] : memref<2x128x128xf32, #tpu.memory_space<vmem>> -> memref<1x128x128xf32, #tpu.memory_space<vmem>>
        %parallel_loop3A_370 = tpu.memref_squeeze %parallel_loop3A_369 : memref<1x128x128xf32, #tpu.memory_space<vmem>> -> memref<128x128xf32, #tpu.memory_space<vmem>>
        %parallel_loop3A_371 = tpu.vector_load_idx %parallel_loop3A_370[%add3A_69, %parallel_loop3A_294] : memref<128x128xf32, #tpu.memory_space<vmem>>[vector<16xi32>, vector<16xi32>], vector<16xf32>,
        %parallel_loop3A_372 = arith.constant 1 : i32
        %parallel_loop3A_373 = arith.constant 0 : i32
        %parallel_loop3A_374 = arith.index_cast %parallel_loop3A_372 : i32 to index
        %parallel_loop3A_375 = arith.index_cast %parallel_loop3A_289 : i32 to index
        %parallel_loop3A_376 = arith.index_cast %parallel_loop3A_373 : i32 to index
        %parallel_loop3A_377 = arith.constant 96 : index
        %parallel_loop3A_378 = tpu.vector_load %arg8[%parallel_loop3A_374, %parallel_loop3A_375, %parallel_loop3A_376, %parallel_loop3A_377] {strides = array<i32>} : memref<2x32x4x128xf32, #tpu.memory_space<vmem>>, vector<16xf32>,
        tpu.vector_store %arg8[%parallel_loop3A_374, %parallel_loop3A_375, %parallel_loop3A_376, %parallel_loop3A_377], %parallel_loop3A_371 {strides = array<i32>} : memref<2x32x4x128xf32, #tpu.memory_space<vmem>>, vector<16xf32>,
        %parallel_loop3A_379 = arith.constant 0 : i32
        %parallel_loop3A_380 = arith.constant 0 : i32
        %parallel_loop3A_381 = tpu.memref_slice %arg7[%parallel_loop3A_266, %parallel_loop3A_379, %parallel_loop3A_380] : memref<2x128x128xf32, #tpu.memory_space<vmem>> -> memref<1x128x128xf32, #tpu.memory_space<vmem>>
        %parallel_loop3A_382 = tpu.memref_squeeze %parallel_loop3A_381 : memref<1x128x128xf32, #tpu.memory_space<vmem>> -> memref<128x128xf32, #tpu.memory_space<vmem>>
        %parallel_loop3A_383 = tpu.vector_load_idx %parallel_loop3A_382[%add3A_72, %parallel_loop3A_294] : memref<128x128xf32, #tpu.memory_space<vmem>>[vector<16xi32>, vector<16xi32>], vector<16xf32>,
        %parallel_loop3A_384 = arith.constant 1 : i32
        %parallel_loop3A_385 = arith.constant 0 : i32
        %parallel_loop3A_386 = arith.index_cast %parallel_loop3A_384 : i32 to index
        %parallel_loop3A_387 = arith.index_cast %parallel_loop3A_289 : i32 to index
        %parallel_loop3A_388 = arith.index_cast %parallel_loop3A_385 : i32 to index
        %parallel_loop3A_389 = arith.constant 112 : index
        %parallel_loop3A_390 = tpu.vector_load %arg8[%parallel_loop3A_386, %parallel_loop3A_387, %parallel_loop3A_388, %parallel_loop3A_389] {strides = array<i32>} : memref<2x32x4x128xf32, #tpu.memory_space<vmem>>, vector<16xf32>,
        tpu.vector_store %arg8[%parallel_loop3A_386, %parallel_loop3A_387, %parallel_loop3A_388, %parallel_loop3A_389], %parallel_loop3A_383 {strides = array<i32>} : memref<2x32x4x128xf32, #tpu.memory_space<vmem>>, vector<16xf32>,
        %parallel_loop3A_391 = arith.constant 32 : i32
        %parallel_loop3A_392 = vector.broadcast %parallel_loop3A_391 : i32 to vector<16xi32>
        %parallel_loop3A_393 = arith.addi %parallel_loop3A_291, %parallel_loop3A_392 : vector<16xi32>
        %parallel_loop3A_394 = arith.constant 0 : i32
        %parallel_loop3A_395 = arith.constant 0 : i32
        %parallel_loop3A_396 = tpu.memref_slice %arg7[%parallel_loop3A_266, %parallel_loop3A_394, %parallel_loop3A_395] : memref<2x128x128xf32, #tpu.memory_space<vmem>> -> memref<1x128x128xf32, #tpu.memory_space<vmem>>
        %parallel_loop3A_397 = tpu.memref_squeeze %parallel_loop3A_396 : memref<1x128x128xf32, #tpu.memory_space<vmem>> -> memref<128x128xf32, #tpu.memory_space<vmem>>
        %parallel_loop3A_398 = tpu.vector_load_idx %parallel_loop3A_397[%add3A_51, %parallel_loop3A_393] : memref<128x128xf32, #tpu.memory_space<vmem>>[vector<16xi32>, vector<16xi32>], vector<16xf32>,
        %parallel_loop3A_399 = arith.constant 1 : i32
        %parallel_loop3A_400 = arith.constant 1 : i32
        %parallel_loop3A_401 = arith.index_cast %parallel_loop3A_399 : i32 to index
        %parallel_loop3A_402 = arith.index_cast %parallel_loop3A_289 : i32 to index
        %parallel_loop3A_403 = arith.index_cast %parallel_loop3A_400 : i32 to index
        %parallel_loop3A_404 = arith.constant 0 : index
        %parallel_loop3A_405 = tpu.vector_load %arg8[%parallel_loop3A_401, %parallel_loop3A_402, %parallel_loop3A_403, %parallel_loop3A_404] {strides = array<i32>} : memref<2x32x4x128xf32, #tpu.memory_space<vmem>>, vector<16xf32>,
        tpu.vector_store %arg8[%parallel_loop3A_401, %parallel_loop3A_402, %parallel_loop3A_403, %parallel_loop3A_404], %parallel_loop3A_398 {strides = array<i32>} : memref<2x32x4x128xf32, #tpu.memory_space<vmem>>, vector<16xf32>,
        %parallel_loop3A_406 = arith.constant 0 : i32
        %parallel_loop3A_407 = arith.constant 0 : i32
        %parallel_loop3A_408 = tpu.memref_slice %arg7[%parallel_loop3A_266, %parallel_loop3A_406, %parallel_loop3A_407] : memref<2x128x128xf32, #tpu.memory_space<vmem>> -> memref<1x128x128xf32, #tpu.memory_space<vmem>>
        %parallel_loop3A_409 = tpu.memref_squeeze %parallel_loop3A_408 : memref<1x128x128xf32, #tpu.memory_space<vmem>> -> memref<128x128xf32, #tpu.memory_space<vmem>>
        %parallel_loop3A_410 = tpu.vector_load_idx %parallel_loop3A_409[%add3A_54, %parallel_loop3A_393] : memref<128x128xf32, #tpu.memory_space<vmem>>[vector<16xi32>, vector<16xi32>], vector<16xf32>,
        %parallel_loop3A_411 = arith.constant 1 : i32
        %parallel_loop3A_412 = arith.constant 1 : i32
        %parallel_loop3A_413 = arith.index_cast %parallel_loop3A_411 : i32 to index
        %parallel_loop3A_414 = arith.index_cast %parallel_loop3A_289 : i32 to index
        %parallel_loop3A_415 = arith.index_cast %parallel_loop3A_412 : i32 to index
        %parallel_loop3A_416 = arith.constant 16 : index
        %parallel_loop3A_417 = tpu.vector_load %arg8[%parallel_loop3A_413, %parallel_loop3A_414, %parallel_loop3A_415, %parallel_loop3A_416] {strides = array<i32>} : memref<2x32x4x128xf32, #tpu.memory_space<vmem>>, vector<16xf32>,
        tpu.vector_store %arg8[%parallel_loop3A_413, %parallel_loop3A_414, %parallel_loop3A_415, %parallel_loop3A_416], %parallel_loop3A_410 {strides = array<i32>} : memref<2x32x4x128xf32, #tpu.memory_space<vmem>>, vector<16xf32>,
        %parallel_loop3A_418 = arith.constant 0 : i32
        %parallel_loop3A_419 = arith.constant 0 : i32
        %parallel_loop3A_420 = tpu.memref_slice %arg7[%parallel_loop3A_266, %parallel_loop3A_418, %parallel_loop3A_419] : memref<2x128x128xf32, #tpu.memory_space<vmem>> -> memref<1x128x128xf32, #tpu.memory_space<vmem>>
        %parallel_loop3A_421 = tpu.memref_squeeze %parallel_loop3A_420 : memref<1x128x128xf32, #tpu.memory_space<vmem>> -> memref<128x128xf32, #tpu.memory_space<vmem>>
        %parallel_loop3A_422 = tpu.vector_load_idx %parallel_loop3A_421[%add3A_57, %parallel_loop3A_393] : memref<128x128xf32, #tpu.memory_space<vmem>>[vector<16xi32>, vector<16xi32>], vector<16xf32>,
        %parallel_loop3A_423 = arith.constant 1 : i32
        %parallel_loop3A_424 = arith.constant 1 : i32
        %parallel_loop3A_425 = arith.index_cast %parallel_loop3A_423 : i32 to index
        %parallel_loop3A_426 = arith.index_cast %parallel_loop3A_289 : i32 to index
        %parallel_loop3A_427 = arith.index_cast %parallel_loop3A_424 : i32 to index
        %parallel_loop3A_428 = arith.constant 32 : index
        %parallel_loop3A_429 = tpu.vector_load %arg8[%parallel_loop3A_425, %parallel_loop3A_426, %parallel_loop3A_427, %parallel_loop3A_428] {strides = array<i32>} : memref<2x32x4x128xf32, #tpu.memory_space<vmem>>, vector<16xf32>,
        tpu.vector_store %arg8[%parallel_loop3A_425, %parallel_loop3A_426, %parallel_loop3A_427, %parallel_loop3A_428], %parallel_loop3A_422 {strides = array<i32>} : memref<2x32x4x128xf32, #tpu.memory_space<vmem>>, vector<16xf32>,
        %parallel_loop3A_430 = arith.constant 0 : i32
        %parallel_loop3A_431 = arith.constant 0 : i32
        %parallel_loop3A_432 = tpu.memref_slice %arg7[%parallel_loop3A_266, %parallel_loop3A_430, %parallel_loop3A_431] : memref<2x128x128xf32, #tpu.memory_space<vmem>> -> memref<1x128x128xf32, #tpu.memory_space<vmem>>
        %parallel_loop3A_433 = tpu.memref_squeeze %parallel_loop3A_432 : memref<1x128x128xf32, #tpu.memory_space<vmem>> -> memref<128x128xf32, #tpu.memory_space<vmem>>
        %parallel_loop3A_434 = tpu.vector_load_idx %parallel_loop3A_433[%add3A_60, %parallel_loop3A_393] : memref<128x128xf32, #tpu.memory_space<vmem>>[vector<16xi32>, vector<16xi32>], vector<16xf32>,
        %parallel_loop3A_435 = arith.constant 1 : i32
        %parallel_loop3A_436 = arith.constant 1 : i32
        %parallel_loop3A_437 = arith.index_cast %parallel_loop3A_435 : i32 to index
        %parallel_loop3A_438 = arith.index_cast %parallel_loop3A_289 : i32 to index
        %parallel_loop3A_439 = arith.index_cast %parallel_loop3A_436 : i32 to index
        %parallel_loop3A_440 = arith.constant 48 : index
        %parallel_loop3A_441 = tpu.vector_load %arg8[%parallel_loop3A_437, %parallel_loop3A_438, %parallel_loop3A_439, %parallel_loop3A_440] {strides = array<i32>} : memref<2x32x4x128xf32, #tpu.memory_space<vmem>>, vector<16xf32>,
        tpu.vector_store %arg8[%parallel_loop3A_437, %parallel_loop3A_438, %parallel_loop3A_439, %parallel_loop3A_440], %parallel_loop3A_434 {strides = array<i32>} : memref<2x32x4x128xf32, #tpu.memory_space<vmem>>, vector<16xf32>,
        %parallel_loop3A_442 = arith.constant 0 : i32
        %parallel_loop3A_443 = arith.constant 0 : i32
        %parallel_loop3A_444 = tpu.memref_slice %arg7[%parallel_loop3A_266, %parallel_loop3A_442, %parallel_loop3A_443] : memref<2x128x128xf32, #tpu.memory_space<vmem>> -> memref<1x128x128xf32, #tpu.memory_space<vmem>>
        %parallel_loop3A_445 = tpu.memref_squeeze %parallel_loop3A_444 : memref<1x128x128xf32, #tpu.memory_space<vmem>> -> memref<128x128xf32, #tpu.memory_space<vmem>>
        %parallel_loop3A_446 = tpu.vector_load_idx %parallel_loop3A_445[%add3A_63, %parallel_loop3A_393] : memref<128x128xf32, #tpu.memory_space<vmem>>[vector<16xi32>, vector<16xi32>], vector<16xf32>,
        %parallel_loop3A_447 = arith.constant 1 : i32
        %parallel_loop3A_448 = arith.constant 1 : i32
        %parallel_loop3A_449 = arith.index_cast %parallel_loop3A_447 : i32 to index
        %parallel_loop3A_450 = arith.index_cast %parallel_loop3A_289 : i32 to index
        %parallel_loop3A_451 = arith.index_cast %parallel_loop3A_448 : i32 to index
        %parallel_loop3A_452 = arith.constant 64 : index
        %parallel_loop3A_453 = tpu.vector_load %arg8[%parallel_loop3A_449, %parallel_loop3A_450, %parallel_loop3A_451, %parallel_loop3A_452] {strides = array<i32>} : memref<2x32x4x128xf32, #tpu.memory_space<vmem>>, vector<16xf32>,
        tpu.vector_store %arg8[%parallel_loop3A_449, %parallel_loop3A_450, %parallel_loop3A_451, %parallel_loop3A_452], %parallel_loop3A_446 {strides = array<i32>} : memref<2x32x4x128xf32, #tpu.memory_space<vmem>>, vector<16xf32>,
        %parallel_loop3A_454 = arith.constant 0 : i32
        %parallel_loop3A_455 = arith.constant 0 : i32
        %parallel_loop3A_456 = tpu.memref_slice %arg7[%parallel_loop3A_266, %parallel_loop3A_454, %parallel_loop3A_455] : memref<2x128x128xf32, #tpu.memory_space<vmem>> -> memref<1x128x128xf32, #tpu.memory_space<vmem>>
        %parallel_loop3A_457 = tpu.memref_squeeze %parallel_loop3A_456 : memref<1x128x128xf32, #tpu.memory_space<vmem>> -> memref<128x128xf32, #tpu.memory_space<vmem>>
        %parallel_loop3A_458 = tpu.vector_load_idx %parallel_loop3A_457[%add3A_66, %parallel_loop3A_393] : memref<128x128xf32, #tpu.memory_space<vmem>>[vector<16xi32>, vector<16xi32>], vector<16xf32>,
        %parallel_loop3A_459 = arith.constant 1 : i32
        %parallel_loop3A_460 = arith.constant 1 : i32
        %parallel_loop3A_461 = arith.index_cast %parallel_loop3A_459 : i32 to index
        %parallel_loop3A_462 = arith.index_cast %parallel_loop3A_289 : i32 to index
        %parallel_loop3A_463 = arith.index_cast %parallel_loop3A_460 : i32 to index
        %parallel_loop3A_464 = arith.constant 80 : index
        %parallel_loop3A_465 = tpu.vector_load %arg8[%parallel_loop3A_461, %parallel_loop3A_462, %parallel_loop3A_463, %parallel_loop3A_464] {strides = array<i32>} : memref<2x32x4x128xf32, #tpu.memory_space<vmem>>, vector<16xf32>,
        tpu.vector_store %arg8[%parallel_loop3A_461, %parallel_loop3A_462, %parallel_loop3A_463, %parallel_loop3A_464], %parallel_loop3A_458 {strides = array<i32>} : memref<2x32x4x128xf32, #tpu.memory_space<vmem>>, vector<16xf32>,
        %parallel_loop3A_466 = arith.constant 0 : i32
        %parallel_loop3A_467 = arith.constant 0 : i32
        %parallel_loop3A_468 = tpu.memref_slice %arg7[%parallel_loop3A_266, %parallel_loop3A_466, %parallel_loop3A_467] : memref<2x128x128xf32, #tpu.memory_space<vmem>> -> memref<1x128x128xf32, #tpu.memory_space<vmem>>
        %parallel_loop3A_469 = tpu.memref_squeeze %parallel_loop3A_468 : memref<1x128x128xf32, #tpu.memory_space<vmem>> -> memref<128x128xf32, #tpu.memory_space<vmem>>
        %parallel_loop3A_470 = tpu.vector_load_idx %parallel_loop3A_469[%add3A_69, %parallel_loop3A_393] : memref<128x128xf32, #tpu.memory_space<vmem>>[vector<16xi32>, vector<16xi32>], vector<16xf32>,
        %parallel_loop3A_471 = arith.constant 1 : i32
        %parallel_loop3A_472 = arith.constant 1 : i32
        %parallel_loop3A_473 = arith.index_cast %parallel_loop3A_471 : i32 to index
        %parallel_loop3A_474 = arith.index_cast %parallel_loop3A_289 : i32 to index
        %parallel_loop3A_475 = arith.index_cast %parallel_loop3A_472 : i32 to index
        %parallel_loop3A_476 = arith.constant 96 : index
        %parallel_loop3A_477 = tpu.vector_load %arg8[%parallel_loop3A_473, %parallel_loop3A_474, %parallel_loop3A_475, %parallel_loop3A_476] {strides = array<i32>} : memref<2x32x4x128xf32, #tpu.memory_space<vmem>>, vector<16xf32>,
        tpu.vector_store %arg8[%parallel_loop3A_473, %parallel_loop3A_474, %parallel_loop3A_475, %parallel_loop3A_476], %parallel_loop3A_470 {strides = array<i32>} : memref<2x32x4x128xf32, #tpu.memory_space<vmem>>, vector<16xf32>,
        %parallel_loop3A_478 = arith.constant 0 : i32
        %parallel_loop3A_479 = arith.constant 0 : i32
        %parallel_loop3A_480 = tpu.memref_slice %arg7[%parallel_loop3A_266, %parallel_loop3A_478, %parallel_loop3A_479] : memref<2x128x128xf32, #tpu.memory_space<vmem>> -> memref<1x128x128xf32, #tpu.memory_space<vmem>>
        %parallel_loop3A_481 = tpu.memref_squeeze %parallel_loop3A_480 : memref<1x128x128xf32, #tpu.memory_space<vmem>> -> memref<128x128xf32, #tpu.memory_space<vmem>>
        %parallel_loop3A_482 = tpu.vector_load_idx %parallel_loop3A_481[%add3A_72, %parallel_loop3A_393] : memref<128x128xf32, #tpu.memory_space<vmem>>[vector<16xi32>, vector<16xi32>], vector<16xf32>,
        %parallel_loop3A_483 = arith.constant 1 : i32
        %parallel_loop3A_484 = arith.constant 1 : i32
        %parallel_loop3A_485 = arith.index_cast %parallel_loop3A_483 : i32 to index
        %parallel_loop3A_486 = arith.index_cast %parallel_loop3A_289 : i32 to index
        %parallel_loop3A_487 = arith.index_cast %parallel_loop3A_484 : i32 to index
        %parallel_loop3A_488 = arith.constant 112 : index
        %parallel_loop3A_489 = tpu.vector_load %arg8[%parallel_loop3A_485, %parallel_loop3A_486, %parallel_loop3A_487, %parallel_loop3A_488] {strides = array<i32>} : memref<2x32x4x128xf32, #tpu.memory_space<vmem>>, vector<16xf32>,
        tpu.vector_store %arg8[%parallel_loop3A_485, %parallel_loop3A_486, %parallel_loop3A_487, %parallel_loop3A_488], %parallel_loop3A_482 {strides = array<i32>} : memref<2x32x4x128xf32, #tpu.memory_space<vmem>>, vector<16xf32>,
        %parallel_loop3A_490 = arith.constant 64 : i32
        %parallel_loop3A_491 = vector.broadcast %parallel_loop3A_490 : i32 to vector<16xi32>
        %parallel_loop3A_492 = arith.addi %parallel_loop3A_291, %parallel_loop3A_491 : vector<16xi32>
        %parallel_loop3A_493 = arith.constant 0 : i32
        %parallel_loop3A_494 = arith.constant 0 : i32
        %parallel_loop3A_495 = tpu.memref_slice %arg7[%parallel_loop3A_266, %parallel_loop3A_493, %parallel_loop3A_494] : memref<2x128x128xf32, #tpu.memory_space<vmem>> -> memref<1x128x128xf32, #tpu.memory_space<vmem>>
        %parallel_loop3A_496 = tpu.memref_squeeze %parallel_loop3A_495 : memref<1x128x128xf32, #tpu.memory_space<vmem>> -> memref<128x128xf32, #tpu.memory_space<vmem>>
        %parallel_loop3A_497 = tpu.vector_load_idx %parallel_loop3A_496[%add3A_51, %parallel_loop3A_492] : memref<128x128xf32, #tpu.memory_space<vmem>>[vector<16xi32>, vector<16xi32>], vector<16xf32>,
        %parallel_loop3A_498 = arith.constant 1 : i32
        %parallel_loop3A_499 = arith.constant 2 : i32
        %parallel_loop3A_500 = arith.index_cast %parallel_loop3A_498 : i32 to index
        %parallel_loop3A_501 = arith.index_cast %parallel_loop3A_289 : i32 to index
        %parallel_loop3A_502 = arith.index_cast %parallel_loop3A_499 : i32 to index
        %parallel_loop3A_503 = arith.constant 0 : index
        %parallel_loop3A_504 = tpu.vector_load %arg8[%parallel_loop3A_500, %parallel_loop3A_501, %parallel_loop3A_502, %parallel_loop3A_503] {strides = array<i32>} : memref<2x32x4x128xf32, #tpu.memory_space<vmem>>, vector<16xf32>,
        tpu.vector_store %arg8[%parallel_loop3A_500, %parallel_loop3A_501, %parallel_loop3A_502, %parallel_loop3A_503], %parallel_loop3A_497 {strides = array<i32>} : memref<2x32x4x128xf32, #tpu.memory_space<vmem>>, vector<16xf32>,
        %parallel_loop3A_505 = arith.constant 0 : i32
        %parallel_loop3A_506 = arith.constant 0 : i32
        %parallel_loop3A_507 = tpu.memref_slice %arg7[%parallel_loop3A_266, %parallel_loop3A_505, %parallel_loop3A_506] : memref<2x128x128xf32, #tpu.memory_space<vmem>> -> memref<1x128x128xf32, #tpu.memory_space<vmem>>
        %parallel_loop3A_508 = tpu.memref_squeeze %parallel_loop3A_507 : memref<1x128x128xf32, #tpu.memory_space<vmem>> -> memref<128x128xf32, #tpu.memory_space<vmem>>
        %parallel_loop3A_509 = tpu.vector_load_idx %parallel_loop3A_508[%add3A_54, %parallel_loop3A_492] : memref<128x128xf32, #tpu.memory_space<vmem>>[vector<16xi32>, vector<16xi32>], vector<16xf32>,
        %parallel_loop3A_510 = arith.constant 1 : i32
        %parallel_loop3A_511 = arith.constant 2 : i32
        %parallel_loop3A_512 = arith.index_cast %parallel_loop3A_510 : i32 to index
        %parallel_loop3A_513 = arith.index_cast %parallel_loop3A_289 : i32 to index
        %parallel_loop3A_514 = arith.index_cast %parallel_loop3A_511 : i32 to index
        %parallel_loop3A_515 = arith.constant 16 : index
        %parallel_loop3A_516 = tpu.vector_load %arg8[%parallel_loop3A_512, %parallel_loop3A_513, %parallel_loop3A_514, %parallel_loop3A_515] {strides = array<i32>} : memref<2x32x4x128xf32, #tpu.memory_space<vmem>>, vector<16xf32>,
        tpu.vector_store %arg8[%parallel_loop3A_512, %parallel_loop3A_513, %parallel_loop3A_514, %parallel_loop3A_515], %parallel_loop3A_509 {strides = array<i32>} : memref<2x32x4x128xf32, #tpu.memory_space<vmem>>, vector<16xf32>,
        %parallel_loop3A_517 = arith.constant 0 : i32
        %parallel_loop3A_518 = arith.constant 0 : i32
        %parallel_loop3A_519 = tpu.memref_slice %arg7[%parallel_loop3A_266, %parallel_loop3A_517, %parallel_loop3A_518] : memref<2x128x128xf32, #tpu.memory_space<vmem>> -> memref<1x128x128xf32, #tpu.memory_space<vmem>>
        %parallel_loop3A_520 = tpu.memref_squeeze %parallel_loop3A_519 : memref<1x128x128xf32, #tpu.memory_space<vmem>> -> memref<128x128xf32, #tpu.memory_space<vmem>>
        %parallel_loop3A_521 = tpu.vector_load_idx %parallel_loop3A_520[%add3A_57, %parallel_loop3A_492] : memref<128x128xf32, #tpu.memory_space<vmem>>[vector<16xi32>, vector<16xi32>], vector<16xf32>,
        %parallel_loop3A_522 = arith.constant 1 : i32
        %parallel_loop3A_523 = arith.constant 2 : i32
        %parallel_loop3A_524 = arith.index_cast %parallel_loop3A_522 : i32 to index
        %parallel_loop3A_525 = arith.index_cast %parallel_loop3A_289 : i32 to index
        %parallel_loop3A_526 = arith.index_cast %parallel_loop3A_523 : i32 to index
        %parallel_loop3A_527 = arith.constant 32 : index
        %parallel_loop3A_528 = tpu.vector_load %arg8[%parallel_loop3A_524, %parallel_loop3A_525, %parallel_loop3A_526, %parallel_loop3A_527] {strides = array<i32>} : memref<2x32x4x128xf32, #tpu.memory_space<vmem>>, vector<16xf32>,
        tpu.vector_store %arg8[%parallel_loop3A_524, %parallel_loop3A_525, %parallel_loop3A_526, %parallel_loop3A_527], %parallel_loop3A_521 {strides = array<i32>} : memref<2x32x4x128xf32, #tpu.memory_space<vmem>>, vector<16xf32>,
        %parallel_loop3A_529 = arith.constant 0 : i32
        %parallel_loop3A_530 = arith.constant 0 : i32
        %parallel_loop3A_531 = tpu.memref_slice %arg7[%parallel_loop3A_266, %parallel_loop3A_529, %parallel_loop3A_530] : memref<2x128x128xf32, #tpu.memory_space<vmem>> -> memref<1x128x128xf32, #tpu.memory_space<vmem>>
        %parallel_loop3A_532 = tpu.memref_squeeze %parallel_loop3A_531 : memref<1x128x128xf32, #tpu.memory_space<vmem>> -> memref<128x128xf32, #tpu.memory_space<vmem>>
        %parallel_loop3A_533 = tpu.vector_load_idx %parallel_loop3A_532[%add3A_60, %parallel_loop3A_492] : memref<128x128xf32, #tpu.memory_space<vmem>>[vector<16xi32>, vector<16xi32>], vector<16xf32>,
        %parallel_loop3A_534 = arith.constant 1 : i32
        %parallel_loop3A_535 = arith.constant 2 : i32
        %parallel_loop3A_536 = arith.index_cast %parallel_loop3A_534 : i32 to index
        %parallel_loop3A_537 = arith.index_cast %parallel_loop3A_289 : i32 to index
        %parallel_loop3A_538 = arith.index_cast %parallel_loop3A_535 : i32 to index
        %parallel_loop3A_539 = arith.constant 48 : index
        %parallel_loop3A_540 = tpu.vector_load %arg8[%parallel_loop3A_536, %parallel_loop3A_537, %parallel_loop3A_538, %parallel_loop3A_539] {strides = array<i32>} : memref<2x32x4x128xf32, #tpu.memory_space<vmem>>, vector<16xf32>,
        tpu.vector_store %arg8[%parallel_loop3A_536, %parallel_loop3A_537, %parallel_loop3A_538, %parallel_loop3A_539], %parallel_loop3A_533 {strides = array<i32>} : memref<2x32x4x128xf32, #tpu.memory_space<vmem>>, vector<16xf32>,
        %parallel_loop3A_541 = arith.constant 0 : i32
        %parallel_loop3A_542 = arith.constant 0 : i32
        %parallel_loop3A_543 = tpu.memref_slice %arg7[%parallel_loop3A_266, %parallel_loop3A_541, %parallel_loop3A_542] : memref<2x128x128xf32, #tpu.memory_space<vmem>> -> memref<1x128x128xf32, #tpu.memory_space<vmem>>
        %parallel_loop3A_544 = tpu.memref_squeeze %parallel_loop3A_543 : memref<1x128x128xf32, #tpu.memory_space<vmem>> -> memref<128x128xf32, #tpu.memory_space<vmem>>
        %parallel_loop3A_545 = tpu.vector_load_idx %parallel_loop3A_544[%add3A_63, %parallel_loop3A_492] : memref<128x128xf32, #tpu.memory_space<vmem>>[vector<16xi32>, vector<16xi32>], vector<16xf32>,
        %parallel_loop3A_546 = arith.constant 1 : i32
        %parallel_loop3A_547 = arith.constant 2 : i32
        %parallel_loop3A_548 = arith.index_cast %parallel_loop3A_546 : i32 to index
        %parallel_loop3A_549 = arith.index_cast %parallel_loop3A_289 : i32 to index
        %parallel_loop3A_550 = arith.index_cast %parallel_loop3A_547 : i32 to index
        %parallel_loop3A_551 = arith.constant 64 : index
        %parallel_loop3A_552 = tpu.vector_load %arg8[%parallel_loop3A_548, %parallel_loop3A_549, %parallel_loop3A_550, %parallel_loop3A_551] {strides = array<i32>} : memref<2x32x4x128xf32, #tpu.memory_space<vmem>>, vector<16xf32>,
        tpu.vector_store %arg8[%parallel_loop3A_548, %parallel_loop3A_549, %parallel_loop3A_550, %parallel_loop3A_551], %parallel_loop3A_545 {strides = array<i32>} : memref<2x32x4x128xf32, #tpu.memory_space<vmem>>, vector<16xf32>,
        %parallel_loop3A_553 = arith.constant 0 : i32
        %parallel_loop3A_554 = arith.constant 0 : i32
        %parallel_loop3A_555 = tpu.memref_slice %arg7[%parallel_loop3A_266, %parallel_loop3A_553, %parallel_loop3A_554] : memref<2x128x128xf32, #tpu.memory_space<vmem>> -> memref<1x128x128xf32, #tpu.memory_space<vmem>>
        %parallel_loop3A_556 = tpu.memref_squeeze %parallel_loop3A_555 : memref<1x128x128xf32, #tpu.memory_space<vmem>> -> memref<128x128xf32, #tpu.memory_space<vmem>>
        %parallel_loop3A_557 = tpu.vector_load_idx %parallel_loop3A_556[%add3A_66, %parallel_loop3A_492] : memref<128x128xf32, #tpu.memory_space<vmem>>[vector<16xi32>, vector<16xi32>], vector<16xf32>,
        %parallel_loop3A_558 = arith.constant 1 : i32
        %parallel_loop3A_559 = arith.constant 2 : i32
        %parallel_loop3A_560 = arith.index_cast %parallel_loop3A_558 : i32 to index
        %parallel_loop3A_561 = arith.index_cast %parallel_loop3A_289 : i32 to index
        %parallel_loop3A_562 = arith.index_cast %parallel_loop3A_559 : i32 to index
        %parallel_loop3A_563 = arith.constant 80 : index
        %parallel_loop3A_564 = tpu.vector_load %arg8[%parallel_loop3A_560, %parallel_loop3A_561, %parallel_loop3A_562, %parallel_loop3A_563] {strides = array<i32>} : memref<2x32x4x128xf32, #tpu.memory_space<vmem>>, vector<16xf32>,
        tpu.vector_store %arg8[%parallel_loop3A_560, %parallel_loop3A_561, %parallel_loop3A_562, %parallel_loop3A_563], %parallel_loop3A_557 {strides = array<i32>} : memref<2x32x4x128xf32, #tpu.memory_space<vmem>>, vector<16xf32>,
        %parallel_loop3A_565 = arith.constant 0 : i32
        %parallel_loop3A_566 = arith.constant 0 : i32
        %parallel_loop3A_567 = tpu.memref_slice %arg7[%parallel_loop3A_266, %parallel_loop3A_565, %parallel_loop3A_566] : memref<2x128x128xf32, #tpu.memory_space<vmem>> -> memref<1x128x128xf32, #tpu.memory_space<vmem>>
        %parallel_loop3A_568 = tpu.memref_squeeze %parallel_loop3A_567 : memref<1x128x128xf32, #tpu.memory_space<vmem>> -> memref<128x128xf32, #tpu.memory_space<vmem>>
        %parallel_loop3A_569 = tpu.vector_load_idx %parallel_loop3A_568[%add3A_69, %parallel_loop3A_492] : memref<128x128xf32, #tpu.memory_space<vmem>>[vector<16xi32>, vector<16xi32>], vector<16xf32>,
        %parallel_loop3A_570 = arith.constant 1 : i32
        %parallel_loop3A_571 = arith.constant 2 : i32
        %parallel_loop3A_572 = arith.index_cast %parallel_loop3A_570 : i32 to index
        %parallel_loop3A_573 = arith.index_cast %parallel_loop3A_289 : i32 to index
        %parallel_loop3A_574 = arith.index_cast %parallel_loop3A_571 : i32 to index
        %parallel_loop3A_575 = arith.constant 96 : index
        %parallel_loop3A_576 = tpu.vector_load %arg8[%parallel_loop3A_572, %parallel_loop3A_573, %parallel_loop3A_574, %parallel_loop3A_575] {strides = array<i32>} : memref<2x32x4x128xf32, #tpu.memory_space<vmem>>, vector<16xf32>,
        tpu.vector_store %arg8[%parallel_loop3A_572, %parallel_loop3A_573, %parallel_loop3A_574, %parallel_loop3A_575], %parallel_loop3A_569 {strides = array<i32>} : memref<2x32x4x128xf32, #tpu.memory_space<vmem>>, vector<16xf32>,
        %parallel_loop3A_577 = arith.constant 0 : i32
        %parallel_loop3A_578 = arith.constant 0 : i32
        %parallel_loop3A_579 = tpu.memref_slice %arg7[%parallel_loop3A_266, %parallel_loop3A_577, %parallel_loop3A_578] : memref<2x128x128xf32, #tpu.memory_space<vmem>> -> memref<1x128x128xf32, #tpu.memory_space<vmem>>
        %parallel_loop3A_580 = tpu.memref_squeeze %parallel_loop3A_579 : memref<1x128x128xf32, #tpu.memory_space<vmem>> -> memref<128x128xf32, #tpu.memory_space<vmem>>
        %parallel_loop3A_581 = tpu.vector_load_idx %parallel_loop3A_580[%add3A_72, %parallel_loop3A_492] : memref<128x128xf32, #tpu.memory_space<vmem>>[vector<16xi32>, vector<16xi32>], vector<16xf32>,
        %parallel_loop3A_582 = arith.constant 1 : i32
        %parallel_loop3A_583 = arith.constant 2 : i32
        %parallel_loop3A_584 = arith.index_cast %parallel_loop3A_582 : i32 to index
        %parallel_loop3A_585 = arith.index_cast %parallel_loop3A_289 : i32 to index
        %parallel_loop3A_586 = arith.index_cast %parallel_loop3A_583 : i32 to index
        %parallel_loop3A_587 = arith.constant 112 : index
        %parallel_loop3A_588 = tpu.vector_load %arg8[%parallel_loop3A_584, %parallel_loop3A_585, %parallel_loop3A_586, %parallel_loop3A_587] {strides = array<i32>} : memref<2x32x4x128xf32, #tpu.memory_space<vmem>>, vector<16xf32>,
        tpu.vector_store %arg8[%parallel_loop3A_584, %parallel_loop3A_585, %parallel_loop3A_586, %parallel_loop3A_587], %parallel_loop3A_581 {strides = array<i32>} : memref<2x32x4x128xf32, #tpu.memory_space<vmem>>, vector<16xf32>,
        %parallel_loop3A_589 = arith.constant 96 : i32
        %parallel_loop3A_590 = vector.broadcast %parallel_loop3A_589 : i32 to vector<16xi32>
        %parallel_loop3A_591 = arith.addi %parallel_loop3A_291, %parallel_loop3A_590 : vector<16xi32>
        %parallel_loop3A_592 = arith.constant 0 : i32
        %parallel_loop3A_593 = arith.constant 0 : i32
        %parallel_loop3A_594 = tpu.memref_slice %arg7[%parallel_loop3A_266, %parallel_loop3A_592, %parallel_loop3A_593] : memref<2x128x128xf32, #tpu.memory_space<vmem>> -> memref<1x128x128xf32, #tpu.memory_space<vmem>>
        %parallel_loop3A_595 = tpu.memref_squeeze %parallel_loop3A_594 : memref<1x128x128xf32, #tpu.memory_space<vmem>> -> memref<128x128xf32, #tpu.memory_space<vmem>>
        %parallel_loop3A_596 = tpu.vector_load_idx %parallel_loop3A_595[%add3A_51, %parallel_loop3A_591] : memref<128x128xf32, #tpu.memory_space<vmem>>[vector<16xi32>, vector<16xi32>], vector<16xf32>,
        %parallel_loop3A_597 = arith.constant 1 : i32
        %parallel_loop3A_598 = arith.constant 3 : i32
        %parallel_loop3A_599 = arith.index_cast %parallel_loop3A_597 : i32 to index
        %parallel_loop3A_600 = arith.index_cast %parallel_loop3A_289 : i32 to index
        %parallel_loop3A_601 = arith.index_cast %parallel_loop3A_598 : i32 to index
        %parallel_loop3A_602 = arith.constant 0 : index
        %parallel_loop3A_603 = tpu.vector_load %arg8[%parallel_loop3A_599, %parallel_loop3A_600, %parallel_loop3A_601, %parallel_loop3A_602] {strides = array<i32>} : memref<2x32x4x128xf32, #tpu.memory_space<vmem>>, vector<16xf32>,
        tpu.vector_store %arg8[%parallel_loop3A_599, %parallel_loop3A_600, %parallel_loop3A_601, %parallel_loop3A_602], %parallel_loop3A_596 {strides = array<i32>} : memref<2x32x4x128xf32, #tpu.memory_space<vmem>>, vector<16xf32>,
        %parallel_loop3A_604 = arith.constant 0 : i32
        %parallel_loop3A_605 = arith.constant 0 : i32
        %parallel_loop3A_606 = tpu.memref_slice %arg7[%parallel_loop3A_266, %parallel_loop3A_604, %parallel_loop3A_605] : memref<2x128x128xf32, #tpu.memory_space<vmem>> -> memref<1x128x128xf32, #tpu.memory_space<vmem>>
        %parallel_loop3A_607 = tpu.memref_squeeze %parallel_loop3A_606 : memref<1x128x128xf32, #tpu.memory_space<vmem>> -> memref<128x128xf32, #tpu.memory_space<vmem>>
        %parallel_loop3A_608 = tpu.vector_load_idx %parallel_loop3A_607[%add3A_54, %parallel_loop3A_591] : memref<128x128xf32, #tpu.memory_space<vmem>>[vector<16xi32>, vector<16xi32>], vector<16xf32>,
        %parallel_loop3A_609 = arith.constant 1 : i32
        %parallel_loop3A_610 = arith.constant 3 : i32
        %parallel_loop3A_611 = arith.index_cast %parallel_loop3A_609 : i32 to index
        %parallel_loop3A_612 = arith.index_cast %parallel_loop3A_289 : i32 to index
        %parallel_loop3A_613 = arith.index_cast %parallel_loop3A_610 : i32 to index
        %parallel_loop3A_614 = arith.constant 16 : index
        %parallel_loop3A_615 = tpu.vector_load %arg8[%parallel_loop3A_611, %parallel_loop3A_612, %parallel_loop3A_613, %parallel_loop3A_614] {strides = array<i32>} : memref<2x32x4x128xf32, #tpu.memory_space<vmem>>, vector<16xf32>,
        tpu.vector_store %arg8[%parallel_loop3A_611, %parallel_loop3A_612, %parallel_loop3A_613, %parallel_loop3A_614], %parallel_loop3A_608 {strides = array<i32>} : memref<2x32x4x128xf32, #tpu.memory_space<vmem>>, vector<16xf32>,
        %parallel_loop3A_616 = arith.constant 0 : i32
        %parallel_loop3A_617 = arith.constant 0 : i32
        %parallel_loop3A_618 = tpu.memref_slice %arg7[%parallel_loop3A_266, %parallel_loop3A_616, %parallel_loop3A_617] : memref<2x128x128xf32, #tpu.memory_space<vmem>> -> memref<1x128x128xf32, #tpu.memory_space<vmem>>
        %parallel_loop3A_619 = tpu.memref_squeeze %parallel_loop3A_618 : memref<1x128x128xf32, #tpu.memory_space<vmem>> -> memref<128x128xf32, #tpu.memory_space<vmem>>
        %parallel_loop3A_620 = tpu.vector_load_idx %parallel_loop3A_619[%add3A_57, %parallel_loop3A_591] : memref<128x128xf32, #tpu.memory_space<vmem>>[vector<16xi32>, vector<16xi32>], vector<16xf32>,
        %parallel_loop3A_621 = arith.constant 1 : i32
        %parallel_loop3A_622 = arith.constant 3 : i32
        %parallel_loop3A_623 = arith.index_cast %parallel_loop3A_621 : i32 to index
        %parallel_loop3A_624 = arith.index_cast %parallel_loop3A_289 : i32 to index
        %parallel_loop3A_625 = arith.index_cast %parallel_loop3A_622 : i32 to index
        %parallel_loop3A_626 = arith.constant 32 : index
        %parallel_loop3A_627 = tpu.vector_load %arg8[%parallel_loop3A_623, %parallel_loop3A_624, %parallel_loop3A_625, %parallel_loop3A_626] {strides = array<i32>} : memref<2x32x4x128xf32, #tpu.memory_space<vmem>>, vector<16xf32>,
        tpu.vector_store %arg8[%parallel_loop3A_623, %parallel_loop3A_624, %parallel_loop3A_625, %parallel_loop3A_626], %parallel_loop3A_620 {strides = array<i32>} : memref<2x32x4x128xf32, #tpu.memory_space<vmem>>, vector<16xf32>,
        %parallel_loop3A_628 = arith.constant 0 : i32
        %parallel_loop3A_629 = arith.constant 0 : i32
        %parallel_loop3A_630 = tpu.memref_slice %arg7[%parallel_loop3A_266, %parallel_loop3A_628, %parallel_loop3A_629] : memref<2x128x128xf32, #tpu.memory_space<vmem>> -> memref<1x128x128xf32, #tpu.memory_space<vmem>>
        %parallel_loop3A_631 = tpu.memref_squeeze %parallel_loop3A_630 : memref<1x128x128xf32, #tpu.memory_space<vmem>> -> memref<128x128xf32, #tpu.memory_space<vmem>>
        %parallel_loop3A_632 = tpu.vector_load_idx %parallel_loop3A_631[%add3A_60, %parallel_loop3A_591] : memref<128x128xf32, #tpu.memory_space<vmem>>[vector<16xi32>, vector<16xi32>], vector<16xf32>,
        %parallel_loop3A_633 = arith.constant 1 : i32
        %parallel_loop3A_634 = arith.constant 3 : i32
        %parallel_loop3A_635 = arith.index_cast %parallel_loop3A_633 : i32 to index
        %parallel_loop3A_636 = arith.index_cast %parallel_loop3A_289 : i32 to index
        %parallel_loop3A_637 = arith.index_cast %parallel_loop3A_634 : i32 to index
        %parallel_loop3A_638 = arith.constant 48 : index
        %parallel_loop3A_639 = tpu.vector_load %arg8[%parallel_loop3A_635, %parallel_loop3A_636, %parallel_loop3A_637, %parallel_loop3A_638] {strides = array<i32>} : memref<2x32x4x128xf32, #tpu.memory_space<vmem>>, vector<16xf32>,
        tpu.vector_store %arg8[%parallel_loop3A_635, %parallel_loop3A_636, %parallel_loop3A_637, %parallel_loop3A_638], %parallel_loop3A_632 {strides = array<i32>} : memref<2x32x4x128xf32, #tpu.memory_space<vmem>>, vector<16xf32>,
        %parallel_loop3A_640 = arith.constant 0 : i32
        %parallel_loop3A_641 = arith.constant 0 : i32
        %parallel_loop3A_642 = tpu.memref_slice %arg7[%parallel_loop3A_266, %parallel_loop3A_640, %parallel_loop3A_641] : memref<2x128x128xf32, #tpu.memory_space<vmem>> -> memref<1x128x128xf32, #tpu.memory_space<vmem>>
        %parallel_loop3A_643 = tpu.memref_squeeze %parallel_loop3A_642 : memref<1x128x128xf32, #tpu.memory_space<vmem>> -> memref<128x128xf32, #tpu.memory_space<vmem>>
        %parallel_loop3A_644 = tpu.vector_load_idx %parallel_loop3A_643[%add3A_63, %parallel_loop3A_591] : memref<128x128xf32, #tpu.memory_space<vmem>>[vector<16xi32>, vector<16xi32>], vector<16xf32>,
        %parallel_loop3A_645 = arith.constant 1 : i32
        %parallel_loop3A_646 = arith.constant 3 : i32
        %parallel_loop3A_647 = arith.index_cast %parallel_loop3A_645 : i32 to index
        %parallel_loop3A_648 = arith.index_cast %parallel_loop3A_289 : i32 to index
        %parallel_loop3A_649 = arith.index_cast %parallel_loop3A_646 : i32 to index
        %parallel_loop3A_650 = arith.constant 64 : index
        %parallel_loop3A_651 = tpu.vector_load %arg8[%parallel_loop3A_647, %parallel_loop3A_648, %parallel_loop3A_649, %parallel_loop3A_650] {strides = array<i32>} : memref<2x32x4x128xf32, #tpu.memory_space<vmem>>, vector<16xf32>,
        tpu.vector_store %arg8[%parallel_loop3A_647, %parallel_loop3A_648, %parallel_loop3A_649, %parallel_loop3A_650], %parallel_loop3A_644 {strides = array<i32>} : memref<2x32x4x128xf32, #tpu.memory_space<vmem>>, vector<16xf32>,
        %parallel_loop3A_652 = arith.constant 0 : i32
        %parallel_loop3A_653 = arith.constant 0 : i32
        %parallel_loop3A_654 = tpu.memref_slice %arg7[%parallel_loop3A_266, %parallel_loop3A_652, %parallel_loop3A_653] : memref<2x128x128xf32, #tpu.memory_space<vmem>> -> memref<1x128x128xf32, #tpu.memory_space<vmem>>
        %parallel_loop3A_655 = tpu.memref_squeeze %parallel_loop3A_654 : memref<1x128x128xf32, #tpu.memory_space<vmem>> -> memref<128x128xf32, #tpu.memory_space<vmem>>
        %parallel_loop3A_656 = tpu.vector_load_idx %parallel_loop3A_655[%add3A_66, %parallel_loop3A_591] : memref<128x128xf32, #tpu.memory_space<vmem>>[vector<16xi32>, vector<16xi32>], vector<16xf32>,
        %parallel_loop3A_657 = arith.constant 1 : i32
        %parallel_loop3A_658 = arith.constant 3 : i32
        %parallel_loop3A_659 = arith.index_cast %parallel_loop3A_657 : i32 to index
        %parallel_loop3A_660 = arith.index_cast %parallel_loop3A_289 : i32 to index
        %parallel_loop3A_661 = arith.index_cast %parallel_loop3A_658 : i32 to index
        %parallel_loop3A_662 = arith.constant 80 : index
        %parallel_loop3A_663 = tpu.vector_load %arg8[%parallel_loop3A_659, %parallel_loop3A_660, %parallel_loop3A_661, %parallel_loop3A_662] {strides = array<i32>} : memref<2x32x4x128xf32, #tpu.memory_space<vmem>>, vector<16xf32>,
        tpu.vector_store %arg8[%parallel_loop3A_659, %parallel_loop3A_660, %parallel_loop3A_661, %parallel_loop3A_662], %parallel_loop3A_656 {strides = array<i32>} : memref<2x32x4x128xf32, #tpu.memory_space<vmem>>, vector<16xf32>,
        %parallel_loop3A_664 = arith.constant 0 : i32
        %parallel_loop3A_665 = arith.constant 0 : i32
        %parallel_loop3A_666 = tpu.memref_slice %arg7[%parallel_loop3A_266, %parallel_loop3A_664, %parallel_loop3A_665] : memref<2x128x128xf32, #tpu.memory_space<vmem>> -> memref<1x128x128xf32, #tpu.memory_space<vmem>>
        %parallel_loop3A_667 = tpu.memref_squeeze %parallel_loop3A_666 : memref<1x128x128xf32, #tpu.memory_space<vmem>> -> memref<128x128xf32, #tpu.memory_space<vmem>>
        %parallel_loop3A_668 = tpu.vector_load_idx %parallel_loop3A_667[%add3A_69, %parallel_loop3A_591] : memref<128x128xf32, #tpu.memory_space<vmem>>[vector<16xi32>, vector<16xi32>], vector<16xf32>,
        %parallel_loop3A_669 = arith.constant 1 : i32
        %parallel_loop3A_670 = arith.constant 3 : i32
        %parallel_loop3A_671 = arith.index_cast %parallel_loop3A_669 : i32 to index
        %parallel_loop3A_672 = arith.index_cast %parallel_loop3A_289 : i32 to index
        %parallel_loop3A_673 = arith.index_cast %parallel_loop3A_670 : i32 to index
        %parallel_loop3A_674 = arith.constant 96 : index
        %parallel_loop3A_675 = tpu.vector_load %arg8[%parallel_loop3A_671, %parallel_loop3A_672, %parallel_loop3A_673, %parallel_loop3A_674] {strides = array<i32>} : memref<2x32x4x128xf32, #tpu.memory_space<vmem>>, vector<16xf32>,
        tpu.vector_store %arg8[%parallel_loop3A_671, %parallel_loop3A_672, %parallel_loop3A_673, %parallel_loop3A_674], %parallel_loop3A_668 {strides = array<i32>} : memref<2x32x4x128xf32, #tpu.memory_space<vmem>>, vector<16xf32>,
        %parallel_loop3A_676 = arith.constant 0 : i32
        %parallel_loop3A_677 = arith.constant 0 : i32
        %parallel_loop3A_678 = tpu.memref_slice %arg7[%parallel_loop3A_266, %parallel_loop3A_676, %parallel_loop3A_677] : memref<2x128x128xf32, #tpu.memory_space<vmem>> -> memref<1x128x128xf32, #tpu.memory_space<vmem>>
        %parallel_loop3A_679 = tpu.memref_squeeze %parallel_loop3A_678 : memref<1x128x128xf32, #tpu.memory_space<vmem>> -> memref<128x128xf32, #tpu.memory_space<vmem>>
        %parallel_loop3A_680 = tpu.vector_load_idx %parallel_loop3A_679[%add3A_72, %parallel_loop3A_591] : memref<128x128xf32, #tpu.memory_space<vmem>>[vector<16xi32>, vector<16xi32>], vector<16xf32>,
        %parallel_loop3A_681 = arith.constant 1 : i32
        %parallel_loop3A_682 = arith.constant 3 : i32
        %parallel_loop3A_683 = arith.index_cast %parallel_loop3A_681 : i32 to index
        %parallel_loop3A_684 = arith.index_cast %parallel_loop3A_289 : i32 to index
        %parallel_loop3A_685 = arith.index_cast %parallel_loop3A_682 : i32 to index
        %parallel_loop3A_686 = arith.constant 112 : index
        %parallel_loop3A_687 = tpu.vector_load %arg8[%parallel_loop3A_683, %parallel_loop3A_684, %parallel_loop3A_685, %parallel_loop3A_686] {strides = array<i32>} : memref<2x32x4x128xf32, #tpu.memory_space<vmem>>, vector<16xf32>,
        tpu.vector_store %arg8[%parallel_loop3A_683, %parallel_loop3A_684, %parallel_loop3A_685, %parallel_loop3A_686], %parallel_loop3A_680 {strides = array<i32>} : memref<2x32x4x128xf32, #tpu.memory_space<vmem>>, vector<16xf32>,
      } {sc.loop_unroll_factor = 4 : i64, sc.parallel_access}
      %dma_start3A_267 = arith.constant 1 : i32
      %dma_start3A_268 = arith.constant 0 : i32
      %dma_start3A_269 = arith.constant 0 : i32
      %dma_start3A_270 = arith.constant 0 : i32
      %dma_start3A_271 = tpu.memref_slice %arg8[%dma_start3A_267, %dma_start3A_268, %dma_start3A_269, %dma_start3A_270] : memref<2x32x4x128xf32, #tpu.memory_space<vmem>> -> memref<1x32x4x128xf32, #tpu.memory_space<vmem>>
      %dma_start3A_272 = tpu.memref_squeeze %dma_start3A_271 : memref<1x32x4x128xf32, #tpu.memory_space<vmem>> -> memref<32x4x128xf32, #tpu.memory_space<vmem>>
      %dma_start3A_273 = arith.constant 0 : i32
      %dma_start3A_274 = arith.constant 0 : i32
      %dma_start3A_275 = arith.constant 0 : i32
      %dma_start3A_276 = tpu.memref_slice %arg4[%add3A_238, %dma_start3A_273, %add3A, %dma_start3A_274, %dma_start3A_275] : memref<50x32x32x4x128xf32, #tpu.memory_space<hbm>> -> memref<1x32x1x4x128xf32, #tpu.memory_space<hbm>>
      %dma_start3A_277 = tpu.memref_squeeze %dma_start3A_276 : memref<1x32x1x4x128xf32, #tpu.memory_space<hbm>> -> memref<32x4x128xf32, #tpu.memory_space<hbm>>
      %dma_start3A_278 = arith.constant 0 : i32
      %dma_start3A_279 = arith.constant 0 : i32
      %dma_start3A_280 = arith.constant 0 : i32
      %dma_start3A_281 = tpu.memref_slice %arg4[%add3A_238, %dma_start3A_278, %add3A, %dma_start3A_279, %dma_start3A_280] : memref<50x32x32x4x128xf32, #tpu.memory_space<hbm>> -> memref<1x32x1x4x128xf32, #tpu.memory_space<hbm>>
      %dma_start3A_282 = tpu.memref_squeeze %dma_start3A_281 : memref<1x32x1x4x128xf32, #tpu.memory_space<hbm>> -> memref<32x4x128xf32, #tpu.memory_space<hbm>>
      %dma_start3A_283 = arith.constant 0 : i32
      %dma_start3A_284 = arith.constant 0 : i32
      %dma_start3A_285 = arith.constant 0 : i32
      %dma_start3A_286 = tpu.memref_slice %arg8[%dma_start3A_267, %dma_start3A_283, %dma_start3A_284, %dma_start3A_285] : memref<2x32x4x128xf32, #tpu.memory_space<vmem>> -> memref<1x32x4x128xf32, #tpu.memory_space<vmem>>
      %dma_start3A_287 = tpu.memref_squeeze %dma_start3A_286 : memref<1x32x4x128xf32, #tpu.memory_space<vmem>> -> memref<32x4x128xf32, #tpu.memory_space<vmem>>
      tpu.enqueue_dma source(%dma_start3A_287 : memref<32x4x128xf32, #tpu.memory_space<vmem>>) target(%dma_start3A_282 : memref<32x4x128xf32, #tpu.memory_space<hbm>>) target_semaphore(%arg12 : memref<!tpu.dma_semaphore, #tpu.memory_space<semaphore_mem>>)
      %scan3A_288 = arith.constant 0 : i32
      scf.yield %scan3A_288 : i32
    }
    %scan3A_141 = arith.constant 25 : i32
    %dma_wait3A = arith.constant 0 : i32
    %dma_wait3A_142 = arith.constant 48 : i32
    %dma_wait3A_143 = arith.constant 0 : i32
    %dma_wait3A_144 = arith.constant 0 : i32
    %dma_wait3A_145 = arith.constant 0 : i32
    %dma_wait3A_146 = tpu.memref_slice %arg8[%dma_wait3A, %dma_wait3A_143, %dma_wait3A_144, %dma_wait3A_145] : memref<2x32x4x128xf32, #tpu.memory_space<vmem>> -> memref<1x32x4x128xf32, #tpu.memory_space<vmem>>
    %dma_wait3A_147 = tpu.memref_squeeze %dma_wait3A_146 : memref<1x32x4x128xf32, #tpu.memory_space<vmem>> -> memref<32x4x128xf32, #tpu.memory_space<vmem>>
    %dma_wait3A_148 = arith.constant 0 : i32
    %dma_wait3A_149 = arith.constant 0 : i32
    %dma_wait3A_150 = arith.constant 0 : i32
    %dma_wait3A_151 = tpu.memref_slice %arg4[%dma_wait3A_142, %dma_wait3A_148, %add3A, %dma_wait3A_149, %dma_wait3A_150] : memref<50x32x32x4x128xf32, #tpu.memory_space<hbm>> -> memref<1x32x1x4x128xf32, #tpu.memory_space<hbm>>
    %dma_wait3A_152 = tpu.memref_squeeze %dma_wait3A_151 : memref<1x32x1x4x128xf32, #tpu.memory_space<hbm>> -> memref<32x4x128xf32, #tpu.memory_space<hbm>>
    %dma_wait3A_153 = arith.constant 0 : i32
    %dma_wait3A_154 = arith.constant 0 : i32
    %dma_wait3A_155 = arith.constant 0 : i32
    %dma_wait3A_156 = tpu.memref_slice %arg4[%dma_wait3A_142, %dma_wait3A_153, %add3A, %dma_wait3A_154, %dma_wait3A_155] : memref<50x32x32x4x128xf32, #tpu.memory_space<hbm>> -> memref<1x32x1x4x128xf32, #tpu.memory_space<hbm>>
    %dma_wait3A_157 = tpu.memref_squeeze %dma_wait3A_156 : memref<1x32x1x4x128xf32, #tpu.memory_space<hbm>> -> memref<32x4x128xf32, #tpu.memory_space<hbm>>
    %dma_wait3A_158 = arith.constant 0 : i32
    %dma_wait3A_159 = arith.constant 0 : i32
    %dma_wait3A_160 = arith.constant 0 : i32
    %dma_wait3A_161 = tpu.memref_slice %arg8[%dma_wait3A, %dma_wait3A_158, %dma_wait3A_159, %dma_wait3A_160] : memref<2x32x4x128xf32, #tpu.memory_space<vmem>> -> memref<1x32x4x128xf32, #tpu.memory_space<vmem>>
    %dma_wait3A_162 = tpu.memref_squeeze %dma_wait3A_161 : memref<1x32x4x128xf32, #tpu.memory_space<vmem>> -> memref<32x4x128xf32, #tpu.memory_space<vmem>>
    tpu.wait_dma2 semaphore(%arg11 : memref<!tpu.dma_semaphore, #tpu.memory_space<semaphore_mem>>) src(%dma_wait3A_162 : memref<32x4x128xf32, #tpu.memory_space<vmem>>) dst(%dma_wait3A_157 : memref<32x4x128xf32, #tpu.memory_space<hbm>>)
    %dma_wait3A_163 = arith.constant 1 : i32
    %dma_wait3A_164 = arith.constant 49 : i32
    %dma_wait3A_165 = arith.constant 0 : i32
    %dma_wait3A_166 = arith.constant 0 : i32
    %dma_wait3A_167 = arith.constant 0 : i32
    %dma_wait3A_168 = tpu.memref_slice %arg8[%dma_wait3A_163, %dma_wait3A_165, %dma_wait3A_166, %dma_wait3A_167] : memref<2x32x4x128xf32, #tpu.memory_space<vmem>> -> memref<1x32x4x128xf32, #tpu.memory_space<vmem>>
    %dma_wait3A_169 = tpu.memref_squeeze %dma_wait3A_168 : memref<1x32x4x128xf32, #tpu.memory_space<vmem>> -> memref<32x4x128xf32, #tpu.memory_space<vmem>>
    %dma_wait3A_170 = arith.constant 0 : i32
    %dma_wait3A_171 = arith.constant 0 : i32
    %dma_wait3A_172 = arith.constant 0 : i32
    %dma_wait3A_173 = tpu.memref_slice %arg4[%dma_wait3A_164, %dma_wait3A_170, %add3A, %dma_wait3A_171, %dma_wait3A_172] : memref<50x32x32x4x128xf32, #tpu.memory_space<hbm>> -> memref<1x32x1x4x128xf32, #tpu.memory_space<hbm>>
    %dma_wait3A_174 = tpu.memref_squeeze %dma_wait3A_173 : memref<1x32x1x4x128xf32, #tpu.memory_space<hbm>> -> memref<32x4x128xf32, #tpu.memory_space<hbm>>
    %dma_wait3A_175 = arith.constant 0 : i32
    %dma_wait3A_176 = arith.constant 0 : i32
    %dma_wait3A_177 = arith.constant 0 : i32
    %dma_wait3A_178 = tpu.memref_slice %arg4[%dma_wait3A_164, %dma_wait3A_175, %add3A, %dma_wait3A_176, %dma_wait3A_177] : memref<50x32x32x4x128xf32, #tpu.memory_space<hbm>> -> memref<1x32x1x4x128xf32, #tpu.memory_space<hbm>>
    %dma_wait3A_179 = tpu.memref_squeeze %dma_wait3A_178 : memref<1x32x1x4x128xf32, #tpu.memory_space<hbm>> -> memref<32x4x128xf32, #tpu.memory_space<hbm>>
    %dma_wait3A_180 = arith.constant 0 : i32
    %dma_wait3A_181 = arith.constant 0 : i32
    %dma_wait3A_182 = arith.constant 0 : i32
    %dma_wait3A_183 = tpu.memref_slice %arg8[%dma_wait3A_163, %dma_wait3A_180, %dma_wait3A_181, %dma_wait3A_182] : memref<2x32x4x128xf32, #tpu.memory_space<vmem>> -> memref<1x32x4x128xf32, #tpu.memory_space<vmem>>
    %dma_wait3A_184 = tpu.memref_squeeze %dma_wait3A_183 : memref<1x32x4x128xf32, #tpu.memory_space<vmem>> -> memref<32x4x128xf32, #tpu.memory_space<vmem>>
    tpu.wait_dma2 semaphore(%arg12 : memref<!tpu.dma_semaphore, #tpu.memory_space<semaphore_mem>>) src(%dma_wait3A_184 : memref<32x4x128xf32, #tpu.memory_space<vmem>>) dst(%dma_wait3A_179 : memref<32x4x128xf32, #tpu.memory_space<hbm>>)
    return
  }
}

module attributes {stable_mosaic.version = 14 : i64} {
  func.func @body(%arg0: i32, %arg1: memref<32x512xf32, #tpu.memory_space<vmem>>, %arg2: memref<32x512xf32, #tpu.memory_space<vmem>>, %arg3: memref<32x512xf32, #tpu.memory_space<vmem>>, %arg4: memref<32x512xf32, #tpu.memory_space<vmem>>, %arg5: memref<512x128xf32, #tpu.memory_space<vmem>>) attributes {dimension_semantics = [#tpu.dimension_semantics<arbitrary>], iteration_bounds = array<i64: 1954>, scalar_prefetch = 0 : i64, scratch_operands = 0 : i64, tpu.core_type = #tpu.core_type<tc>, window_params = [{transform_indices = @transform_0, window_bounds = array<i64: 32, 512>}, {transform_indices = @transform_1, window_bounds = array<i64: 32, 512>}, {transform_indices = @transform_2, window_bounds = array<i64: 32, 512>}, {transform_indices = @transform_3, window_bounds = array<i64: 32, 512>}, {transform_indices = @transform_4, window_bounds = array<i64: 512, 128>}]} {
    %get3A = arith.constant 0 : index
    %get3A_0 = arith.constant 0 : index
    %get3A_1 = vector.load %arg1[%get3A, %get3A_0] : memref<32x512xf32, #tpu.memory_space<vmem>>, vector<32x512xf32>
    %transpose3A = tpu.transpose %get3A_1, [1, 0] : vector<32x512xf32> -> vector<512x32xf32>
    %swap3A = arith.constant 0 : index
    %swap3A_2 = arith.constant 0 : index
    %swap3A_3 = vector.load %arg5[%swap3A, %swap3A_2] : memref<512x128xf32, #tpu.memory_space<vmem>>, vector<512x32xf32>
    tpu.vector_store %arg5[%swap3A, %swap3A_2], %transpose3A {strides = array<i32>} : memref<512x128xf32, #tpu.memory_space<vmem>>, vector<512x32xf32>,
    %get3A_4 = arith.constant 0 : index
    %get3A_5 = arith.constant 0 : index
    %get3A_6 = vector.load %arg2[%get3A_4, %get3A_5] : memref<32x512xf32, #tpu.memory_space<vmem>>, vector<32x512xf32>
    %transpose3A_7 = tpu.transpose %get3A_6, [1, 0] : vector<32x512xf32> -> vector<512x32xf32>
    %swap3A_8 = arith.constant 0 : index
    %swap3A_9 = arith.constant 32 : index
    %swap3A_10 = vector.load %arg5[%swap3A_8, %swap3A_9] : memref<512x128xf32, #tpu.memory_space<vmem>>, vector<512x32xf32>
    tpu.vector_store %arg5[%swap3A_8, %swap3A_9], %transpose3A_7 {strides = array<i32>} : memref<512x128xf32, #tpu.memory_space<vmem>>, vector<512x32xf32>,
    %get3A_11 = arith.constant 0 : index
    %get3A_12 = arith.constant 0 : index
    %get3A_13 = vector.load %arg3[%get3A_11, %get3A_12] : memref<32x512xf32, #tpu.memory_space<vmem>>, vector<32x512xf32>
    %transpose3A_14 = tpu.transpose %get3A_13, [1, 0] : vector<32x512xf32> -> vector<512x32xf32>
    %swap3A_15 = arith.constant 0 : index
    %swap3A_16 = arith.constant 64 : index
    %swap3A_17 = vector.load %arg5[%swap3A_15, %swap3A_16] : memref<512x128xf32, #tpu.memory_space<vmem>>, vector<512x32xf32>
    tpu.vector_store %arg5[%swap3A_15, %swap3A_16], %transpose3A_14 {strides = array<i32>} : memref<512x128xf32, #tpu.memory_space<vmem>>, vector<512x32xf32>,
    %get3A_18 = arith.constant 0 : index
    %get3A_19 = arith.constant 0 : index
    %get3A_20 = vector.load %arg4[%get3A_18, %get3A_19] : memref<32x512xf32, #tpu.memory_space<vmem>>, vector<32x512xf32>
    %transpose3A_21 = tpu.transpose %get3A_20, [1, 0] : vector<32x512xf32> -> vector<512x32xf32>
    %swap3A_22 = arith.constant 0 : index
    %swap3A_23 = arith.constant 96 : index
    %swap3A_24 = vector.load %arg5[%swap3A_22, %swap3A_23] : memref<512x128xf32, #tpu.memory_space<vmem>>, vector<512x32xf32>
    tpu.vector_store %arg5[%swap3A_22, %swap3A_23], %transpose3A_21 {strides = array<i32>} : memref<512x128xf32, #tpu.memory_space<vmem>>, vector<512x32xf32>,
    return
  }
  func.func @transform_0(%arg0: i32) -> (i32, i32) {
    %c0_i32 = arith.constant 0 : i32
    %c0_i32_0 = arith.constant 0 : i32
    return %c0_i32, %arg0 : i32, i32
  }
  func.func @transform_1(%arg0: i32) -> (i32, i32) {
    %c0_i32 = arith.constant 0 : i32
    %c0_i32_0 = arith.constant 0 : i32
    return %c0_i32, %arg0 : i32, i32
  }
  func.func @transform_2(%arg0: i32) -> (i32, i32) {
    %c0_i32 = arith.constant 0 : i32
    %c0_i32_0 = arith.constant 0 : i32
    return %c0_i32, %arg0 : i32, i32
  }
  func.func @transform_3(%arg0: i32) -> (i32, i32) {
    %c0_i32 = arith.constant 0 : i32
    %c0_i32_0 = arith.constant 0 : i32
    return %c0_i32, %arg0 : i32, i32
  }
  func.func @transform_4(%arg0: i32) -> (i32, i32) {
    %c0_i32 = arith.constant 0 : i32
    %c0_i32_0 = arith.constant 0 : i32
    return %arg0, %c0_i32 : i32, i32
  }
}

</mosaic_0001>

<sc_bundles>
// kernel: kernel.4.cloned.1.call-start
scs
__scs_entry_jumppad:
0x0: {  	(pc) =	sbr.rel $0x88, $3  }
0x1: {  	(tag) =	ssettag $0x0;
	lr =	simm.s32 $0x1  }
0x2: {  	[smem:$0x3F9C] =	sst lr;
	_ =	strace $0xD0000000  }
0x3: {  	_ = 	snop  }
0x4: {  	_ = 	snop  }
0x5: {  	_ = 	snop  }
0x6: {  	_ = 	snop  }
0x7: {  	_ = 	snop  }
__scs_overlays_trampoline_lowered:
0x8: {  	[smem:$0x3FAB] =	sst s0  }
0x9: {  	[smem:$0x3FAC] =	sst s1  }
0xa: {  	[smem:$0x3FAD] =	sst s2  }
0xb: {  	[smem:$0x3FAE] =	sst s3  }
0xc: {  	[smem:$0x3FAF] =	sst s4  }
0xd: {  	[smem:$0x3FB0] =	sst s5  }
0xe: {  	[smem:$0x3FB1] =	sst s6  }
0xf: {  	[smem:$0x3FB2] =	sst s7  }
0x10: {  	[smem:$0x3FB3] =	sst s8  }
0x11: {  	[smem:$0x3FB4] =	sst s9;
	s0 =	simm.s32 @!p0 $0x0  }
0x12: {  	s1 =	sld [smem:$0x3F9A];
	s0 =	simm.s32 @p0 $0x1  }
0x13: {  	[smem:$0x3FB5] =	sst s0;
	s0 =	simm.s32 @!p1 $0x0  }
0x14: {  	s2 =	sld [smem:$0x3F99];
	s0 =	simm.s32 @p1 $0x1  }
0x15: {  	[smem:$0x3FB6] =	sst s0;
	s0 =	simm.s32 @!p2 $0x0  }
0x16: {  	s3 =	sld [smem:$0x3FDB];
	s0 =	simm.s32 @p2 $0x1  }
0x17: {  	s4 =	simm.s32 $0x1BF5;
	[smem:$0x3FB8] =	sst s0  }
0x18: {  	s0 =	sld [smem:$0x3F9B];
	_ =	swait.ge [sflag:s4], $0x0  }
0x19: {  	s7 =	sld [smem:$0x3F9C]  }
0x1a: {  	s8 =	sadd.s32 $0xFFFFE003, lr  }
0x1b: {  	s9 =	sadd.s32 $0xFFFFFEF7, lr;
	s5 =	simm.s32 $0xFFFFFFFF;
	p2 =	slt.u32 s8, $0xFFFFF086  }
0x1c: {  	p1 =	slt.u32 s9, $0xF7A;
	s5 =	simm.s32 @!p2 $0x0  }
0x1d: {  	s5 =	simm.s32 @p1 $0x1;
	p0 =	seq.s32 s7, s2  }
0x1e: {  	s7 =	smul.u32 @!p0 $0xF7A, s2;
	p2 =	seq.s32 @!p0 s5, $0x0  }
0x1f: {  	s9 =	smul.u32 $0xF7A, s1;
	s8 =	simm.s32 @!p0 $0x1BF5;
	p2 =	por !p2, p0  }
0x20: {  	[sflag:s8] =	ssyncset.s32 @!p0 $0xFFFFF086;
	s6 =	sadd.s32 @!p0 s3, s7;
	s7 =	simm.s32 @!p0 $0x108  }
0x21: {  	s3 =	sadd.s32 s3, s9;
	s6 =	sadd.s32 @!p0 $0x88, s6;
	s7 =	simm.s32 @p2 $0x1082  }
0x22: {  	[simem:s7], [sflag:s8] =	dma.local @!p0 [hbm:s6], $0xF7A  }
0x23: {  	s9 =	sor.u32 $0xD0000000, s2;
	s6 =	simm.s32 $0x108;
	_ =	swait.ge @!p0 [sflag:s8], $0x0  }
0x24: {  	s3 =	sadd.s32 $0x88, s3;
	s6 =	simm.s32 @!p1 $0x1082;
	[sflag:s4] =	ssyncset.s32 $0xFFFFF086  }
0x25: {  	[simem:s6], [sflag:s4] =	dma.local [hbm:s3], $0xF7A  }
0x26: {  	[smem:$0x3F9C] =	sst s1;
	(tag) =	ssettag s2;
	_ =	strace s9  }
0x27: {  	s1 =	sld [smem:$0x3FAC]  }
0x28: {  	s2 =	sld [smem:$0x3FAD]  }
0x29: {  	s4 =	sld [smem:$0x3FAF]  }
0x2a: {  	p0 =	seq.s32 s5, $0x0;
	s5 =	sld [smem:$0x3FB0]  }
0x2b: {  	s6 =	sld [smem:$0x3FB1]  }
0x2c: {  	s7 =	sld [smem:$0x3FB2]  }
0x2d: {  	s3 =	simm.s32 $0x108;
	s8 =	sld [smem:$0x3FB3]  }
0x2e: {  	s3 =	simm.s32 @!p0 $0x1082;
	s9 =	sld [smem:$0x3FB4]  }
0x2f: {  	lr =	sadd.s32 s0, s3;
	s0 =	sld [smem:$0x3FAB]  }
0x30: {  	s3 =	sld [smem:$0x3FAE]  }
0x31: {  	[smem:$0x3FB7] =	sst s10  }
0x32: {  	s10 =	sld [smem:$0x3FB5];
	_ =	sdelay $0x3  }
0x33: {  	p0 =	seq.s32 s10, $0x1;
	s10 =	sld [smem:$0x3FB7];
	_ =	sdelay $0x3  }
0x34: {  	[smem:$0x3FB7] =	sst s10  }
0x35: {  	s10 =	sld [smem:$0x3FB6];
	_ =	sdelay $0x3  }
0x36: {  	p1 =	seq.s32 s10, $0x1;
	s10 =	sld [smem:$0x3FB7];
	_ =	sdelay $0x3  }
0x37: {  	[smem:$0x3FB7] =	sst s10  }
0x38: {  	s10 =	sld [smem:$0x3FB8]  }
0x39: {  	_ = 	snop;
	(pc) =	sbr.ind lr, $3  }
0x3a: {  	_ = 	snop  }
0x3b: {  	_ = 	snop  }
0x3c: {  	p2 =	seq.s32 s10, $0x1;
	s10 =	sld [smem:$0x3FB7]  }
0x3d: {  	_ =	shalt  }
0x3e: {  	_ =	shalt  }
0x3f: {  	_ =	shalt  }
0x40: {  	_ =	shalt  }
0x41: {  	_ =	shalt  }
0x42: {  	_ =	shalt  }
0x43: {  	_ =	shalt  }
0x44: {  	_ =	shalt  }
0x45: {  	_ =	shalt  }
0x46: {  	_ =	shalt  }
0x47: {  	_ =	shalt  }
0x48: {  	_ =	shalt  }
0x49: {  	_ =	shalt  }
0x4a: {  	_ =	shalt  }
0x4b: {  	_ =	shalt  }
0x4c: {  	_ =	shalt  }
0x4d: {  	_ =	shalt  }
0x4e: {  	_ =	shalt  }
0x4f: {  	_ =	shalt  }
0x50: {  	_ =	shalt  }
0x51: {  	_ =	shalt  }
0x52: {  	_ =	shalt  }
0x53: {  	_ =	shalt  }
0x54: {  	_ =	shalt  }
0x55: {  	_ =	shalt  }
0x56: {  	_ =	shalt  }
0x57: {  	_ =	shalt  }
0x58: {  	_ =	shalt  }
0x59: {  	_ =	shalt  }
0x5a: {  	_ =	shalt  }
0x5b: {  	_ =	shalt  }
0x5c: {  	_ =	shalt  }
0x5d: {  	_ =	shalt  }
0x5e: {  	_ =	shalt  }
0x5f: {  	_ =	shalt  }
0x60: {  	_ =	shalt  }
0x61: {  	_ =	shalt  }
0x62: {  	_ =	shalt  }
0x63: {  	_ =	shalt  }
0x64: {  	_ =	shalt  }
0x65: {  	_ =	shalt  }
0x66: {  	_ =	shalt  }
0x67: {  	_ =	shalt  }
0x68: {  	_ =	shalt  }
0x69: {  	_ =	shalt  }
0x6a: {  	_ =	shalt  }
0x6b: {  	_ =	shalt  }
0x6c: {  	_ =	shalt  }
0x6d: {  	_ =	shalt  }
0x6e: {  	_ =	shalt  }
0x6f: {  	_ =	shalt  }
0x70: {  	_ =	shalt  }
0x71: {  	_ =	shalt  }
0x72: {  	_ =	shalt  }
0x73: {  	_ =	shalt  }
0x74: {  	_ =	shalt  }
0x75: {  	_ =	shalt  }
0x76: {  	_ =	shalt  }
0x77: {  	_ =	shalt  }
0x78: {  	_ =	shalt  }
0x79: {  	_ =	shalt  }
0x7a: {  	_ =	shalt  }
0x7b: {  	_ =	shalt  }
0x7c: {  	_ =	shalt  }
0x7d: {  	_ =	shalt  }
0x7e: {  	_ =	shalt  }
0x7f: {  	_ =	shalt  }
0x80: {  	_ =	shalt  }
0x81: {  	_ =	shalt  }
0x82: {  	_ =	shalt  }
0x83: {  	_ =	shalt  }
0x84: {  	_ =	shalt  }
0x85: {  	_ =	shalt  }
0x86: {  	_ =	shalt  }
0x87: {  	_ =	shalt  }
.Lfunc_end0:
.L_simem_size_0:
called_computation_lowered:
.L_overlay_start_0:
0x88: {  	s2 =	sld [smem:$0x3FD9]  }
0x89: {  	s3 =	sld [smem:$0x3FFE];
	_ =	sdelay $0x1  }
0x8a: {  	s1 =	srdreg.scid  }
0x8b: {  	s0 =	sand.u32 $0x1, s1  }
0x8c: {  	s17 =	sshll.u32 s0, $0xA;
	s2 =	sadd.s32 s3, s2  }
0x8d: {  	s2 =	sadd.s32 s2, s17  }
0x8e: {  	[smem:$0x3FC3] =	sst s2  }
0x8f: {  	_ = 	snop  }
0x90: {  	s2 =	sld [smem:$0x3FD0];
	(tm) =	ssettm $0x1  }
0x91: {  	s18 =	sld [smem:$0x3FFB];
	_ =	sdelay $0x3  }
0x92: {  	_ =	strace s18  }
0x93: {  	s3 =	sld [smem:$0x3FFC];
	_ =	sdelay $0x3  }
0x94: {  	_ =	strace s3  }
0x95: {  	s3 =	sld [smem:$0x3FFD];
	_ =	sdelay $0x3  }
0x96: {  	_ =	strace s3  }
0x97: {  	_ =	strace $0x8FFFFFFF  }
0x98: {  	s19 =	sld [smem:$0x3FDB];
	_ =	sdelay $0x1  }
0x99: {  	s4 =	simm.s32 $_scs_section_size  }
0x9a: {  	s5 =	simm.s32 $_size__tile_overlayer_lowered;
	s6 =	simm.s32 $_tile_overlayer_lowered  }
0x9b: {  	s22 =	simm.s32 $0x1BFF;
	s21 =	sshll.u32 s6, $0x1;
	s3 =	sadd.s32 s4, s19  }
0x9c: {  	s7 =	simm.s32 $0x0;
	s20 =	sshll.u32 s5, $0x1;
	s5 =	sadd.s32 s21, s3  }
0x9d: {  	[timem:s7], [sflag:s22] =	dma.local [hbm:s5], s20  }
0x9e: {  	_ =	swait.ge [sflag:s22], s20  }
0x9f: {  	s4 =	ssub.s32 $0x0, s20;
	[sflag:s22] =	ssyncset.done $0x0  }
0xa0: {  	[sflag:s22] =	ssyncadd.s32 s4;
	_ =	sdelay $0x1  }
0xa1: {  	s23 =	simm.s32 $0x1B8B  }
0xa2: {  	_ =	swait.ge [sflag:s23], $0x1  }
0xa3: {  	[sflag:s23] =	ssyncset.done $0x0  }
0xa4: {  	s25 =	simm.s32 $0x1B8E;
	s24 =	sld [smem:$0x3FFE];
	[sflag:s23] =	ssyncadd.s32 $0xFFFFFFFF  }
0xa5: {  	s26 =	simm.s32 $execute0_lowered;
	[smem:$0x3FD2] =	sst s25  }
0xa6: {  	s5 =	sshll.u32 s26, $0x1;
	_ =	strace $0x80000046;
	[dreg:$0x1] =	wrdreg $0xFFFFFFFF  }
0xa7: {  	s28 =	simm.s32 $_size_execute0_lowered;
	s3 =	sadd.s32 s3, s5;
	[dreg:$0x0] =	wrdreg $0x0  }
0xa8: {  	s5 =	sshll.u32 s28, $0x1;
	[dreg:$0x2] =	wrdreg s3  }
0xa9: {  	[dreg:$0x3] =	wrdreg s5  }
0xaa: {  	[dreg:$0x4] =	wrdreg $0xC0  }
0xab: {  	_ =	task [dreg:s7], $0x5FFFF  }
0xac: {  	[dreg:$0x1] =	wrdreg $0xFFFFFFFF  }
0xad: {  	[dreg:$0x0] =	wrdreg $0x60  }
0xae: {  	[dreg:$0x2] =	wrdreg s24  }
0xaf: {  	[dreg:$0x3] =	wrdreg s2  }
0xb0: {  	[dreg:$0x4] =	wrdreg $0x9  }
0xb1: {  	_ =	task.clear_ibuf [dreg:s7], $0x5FFFF;
	_ =	strace $0x90000046  }
0xb2: {  	s29 =	simm.s32 $0x9;
	_ =	strace $0x80000048  }
0xb3: {  	_ =	swait.ge [sflag:s29], $0x1  }
0xb4: {  	[sflag:s29] =	ssyncadd.s32 $0xFFFFFFFF  }
0xb5: {  	_ =	strace $0x90000048  }
0xb6: {  	_ =	sfence  }
0xb7: {  	s30 =	sld [smem:$0x0];
	_ =	sdelay $0x2  }
0xb8: {  	s31 =	sshll.u32 s1, $0xD;
	s1 =	sshrl.u32 s1, $0x2  }
0xb9: {  	s3 =	sand.u32 $0x4000, s31;
	s1 =	sadd.s32 s1, s30  }
0xba: {  	s0 =	sor.u32 s3, s0;
	s1 =	sshll.u32 s1, $0x11  }
0xbb: {  	s0 =	sor.u32 s1, s0  }
0xbc: {  	s0 =	sadd.s32 $0x8F2B, s0  }
0xbd: {  	[sflag:s0] =	ssyncadd.remote.s32 $0x1  }
0xbe: {  	_ =	sfence.sel $0xFFFF  }
0xbf: {  	[dreg:$0x0] =	wrdreg $0xFFFFFFFF;
	(pc) =	sbr.abs _section_cstart, $3  }
0xc0: {  	[dreg:$0x1] =	wrdreg $0xFFFFFFFF  }
0xc1: {  	_ =	task.clear_ibuf [dreg:s7], $0x2FFFF;
	_ =	strace $0x9FFFFFFF  }
0xc2: {  	(tm) =	ssettm $0x7FFFFFFF  }
0xc3: {  	_ =	shalt  }
tec
execute0_lowered:
.L_overlay_start_1:
0x0: {  	(tag) =	ssettag $0x1  }
0x1: {  	v3 =	vlaneseq.u32  }
0x2: {  	v0 =	vmul.u32 $0x32, v3  }
0x3: {  	v3 =	vmul.u32 $0x80, v3  }
0x4: {  	v1 =	vadd.s32 $0x320, v0;
	v6 =	vadd.s32 $0xFA0, v0  }
0x5: {  	s4 =	rddreg [dreg:$0x0];
	s1 =	srdreg.scid;
	v7 =	vadd.s32 $0x12C0, v0;
	v8 =	vadd.s32 $0x15E0, v0;
	v9 =	vor.u32 $0x800, v3  }
0x6: {  	s0 =	stileid.u32;
	s2 =	rddreg [dreg:$0x1];
	s3 =	simm.s32 $0x0;
	v10 =	vor.u32 $0x1000, v3;
	v11 =	vor.u32 $0x1800, v3;
	v12 =	vor.u32 $0x2000, v3  }
0x7: {  	s9 =	simm.s32 $0x80;
	s10 =	simm.s32 $0x1900;
	s11 =	simm.s32 $0x1A00;
	v13 =	vor.u32 $0x2800, v3;
	v14 =	vor.u32 $0x3000, v3;
	v15 =	vor.u32 $0x3800, v3  }
0x8: {  	s12 =	simm.s32 $0x1;
	s13 =	simm.s32 $0x1980;
	s14 =	simm.s32 $0x5A00;
	v16 =	vor.u32 $0x20, v3;
	v17 =	vor.u32 $0x820, v3;
	v18 =	vor.u32 $0x1020, v3  }
0x9: {  	s15 =	simm.s32 $0x200;
	s16 =	simm.s32 $0x4000;
	s17 =	simm.s32 $0x9A00;
	v19 =	vor.u32 $0x1820, v3;
	v20 =	vor.u32 $0x2020, v3;
	v21 =	vor.u32 $0x2820, v3  }
0xa: {  	s18 =	simm.s32 $0x2;
	s5 =	sand.u32 $0x1, s1;
	s6 =	sshll.u32 s0, $0x1;
	v22 =	vor.u32 $0x3020, v3;
	v23 =	vor.u32 $0x3820, v3;
	v24 =	vor.u32 $0x40, v3  }
0xb: {  	s19 =	simm.s32 $0xDA00;
	s20 =	simm.s32 $0x3;
	s6 =	sor.u32 s5, s6;
	v25 =	vor.u32 $0x840, v3;
	v26 =	vor.u32 $0x1040, v3;
	v27 =	vor.u32 $0x1840, v3  }
0xc: {  	s21 =	simm.s32 $0x4;
	s1 =	rddreg [dreg:$0x2];
	s7 =	smul.u32 $0x320, s6;
	v28 =	vor.u32 $0x2040, v3;
	v29 =	vor.u32 $0x2840, v3;
	[tilespmem:$0x1FFC0] =	vst v1;
	v1 =	vadd.s32 $0x640, v0  }
0xd: {  	s22 =	simm.s32 $0x0;
	[smem:$0x7FF] =	sst s3;
	s5 =	ssub.s32 $0x2, s5;
	v30 =	vor.u32 $0x3040, v3;
	v31 =	vor.u32 $0x3840, v3;
	[tilespmem:$0x1FFD0] =	vst v1;
	v1 =	vadd.s32 $0x960, v0  }
0xe: {  	s8 =	sshrl.u32 s5, $0x1;
	s6 =	sshll.u32 s6, $0x9;
	v32 =	vor.u32 $0x60, v3;
	v33 =	vor.u32 $0x860, v3;
	s7 =	sadd.s32 s7, s4;
	[tilespmem:$0x1FFE0] =	vst v1;
	v1 =	vadd.s32 $0xC80, v0  }
0xf: {  	v34 =	vor.u32 $0x1060, v3;
	v35 =	vor.u32 $0x1860, v3;
	v36 =	vor.u32 $0x2060, v3;
	s8 =	ssub.s32 s5, s8;
	s4 =	sadd.s32 $0x6800, s4;
	s5 =	sadd.s32 $0x400, s7;
	[tilespmem:$0x1FFF0] =	vst v1  }
0x10: {  	v37 =	vor.u32 $0x2860, v3;
	v38 =	vor.u32 $0x3060, v3;
	v39 =	vor.u32 $0x3860, v3;
	s7 =	smax.u32 s8, $0x1;
	s8 =	simm.s32 $0x5;
	_ =	strace $0x80000047  }
.LBB2_1:
0x11: {  	[tilespmem:s3], [sflag:$0x5] =	stream.linear.gather [hbm4b:s5+s3], $0x1900, $0x38;
	[tilespmem:$0x11A00] =	vst v63  }
0x12: {  	_ =	swait.ge [sflag:s8], $0x1900  }
0x13: {  	[sflag:s8] =	ssyncset.done $0x0;
	v1 =	vld [tilespmem:$0x1FFC0]  }
0x14: {  	[sflag:s8] =	ssyncadd.s32 $0xFFFFE700  }
0x15: {  	v40 =	vld.idx.msk [tilespmem:v0+s3+$0x0], $0xffff;
	_ =	sdelay $0x4  }
0x16: {  	[tilespmem:$0x1900] =	vst v40  }
0x17: {  	v40 =	vld.idx.msk [tilespmem:v1+s3+$0x0], $0xffff  }
0x18: {  	v1 =	vld [tilespmem:$0x1FFD0];
	_ =	sdelay $0x6  }
0x19: {  	[tilespmem:$0x1910] =	vst v40  }
0x1a: {  	v40 =	vld.idx.msk [tilespmem:v1+s3+$0x0], $0xffff  }
0x1b: {  	v1 =	vld [tilespmem:$0x1FFE0];
	_ =	sdelay $0x6  }
0x1c: {  	[tilespmem:$0x1920] =	vst v40  }
0x1d: {  	v40 =	vld.idx.msk [tilespmem:v1+s3+$0x0], $0xffff  }
0x1e: {  	v1 =	vld [tilespmem:$0x1FFF0];
	_ =	sdelay $0x6  }
0x1f: {  	[tilespmem:$0x1930] =	vst v40  }
0x20: {  	v40 =	vld.idx.msk [tilespmem:v1+s3+$0x0], $0xffff;
	_ =	sdelay $0x4  }
0x21: {  	[tilespmem:$0x1940] =	vst v40  }
0x22: {  	v40 =	vld.idx.msk [tilespmem:v6+s3+$0x0], $0xffff;
	_ =	sdelay $0x4  }
0x23: {  	[tilespmem:$0x1950] =	vst v40  }
0x24: {  	v40 =	vld.idx.msk [tilespmem:v7+s3+$0x0], $0xffff;
	_ =	sdelay $0x4  }
0x25: {  	[tilespmem:$0x1960] =	vst v40  }
0x26: {  	v40 =	vld.idx.msk [tilespmem:v8+s3+$0x0], $0xffff;
	_ =	sdelay $0x4  }
0x27: {  	s23 =	simm.s32 $0x0;
	[tilespmem:$0x1970] =	vst v40  }
0x28: {  	[tilespmem:s11], [sflag:$0x1] =	stream.indirect.gather [hbm4b:s4+s9], $0x80, s10, s9, $0xb8;
	[tilespmem:$0x11A00] =	vst v63  }
.LBB2_2:
0x29: {  	s24 =	sshllo.u32 s23, $0x1  }
0x2a: {  	_ =	swait.ge [sflag:s12], $0x4000;
	v40 =	vadd.s32 s24, v0  }
0x2b: {  	v1 =	vld [tilespmem:$0x1FFC0];
	_ =	sdelay $0x1  }
0x2c: {  	[sflag:s12] =	ssyncset.done $0x0  }
0x2d: {  	[sflag:s12] =	ssyncadd.s32 $0xFFFFC000  }
0x2e: {  	v40 =	vld.idx.msk [tilespmem:v40+s3+$0x0], $0xffff  }
0x2f: {  	v41 =	vadd.s32 s24, v1  }
0x30: {  	v1 =	vld [tilespmem:$0x1FFD0];
	_ =	sdelay $0x2  }
0x31: {  	[tilespmem:$0x1980] =	vst v40  }
0x32: {  	v40 =	vld.idx.msk [tilespmem:v41+s3+$0x0], $0xffff  }
0x33: {  	v49 =	vadd.s32 s24, v1  }
0x34: {  	v1 =	vld [tilespmem:$0x1FFE0];
	_ =	sdelay $0x2  }
0x35: {  	[tilespmem:$0x1990] =	vst v40  }
0x36: {  	v40 =	vld.idx.msk [tilespmem:v49+s3+$0x0], $0xffff  }
0x37: {  	v50 =	vadd.s32 s24, v1  }
0x38: {  	v1 =	vld [tilespmem:$0x1FFF0];
	_ =	sdelay $0x2  }
0x39: {  	[tilespmem:$0x19A0] =	vst v40  }
0x3a: {  	v40 =	vld.idx.msk [tilespmem:v50+s3+$0x0], $0xffff  }
0x3b: {  	v51 =	vadd.s32 s24, v1;
	_ =	sdelay $0x3  }
0x3c: {  	[tilespmem:$0x19B0] =	vst v40  }
0x3d: {  	v40 =	vld.idx.msk [tilespmem:v51+s3+$0x0], $0xffff  }
0x3e: {  	v52 =	vadd.s32 s24, v6;
	_ =	sdelay $0x3  }
0x3f: {  	[tilespmem:$0x19C0] =	vst v40  }
0x40: {  	v40 =	vld.idx.msk [tilespmem:v52+s3+$0x0], $0xffff  }
0x41: {  	v53 =	vadd.s32 s24, v7;
	_ =	sdelay $0x3  }
0x42: {  	[tilespmem:$0x19D0] =	vst v40  }
0x43: {  	v40 =	vld.idx.msk [tilespmem:v53+s3+$0x0], $0xffff  }
0x44: {  	v54 =	vadd.s32 s24, v8;
	_ =	sdelay $0x3  }
0x45: {  	[tilespmem:$0x19E0] =	vst v40  }
0x46: {  	v40 =	vld.idx.msk [tilespmem:v54+s3+$0x0], $0xffff;
	_ =	sdelay $0x1  }
0x47: {  	s26 =	simm.s32 $0x1  }
0x48: {  	s25 =	simm.s32 $0x3;
	v56 =	vmov s26  }
0x49: {  	v55 =	vmov s25;
	s25 =	simm.s32 $0x2;
	v41 =	vand.u32 $0x1D, v56  }
0x4a: {  	v57 =	vmov s25;
	v49 =	vbroadcast v41, $0x0;
	[tilespmem:$0x19F0] =	vst v40;
	v40 =	vand.u32 $0x1F, v55  }
0x4b: {  	p0 =	seq.s32 s23, $0x0;
	s26 =	simm.s32 $0x0;
	v48 =	vbroadcast v40, $0x0;
	v40 =	vand.u32 $0x1E, v57  }
0x4c: {  	v58 =	vmov s26;
	s25 =	simm.s32 @!p0 $0x3;
	v43 =	vor.u32 v3, v49;
	v45 =	vbroadcast v40, $0x0  }
0x4d: {  	v59 =	vand.u32 $0x1C, v58;
	[tilespmem:s14], [sflag:$0x2] =	stream.indirect.gather [hbm4b:s4+s9], $0x80, s13, s9, $0xb8;
	v42 =	vor.u32 v3, v48;
	[tilespmem:$0x11A00] =	vst v63  }
0x4e: {  	v46 =	vbroadcast v59, $0x0;
	_ =	swait.ge @!p0 [sflag:s25], $0x4000;
	v60 =	vor.u32 v3, v45  }
0x4f: {  	[sflag:s25] =	ssyncset.done @!p0 $0x0  }
0x50: {  	v61 =	vor.u32 v3, v46;
	[sflag:s25] =	ssyncadd.s32 @!p0 $0xFFFFC000  }
0x51: {  	v43 =	vld.idx.msk [tilespmem:v43+s11+$0x0], $0xffff  }
0x52: {  	v47 =	vor.u32 v9, v49;
	v42 =	vld.idx.msk [tilespmem:v42+s11+$0x0], $0xffff  }
0x53: {  	v44 =	vor.u32 v9, v48;
	v40 =	vld.idx.msk [tilespmem:v60+s11+$0x0], $0xffff  }
0x54: {  	v50 =	vor.u32 v9, v45  }
0x55: {  	s26 =	simm.s32 $0x9E00;
	v41 =	vld.idx.msk [tilespmem:v61+s11+$0x0], $0xffff  }
0x56: {  	v51 =	vor.u32 v9, v46;
	[tilespmem:s26+$0xFFFFFE00] =	vst v43  }
0x57: {  	v43 =	vld.idx.msk [tilespmem:v47+s11+$0x0], $0xffff;
	[tilespmem:s26+$0x200] =	vst v42  }
0x58: {  	v63 =	vor.u32 v10, v49;
	v42 =	vld.idx.msk [tilespmem:v44+s11+$0x0], $0xffff;
	[tilespmem:s26+$0x0] =	vst v40  }
0x59: {  	v62 =	vor.u32 v10, v48;
	v54 =	vld.idx.msk [tilespmem:v50+s11+$0x0], $0xffff  }
0x5a: {  	v56 =	vor.u32 v10, v45;
	[tilespmem:s26+$0xFFFFFC00] =	vst v41  }
0x5b: {  	v55 =	vld.idx.msk [tilespmem:v51+s11+$0x0], $0xffff  }
0x5c: {  	v57 =	vor.u32 v10, v46;
	[tilespmem:s26+$0xFFFFFE10] =	vst v43  }
0x5d: {  	v40 =	vld.idx.msk [tilespmem:v63+s11+$0x0], $0xffff;
	[tilespmem:s26+$0x210] =	vst v42  }
0x5e: {  	v59 =	vor.u32 v11, v49;
	v42 =	vld.idx.msk [tilespmem:v62+s11+$0x0], $0xffff;
	[tilespmem:s26+$0x10] =	vst v54  }
0x5f: {  	v58 =	vor.u32 v11, v48;
	v60 =	vld.idx.msk [tilespmem:v56+s11+$0x0], $0xffff  }
0x60: {  	v61 =	vor.u32 v11, v45;
	[tilespmem:s26+$0xFFFFFC10] =	vst v55  }
0x61: {  	v47 =	vld.idx.msk [tilespmem:v57+s11+$0x0], $0xffff  }
0x62: {  	v62 =	vor.u32 v11, v46;
	[tilespmem:s26+$0xFFFFFE20] =	vst v40  }
0x63: {  	v41 =	vld.idx.msk [tilespmem:v59+s11+$0x0], $0xffff;
	[tilespmem:s26+$0x220] =	vst v42  }
0x64: {  	v55 =	vor.u32 v12, v49;
	v63 =	vld.idx.msk [tilespmem:v58+s11+$0x0], $0xffff;
	[tilespmem:s26+$0x20] =	vst v60  }
0x65: {  	v54 =	vor.u32 v12, v48;
	v44 =	vld.idx.msk [tilespmem:v61+s11+$0x0], $0xffff  }
0x66: {  	v56 =	vor.u32 v12, v45;
	[tilespmem:s26+$0xFFFFFC20] =	vst v47  }
0x67: {  	v47 =	vld.idx.msk [tilespmem:v62+s11+$0x0], $0xffff  }
0x68: {  	v57 =	vor.u32 v12, v46;
	[tilespmem:s26+$0xFFFFFE30] =	vst v41  }
0x69: {  	v41 =	vld.idx.msk [tilespmem:v55+s11+$0x0], $0xffff;
	[tilespmem:s26+$0x230] =	vst v63  }
0x6a: {  	v59 =	vor.u32 v13, v49;
	v40 =	vld.idx.msk [tilespmem:v54+s11+$0x0], $0xffff;
	[tilespmem:s26+$0x30] =	vst v44  }
0x6b: {  	v58 =	vor.u32 v13, v48;
	v44 =	vld.idx.msk [tilespmem:v56+s11+$0x0], $0xffff  }
0x6c: {  	v60 =	vor.u32 v13, v45;
	[tilespmem:s26+$0xFFFFFC30] =	vst v47  }
0x6d: {  	v47 =	vld.idx.msk [tilespmem:v57+s11+$0x0], $0xffff  }
0x6e: {  	v61 =	vor.u32 v13, v46;
	[tilespmem:s26+$0xFFFFFE40] =	vst v41  }
0x6f: {  	v41 =	vld.idx.msk [tilespmem:v59+s11+$0x0], $0xffff;
	[tilespmem:s26+$0x240] =	vst v40  }
0x70: {  	v63 =	vor.u32 v14, v49;
	v40 =	vld.idx.msk [tilespmem:v58+s11+$0x0], $0xffff;
	[tilespmem:s26+$0x40] =	vst v44  }
0x71: {  	v62 =	vor.u32 v14, v48;
	v44 =	vld.idx.msk [tilespmem:v60+s11+$0x0], $0xffff  }
0x72: {  	v54 =	vor.u32 v14, v45;
	[tilespmem:s26+$0xFFFFFC40] =	vst v47  }
0x73: {  	v47 =	vld.idx.msk [tilespmem:v61+s11+$0x0], $0xffff  }
0x74: {  	v55 =	vor.u32 v14, v46;
	[tilespmem:s26+$0xFFFFFE50] =	vst v41  }
0x75: {  	v41 =	vld.idx.msk [tilespmem:v63+s11+$0x0], $0xffff;
	[tilespmem:s26+$0x250] =	vst v40  }
0x76: {  	v57 =	vor.u32 v15, v49;
	v40 =	vld.idx.msk [tilespmem:v62+s11+$0x0], $0xffff;
	[tilespmem:s26+$0x50] =	vst v44  }
0x77: {  	v56 =	vor.u32 v15, v48;
	v44 =	vld.idx.msk [tilespmem:v54+s11+$0x0], $0xffff  }
0x78: {  	v58 =	vor.u32 v15, v45;
	[tilespmem:s26+$0xFFFFFC50] =	vst v47  }
0x79: {  	v47 =	vld.idx.msk [tilespmem:v55+s11+$0x0], $0xffff  }
0x7a: {  	v59 =	vor.u32 v15, v46;
	[tilespmem:s26+$0xFFFFFE60] =	vst v41  }
0x7b: {  	v41 =	vld.idx.msk [tilespmem:v57+s11+$0x0], $0xffff;
	[tilespmem:s26+$0x260] =	vst v40  }
0x7c: {  	v61 =	vor.u32 v16, v49;
	v40 =	vld.idx.msk [tilespmem:v56+s11+$0x0], $0xffff;
	[tilespmem:s26+$0x60] =	vst v44  }
0x7d: {  	v60 =	vor.u32 v16, v48;
	v44 =	vld.idx.msk [tilespmem:v58+s11+$0x0], $0xffff  }
0x7e: {  	v62 =	vor.u32 v16, v45;
	[tilespmem:s26+$0xFFFFFC60] =	vst v47  }
0x7f: {  	v47 =	vld.idx.msk [tilespmem:v59+s11+$0x0], $0xffff  }
0x80: {  	v63 =	vor.u32 v16, v46;
	[tilespmem:s26+$0xFFFFFE70] =	vst v41  }
0x81: {  	v41 =	vld.idx.msk [tilespmem:v61+s11+$0x0], $0xffff;
	[tilespmem:s26+$0x270] =	vst v40  }
0x82: {  	v55 =	vor.u32 v17, v49;
	v40 =	vld.idx.msk [tilespmem:v60+s11+$0x0], $0xffff;
	[tilespmem:s26+$0x70] =	vst v44  }
0x83: {  	v54 =	vor.u32 v17, v48;
	v44 =	vld.idx.msk [tilespmem:v62+s11+$0x0], $0xffff  }
0x84: {  	v56 =	vor.u32 v17, v45;
	[tilespmem:s26+$0xFFFFFC70] =	vst v47  }
0x85: {  	v47 =	vld.idx.msk [tilespmem:v63+s11+$0x0], $0xffff  }
0x86: {  	v57 =	vor.u32 v17, v46;
	[tilespmem:s26+$0xFFFFFE80] =	vst v41  }
0x87: {  	v41 =	vld.idx.msk [tilespmem:v55+s11+$0x0], $0xffff;
	[tilespmem:s26+$0x280] =	vst v40  }
0x88: {  	v59 =	vor.u32 v18, v49;
	v40 =	vld.idx.msk [tilespmem:v54+s11+$0x0], $0xffff;
	[tilespmem:s26+$0x80] =	vst v44  }
0x89: {  	v58 =	vor.u32 v18, v48;
	v44 =	vld.idx.msk [tilespmem:v56+s11+$0x0], $0xffff  }
0x8a: {  	v60 =	vor.u32 v18, v45;
	[tilespmem:s26+$0xFFFFFC80] =	vst v47  }
0x8b: {  	v47 =	vld.idx.msk [tilespmem:v57+s11+$0x0], $0xffff  }
0x8c: {  	v61 =	vor.u32 v18, v46;
	[tilespmem:s26+$0xFFFFFE90] =	vst v41  }
0x8d: {  	v41 =	vld.idx.msk [tilespmem:v59+s11+$0x0], $0xffff;
	[tilespmem:s26+$0x290] =	vst v40  }
0x8e: {  	v63 =	vor.u32 v19, v49;
	v40 =	vld.idx.msk [tilespmem:v58+s11+$0x0], $0xffff;
	[tilespmem:s26+$0x90] =	vst v44  }
0x8f: {  	v62 =	vor.u32 v19, v48;
	v44 =	vld.idx.msk [tilespmem:v60+s11+$0x0], $0xffff  }
0x90: {  	v54 =	vor.u32 v19, v45;
	[tilespmem:s26+$0xFFFFFC90] =	vst v47  }
0x91: {  	v47 =	vld.idx.msk [tilespmem:v61+s11+$0x0], $0xffff  }
0x92: {  	v55 =	vor.u32 v19, v46;
	[tilespmem:s26+$0xFFFFFEA0] =	vst v41  }
0x93: {  	v41 =	vld.idx.msk [tilespmem:v63+s11+$0x0], $0xffff;
	[tilespmem:s26+$0x2A0] =	vst v40  }
0x94: {  	v57 =	vor.u32 v20, v49;
	v40 =	vld.idx.msk [tilespmem:v62+s11+$0x0], $0xffff;
	[tilespmem:s26+$0xA0] =	vst v44  }
0x95: {  	v56 =	vor.u32 v20, v48;
	v44 =	vld.idx.msk [tilespmem:v54+s11+$0x0], $0xffff  }
0x96: {  	v58 =	vor.u32 v20, v45;
	[tilespmem:s26+$0xFFFFFCA0] =	vst v47  }
0x97: {  	v47 =	vld.idx.msk [tilespmem:v55+s11+$0x0], $0xffff  }
0x98: {  	v59 =	vor.u32 v20, v46;
	[tilespmem:s26+$0xFFFFFEB0] =	vst v41  }
0x99: {  	v41 =	vld.idx.msk [tilespmem:v57+s11+$0x0], $0xffff;
	[tilespmem:s26+$0x2B0] =	vst v40  }
0x9a: {  	v61 =	vor.u32 v21, v49;
	v40 =	vld.idx.msk [tilespmem:v56+s11+$0x0], $0xffff;
	[tilespmem:s26+$0xB0] =	vst v44  }
0x9b: {  	v60 =	vor.u32 v21, v48;
	v44 =	vld.idx.msk [tilespmem:v58+s11+$0x0], $0xffff  }
0x9c: {  	v62 =	vor.u32 v21, v45;
	[tilespmem:s26+$0xFFFFFCB0] =	vst v47  }
0x9d: {  	v47 =	vld.idx.msk [tilespmem:v59+s11+$0x0], $0xffff  }
0x9e: {  	v63 =	vor.u32 v21, v46;
	[tilespmem:s26+$0xFFFFFEC0] =	vst v41  }
0x9f: {  	v41 =	vld.idx.msk [tilespmem:v61+s11+$0x0], $0xffff;
	[tilespmem:s26+$0x2C0] =	vst v40  }
0xa0: {  	v55 =	vor.u32 v22, v49;
	v40 =	vld.idx.msk [tilespmem:v60+s11+$0x0], $0xffff;
	[tilespmem:s26+$0xC0] =	vst v44  }
0xa1: {  	v54 =	vor.u32 v22, v48;
	v44 =	vld.idx.msk [tilespmem:v62+s11+$0x0], $0xffff  }
0xa2: {  	v56 =	vor.u32 v22, v45;
	[tilespmem:s26+$0xFFFFFCC0] =	vst v47  }
0xa3: {  	v47 =	vld.idx.msk [tilespmem:v63+s11+$0x0], $0xffff  }
0xa4: {  	v57 =	vor.u32 v22, v46;
	[tilespmem:s26+$0xFFFFFED0] =	vst v41  }
0xa5: {  	v41 =	vld.idx.msk [tilespmem:v55+s11+$0x0], $0xffff;
	[tilespmem:s26+$0x2D0] =	vst v40  }
0xa6: {  	v59 =	vor.u32 v23, v49;
	v40 =	vld.idx.msk [tilespmem:v54+s11+$0x0], $0xffff;
	[tilespmem:s26+$0xD0] =	vst v44  }
0xa7: {  	v58 =	vor.u32 v23, v48;
	v44 =	vld.idx.msk [tilespmem:v56+s11+$0x0], $0xffff  }
0xa8: {  	v60 =	vor.u32 v23, v45;
	[tilespmem:s26+$0xFFFFFCD0] =	vst v47  }
0xa9: {  	v47 =	vld.idx.msk [tilespmem:v57+s11+$0x0], $0xffff  }
0xaa: {  	v61 =	vor.u32 v23, v46;
	[tilespmem:s26+$0xFFFFFEE0] =	vst v41  }
0xab: {  	v41 =	vld.idx.msk [tilespmem:v59+s11+$0x0], $0xffff;
	[tilespmem:s26+$0x2E0] =	vst v40  }
0xac: {  	v63 =	vor.u32 v24, v49;
	v40 =	vld.idx.msk [tilespmem:v58+s11+$0x0], $0xffff;
	[tilespmem:s26+$0xE0] =	vst v44  }
0xad: {  	v62 =	vor.u32 v24, v48;
	v44 =	vld.idx.msk [tilespmem:v60+s11+$0x0], $0xffff  }
0xae: {  	v56 =	vor.u32 v24, v45;
	[tilespmem:s26+$0xFFFFFCE0] =	vst v47  }
0xaf: {  	s25 =	simm.s32 $0x5;
	v47 =	vld.idx.msk [tilespmem:v61+s11+$0x0], $0xffff  }
0xb0: {  	v52 =	vor.u32 v24, v46;
	v57 =	vmov s25;
	[tilespmem:s26+$0xFFFFFEF0] =	vst v41  }
0xb1: {  	v58 =	vand.u32 $0x1D, v57;
	v43 =	vld.idx.msk [tilespmem:v63+s11+$0x0], $0xffff;
	[tilespmem:s26+$0x2F0] =	vst v40  }
0xb2: {  	s25 =	simm.s32 $0x6;
	v61 =	vor.u32 v25, v49;
	v41 =	vbroadcast v58, $0x0;
	v42 =	vld.idx.msk [tilespmem:v62+s11+$0x0], $0xffff;
	[tilespmem:s26+$0xF0] =	vst v44  }
0xb3: {  	v59 =	vor.u32 v25, v48;
	v60 =	vmov s25;
	v62 =	vld.idx.msk [tilespmem:v56+s11+$0x0], $0xffff  }
0xb4: {  	v53 =	vor.u32 v3, v41;
	[tilespmem:s26+$0xFFFFFCF0] =	vst v47;
	v40 =	vand.u32 $0x1E, v60  }
0xb5: {  	s25 =	simm.s32 $0x7;
	v63 =	vor.u32 v25, v45;
	v50 =	vld.idx.msk [tilespmem:v52+s11+$0x0], $0xffff;
	v40 =	vbroadcast v40, $0x0  }
0xb6: {  	v54 =	vor.u32 v25, v46;
	v60 =	vmov s25;
	[tilespmem:s26+$0xFFFFFF00] =	vst v43  }
0xb7: {  	v55 =	vor.u32 v3, v40;
	v56 =	vld.idx.msk [tilespmem:v61+s11+$0x0], $0xffff;
	[tilespmem:s26+$0x300] =	vst v42;
	v42 =	vand.u32 $0x1F, v60  }
0xb8: {  	s25 =	simm.s32 $0x4;
	v51 =	vld.idx.msk [tilespmem:v59+s11+$0x0], $0xffff;
	v44 =	vbroadcast v42, $0x0;
	[tilespmem:s26+$0x100] =	vst v62;
	v62 =	vor.u32 v26, v49  }
0xb9: {  	s28 =	simm.s32 $0x9;
	v57 =	vor.u32 v26, v48;
	v53 =	vld.idx.msk [tilespmem:v53+s11+$0x0], $0xffff;
	v61 =	vmov s25  }
0xba: {  	[tilespmem:s26+$0xFFFFFD00] =	vst v50;
	v42 =	vand.u32 $0x1C, v61;
	v50 =	vld.idx.msk [tilespmem:v63+s11+$0x0], $0xffff;
	v63 =	vmov s28;
	v52 =	vor.u32 v3, v44  }
0xbb: {  	v54 =	vld.idx.msk [tilespmem:v54+s11+$0x0], $0xffff;
	v59 =	vor.u32 v26, v45;
	v43 =	vbroadcast v42, $0x0;
	v58 =	vand.u32 $0x1D, v63  }
0xbc: {  	v55 =	vld.idx.msk [tilespmem:v55+s11+$0x0], $0xffff;
	[tilespmem:s26+$0xFFFFFF10] =	vst v56;
	v42 =	vbroadcast v58, $0x0;
	v58 =	vor.u32 v26, v46  }
0xbd: {  	[tilespmem:s26+$0x310] =	vst v51;
	v51 =	vor.u32 v3, v43;
	v60 =	vld.idx.msk [tilespmem:v62+s11+$0x0], $0xffff  }
0xbe: {  	v56 =	vld.idx.msk [tilespmem:v57+s11+$0x0], $0xffff;
	v57 =	vor.u32 v3, v42  }
0xbf: {  	[tilespmem:s26+$0x110] =	vst v50;
	v50 =	vld.idx.msk [tilespmem:v52+s11+$0x0], $0xffff;
	v52 =	vor.u32 v27, v48  }
0xc0: {  	[tilespmem:s26+$0xFFFFFD10] =	vst v54;
	v54 =	vor.u32 v27, v49;
	v59 =	vld.idx.msk [tilespmem:v59+s11+$0x0], $0xffff  }
0xc1: {  	s25 =	simm.s32 $0xA600;
	v61 =	vor.u32 v9, v44;
	v58 =	vld.idx.msk [tilespmem:v58+s11+$0x0], $0xffff  }
0xc2: {  	[tilespmem:s25+$0xFFFFFE00] =	vst v53;
	v62 =	vor.u32 v9, v41;
	v51 =	vld.idx.msk [tilespmem:v51+s11+$0x0], $0xffff  }
0xc3: {  	v47 =	vld.idx.msk [tilespmem:v57+s11+$0x0], $0xffff;
	v57 =	vor.u32 v9, v40;
	[tilespmem:s26+$0x320] =	vst v56  }
0xc4: {  	[tilespmem:s26+$0xFFFFFF20] =	vst v60;
	v56 =	vor.u32 v9, v43;
	v52 =	vld.idx.msk [tilespmem:v52+s11+$0x0], $0xffff  }
0xc5: {  	[tilespmem:s25+$0x200] =	vst v50;
	v50 =	vld.idx.msk [tilespmem:v54+s11+$0x0], $0xffff;
	v54 =	vor.u32 v27, v45  }
0xc6: {  	[tilespmem:s25+$0x0] =	vst v55;
	v60 =	vor.u32 v28, v48;
	v53 =	vld.idx.msk [tilespmem:v61+s11+$0x0], $0xffff  }
0xc7: {  	v55 =	vor.u32 v27, v46;
	[tilespmem:s26+$0x120] =	vst v59;
	v61 =	vld.idx.msk [tilespmem:v62+s11+$0x0], $0xffff  }
0xc8: {  	v62 =	vor.u32 v10, v41;
	[tilespmem:s25+$0xFFFFFC00] =	vst v51;
	v51 =	vld.idx.msk [tilespmem:v57+s11+$0x0], $0xffff  }
0xc9: {  	[tilespmem:s26+$0xFFFFFD20] =	vst v58;
	v57 =	vor.u32 v10, v44;
	v56 =	vld.idx.msk [tilespmem:v56+s11+$0x0], $0xffff  }
0xca: {  	v59 =	vor.u32 v10, v40;
	v54 =	vld.idx.msk [tilespmem:v54+s11+$0x0], $0xffff;
	[tilespmem:s26+$0x330] =	vst v52  }
0xcb: {  	v52 =	vor.u32 v10, v43;
	v58 =	vld.idx.msk [tilespmem:v60+s11+$0x0], $0xffff;
	[tilespmem:s25+$0x210] =	vst v53  }
0xcc: {  	v53 =	vld.idx.msk [tilespmem:v55+s11+$0x0], $0xffff;
	v55 =	vor.u32 v28, v49;
	[tilespmem:s25+$0xFFFFFE10] =	vst v61  }
0xcd: {  	[tilespmem:s26+$0xFFFFFF30] =	vst v50;
	v60 =	vor.u32 v29, v48;
	v61 =	vld.idx.msk [tilespmem:v62+s11+$0x0], $0xffff  }
0xce: {  	v62 =	vor.u32 v11, v41;
	v57 =	vld.idx.msk [tilespmem:v57+s11+$0x0], $0xffff;
	[tilespmem:s25+$0x10] =	vst v51  }
0xcf: {  	v51 =	vor.u32 v28, v45;
	[tilespmem:s25+$0xFFFFFC10] =	vst v56;
	v56 =	vld.idx.msk [tilespmem:v59+s11+$0x0], $0xffff  }
0xd0: {  	v59 =	vor.u32 v11, v44;
	v52 =	vld.idx.msk [tilespmem:v52+s11+$0x0], $0xffff;
	[tilespmem:s26+$0x130] =	vst v54  }
0xd1: {  	v50 =	vor.u32 v11, v40;
	v55 =	vld.idx.msk [tilespmem:v55+s11+$0x0], $0xffff;
	[tilespmem:s26+$0x340] =	vst v58  }
0xd2: {  	v58 =	vor.u32 v11, v43;
	v54 =	vld.idx.msk [tilespmem:v60+s11+$0x0], $0xffff;
	[tilespmem:s25+$0xFFFFFE20] =	vst v61  }
0xd3: {  	[tilespmem:s26+$0xFFFFFD30] =	vst v53;
	v60 =	vor.u32 v30, v48;
	v61 =	vld.idx.msk [tilespmem:v62+s11+$0x0], $0xffff  }
0xd4: {  	[tilespmem:s25+$0x220] =	vst v57;
	v57 =	vor.u32 v28, v46;
	v51 =	vld.idx.msk [tilespmem:v51+s11+$0x0], $0xffff  }
0xd5: {  	v62 =	vor.u32 v12, v41;
	v59 =	vld.idx.msk [tilespmem:v59+s11+$0x0], $0xffff;
	[tilespmem:s25+$0x20] =	vst v56  }
0xd6: {  	v56 =	vor.u32 v29, v49;
	[tilespmem:s25+$0xFFFFFC20] =	vst v52;
	v50 =	vld.idx.msk [tilespmem:v50+s11+$0x0], $0xffff  }
0xd7: {  	v52 =	vor.u32 v12, v44;
	v58 =	vld.idx.msk [tilespmem:v58+s11+$0x0], $0xffff;
	[tilespmem:s26+$0x350] =	vst v54  }
0xd8: {  	v53 =	vor.u32 v12, v40;
	[tilespmem:s26+$0xFFFFFF40] =	vst v55;
	v55 =	vld.idx.msk [tilespmem:v60+s11+$0x0], $0xffff  }
0xd9: {  	v54 =	vor.u32 v12, v43;
	[tilespmem:s25+$0xFFFFFE30] =	vst v61;
	v57 =	vld.idx.msk [tilespmem:v57+s11+$0x0], $0xffff  }
0xda: {  	v60 =	vor.u32 v31, v48;
	v61 =	vld.idx.msk [tilespmem:v62+s11+$0x0], $0xffff;
	[tilespmem:s26+$0x140] =	vst v51  }
0xdb: {  	[tilespmem:s25+$0x230] =	vst v59;
	v56 =	vld.idx.msk [tilespmem:v56+s11+$0x0], $0xffff;
	v59 =	vor.u32 v29, v45  }
0xdc: {  	v62 =	vor.u32 v13, v41;
	v52 =	vld.idx.msk [tilespmem:v52+s11+$0x0], $0xffff;
	[tilespmem:s25+$0x30] =	vst v50  }
0xdd: {  	v50 =	vor.u32 v29, v46;
	[tilespmem:s25+$0xFFFFFC30] =	vst v58;
	v53 =	vld.idx.msk [tilespmem:v53+s11+$0x0], $0xffff  }
0xde: {  	v58 =	vor.u32 v13, v44;
	v54 =	vld.idx.msk [tilespmem:v54+s11+$0x0], $0xffff;
	[tilespmem:s26+$0x360] =	vst v55  }
0xdf: {  	v51 =	vor.u32 v13, v40;
	[tilespmem:s26+$0xFFFFFD40] =	vst v57;
	v57 =	vld.idx.msk [tilespmem:v60+s11+$0x0], $0xffff  }
0xe0: {  	v55 =	vor.u32 v13, v43;
	[tilespmem:s25+$0xFFFFFE40] =	vst v61;
	v59 =	vld.idx.msk [tilespmem:v59+s11+$0x0], $0xffff  }
0xe1: {  	v60 =	vor.u32 v32, v48;
	v61 =	vld.idx.msk [tilespmem:v62+s11+$0x0], $0xffff;
	[tilespmem:s26+$0xFFFFFF50] =	vst v56  }
0xe2: {  	[tilespmem:s25+$0x240] =	vst v52;
	v50 =	vld.idx.msk [tilespmem:v50+s11+$0x0], $0xffff;
	v52 =	vor.u32 v30, v49  }
0xe3: {  	v62 =	vor.u32 v14, v41;
	v58 =	vld.idx.msk [tilespmem:v58+s11+$0x0], $0xffff;
	[tilespmem:s25+$0x40] =	vst v53  }
0xe4: {  	v53 =	vor.u32 v30, v45;
	[tilespmem:s25+$0xFFFFFC40] =	vst v54;
	v51 =	vld.idx.msk [tilespmem:v51+s11+$0x0], $0xffff  }
0xe5: {  	v54 =	vor.u32 v14, v44;
	v55 =	vld.idx.msk [tilespmem:v55+s11+$0x0], $0xffff;
	[tilespmem:s26+$0x370] =	vst v57  }
0xe6: {  	v56 =	vor.u32 v14, v40;
	[tilespmem:s26+$0x150] =	vst v59;
	v59 =	vld.idx.msk [tilespmem:v60+s11+$0x0], $0xffff  }
0xe7: {  	v57 =	vor.u32 v14, v43;
	[tilespmem:s25+$0xFFFFFE50] =	vst v61;
	v52 =	vld.idx.msk [tilespmem:v52+s11+$0x0], $0xffff  }
0xe8: {  	v60 =	vor.u32 v33, v48;
	v61 =	vld.idx.msk [tilespmem:v62+s11+$0x0], $0xffff;
	[tilespmem:s26+$0xFFFFFD50] =	vst v50  }
0xe9: {  	[tilespmem:s25+$0x250] =	vst v58;
	v58 =	vor.u32 v30, v46;
	v53 =	vld.idx.msk [tilespmem:v53+s11+$0x0], $0xffff  }
0xea: {  	v62 =	vor.u32 v15, v41;
	v54 =	vld.idx.msk [tilespmem:v54+s11+$0x0], $0xffff;
	[tilespmem:s25+$0x50] =	vst v51  }
0xeb: {  	v51 =	vor.u32 v31, v49;
	[tilespmem:s25+$0xFFFFFC50] =	vst v55;
	v55 =	vld.idx.msk [tilespmem:v56+s11+$0x0], $0xffff  }
0xec: {  	v56 =	vor.u32 v15, v44;
	v57 =	vld.idx.msk [tilespmem:v57+s11+$0x0], $0xffff;
	[tilespmem:s26+$0x380] =	vst v59  }
0xed: {  	v50 =	vor.u32 v15, v40;
	[tilespmem:s26+$0xFFFFFF60] =	vst v52;
	v52 =	vld.idx.msk [tilespmem:v60+s11+$0x0], $0xffff  }
0xee: {  	v59 =	vor.u32 v15, v43;
	[tilespmem:s25+$0xFFFFFE60] =	vst v61;
	v58 =	vld.idx.msk [tilespmem:v58+s11+$0x0], $0xffff  }
0xef: {  	v60 =	vor.u32 v34, v48;
	v61 =	vld.idx.msk [tilespmem:v62+s11+$0x0], $0xffff;
	[tilespmem:s26+$0x160] =	vst v53  }
0xf0: {  	[tilespmem:s25+$0x260] =	vst v54;
	v51 =	vld.idx.msk [tilespmem:v51+s11+$0x0], $0xffff;
	v54 =	vor.u32 v31, v45  }
0xf1: {  	v62 =	vor.u32 v16, v41;
	v56 =	vld.idx.msk [tilespmem:v56+s11+$0x0], $0xffff;
	[tilespmem:s25+$0x60] =	vst v55  }
0xf2: {  	v55 =	vor.u32 v31, v46;
	[tilespmem:s25+$0xFFFFFC60] =	vst v57;
	v50 =	vld.idx.msk [tilespmem:v50+s11+$0x0], $0xffff  }
0xf3: {  	v57 =	vor.u32 v16, v44;
	v59 =	vld.idx.msk [tilespmem:v59+s11+$0x0], $0xffff;
	[tilespmem:s26+$0x390] =	vst v52  }
0xf4: {  	v53 =	vor.u32 v16, v40;
	[tilespmem:s26+$0xFFFFFD60] =	vst v58;
	v58 =	vld.idx.msk [tilespmem:v60+s11+$0x0], $0xffff  }
0xf5: {  	v52 =	vor.u32 v16, v43;
	[tilespmem:s25+$0xFFFFFE70] =	vst v61;
	v54 =	vld.idx.msk [tilespmem:v54+s11+$0x0], $0xffff  }
0xf6: {  	v60 =	vor.u32 v35, v48;
	v61 =	vld.idx.msk [tilespmem:v62+s11+$0x0], $0xffff;
	[tilespmem:s26+$0xFFFFFF70] =	vst v51  }
0xf7: {  	[tilespmem:s25+$0x270] =	vst v56;
	v55 =	vld.idx.msk [tilespmem:v55+s11+$0x0], $0xffff;
	v56 =	vor.u32 v32, v49  }
0xf8: {  	v62 =	vor.u32 v17, v41;
	v57 =	vld.idx.msk [tilespmem:v57+s11+$0x0], $0xffff;
	[tilespmem:s25+$0x70] =	vst v50  }
0xf9: {  	v50 =	vor.u32 v32, v45;
	[tilespmem:s25+$0xFFFFFC70] =	vst v59;
	v53 =	vld.idx.msk [tilespmem:v53+s11+$0x0], $0xffff  }
0xfa: {  	v59 =	vor.u32 v17, v44;
	v52 =	vld.idx.msk [tilespmem:v52+s11+$0x0], $0xffff;
	[tilespmem:s26+$0x3A0] =	vst v58  }
0xfb: {  	v51 =	vor.u32 v17, v40;
	[tilespmem:s26+$0x170] =	vst v54;
	v54 =	vld.idx.msk [tilespmem:v60+s11+$0x0], $0xffff  }
0xfc: {  	v58 =	vor.u32 v17, v43;
	[tilespmem:s25+$0xFFFFFE80] =	vst v61;
	v56 =	vld.idx.msk [tilespmem:v56+s11+$0x0], $0xffff  }
0xfd: {  	v60 =	vor.u32 v36, v48;
	v61 =	vld.idx.msk [tilespmem:v62+s11+$0x0], $0xffff;
	[tilespmem:s26+$0xFFFFFD70] =	vst v55  }
0xfe: {  	[tilespmem:s25+$0x280] =	vst v57;
	v57 =	vor.u32 v32, v46;
	v50 =	vld.idx.msk [tilespmem:v50+s11+$0x0], $0xffff  }
0xff: {  	v62 =	vor.u32 v18, v41;
	v59 =	vld.idx.msk [tilespmem:v59+s11+$0x0], $0xffff;
	[tilespmem:s25+$0x80] =	vst v53  }
0x100: {  	v53 =	vor.u32 v33, v49;
	[tilespmem:s25+$0xFFFFFC80] =	vst v52;
	v51 =	vld.idx.msk [tilespmem:v51+s11+$0x0], $0xffff  }
0x101: {  	v52 =	vor.u32 v18, v44;
	v58 =	vld.idx.msk [tilespmem:v58+s11+$0x0], $0xffff;
	[tilespmem:s26+$0x3B0] =	vst v54  }
0x102: {  	v55 =	vor.u32 v18, v40;
	[tilespmem:s26+$0xFFFFFF80] =	vst v56;
	v56 =	vld.idx.msk [tilespmem:v60+s11+$0x0], $0xffff  }
0x103: {  	v54 =	vor.u32 v18, v43;
	[tilespmem:s25+$0xFFFFFE90] =	vst v61;
	v57 =	vld.idx.msk [tilespmem:v57+s11+$0x0], $0xffff  }
0x104: {  	v60 =	vor.u32 v37, v48;
	v61 =	vld.idx.msk [tilespmem:v62+s11+$0x0], $0xffff;
	[tilespmem:s26+$0x180] =	vst v50  }
0x105: {  	[tilespmem:s25+$0x290] =	vst v59;
	v53 =	vld.idx.msk [tilespmem:v53+s11+$0x0], $0xffff;
	v59 =	vor.u32 v33, v45  }
0x106: {  	v62 =	vor.u32 v19, v41;
	v52 =	vld.idx.msk [tilespmem:v52+s11+$0x0], $0xffff;
	[tilespmem:s25+$0x90] =	vst v51  }
0x107: {  	v51 =	vor.u32 v33, v46;
	[tilespmem:s25+$0xFFFFFC90] =	vst v58;
	v55 =	vld.idx.msk [tilespmem:v55+s11+$0x0], $0xffff  }
0x108: {  	v58 =	vor.u32 v19, v44;
	v54 =	vld.idx.msk [tilespmem:v54+s11+$0x0], $0xffff;
	[tilespmem:s26+$0x3C0] =	vst v56  }
0x109: {  	v50 =	vor.u32 v19, v40;
	[tilespmem:s26+$0xFFFFFD80] =	vst v57;
	v57 =	vld.idx.msk [tilespmem:v60+s11+$0x0], $0xffff  }
0x10a: {  	v56 =	vor.u32 v19, v43;
	[tilespmem:s25+$0xFFFFFEA0] =	vst v61;
	v59 =	vld.idx.msk [tilespmem:v59+s11+$0x0], $0xffff  }
0x10b: {  	v60 =	vor.u32 v38, v48;
	v61 =	vld.idx.msk [tilespmem:v62+s11+$0x0], $0xffff;
	[tilespmem:s26+$0xFFFFFF90] =	vst v53  }
0x10c: {  	[tilespmem:s25+$0x2A0] =	vst v52;
	v51 =	vld.idx.msk [tilespmem:v51+s11+$0x0], $0xffff;
	v52 =	vor.u32 v34, v49  }
0x10d: {  	v62 =	vor.u32 v20, v41;
	v58 =	vld.idx.msk [tilespmem:v58+s11+$0x0], $0xffff;
	[tilespmem:s25+$0xA0] =	vst v55  }
0x10e: {  	v55 =	vor.u32 v34, v45;
	[tilespmem:s25+$0xFFFFFCA0] =	vst v54;
	v50 =	vld.idx.msk [tilespmem:v50+s11+$0x0], $0xffff  }
0x10f: {  	v54 =	vor.u32 v20, v44;
	v56 =	vld.idx.msk [tilespmem:v56+s11+$0x0], $0xffff;
	[tilespmem:s26+$0x3D0] =	vst v57  }
0x110: {  	v53 =	vor.u32 v20, v40;
	[tilespmem:s26+$0x190] =	vst v59;
	v59 =	vld.idx.msk [tilespmem:v60+s11+$0x0], $0xffff  }
0x111: {  	v57 =	vor.u32 v20, v43;
	[tilespmem:s25+$0xFFFFFEB0] =	vst v61;
	v52 =	vld.idx.msk [tilespmem:v52+s11+$0x0], $0xffff  }
0x112: {  	v60 =	vor.u32 v39, v48;
	v61 =	vld.idx.msk [tilespmem:v62+s11+$0x0], $0xffff;
	[tilespmem:s26+$0xFFFFFD90] =	vst v51  }
0x113: {  	[tilespmem:s25+$0x2B0] =	vst v58;
	v58 =	vor.u32 v34, v46;
	v55 =	vld.idx.msk [tilespmem:v55+s11+$0x0], $0xffff  }
0x114: {  	s28 =	simm.s32 $0xA;
	v62 =	vor.u32 v21, v41;
	v54 =	vld.idx.msk [tilespmem:v54+s11+$0x0], $0xffff;
	[tilespmem:s25+$0xB0] =	vst v50  }
0x115: {  	v48 =	vmov s28;
	v50 =	vor.u32 v35, v49;
	[tilespmem:s25+$0xFFFFFCB0] =	vst v56;
	v53 =	vld.idx.msk [tilespmem:v53+s11+$0x0], $0xffff  }
0x116: {  	v48 =	vand.u32 $0x1E, v48;
	v56 =	vor.u32 v21, v44;
	v57 =	vld.idx.msk [tilespmem:v57+s11+$0x0], $0xffff;
	[tilespmem:s26+$0x3E0] =	vst v59  }
0x117: {  	v51 =	vor.u32 v21, v40;
	v48 =	vbroadcast v48, $0x0;
	[tilespmem:s26+$0xFFFFFFA0] =	vst v52;
	v52 =	vld.idx.msk [tilespmem:v60+s11+$0x0], $0xffff  }
0x118: {  	v59 =	vor.u32 v21, v43;
	[tilespmem:s25+$0xFFFFFEC0] =	vst v61;
	v58 =	vld.idx.msk [tilespmem:v58+s11+$0x0], $0xffff  }
0x119: {  	v60 =	vor.u32 v3, v48;
	v61 =	vld.idx.msk [tilespmem:v62+s11+$0x0], $0xffff;
	[tilespmem:s26+$0x1A0] =	vst v55  }
0x11a: {  	[tilespmem:s25+$0x2C0] =	vst v54;
	v50 =	vld.idx.msk [tilespmem:v50+s11+$0x0], $0xffff;
	v54 =	vor.u32 v35, v45  }
0x11b: {  	v63 =	vor.u32 v22, v41;
	v56 =	vld.idx.msk [tilespmem:v56+s11+$0x0], $0xffff;
	[tilespmem:s25+$0xC0] =	vst v53  }
0x11c: {  	v53 =	vor.u32 v35, v46;
	[tilespmem:s25+$0xFFFFFCC0] =	vst v57;
	v57 =	vld.idx.msk [tilespmem:v51+s11+$0x0], $0xffff  }
0x11d: {  	v62 =	vor.u32 v22, v44;
	v59 =	vld.idx.msk [tilespmem:v59+s11+$0x0], $0xffff;
	[tilespmem:s26+$0x3F0] =	vst v52  }
0x11e: {  	v55 =	vor.u32 v22, v40;
	v51 =	vld.idx.msk [tilespmem:v60+s11+$0x0], $0xffff;
	[tilespmem:s26+$0xFFFFFDA0] =	vst v58  }
0x11f: {  	v52 =	vor.u32 v22, v43;
	[tilespmem:s25+$0xFFFFFED0] =	vst v61;
	v54 =	vld.idx.msk [tilespmem:v54+s11+$0x0], $0xffff  }
0x120: {  	v61 =	vld.idx.msk [tilespmem:v63+s11+$0x0], $0xffff;
	[tilespmem:s25+$0x2D0] =	vst v56;
	v56 =	vor.u32 v36, v49  }
0x121: {  	v60 =	vor.u32 v36, v45;
	[tilespmem:s26+$0xFFFFFFB0] =	vst v50;
	v53 =	vld.idx.msk [tilespmem:v53+s11+$0x0], $0xffff  }
0x122: {  	v58 =	vld.idx.msk [tilespmem:v62+s11+$0x0], $0xffff;
	[tilespmem:s25+$0xD0] =	vst v57;
	v57 =	vor.u32 v36, v46  }
0x123: {  	[tilespmem:s25+$0xFFFFFCD0] =	vst v59;
	v62 =	vor.u32 v23, v41;
	v55 =	vld.idx.msk [tilespmem:v55+s11+$0x0], $0xffff  }
0x124: {  	v59 =	vor.u32 v23, v44;
	v52 =	vld.idx.msk [tilespmem:v52+s11+$0x0], $0xffff;
	[tilespmem:s26+$0x1B0] =	vst v54  }
0x125: {  	v50 =	vor.u32 v23, v40;
	[tilespmem:s25+$0xFFFFFEE0] =	vst v61;
	v56 =	vld.idx.msk [tilespmem:v56+s11+$0x0], $0xffff  }
0x126: {  	v54 =	vor.u32 v23, v43;
	[tilespmem:s26+$0xFFFFFDB0] =	vst v53;
	v53 =	vld.idx.msk [tilespmem:v60+s11+$0x0], $0xffff  }
0x127: {  	[tilespmem:s25+$0x2E0] =	vst v58;
	v57 =	vld.idx.msk [tilespmem:v57+s11+$0x0], $0xffff;
	v58 =	vor.u32 v37, v49  }
0x128: {  	v60 =	vor.u32 v37, v45;
	v61 =	vld.idx.msk [tilespmem:v62+s11+$0x0], $0xffff  }
0x129: {  	v59 =	vld.idx.msk [tilespmem:v59+s11+$0x0], $0xffff;
	[tilespmem:s25+$0xE0] =	vst v55;
	v55 =	vor.u32 v37, v46  }
0x12a: {  	[tilespmem:s25+$0xFFFFFCE0] =	vst v52;
	v52 =	vor.u32 v24, v44;
	v50 =	vld.idx.msk [tilespmem:v50+s11+$0x0], $0xffff  }
0x12b: {  	v62 =	vor.u32 v24, v41;
	v54 =	vld.idx.msk [tilespmem:v54+s11+$0x0], $0xffff;
	[tilespmem:s26+$0xFFFFFFC0] =	vst v56  }
0x12c: {  	v56 =	vor.u32 v24, v40;
	[tilespmem:s26+$0x1C0] =	vst v53;
	v63 =	vld.idx.msk [tilespmem:v58+s11+$0x0], $0xffff  }
0x12d: {  	v53 =	vor.u32 v24, v43;
	[tilespmem:s26+$0xFFFFFDC0] =	vst v57;
	v57 =	vld.idx.msk [tilespmem:v60+s11+$0x0], $0xffff  }
0x12e: {  	[tilespmem:s25+$0x2F0] =	vst v59;
	v1 =	vld.idx.msk [tilespmem:v55+s11+$0x0], $0xffff;
	v55 =	vor.u32 v38, v49  }
0x12f: {  	[tilespmem:s25+$0xFFFFFEF0] =	vst v61;
	v61 =	vld.idx.msk [tilespmem:v52+s11+$0x0], $0xffff;
	v52 =	vor.u32 v38, v45  }
0x130: {  	v59 =	vld.idx.msk [tilespmem:v62+s11+$0x0], $0xffff;
	[tilespmem:s25+$0xF0] =	vst v50;
	v50 =	vor.u32 v38, v46  }
0x131: {  	v62 =	vor.u32 v25, v44;
	[tilespmem:s25+$0xFFFFFCF0] =	vst v54;
	v58 =	vld.idx.msk [tilespmem:v56+s11+$0x0], $0xffff  }
0x132: {  	v60 =	vor.u32 v25, v41;
	v56 =	vld.idx.msk [tilespmem:v53+s11+$0x0], $0xffff;
	[tilespmem:s26+$0xFFFFFFD0] =	vst v63  }
0x133: {  	v54 =	vor.u32 v25, v40;
	[tilespmem:s26+$0x1D0] =	vst v57;
	v55 =	vld.idx.msk [tilespmem:v55+s11+$0x0], $0xffff  }
0x134: {  	s29 =	simm.s32 $0x8;
	[tilespmem:s26+$0xFFFFFDD0] =	vst v1;
	v57 =	vld.idx.msk [tilespmem:v52+s11+$0x0], $0xffff;
	v52 =	vor.u32 v25, v43  }
0x135: {  	s31 =	simm.s32 $0xB;
	s30 =	simm.s32 $0xC;
	s28 =	sshll.u32 s23, $0x1;
	v53 =	vor.u32 v39, v49;
	[tilespmem:s25+$0x300] =	vst v61;
	v61 =	vld.idx.msk [tilespmem:v50+s11+$0x0], $0xffff  }
.LBB2_3:
0x136: {  	p0 =	slt.u32 s30, $0x1C;
	v1 =	vmov s31;
	[tilespmem:s25+$0xFFFFFF00] =	vst v59;
	v50 =	vld.idx.msk [tilespmem:v62+s11+$0x0], $0xffff;
	v49 =	vor.u32 v39, v45;
	v45 =	vmovc v40;
	v40 =	vmov v48  }
0x137: {  	v1 =	vand.u32 $0x1F, v1;
	v59 =	vld.idx.msk [tilespmem:v60+s11+$0x0], $0xffff;
	[tilespmem:s25+$0x100] =	vst v58;
	v58 =	vor.u32 v39, v46;
	v46 =	vmov v43  }
0x138: {  	v48 =	vbroadcast v1, $0x0;
	[tilespmem:s25+$0xFFFFFD00] =	vst v56;
	v1 =	vld.idx.msk [tilespmem:v54+s11+$0x0], $0xffff;
	v54 =	vor.u32 v26, v44  }
0x139: {  	s31 =	sadd.s32 $0x1, s30;
	v43 =	vmov s29;
	s29 =	smov.u32 s30;
	v56 =	vor.u32 v26, v41;
	v52 =	vld.idx.msk [tilespmem:v52+s11+$0x0], $0xffff;
	[tilespmem:s26+$0xFFFFFFE0] =	vst v55  }
0x13a: {  	v43 =	vand.u32 $0x1C, v43;
	v55 =	vmov s31;
	v60 =	vor.u32 v3, v48;
	v53 =	vld.idx.msk [tilespmem:v53+s11+$0x0], $0xffff;
	[tilespmem:s26+$0x1E0] =	vst v57  }
0x13b: {  	v43 =	vbroadcast v43, $0x0;
	v55 =	vand.u32 $0x1D, v55;
	v57 =	vor.u32 v26, v45;
	[tilespmem:s26+$0xFFFFFDE0] =	vst v61;
	v61 =	vld.idx.msk [tilespmem:v49+s11+$0x0], $0xffff  }
0x13c: {  	v49 =	vbroadcast v55, $0x0;
	v55 =	vor.u32 v26, v46;
	[tilespmem:s25+$0x310] =	vst v50;
	v50 =	vld.idx.msk [tilespmem:v58+s11+$0x0], $0xffff  }
0x13d: {  	v58 =	vor.u32 v3, v43;
	[tilespmem:s25+$0xFFFFFF10] =	vst v59;
	v54 =	vld.idx.msk [tilespmem:v54+s11+$0x0], $0xffff  }
0x13e: {  	v59 =	vor.u32 v3, v49;
	v56 =	vld.idx.msk [tilespmem:v56+s11+$0x0], $0xffff;
	[tilespmem:s25+$0x110] =	vst v1  }
0x13f: {  	v1 =	vld.idx.msk [tilespmem:v60+s11+$0x0], $0xffff;
	[tilespmem:s25+$0xFFFFFD10] =	vst v52;
	v52 =	vor.u32 v27, v44  }
0x140: {  	v60 =	vor.u32 v27, v41;
	v57 =	vld.idx.msk [tilespmem:v57+s11+$0x0], $0xffff;
	[tilespmem:s26+$0xFFFFFFF0] =	vst v53  }
0x141: {  	v53 =	vor.u32 v9, v48;
	v55 =	vld.idx.msk [tilespmem:v55+s11+$0x0], $0xffff;
	[tilespmem:s26+$0x1F0] =	vst v61  }
0x142: {  	v61 =	vor.u32 v9, v42;
	v58 =	vld.idx.msk [tilespmem:v58+s11+$0x0], $0xffff;
	[tilespmem:s26+$0xFFFFFDF0] =	vst v50;
	s26 =	smov.u32 s25  }
0x143: {  	v50 =	vld.idx.msk [tilespmem:v59+s11+$0x0], $0xffff;
	v59 =	vor.u32 v9, v40;
	[tilespmem:s25+$0x320] =	vst v54  }
0x144: {  	v54 =	vor.u32 v9, v43;
	s25 =	sadd.s32 $0x800, s25;
	[tilespmem:s26+$0xFFFFFF20] =	vst v56;
	v52 =	vld.idx.msk [tilespmem:v52+s11+$0x0], $0xffff  }
0x145: {  	v56 =	vor.u32 v27, v45;
	[tilespmem:s25+$0x200] =	vst v1;
	v1 =	vld.idx.msk [tilespmem:v60+s11+$0x0], $0xffff  }
0x146: {  	v60 =	vor.u32 v28, v44;
	[tilespmem:s25+$0xFFFFFE00] =	vst v47;
	v53 =	vld.idx.msk [tilespmem:v53+s11+$0x0], $0xffff  }
0x147: {  	v61 =	vld.idx.msk [tilespmem:v61+s11+$0x0], $0xffff;
	[tilespmem:s25+$0x0] =	vst v51;
	v51 =	vor.u32 v27, v46  }
0x148: {  	[tilespmem:s25+$0xFFFFFC00] =	vst v58;
	v58 =	vld.idx.msk [tilespmem:v59+s11+$0x0], $0xffff;
	v59 =	vor.u32 v10, v48  }
0x149: {  	v62 =	vor.u32 v10, v42;
	v47 =	vmov v50;
	v54 =	vld.idx.msk [tilespmem:v54+s11+$0x0], $0xffff;
	[tilespmem:s26+$0x120] =	vst v57  }
0x14a: {  	v50 =	vor.u32 v10, v40;
	v56 =	vld.idx.msk [tilespmem:v56+s11+$0x0], $0xffff;
	[tilespmem:s26+$0x330] =	vst v52  }
0x14b: {  	v52 =	vor.u32 v10, v43;
	[tilespmem:s26+$0xFFFFFD20] =	vst v55;
	v55 =	vld.idx.msk [tilespmem:v60+s11+$0x0], $0xffff  }
0x14c: {  	[tilespmem:s25+$0x210] =	vst v53;
	v51 =	vld.idx.msk [tilespmem:v51+s11+$0x0], $0xffff;
	v53 =	vor.u32 v28, v41  }
0x14d: {  	[tilespmem:s25+$0xFFFFFE10] =	vst v61;
	v57 =	vld.idx.msk [tilespmem:v59+s11+$0x0], $0xffff;
	v59 =	vor.u32 v29, v44  }
0x14e: {  	v60 =	vld.idx.msk [tilespmem:v62+s11+$0x0], $0xffff;
	[tilespmem:s25+$0x10] =	vst v58;
	v58 =	vor.u32 v28, v45  }
0x14f: {  	[tilespmem:s25+$0xFFFFFC10] =	vst v54;
	v50 =	vld.idx.msk [tilespmem:v50+s11+$0x0], $0xffff;
	v54 =	vor.u32 v11, v48  }
0x150: {  	v61 =	vor.u32 v11, v42;
	v52 =	vld.idx.msk [tilespmem:v52+s11+$0x0], $0xffff;
	[tilespmem:s26+$0xFFFFFF30] =	vst v1  }
0x151: {  	v1 =	vor.u32 v11, v40;
	v53 =	vld.idx.msk [tilespmem:v53+s11+$0x0], $0xffff;
	[tilespmem:s26+$0x340] =	vst v55  }
0x152: {  	v55 =	vor.u32 v11, v43;
	[tilespmem:s26+$0x130] =	vst v56;
	v56 =	vld.idx.msk [tilespmem:v59+s11+$0x0], $0xffff  }
0x153: {  	[tilespmem:s25+$0x220] =	vst v57;
	v57 =	vor.u32 v28, v46;
	v58 =	vld.idx.msk [tilespmem:v58+s11+$0x0], $0xffff  }
0x154: {  	v59 =	vor.u32 v30, v44;
	[tilespmem:s25+$0xFFFFFE20] =	vst v60;
	v54 =	vld.idx.msk [tilespmem:v54+s11+$0x0], $0xffff  }
0x155: {  	v60 =	vld.idx.msk [tilespmem:v61+s11+$0x0], $0xffff;
	[tilespmem:s25+$0x20] =	vst v50;
	v50 =	vor.u32 v29, v41  }
0x156: {  	[tilespmem:s25+$0xFFFFFC20] =	vst v52;
	v1 =	vld.idx.msk [tilespmem:v1+s11+$0x0], $0xffff;
	v52 =	vor.u32 v12, v48  }
0x157: {  	v61 =	vor.u32 v12, v42;
	v55 =	vld.idx.msk [tilespmem:v55+s11+$0x0], $0xffff;
	[tilespmem:s26+$0xFFFFFD30] =	vst v51  }
0x158: {  	v51 =	vor.u32 v12, v40;
	v57 =	vld.idx.msk [tilespmem:v57+s11+$0x0], $0xffff;
	[tilespmem:s26+$0x350] =	vst v56  }
0x159: {  	v56 =	vor.u32 v12, v43;
	[tilespmem:s26+$0xFFFFFF40] =	vst v53;
	v53 =	vld.idx.msk [tilespmem:v59+s11+$0x0], $0xffff  }
0x15a: {  	[tilespmem:s25+$0x230] =	vst v54;
	v50 =	vld.idx.msk [tilespmem:v50+s11+$0x0], $0xffff;
	v54 =	vor.u32 v29, v45  }
0x15b: {  	v59 =	vor.u32 v31, v44;
	[tilespmem:s25+$0xFFFFFE30] =	vst v60;
	v52 =	vld.idx.msk [tilespmem:v52+s11+$0x0], $0xffff  }
0x15c: {  	v60 =	vld.idx.msk [tilespmem:v61+s11+$0x0], $0xffff;
	[tilespmem:s25+$0x30] =	vst v1;
	v1 =	vor.u32 v29, v46  }
0x15d: {  	[tilespmem:s25+$0xFFFFFC30] =	vst v55;
	v51 =	vld.idx.msk [tilespmem:v51+s11+$0x0], $0xffff;
	v55 =	vor.u32 v13, v48  }
0x15e: {  	v61 =	vor.u32 v13, v42;
	v56 =	vld.idx.msk [tilespmem:v56+s11+$0x0], $0xffff;
	[tilespmem:s26+$0x140] =	vst v58  }
0x15f: {  	v58 =	vor.u32 v13, v40;
	v54 =	vld.idx.msk [tilespmem:v54+s11+$0x0], $0xffff;
	[tilespmem:s26+$0x360] =	vst v53  }
0x160: {  	v53 =	vor.u32 v13, v43;
	[tilespmem:s26+$0xFFFFFD40] =	vst v57;
	v57 =	vld.idx.msk [tilespmem:v59+s11+$0x0], $0xffff  }
0x161: {  	[tilespmem:s25+$0x240] =	vst v52;
	v1 =	vld.idx.msk [tilespmem:v1+s11+$0x0], $0xffff;
	v52 =	vor.u32 v30, v41  }
0x162: {  	v59 =	vor.u32 v32, v44;
	[tilespmem:s25+$0xFFFFFE40] =	vst v60;
	v55 =	vld.idx.msk [tilespmem:v55+s11+$0x0], $0xffff  }
0x163: {  	v60 =	vld.idx.msk [tilespmem:v61+s11+$0x0], $0xffff;
	[tilespmem:s25+$0x40] =	vst v51;
	v51 =	vor.u32 v30, v45  }
0x164: {  	[tilespmem:s25+$0xFFFFFC40] =	vst v56;
	v56 =	vld.idx.msk [tilespmem:v58+s11+$0x0], $0xffff;
	v58 =	vor.u32 v14, v48  }
0x165: {  	v61 =	vor.u32 v14, v42;
	v53 =	vld.idx.msk [tilespmem:v53+s11+$0x0], $0xffff;
	[tilespmem:s26+$0xFFFFFF50] =	vst v50  }
0x166: {  	v50 =	vor.u32 v14, v40;
	v52 =	vld.idx.msk [tilespmem:v52+s11+$0x0], $0xffff;
	[tilespmem:s26+$0x370] =	vst v57  }
0x167: {  	v57 =	vor.u32 v14, v43;
	[tilespmem:s26+$0x150] =	vst v54;
	v54 =	vld.idx.msk [tilespmem:v59+s11+$0x0], $0xffff  }
0x168: {  	[tilespmem:s25+$0x250] =	vst v55;
	v55 =	vor.u32 v30, v46;
	v51 =	vld.idx.msk [tilespmem:v51+s11+$0x0], $0xffff  }
0x169: {  	v59 =	vor.u32 v33, v44;
	[tilespmem:s25+$0xFFFFFE50] =	vst v60;
	v58 =	vld.idx.msk [tilespmem:v58+s11+$0x0], $0xffff  }
0x16a: {  	v60 =	vld.idx.msk [tilespmem:v61+s11+$0x0], $0xffff;
	[tilespmem:s25+$0x50] =	vst v56;
	v56 =	vor.u32 v31, v41  }
0x16b: {  	[tilespmem:s25+$0xFFFFFC50] =	vst v53;
	v50 =	vld.idx.msk [tilespmem:v50+s11+$0x0], $0xffff;
	v53 =	vor.u32 v15, v48  }
0x16c: {  	v61 =	vor.u32 v15, v42;
	v57 =	vld.idx.msk [tilespmem:v57+s11+$0x0], $0xffff;
	[tilespmem:s26+$0xFFFFFD50] =	vst v1  }
0x16d: {  	v1 =	vor.u32 v15, v40;
	v55 =	vld.idx.msk [tilespmem:v55+s11+$0x0], $0xffff;
	[tilespmem:s26+$0x380] =	vst v54  }
0x16e: {  	v54 =	vor.u32 v15, v43;
	[tilespmem:s26+$0xFFFFFF60] =	vst v52;
	v52 =	vld.idx.msk [tilespmem:v59+s11+$0x0], $0xffff  }
0x16f: {  	[tilespmem:s25+$0x260] =	vst v58;
	v56 =	vld.idx.msk [tilespmem:v56+s11+$0x0], $0xffff;
	v58 =	vor.u32 v31, v45  }
0x170: {  	v59 =	vor.u32 v34, v44;
	[tilespmem:s25+$0xFFFFFE60] =	vst v60;
	v53 =	vld.idx.msk [tilespmem:v53+s11+$0x0], $0xffff  }
0x171: {  	v60 =	vld.idx.msk [tilespmem:v61+s11+$0x0], $0xffff;
	[tilespmem:s25+$0x60] =	vst v50;
	v50 =	vor.u32 v31, v46  }
0x172: {  	[tilespmem:s25+$0xFFFFFC60] =	vst v57;
	v1 =	vld.idx.msk [tilespmem:v1+s11+$0x0], $0xffff;
	v57 =	vor.u32 v16, v48  }
0x173: {  	v61 =	vor.u32 v16, v42;
	v54 =	vld.idx.msk [tilespmem:v54+s11+$0x0], $0xffff;
	[tilespmem:s26+$0x160] =	vst v51  }
0x174: {  	v51 =	vor.u32 v16, v40;
	v58 =	vld.idx.msk [tilespmem:v58+s11+$0x0], $0xffff;
	[tilespmem:s26+$0x390] =	vst v52  }
0x175: {  	v52 =	vor.u32 v16, v43;
	[tilespmem:s26+$0xFFFFFD60] =	vst v55;
	v55 =	vld.idx.msk [tilespmem:v59+s11+$0x0], $0xffff  }
0x176: {  	[tilespmem:s25+$0x270] =	vst v53;
	v50 =	vld.idx.msk [tilespmem:v50+s11+$0x0], $0xffff;
	v53 =	vor.u32 v32, v41  }
0x177: {  	v59 =	vor.u32 v35, v44;
	[tilespmem:s25+$0xFFFFFE70] =	vst v60;
	v57 =	vld.idx.msk [tilespmem:v57+s11+$0x0], $0xffff  }
0x178: {  	v60 =	vld.idx.msk [tilespmem:v61+s11+$0x0], $0xffff;
	[tilespmem:s25+$0x70] =	vst v1;
	v1 =	vor.u32 v32, v45  }
0x179: {  	[tilespmem:s25+$0xFFFFFC70] =	vst v54;
	v51 =	vld.idx.msk [tilespmem:v51+s11+$0x0], $0xffff;
	v54 =	vor.u32 v17, v48  }
0x17a: {  	v61 =	vor.u32 v17, v42;
	v52 =	vld.idx.msk [tilespmem:v52+s11+$0x0], $0xffff;
	[tilespmem:s26+$0xFFFFFF70] =	vst v56  }
0x17b: {  	v56 =	vor.u32 v17, v40;
	v53 =	vld.idx.msk [tilespmem:v53+s11+$0x0], $0xffff;
	[tilespmem:s26+$0x3A0] =	vst v55  }
0x17c: {  	v55 =	vor.u32 v17, v43;
	[tilespmem:s26+$0x170] =	vst v58;
	v58 =	vld.idx.msk [tilespmem:v59+s11+$0x0], $0xffff  }
0x17d: {  	[tilespmem:s25+$0x280] =	vst v57;
	v57 =	vor.u32 v32, v46;
	v1 =	vld.idx.msk [tilespmem:v1+s11+$0x0], $0xffff  }
0x17e: {  	v59 =	vor.u32 v36, v44;
	[tilespmem:s25+$0xFFFFFE80] =	vst v60;
	v54 =	vld.idx.msk [tilespmem:v54+s11+$0x0], $0xffff  }
0x17f: {  	v60 =	vld.idx.msk [tilespmem:v61+s11+$0x0], $0xffff;
	[tilespmem:s25+$0x80] =	vst v51;
	v51 =	vor.u32 v33, v41  }
0x180: {  	[tilespmem:s25+$0xFFFFFC80] =	vst v52;
	v52 =	vld.idx.msk [tilespmem:v56+s11+$0x0], $0xffff;
	v56 =	vor.u32 v18, v48  }
0x181: {  	v61 =	vor.u32 v18, v42;
	v55 =	vld.idx.msk [tilespmem:v55+s11+$0x0], $0xffff;
	[tilespmem:s26+$0xFFFFFD70] =	vst v50  }
0x182: {  	v50 =	vor.u32 v18, v40;
	v57 =	vld.idx.msk [tilespmem:v57+s11+$0x0], $0xffff;
	[tilespmem:s26+$0x3B0] =	vst v58  }
0x183: {  	v58 =	vor.u32 v18, v43;
	[tilespmem:s26+$0xFFFFFF80] =	vst v53;
	v53 =	vld.idx.msk [tilespmem:v59+s11+$0x0], $0xffff  }
0x184: {  	[tilespmem:s25+$0x290] =	vst v54;
	v51 =	vld.idx.msk [tilespmem:v51+s11+$0x0], $0xffff;
	v54 =	vor.u32 v33, v45  }
0x185: {  	v59 =	vor.u32 v37, v44;
	[tilespmem:s25+$0xFFFFFE90] =	vst v60;
	v56 =	vld.idx.msk [tilespmem:v56+s11+$0x0], $0xffff  }
0x186: {  	v60 =	vld.idx.msk [tilespmem:v61+s11+$0x0], $0xffff;
	[tilespmem:s25+$0x90] =	vst v52;
	v52 =	vor.u32 v33, v46  }
0x187: {  	[tilespmem:s25+$0xFFFFFC90] =	vst v55;
	v50 =	vld.idx.msk [tilespmem:v50+s11+$0x0], $0xffff;
	v55 =	vor.u32 v19, v48  }
0x188: {  	v61 =	vor.u32 v19, v42;
	v58 =	vld.idx.msk [tilespmem:v58+s11+$0x0], $0xffff;
	[tilespmem:s26+$0x180] =	vst v1  }
0x189: {  	v1 =	vor.u32 v19, v40;
	v54 =	vld.idx.msk [tilespmem:v54+s11+$0x0], $0xffff;
	[tilespmem:s26+$0x3C0] =	vst v53  }
0x18a: {  	v53 =	vor.u32 v19, v43;
	[tilespmem:s26+$0xFFFFFD80] =	vst v57;
	v57 =	vld.idx.msk [tilespmem:v59+s11+$0x0], $0xffff  }
0x18b: {  	[tilespmem:s25+$0x2A0] =	vst v56;
	v52 =	vld.idx.msk [tilespmem:v52+s11+$0x0], $0xffff;
	v56 =	vor.u32 v34, v41  }
0x18c: {  	v59 =	vor.u32 v38, v44;
	[tilespmem:s25+$0xFFFFFEA0] =	vst v60;
	v55 =	vld.idx.msk [tilespmem:v55+s11+$0x0], $0xffff  }
0x18d: {  	v60 =	vld.idx.msk [tilespmem:v61+s11+$0x0], $0xffff;
	[tilespmem:s25+$0xA0] =	vst v50;
	v50 =	vor.u32 v34, v45  }
0x18e: {  	[tilespmem:s25+$0xFFFFFCA0] =	vst v58;
	v1 =	vld.idx.msk [tilespmem:v1+s11+$0x0], $0xffff;
	v58 =	vor.u32 v20, v48  }
0x18f: {  	v61 =	vor.u32 v20, v42;
	v53 =	vld.idx.msk [tilespmem:v53+s11+$0x0], $0xffff;
	[tilespmem:s26+$0xFFFFFF90] =	vst v51  }
0x190: {  	v51 =	vor.u32 v20, v40;
	v56 =	vld.idx.msk [tilespmem:v56+s11+$0x0], $0xffff;
	[tilespmem:s26+$0x3D0] =	vst v57  }
0x191: {  	v57 =	vor.u32 v20, v43;
	[tilespmem:s26+$0x190] =	vst v54;
	v54 =	vld.idx.msk [tilespmem:v59+s11+$0x0], $0xffff  }
0x192: {  	[tilespmem:s25+$0x2B0] =	vst v55;
	v55 =	vor.u32 v34, v46;
	v50 =	vld.idx.msk [tilespmem:v50+s11+$0x0], $0xffff  }
0x193: {  	v59 =	vor.u32 v39, v44;
	v44 =	vmov v48;
	[tilespmem:s25+$0xFFFFFEB0] =	vst v60;
	v58 =	vld.idx.msk [tilespmem:v58+s11+$0x0], $0xffff  }
0x194: {  	v60 =	vld.idx.msk [tilespmem:v61+s11+$0x0], $0xffff;
	[tilespmem:s25+$0xB0] =	vst v1;
	v1 =	vor.u32 v35, v41  }
0x195: {  	s31 =	sadd.s32 $0x2, s30;
	[tilespmem:s25+$0xFFFFFCB0] =	vst v53;
	v51 =	vld.idx.msk [tilespmem:v51+s11+$0x0], $0xffff;
	v53 =	vor.u32 v21, v44  }
0x196: {  	v48 =	vmov s31;
	v61 =	vor.u32 v21, v42;
	v57 =	vld.idx.msk [tilespmem:v57+s11+$0x0], $0xffff;
	[tilespmem:s26+$0xFFFFFD90] =	vst v52  }
0x197: {  	v48 =	vand.u32 $0x1E, v48;
	v52 =	vor.u32 v21, v40;
	v55 =	vld.idx.msk [tilespmem:v55+s11+$0x0], $0xffff;
	[tilespmem:s26+$0x3E0] =	vst v54  }
0x198: {  	v48 =	vbroadcast v48, $0x0;
	v54 =	vor.u32 v21, v43;
	[tilespmem:s26+$0xFFFFFFA0] =	vst v56;
	v56 =	vld.idx.msk [tilespmem:v59+s11+$0x0], $0xffff  }
0x199: {  	[tilespmem:s25+$0x2C0] =	vst v58;
	v1 =	vld.idx.msk [tilespmem:v1+s11+$0x0], $0xffff;
	v58 =	vor.u32 v35, v45  }
0x19a: {  	v59 =	vor.u32 v3, v48;
	[tilespmem:s25+$0xFFFFFEC0] =	vst v60;
	v53 =	vld.idx.msk [tilespmem:v53+s11+$0x0], $0xffff  }
0x19b: {  	v60 =	vld.idx.msk [tilespmem:v61+s11+$0x0], $0xffff;
	[tilespmem:s25+$0xC0] =	vst v51;
	v61 =	vor.u32 v35, v46  }
0x19c: {  	[tilespmem:s25+$0xFFFFFCC0] =	vst v57;
	v52 =	vld.idx.msk [tilespmem:v52+s11+$0x0], $0xffff;
	v57 =	vor.u32 v22, v44  }
0x19d: {  	v62 =	vor.u32 v22, v42;
	v54 =	vld.idx.msk [tilespmem:v54+s11+$0x0], $0xffff;
	[tilespmem:s26+$0x1A0] =	vst v50  }
0x19e: {  	v50 =	vor.u32 v22, v40;
	v58 =	vld.idx.msk [tilespmem:v58+s11+$0x0], $0xffff;
	[tilespmem:s26+$0x3F0] =	vst v56  }
0x19f: {  	v56 =	vor.u32 v22, v43;
	v51 =	vld.idx.msk [tilespmem:v59+s11+$0x0], $0xffff;
	[tilespmem:s26+$0xFFFFFDA0] =	vst v55  }
0x1a0: {  	v55 =	vor.u32 v36, v41;
	[tilespmem:s25+$0x2D0] =	vst v53;
	v53 =	vld.idx.msk [tilespmem:v61+s11+$0x0], $0xffff  }
0x1a1: {  	v59 =	vor.u32 v36, v45;
	[tilespmem:s25+$0xFFFFFED0] =	vst v60;
	v57 =	vld.idx.msk [tilespmem:v57+s11+$0x0], $0xffff  }
0x1a2: {  	v60 =	vld.idx.msk [tilespmem:v62+s11+$0x0], $0xffff;
	[tilespmem:s25+$0xD0] =	vst v52;
	v52 =	vor.u32 v36, v46  }
0x1a3: {  	[tilespmem:s25+$0xFFFFFCD0] =	vst v54;
	v50 =	vld.idx.msk [tilespmem:v50+s11+$0x0], $0xffff;
	v54 =	vor.u32 v23, v44  }
0x1a4: {  	v61 =	vor.u32 v23, v42;
	v56 =	vld.idx.msk [tilespmem:v56+s11+$0x0], $0xffff;
	[tilespmem:s26+$0xFFFFFFB0] =	vst v1  }
0x1a5: {  	v1 =	vor.u32 v23, v40;
	v55 =	vld.idx.msk [tilespmem:v55+s11+$0x0], $0xffff;
	[tilespmem:s26+$0x1B0] =	vst v58  }
0x1a6: {  	v58 =	vor.u32 v23, v43;
	[tilespmem:s26+$0xFFFFFDB0] =	vst v53;
	v53 =	vld.idx.msk [tilespmem:v59+s11+$0x0], $0xffff  }
0x1a7: {  	[tilespmem:s25+$0x2E0] =	vst v57;
	v52 =	vld.idx.msk [tilespmem:v52+s11+$0x0], $0xffff;
	v57 =	vor.u32 v37, v41  }
0x1a8: {  	v59 =	vor.u32 v37, v45;
	[tilespmem:s25+$0xFFFFFEE0] =	vst v60;
	v54 =	vld.idx.msk [tilespmem:v54+s11+$0x0], $0xffff  }
0x1a9: {  	v60 =	vld.idx.msk [tilespmem:v61+s11+$0x0], $0xffff;
	[tilespmem:s25+$0xE0] =	vst v50;
	v50 =	vor.u32 v37, v46  }
0x1aa: {  	[tilespmem:s25+$0xFFFFFCE0] =	vst v56;
	v1 =	vld.idx.msk [tilespmem:v1+s11+$0x0], $0xffff;
	v56 =	vor.u32 v24, v44  }
0x1ab: {  	v61 =	vor.u32 v24, v42;
	v58 =	vld.idx.msk [tilespmem:v58+s11+$0x0], $0xffff;
	[tilespmem:s26+$0xFFFFFFC0] =	vst v55  }
0x1ac: {  	v55 =	vor.u32 v24, v40;
	v57 =	vld.idx.msk [tilespmem:v57+s11+$0x0], $0xffff;
	[tilespmem:s26+$0x1C0] =	vst v53  }
0x1ad: {  	v53 =	vor.u32 v24, v43;
	[tilespmem:s26+$0xFFFFFDC0] =	vst v52;
	v52 =	vld.idx.msk [tilespmem:v59+s11+$0x0], $0xffff  }
0x1ae: {  	v63 =	vor.u32 v38, v41;
	[tilespmem:s25+$0x2F0] =	vst v54;
	v50 =	vld.idx.msk [tilespmem:v50+s11+$0x0], $0xffff  }
0x1af: {  	v4 =	vor.u32 v38, v45;
	[tilespmem:s25+$0xFFFFFEF0] =	vst v60;
	v2 =	vld.idx.msk [tilespmem:v56+s11+$0x0], $0xffff  }
0x1b0: {  	v59 =	vld.idx.msk [tilespmem:v61+s11+$0x0], $0xffff;
	[tilespmem:s25+$0xF0] =	vst v1;
	v1 =	vor.u32 v38, v46  }
.Ltmp0:
0x1b1: {  	v62 =	vor.u32 v25, v44;
	[tilespmem:s25+$0xFFFFFCF0] =	vst v58;
	v58 =	vld.idx.msk [tilespmem:v55+s11+$0x0], $0xffff;
	(pc) =	sbr.rel @p0 .LBB2_3-.Ltmp0, $4  }
0x1b2: {  	v60 =	vor.u32 v25, v42;
	v56 =	vld.idx.msk [tilespmem:v53+s11+$0x0], $0xffff;
	[tilespmem:s26+$0xFFFFFFD0] =	vst v57  }
0x1b3: {  	v54 =	vor.u32 v25, v40;
	v55 =	vld.idx.msk [tilespmem:v63+s11+$0x0], $0xffff;
	[tilespmem:s26+$0x1D0] =	vst v52  }
0x1b4: {  	v52 =	vor.u32 v25, v43;
	[tilespmem:s26+$0xFFFFFDD0] =	vst v50;
	v57 =	vld.idx.msk [tilespmem:v4+s11+$0x0], $0xffff  }
0x1b5: {  	s30 =	sadd.s32 $0x4, s30;
	s31 =	sadd.s32 $0x3, s29;
	v53 =	vor.u32 v39, v41;
	v41 =	vmov v42;
	v42 =	vmov v49;
	[tilespmem:s25+$0x300] =	vst v2;
	v61 =	vld.idx.msk [tilespmem:v1+s11+$0x0], $0xffff  }
0x1b6: {  	v1 =	vmov s31  }
0x1b7: {  	v1 =	vand.u32 $0x1F, v1  }
0x1b8: {  	v50 =	vbroadcast v1, $0x0  }
0x1b9: {  	v1 =	vmov s29  }
0x1ba: {  	v1 =	vand.u32 $0x1C, v1;
	v2 =	vor.u32 v3, v50  }
0x1bb: {  	v49 =	vbroadcast v1, $0x0;
	_ =	sdelay $0x1  }
0x1bc: {  	[tilespmem:s25+$0xFFFFFF00] =	vst v59;
	v1 =	vor.u32 v3, v49  }
0x1bd: {  	[tilespmem:s25+$0x100] =	vst v58;
	v4 =	vld.idx.msk [tilespmem:v62+s11+$0x0], $0xffff;
	v62 =	vor.u32 v9, v42  }
0x1be: {  	[tilespmem:s25+$0xFFFFFD00] =	vst v56;
	v2 =	vld.idx.msk [tilespmem:v2+s11+$0x0], $0xffff  }
0x1bf: {  	[tilespmem:s26+$0xFFFFFFE0] =	vst v55;
	v55 =	vor.u32 v9, v50  }
0x1c0: {  	s29 =	sadd.s32 $0x800, s25;
	[tilespmem:s26+$0x1E0] =	vst v57  }
0x1c1: {  	v63 =	vor.u32 v9, v48;
	[tilespmem:s29+$0xFFFFFE00] =	vst v47;
	v1 =	vld.idx.msk [tilespmem:v1+s11+$0x0], $0xffff  }
0x1c2: {  	[tilespmem:s25+$0x310] =	vst v4;
	v47 =	vld.idx.msk [tilespmem:v62+s11+$0x0], $0xffff;
	v4 =	vor.u32 v9, v49  }
0x1c3: {  	v60 =	vld.idx.msk [tilespmem:v60+s11+$0x0], $0xffff;
	v62 =	vor.u32 v10, v42;
	[tilespmem:s29+$0x200] =	vst v2  }
0x1c4: {  	[tilespmem:s29+$0x0] =	vst v51;
	v2 =	vld.idx.msk [tilespmem:v55+s11+$0x0], $0xffff  }
0x1c5: {  	v54 =	vld.idx.msk [tilespmem:v54+s11+$0x0], $0xffff;
	[tilespmem:s26+$0xFFFFFDE0] =	vst v61;
	v61 =	vor.u32 v10, v50  }
0x1c6: {  	[tilespmem:s29+$0xFFFFFC00] =	vst v1;
	v1 =	vld.idx.msk [tilespmem:v63+s11+$0x0], $0xffff  }
0x1c7: {  	[tilespmem:s29+$0xFFFFFE10] =	vst v47;
	v63 =	vor.u32 v10, v48;
	v4 =	vld.idx.msk [tilespmem:v4+s11+$0x0], $0xffff  }
0x1c8: {  	[tilespmem:s25+$0xFFFFFF10] =	vst v60;
	v60 =	vor.u32 v10, v49;
	v47 =	vld.idx.msk [tilespmem:v62+s11+$0x0], $0xffff  }
0x1c9: {  	v52 =	vld.idx.msk [tilespmem:v52+s11+$0x0], $0xffff;
	v62 =	vor.u32 v11, v42;
	[tilespmem:s29+$0x210] =	vst v2  }
0x1ca: {  	[tilespmem:s25+$0x110] =	vst v54;
	v2 =	vor.u32 v39, v46;
	v61 =	vld.idx.msk [tilespmem:v61+s11+$0x0], $0xffff  }
0x1cb: {  	v53 =	vld.idx.msk [tilespmem:v53+s11+$0x0], $0xffff;
	[tilespmem:s29+$0x10] =	vst v1;
	v1 =	vor.u32 v11, v50  }
0x1cc: {  	v45 =	vor.u32 v39, v45;
	[tilespmem:s29+$0xFFFFFC10] =	vst v4;
	v4 =	vld.idx.msk [tilespmem:v63+s11+$0x0], $0xffff  }
0x1cd: {  	v57 =	vor.u32 v11, v48;
	[tilespmem:s29+$0xFFFFFE20] =	vst v47;
	v63 =	vld.idx.msk [tilespmem:v60+s11+$0x0], $0xffff  }
0x1ce: {  	v58 =	vor.u32 v11, v49;
	[tilespmem:s25+$0xFFFFFD10] =	vst v52;
	v47 =	vld.idx.msk [tilespmem:v62+s11+$0x0], $0xffff  }
0x1cf: {  	v62 =	vor.u32 v12, v42;
	v2 =	vld.idx.msk [tilespmem:v2+s11+$0x0], $0xffff;
	[tilespmem:s29+$0x220] =	vst v61  }
0x1d0: {  	v59 =	vor.u32 v26, v44;
	[tilespmem:s26+$0xFFFFFFF0] =	vst v53;
	v1 =	vld.idx.msk [tilespmem:v1+s11+$0x0], $0xffff  }
0x1d1: {  	v45 =	vld.idx.msk [tilespmem:v45+s11+$0x0], $0xffff;
	[tilespmem:s29+$0x20] =	vst v4;
	v4 =	vor.u32 v12, v50  }
0x1d2: {  	v60 =	vor.u32 v26, v41;
	[tilespmem:s29+$0xFFFFFC20] =	vst v63;
	v61 =	vld.idx.msk [tilespmem:v57+s11+$0x0], $0xffff  }
0x1d3: {  	[tilespmem:s29+$0xFFFFFE30] =	vst v47;
	v57 =	vor.u32 v12, v48;
	v63 =	vld.idx.msk [tilespmem:v58+s11+$0x0], $0xffff  }
0x1d4: {  	v47 =	vld.idx.msk [tilespmem:v62+s11+$0x0], $0xffff;
	[tilespmem:s26+$0xFFFFFDF0] =	vst v2;
	v2 =	vor.u32 v12, v49  }
0x1d5: {  	v58 =	vld.idx.msk [tilespmem:v59+s11+$0x0], $0xffff;
	v59 =	vor.u32 v26, v40;
	[tilespmem:s29+$0x230] =	vst v1  }
0x1d6: {  	[tilespmem:s26+$0x1F0] =	vst v45;
	v1 =	vor.u32 v27, v44;
	v4 =	vld.idx.msk [tilespmem:v4+s11+$0x0], $0xffff  }
0x1d7: {  	v46 =	vld.idx.msk [tilespmem:v60+s11+$0x0], $0xffff;
	v60 =	vor.u32 v13, v50;
	[tilespmem:s29+$0x30] =	vst v61  }
0x1d8: {  	v61 =	vor.u32 v13, v42;
	[tilespmem:s29+$0xFFFFFC30] =	vst v63;
	v45 =	vld.idx.msk [tilespmem:v57+s11+$0x0], $0xffff  }
0x1d9: {  	v62 =	vor.u32 v13, v48;
	[tilespmem:s29+$0xFFFFFE40] =	vst v47;
	v2 =	vld.idx.msk [tilespmem:v2+s11+$0x0], $0xffff  }
0x1da: {  	[tilespmem:s25+$0x320] =	vst v58;
	v63 =	vld.idx.msk [tilespmem:v59+s11+$0x0], $0xffff;
	v57 =	vor.u32 v13, v49  }
0x1db: {  	v58 =	vor.u32 v26, v43;
	v1 =	vld.idx.msk [tilespmem:v1+s11+$0x0], $0xffff;
	[tilespmem:s29+$0x240] =	vst v4  }
0x1dc: {  	[tilespmem:s25+$0xFFFFFF20] =	vst v46;
	v4 =	vor.u32 v27, v41;
	v59 =	vld.idx.msk [tilespmem:v60+s11+$0x0], $0xffff  }
0x1dd: {  	v60 =	vld.idx.msk [tilespmem:v61+s11+$0x0], $0xffff;
	[tilespmem:s29+$0x40] =	vst v45;
	v61 =	vor.u32 v14, v50  }
0x1de: {  	[tilespmem:s29+$0xFFFFFC40] =	vst v2;
	v2 =	vld.idx.msk [tilespmem:v62+s11+$0x0], $0xffff;
	v62 =	vor.u32 v14, v42  }
0x1df: {  	[tilespmem:s25+$0x120] =	vst v63;
	v63 =	vor.u32 v14, v48;
	v46 =	vld.idx.msk [tilespmem:v57+s11+$0x0], $0xffff  }
0x1e0: {  	v57 =	vld.idx.msk [tilespmem:v58+s11+$0x0], $0xffff;
	[tilespmem:s25+$0x330] =	vst v1;
	v1 =	vor.u32 v14, v49  }
0x1e1: {  	v58 =	vor.u32 v28, v44;
	v4 =	vld.idx.msk [tilespmem:v4+s11+$0x0], $0xffff;
	[tilespmem:s29+$0x250] =	vst v59  }
0x1e2: {  	v59 =	vor.u32 v27, v40;
	[tilespmem:s29+$0xFFFFFE50] =	vst v60;
	v45 =	vld.idx.msk [tilespmem:v61+s11+$0x0], $0xffff  }
0x1e3: {  	v51 =	vld.idx.msk [tilespmem:v62+s11+$0x0], $0xffff;
	[tilespmem:s29+$0x50] =	vst v2;
	v2 =	vor.u32 v15, v50  }
0x1e4: {  	v61 =	vor.u32 v15, v42;
	[tilespmem:s29+$0xFFFFFC50] =	vst v46;
	v60 =	vld.idx.msk [tilespmem:v63+s11+$0x0], $0xffff  }
0x1e5: {  	v62 =	vor.u32 v15, v48;
	[tilespmem:s25+$0xFFFFFD20] =	vst v57;
	v1 =	vld.idx.msk [tilespmem:v1+s11+$0x0], $0xffff  }
0x1e6: {  	v63 =	vld.idx.msk [tilespmem:v58+s11+$0x0], $0xffff;
	[tilespmem:s25+$0xFFFFFF30] =	vst v4;
	v4 =	vor.u32 v15, v49  }
0x1e7: {  	v57 =	vor.u32 v27, v43;
	v47 =	vld.idx.msk [tilespmem:v59+s11+$0x0], $0xffff;
	[tilespmem:s29+$0x260] =	vst v45  }
0x1e8: {  	v58 =	vor.u32 v29, v44;
	[tilespmem:s29+$0xFFFFFE60] =	vst v51;
	v2 =	vld.idx.msk [tilespmem:v2+s11+$0x0], $0xffff  }
0x1e9: {  	v59 =	vor.u32 v16, v50;
	v51 =	vld.idx.msk [tilespmem:v61+s11+$0x0], $0xffff;
	[tilespmem:s29+$0x60] =	vst v60  }
0x1ea: {  	v60 =	vor.u32 v16, v42;
	[tilespmem:s29+$0xFFFFFC60] =	vst v1;
	v1 =	vld.idx.msk [tilespmem:v62+s11+$0x0], $0xffff  }
0x1eb: {  	[tilespmem:s25+$0x340] =	vst v63;
	v61 =	vor.u32 v16, v48;
	v4 =	vld.idx.msk [tilespmem:v4+s11+$0x0], $0xffff  }
0x1ec: {  	v63 =	vor.u32 v16, v49;
	v62 =	vld.idx.msk [tilespmem:v57+s11+$0x0], $0xffff;
	[tilespmem:s25+$0x130] =	vst v47  }
0x1ed: {  	v57 =	vor.u32 v28, v41;
	v45 =	vld.idx.msk [tilespmem:v58+s11+$0x0], $0xffff;
	[tilespmem:s29+$0x270] =	vst v2  }
0x1ee: {  	v2 =	vor.u32 v28, v40;
	[tilespmem:s29+$0xFFFFFE70] =	vst v51;
	v46 =	vld.idx.msk [tilespmem:v59+s11+$0x0], $0xffff  }
0x1ef: {  	v51 =	vld.idx.msk [tilespmem:v60+s11+$0x0], $0xffff;
	[tilespmem:s29+$0x70] =	vst v1;
	v1 =	vor.u32 v17, v50  }
0x1f0: {  	v58 =	vor.u32 v17, v42;
	[tilespmem:s29+$0xFFFFFC70] =	vst v4;
	v4 =	vld.idx.msk [tilespmem:v61+s11+$0x0], $0xffff  }
0x1f1: {  	[tilespmem:s25+$0xFFFFFD30] =	vst v62;
	v59 =	vor.u32 v17, v48;
	v47 =	vld.idx.msk [tilespmem:v63+s11+$0x0], $0xffff  }
0x1f2: {  	v60 =	vld.idx.msk [tilespmem:v57+s11+$0x0], $0xffff;
	[tilespmem:s25+$0x350] =	vst v45;
	v61 =	vor.u32 v17, v49  }
0x1f3: {  	v62 =	vor.u32 v30, v44;
	v2 =	vld.idx.msk [tilespmem:v2+s11+$0x0], $0xffff;
	[tilespmem:s29+$0x280] =	vst v46  }
0x1f4: {  	v63 =	vor.u32 v28, v43;
	[tilespmem:s29+$0xFFFFFE80] =	vst v51;
	v1 =	vld.idx.msk [tilespmem:v1+s11+$0x0], $0xffff  }
0x1f5: {  	v51 =	vld.idx.msk [tilespmem:v58+s11+$0x0], $0xffff;
	[tilespmem:s29+$0x80] =	vst v4;
	v4 =	vor.u32 v18, v50  }
0x1f6: {  	v58 =	vor.u32 v18, v42;
	[tilespmem:s29+$0xFFFFFC80] =	vst v47;
	v57 =	vld.idx.msk [tilespmem:v59+s11+$0x0], $0xffff  }
0x1f7: {  	[tilespmem:s25+$0xFFFFFF40] =	vst v60;
	v59 =	vor.u32 v18, v48;
	v45 =	vld.idx.msk [tilespmem:v61+s11+$0x0], $0xffff  }
0x1f8: {  	v60 =	vld.idx.msk [tilespmem:v62+s11+$0x0], $0xffff;
	[tilespmem:s25+$0x140] =	vst v2;
	v2 =	vor.u32 v18, v49  }
0x1f9: {  	v46 =	vld.idx.msk [tilespmem:v63+s11+$0x0], $0xffff;
	v61 =	vor.u32 v29, v41;
	[tilespmem:s29+$0x290] =	vst v1  }
0x1fa: {  	v1 =	vor.u32 v31, v44;
	[tilespmem:s29+$0xFFFFFE90] =	vst v51;
	v4 =	vld.idx.msk [tilespmem:v4+s11+$0x0], $0xffff  }
0x1fb: {  	v62 =	vor.u32 v19, v50;
	v51 =	vld.idx.msk [tilespmem:v58+s11+$0x0], $0xffff;
	[tilespmem:s29+$0x90] =	vst v57  }
0x1fc: {  	v57 =	vor.u32 v19, v42;
	[tilespmem:s29+$0xFFFFFC90] =	vst v45;
	v63 =	vld.idx.msk [tilespmem:v59+s11+$0x0], $0xffff  }
0x1fd: {  	[tilespmem:s25+$0x360] =	vst v60;
	v58 =	vor.u32 v19, v48;
	v2 =	vld.idx.msk [tilespmem:v2+s11+$0x0], $0xffff  }
0x1fe: {  	v60 =	vor.u32 v19, v49;
	[tilespmem:s25+$0xFFFFFD40] =	vst v46;
	v59 =	vld.idx.msk [tilespmem:v61+s11+$0x0], $0xffff  }
0x1ff: {  	v61 =	vor.u32 v29, v40;
	v1 =	vld.idx.msk [tilespmem:v1+s11+$0x0], $0xffff;
	[tilespmem:s29+$0x2A0] =	vst v4  }
0x200: {  	v4 =	vor.u32 v29, v43;
	[tilespmem:s29+$0xFFFFFEA0] =	vst v51;
	v47 =	vld.idx.msk [tilespmem:v62+s11+$0x0], $0xffff  }
0x201: {  	v51 =	vld.idx.msk [tilespmem:v57+s11+$0x0], $0xffff;
	[tilespmem:s29+$0xA0] =	vst v63;
	v62 =	vor.u32 v20, v50  }
0x202: {  	v63 =	vor.u32 v20, v42;
	[tilespmem:s29+$0xFFFFFCA0] =	vst v2;
	v2 =	vld.idx.msk [tilespmem:v58+s11+$0x0], $0xffff  }
0x203: {  	[tilespmem:s25+$0xFFFFFF50] =	vst v59;
	v57 =	vor.u32 v20, v48;
	v46 =	vld.idx.msk [tilespmem:v60+s11+$0x0], $0xffff  }
0x204: {  	v58 =	vld.idx.msk [tilespmem:v61+s11+$0x0], $0xffff;
	[tilespmem:s25+$0x370] =	vst v1;
	v1 =	vor.u32 v20, v49  }
0x205: {  	v59 =	vor.u32 v32, v44;
	v4 =	vld.idx.msk [tilespmem:v4+s11+$0x0], $0xffff;
	[tilespmem:s29+$0x2B0] =	vst v47  }
0x206: {  	v60 =	vor.u32 v30, v41;
	[tilespmem:s29+$0xFFFFFEB0] =	vst v51;
	v45 =	vld.idx.msk [tilespmem:v62+s11+$0x0], $0xffff  }
0x207: {  	v51 =	vld.idx.msk [tilespmem:v63+s11+$0x0], $0xffff;
	[tilespmem:s29+$0xB0] =	vst v2;
	v2 =	vor.u32 v21, v50  }
0x208: {  	v62 =	vor.u32 v21, v42;
	[tilespmem:s29+$0xFFFFFCB0] =	vst v46;
	v61 =	vld.idx.msk [tilespmem:v57+s11+$0x0], $0xffff  }
0x209: {  	[tilespmem:s25+$0x150] =	vst v58;
	v63 =	vor.u32 v21, v48;
	v1 =	vld.idx.msk [tilespmem:v1+s11+$0x0], $0xffff  }
0x20a: {  	v57 =	vld.idx.msk [tilespmem:v59+s11+$0x0], $0xffff;
	[tilespmem:s25+$0xFFFFFD50] =	vst v4;
	v4 =	vor.u32 v21, v49  }
0x20b: {  	v58 =	vor.u32 v30, v40;
	v47 =	vld.idx.msk [tilespmem:v60+s11+$0x0], $0xffff;
	[tilespmem:s29+$0x2C0] =	vst v45  }
0x20c: {  	v59 =	vor.u32 v33, v44;
	[tilespmem:s29+$0xFFFFFEC0] =	vst v51;
	v2 =	vld.idx.msk [tilespmem:v2+s11+$0x0], $0xffff  }
0x20d: {  	v60 =	vor.u32 v22, v50;
	v51 =	vld.idx.msk [tilespmem:v62+s11+$0x0], $0xffff;
	[tilespmem:s29+$0xC0] =	vst v61  }
0x20e: {  	v61 =	vor.u32 v22, v42;
	[tilespmem:s29+$0xFFFFFCC0] =	vst v1;
	v1 =	vld.idx.msk [tilespmem:v63+s11+$0x0], $0xffff  }
0x20f: {  	[tilespmem:s25+$0x380] =	vst v57;
	v62 =	vor.u32 v22, v48;
	v4 =	vld.idx.msk [tilespmem:v4+s11+$0x0], $0xffff  }
0x210: {  	[tilespmem:s25+$0xFFFFFF60] =	vst v47;
	v57 =	vor.u32 v22, v49;
	v63 =	vld.idx.msk [tilespmem:v58+s11+$0x0], $0xffff  }
0x211: {  	v58 =	vor.u32 v30, v43;
	v45 =	vld.idx.msk [tilespmem:v59+s11+$0x0], $0xffff;
	[tilespmem:s29+$0x2D0] =	vst v2  }
0x212: {  	v2 =	vor.u32 v31, v41;
	[tilespmem:s29+$0xFFFFFED0] =	vst v51;
	v46 =	vld.idx.msk [tilespmem:v60+s11+$0x0], $0xffff  }
0x213: {  	v51 =	vld.idx.msk [tilespmem:v61+s11+$0x0], $0xffff;
	[tilespmem:s29+$0xD0] =	vst v1;
	v1 =	vor.u32 v23, v50  }
0x214: {  	v59 =	vor.u32 v23, v42;
	[tilespmem:s29+$0xFFFFFCD0] =	vst v4;
	v4 =	vld.idx.msk [tilespmem:v62+s11+$0x0], $0xffff  }
0x215: {  	[tilespmem:s25+$0x160] =	vst v63;
	v60 =	vor.u32 v23, v48;
	v47 =	vld.idx.msk [tilespmem:v57+s11+$0x0], $0xffff  }
0x216: {  	v61 =	vld.idx.msk [tilespmem:v58+s11+$0x0], $0xffff;
	[tilespmem:s25+$0x390] =	vst v45;
	v62 =	vor.u32 v23, v49  }
0x217: {  	v63 =	vor.u32 v34, v44;
	v2 =	vld.idx.msk [tilespmem:v2+s11+$0x0], $0xffff;
	[tilespmem:s29+$0x2E0] =	vst v46  }
0x218: {  	v57 =	vor.u32 v31, v40;
	[tilespmem:s29+$0xFFFFFEE0] =	vst v51;
	v1 =	vld.idx.msk [tilespmem:v1+s11+$0x0], $0xffff  }
0x219: {  	v51 =	vld.idx.msk [tilespmem:v59+s11+$0x0], $0xffff;
	[tilespmem:s29+$0xE0] =	vst v4;
	v4 =	vor.u32 v24, v50  }
0x21a: {  	v59 =	vor.u32 v24, v42;
	[tilespmem:s29+$0xFFFFFCE0] =	vst v47;
	v58 =	vld.idx.msk [tilespmem:v60+s11+$0x0], $0xffff  }
0x21b: {  	[tilespmem:s25+$0xFFFFFD60] =	vst v61;
	v60 =	vor.u32 v24, v48;
	v45 =	vld.idx.msk [tilespmem:v62+s11+$0x0], $0xffff  }
0x21c: {  	v61 =	vld.idx.msk [tilespmem:v63+s11+$0x0], $0xffff;
	[tilespmem:s25+$0xFFFFFF70] =	vst v2;
	v2 =	vor.u32 v24, v49  }
0x21d: {  	v46 =	vld.idx.msk [tilespmem:v57+s11+$0x0], $0xffff;
	v62 =	vor.u32 v31, v43;
	[tilespmem:s29+$0x2F0] =	vst v1  }
0x21e: {  	v1 =	vor.u32 v35, v44;
	[tilespmem:s29+$0xFFFFFEF0] =	vst v51;
	v4 =	vld.idx.msk [tilespmem:v4+s11+$0x0], $0xffff  }
0x21f: {  	v63 =	vor.u32 v25, v50;
	v51 =	vld.idx.msk [tilespmem:v59+s11+$0x0], $0xffff;
	[tilespmem:s29+$0xF0] =	vst v58  }
0x220: {  	v58 =	vor.u32 v25, v42;
	[tilespmem:s29+$0xFFFFFCF0] =	vst v45;
	v57 =	vld.idx.msk [tilespmem:v60+s11+$0x0], $0xffff  }
0x221: {  	[tilespmem:s25+$0x3A0] =	vst v61;
	v59 =	vor.u32 v25, v48;
	v2 =	vld.idx.msk [tilespmem:v2+s11+$0x0], $0xffff  }
0x222: {  	v61 =	vor.u32 v25, v49;
	[tilespmem:s25+$0x170] =	vst v46;
	v60 =	vld.idx.msk [tilespmem:v62+s11+$0x0], $0xffff  }
0x223: {  	v62 =	vor.u32 v32, v41;
	v1 =	vld.idx.msk [tilespmem:v1+s11+$0x0], $0xffff;
	[tilespmem:s29+$0x300] =	vst v4  }
0x224: {  	v4 =	vor.u32 v32, v40;
	[tilespmem:s29+$0xFFFFFF00] =	vst v51;
	v47 =	vld.idx.msk [tilespmem:v63+s11+$0x0], $0xffff  }
0x225: {  	v51 =	vld.idx.msk [tilespmem:v58+s11+$0x0], $0xffff;
	[tilespmem:s29+$0x100] =	vst v57;
	v63 =	vor.u32 v26, v50  }
0x226: {  	v57 =	vor.u32 v26, v42;
	[tilespmem:s29+$0xFFFFFD00] =	vst v2;
	v2 =	vld.idx.msk [tilespmem:v59+s11+$0x0], $0xffff  }
0x227: {  	[tilespmem:s25+$0xFFFFFD70] =	vst v60;
	v58 =	vor.u32 v26, v48;
	v46 =	vld.idx.msk [tilespmem:v61+s11+$0x0], $0xffff  }
0x228: {  	v59 =	vld.idx.msk [tilespmem:v62+s11+$0x0], $0xffff;
	[tilespmem:s25+$0x3B0] =	vst v1;
	v1 =	vor.u32 v26, v49  }
0x229: {  	v60 =	vor.u32 v36, v44;
	v4 =	vld.idx.msk [tilespmem:v4+s11+$0x0], $0xffff;
	[tilespmem:s29+$0x310] =	vst v47  }
0x22a: {  	v61 =	vor.u32 v32, v43;
	[tilespmem:s29+$0xFFFFFF10] =	vst v51;
	v45 =	vld.idx.msk [tilespmem:v63+s11+$0x0], $0xffff  }
0x22b: {  	v51 =	vld.idx.msk [tilespmem:v57+s11+$0x0], $0xffff;
	[tilespmem:s29+$0x110] =	vst v2;
	v2 =	vor.u32 v27, v50  }
0x22c: {  	v62 =	vor.u32 v27, v42;
	[tilespmem:s29+$0xFFFFFD10] =	vst v46;
	v63 =	vld.idx.msk [tilespmem:v58+s11+$0x0], $0xffff  }
0x22d: {  	[tilespmem:s25+$0xFFFFFF80] =	vst v59;
	v57 =	vor.u32 v27, v48;
	v1 =	vld.idx.msk [tilespmem:v1+s11+$0x0], $0xffff  }
0x22e: {  	v58 =	vld.idx.msk [tilespmem:v60+s11+$0x0], $0xffff;
	[tilespmem:s25+$0x180] =	vst v4;
	v4 =	vor.u32 v27, v49  }
0x22f: {  	v59 =	vor.u32 v33, v41;
	v47 =	vld.idx.msk [tilespmem:v61+s11+$0x0], $0xffff;
	[tilespmem:s29+$0x320] =	vst v45  }
0x230: {  	v60 =	vor.u32 v37, v44;
	[tilespmem:s29+$0xFFFFFF20] =	vst v51;
	v2 =	vld.idx.msk [tilespmem:v2+s11+$0x0], $0xffff  }
0x231: {  	v61 =	vor.u32 v28, v50;
	v46 =	vld.idx.msk [tilespmem:v62+s11+$0x0], $0xffff;
	[tilespmem:s29+$0x120] =	vst v63  }
0x232: {  	v52 =	vld.idx.msk [tilespmem:v57+s11+$0x0], $0xffff;
	[tilespmem:s29+$0xFFFFFD20] =	vst v1;
	v1 =	vor.u32 v28, v42  }
0x233: {  	[tilespmem:s25+$0x3C0] =	vst v58;
	v62 =	vor.u32 v28, v48;
	v4 =	vld.idx.msk [tilespmem:v4+s11+$0x0], $0xffff  }
0x234: {  	v63 =	vld.idx.msk [tilespmem:v59+s11+$0x0], $0xffff;
	[tilespmem:s25+$0xFFFFFD80] =	vst v47;
	v57 =	vor.u32 v28, v49  }
0x235: {  	v58 =	vor.u32 v33, v40;
	v45 =	vld.idx.msk [tilespmem:v60+s11+$0x0], $0xffff;
	[tilespmem:s29+$0x330] =	vst v2  }
0x236: {  	v2 =	vor.u32 v33, v43;
	[tilespmem:s29+$0xFFFFFF30] =	vst v46;
	v51 =	vld.idx.msk [tilespmem:v61+s11+$0x0], $0xffff  }
0x237: {  	v59 =	vor.u32 v29, v50;
	v1 =	vld.idx.msk [tilespmem:v1+s11+$0x0], $0xffff;
	[tilespmem:s29+$0x130] =	vst v52  }
0x238: {  	v60 =	vor.u32 v29, v42;
	v52 =	vld.idx.msk [tilespmem:v62+s11+$0x0], $0xffff;
	[tilespmem:s29+$0xFFFFFD30] =	vst v4  }
0x239: {  	[tilespmem:s25+$0xFFFFFF90] =	vst v63;
	v61 =	vor.u32 v29, v48;
	v4 =	vld.idx.msk [tilespmem:v57+s11+$0x0], $0xffff  }
0x23a: {  	v63 =	vor.u32 v29, v49;
	[tilespmem:s25+$0x3D0] =	vst v45;
	v62 =	vld.idx.msk [tilespmem:v58+s11+$0x0], $0xffff  }
0x23b: {  	v58 =	vor.u32 v34, v41;
	v2 =	vld.idx.msk [tilespmem:v2+s11+$0x0], $0xffff;
	[tilespmem:s29+$0x340] =	vst v51  }
0x23c: {  	v57 =	vor.u32 v38, v44;
	[tilespmem:s29+$0xFFFFFF40] =	vst v1;
	v46 =	vld.idx.msk [tilespmem:v59+s11+$0x0], $0xffff  }
0x23d: {  	v1 =	vor.u32 v30, v50;
	v53 =	vld.idx.msk [tilespmem:v60+s11+$0x0], $0xffff;
	[tilespmem:s29+$0x140] =	vst v52  }
0x23e: {  	v47 =	vld.idx.msk [tilespmem:v61+s11+$0x0], $0xffff;
	[tilespmem:s29+$0xFFFFFD40] =	vst v4;
	v4 =	vor.u32 v30, v42  }
0x23f: {  	[tilespmem:s25+$0x190] =	vst v62;
	v59 =	vor.u32 v30, v48;
	v45 =	vld.idx.msk [tilespmem:v63+s11+$0x0], $0xffff  }
0x240: {  	v51 =	vld.idx.msk [tilespmem:v58+s11+$0x0], $0xffff;
	[tilespmem:s25+$0xFFFFFD90] =	vst v2;
	v2 =	vor.u32 v30, v49  }
0x241: {  	v60 =	vld.idx.msk [tilespmem:v57+s11+$0x0], $0xffff;
	v61 =	vor.u32 v34, v40;
	[tilespmem:s29+$0x350] =	vst v46  }
0x242: {  	v62 =	vor.u32 v39, v44;
	[tilespmem:s29+$0xFFFFFF50] =	vst v53;
	v1 =	vld.idx.msk [tilespmem:v1+s11+$0x0], $0xffff  }
0x243: {  	v63 =	vor.u32 v31, v50;
	v4 =	vld.idx.msk [tilespmem:v4+s11+$0x0], $0xffff;
	[tilespmem:s29+$0x150] =	vst v47  }
0x244: {  	v57 =	vor.u32 v31, v42;
	v47 =	vld.idx.msk [tilespmem:v59+s11+$0x0], $0xffff;
	[tilespmem:s29+$0xFFFFFD50] =	vst v45  }
0x245: {  	v58 =	vor.u32 v31, v48;
	[tilespmem:s25+$0xFFFFFFA0] =	vst v51;
	v2 =	vld.idx.msk [tilespmem:v2+s11+$0x0], $0xffff  }
0x246: {  	[tilespmem:s25+$0x3E0] =	vst v60;
	v60 =	vor.u32 v31, v49;
	v59 =	vld.idx.msk [tilespmem:v61+s11+$0x0], $0xffff  }
0x247: {  	v61 =	vor.u32 v34, v43;
	v44 =	vld.idx.msk [tilespmem:v62+s11+$0x0], $0xffff;
	[tilespmem:s29+$0x360] =	vst v1  }
0x248: {  	v1 =	vor.u32 v35, v41;
	[tilespmem:s29+$0xFFFFFF60] =	vst v4;
	v46 =	vld.idx.msk [tilespmem:v63+s11+$0x0], $0xffff  }
0x249: {  	v4 =	vor.u32 v32, v50;
	v52 =	vld.idx.msk [tilespmem:v57+s11+$0x0], $0xffff;
	[tilespmem:s29+$0x160] =	vst v47  }
0x24a: {  	v45 =	vld.idx.msk [tilespmem:v58+s11+$0x0], $0xffff;
	[tilespmem:s29+$0xFFFFFD60] =	vst v2;
	v2 =	vor.u32 v32, v42  }
0x24b: {  	v62 =	vor.u32 v32, v48;
	[tilespmem:s25+$0x1A0] =	vst v59;
	v47 =	vld.idx.msk [tilespmem:v60+s11+$0x0], $0xffff  }
0x24c: {  	v63 =	vld.idx.msk [tilespmem:v61+s11+$0x0], $0xffff;
	[tilespmem:s25+$0x3F0] =	vst v44;
	v57 =	vor.u32 v32, v49  }
0x24d: {  	v58 =	vor.u32 v35, v40;
	v1 =	vld.idx.msk [tilespmem:v1+s11+$0x0], $0xffff;
	[tilespmem:s29+$0x370] =	vst v46  }
0x24e: {  	v59 =	vor.u32 v35, v43;
	v4 =	vld.idx.msk [tilespmem:v4+s11+$0x0], $0xffff;
	[tilespmem:s29+$0xFFFFFF70] =	vst v52  }
0x24f: {  	v60 =	vor.u32 v33, v50;
	[tilespmem:s29+$0x170] =	vst v45;
	v2 =	vld.idx.msk [tilespmem:v2+s11+$0x0], $0xffff  }
0x250: {  	v61 =	vor.u32 v33, v42;
	v45 =	vld.idx.msk [tilespmem:v62+s11+$0x0], $0xffff;
	[tilespmem:s29+$0xFFFFFD70] =	vst v47  }
0x251: {  	[tilespmem:s25+$0xFFFFFDA0] =	vst v63;
	v62 =	vor.u32 v33, v48;
	v44 =	vld.idx.msk [tilespmem:v57+s11+$0x0], $0xffff  }
0x252: {  	v63 =	vld.idx.msk [tilespmem:v58+s11+$0x0], $0xffff;
	[tilespmem:s25+$0xFFFFFFB0] =	vst v1;
	v1 =	vor.u32 v33, v49  }
0x253: {  	v46 =	vld.idx.msk [tilespmem:v59+s11+$0x0], $0xffff;
	v57 =	vor.u32 v36, v41;
	[tilespmem:s29+$0x380] =	vst v4  }
0x254: {  	v4 =	vor.u32 v36, v40;
	v52 =	vld.idx.msk [tilespmem:v60+s11+$0x0], $0xffff;
	[tilespmem:s29+$0xFFFFFF80] =	vst v2  }
0x255: {  	v2 =	vor.u32 v34, v50;
	[tilespmem:s29+$0x180] =	vst v45;
	v51 =	vld.idx.msk [tilespmem:v61+s11+$0x0], $0xffff  }
0x256: {  	v58 =	vor.u32 v34, v42;
	v45 =	vld.idx.msk [tilespmem:v62+s11+$0x0], $0xffff;
	[tilespmem:s29+$0xFFFFFD80] =	vst v44  }
0x257: {  	v59 =	vor.u32 v34, v48;
	[tilespmem:s25+$0x1B0] =	vst v63;
	v1 =	vld.idx.msk [tilespmem:v1+s11+$0x0], $0xffff  }
0x258: {  	[tilespmem:s25+$0xFFFFFDB0] =	vst v46;
	v60 =	vld.idx.msk [tilespmem:v57+s11+$0x0], $0xffff;
	v61 =	vor.u32 v34, v49  }
0x259: {  	v62 =	vor.u32 v36, v43;
	v4 =	vld.idx.msk [tilespmem:v4+s11+$0x0], $0xffff;
	[tilespmem:s29+$0x390] =	vst v52  }
0x25a: {  	v63 =	vor.u32 v37, v41;
	v2 =	vld.idx.msk [tilespmem:v2+s11+$0x0], $0xffff;
	[tilespmem:s29+$0xFFFFFF90] =	vst v51  }
0x25b: {  	v57 =	vor.u32 v35, v50;
	[tilespmem:s29+$0x190] =	vst v45;
	v44 =	vld.idx.msk [tilespmem:v58+s11+$0x0], $0xffff  }
0x25c: {  	v45 =	vld.idx.msk [tilespmem:v59+s11+$0x0], $0xffff;
	v58 =	vor.u32 v35, v42;
	[tilespmem:s29+$0xFFFFFD90] =	vst v1  }
0x25d: {  	[tilespmem:s25+$0xFFFFFFC0] =	vst v60;
	v59 =	vor.u32 v35, v48;
	v1 =	vld.idx.msk [tilespmem:v61+s11+$0x0], $0xffff  }
0x25e: {  	v60 =	vld.idx.msk [tilespmem:v62+s11+$0x0], $0xffff;
	[tilespmem:s25+$0x1C0] =	vst v4;
	v4 =	vor.u32 v35, v49  }
0x25f: {  	v52 =	vld.idx.msk [tilespmem:v63+s11+$0x0], $0xffff;
	v61 =	vor.u32 v37, v40;
	[tilespmem:s29+$0x3A0] =	vst v2  }
0x260: {  	v2 =	vor.u32 v37, v43;
	v51 =	vld.idx.msk [tilespmem:v57+s11+$0x0], $0xffff;
	[tilespmem:s29+$0xFFFFFFA0] =	vst v44  }
0x261: {  	v62 =	vor.u32 v36, v50;
	[tilespmem:s29+$0x1A0] =	vst v45;
	v47 =	vld.idx.msk [tilespmem:v58+s11+$0x0], $0xffff  }
0x262: {  	v45 =	vld.idx.msk [tilespmem:v59+s11+$0x0], $0xffff;
	[tilespmem:s29+$0xFFFFFDA0] =	vst v1;
	v1 =	vor.u32 v36, v42  }
0x263: {  	v63 =	vor.u32 v36, v48;
	[tilespmem:s25+$0xFFFFFDC0] =	vst v60;
	v4 =	vld.idx.msk [tilespmem:v4+s11+$0x0], $0xffff  }
0x264: {  	[tilespmem:s25+$0xFFFFFFD0] =	vst v52;
	v57 =	vld.idx.msk [tilespmem:v61+s11+$0x0], $0xffff;
	v58 =	vor.u32 v36, v49  }
0x265: {  	v59 =	vor.u32 v38, v41;
	v2 =	vld.idx.msk [tilespmem:v2+s11+$0x0], $0xffff;
	[tilespmem:s29+$0x3B0] =	vst v51  }
0x266: {  	v60 =	vor.u32 v38, v40;
	v44 =	vld.idx.msk [tilespmem:v62+s11+$0x0], $0xffff;
	[tilespmem:s29+$0xFFFFFFB0] =	vst v47  }
0x267: {  	v61 =	vor.u32 v37, v50;
	[tilespmem:s29+$0x1B0] =	vst v45;
	v1 =	vld.idx.msk [tilespmem:v1+s11+$0x0], $0xffff  }
0x268: {  	v62 =	vor.u32 v37, v42;
	[tilespmem:s29+$0xFFFFFDB0] =	vst v4;
	v4 =	vld.idx.msk [tilespmem:v63+s11+$0x0], $0xffff  }
0x269: {  	[tilespmem:s25+$0x1D0] =	vst v57;
	v57 =	vor.u32 v37, v48;
	v63 =	vld.idx.msk [tilespmem:v58+s11+$0x0], $0xffff  }
0x26a: {  	v58 =	vld.idx.msk [tilespmem:v59+s11+$0x0], $0xffff;
	v59 =	vor.u32 v38, v43;
	[tilespmem:s25+$0xFFFFFDD0] =	vst v2  }
0x26b: {  	v51 =	vld.idx.msk [tilespmem:v60+s11+$0x0], $0xffff;
	v2 =	vor.u32 v37, v49;
	[tilespmem:s29+$0x3C0] =	vst v44  }
0x26c: {  	v56 =	vor.u32 v39, v40;
	v44 =	vld.idx.msk [tilespmem:v61+s11+$0x0], $0xffff;
	[tilespmem:s29+$0xFFFFFFC0] =	vst v1  }
0x26d: {  	v60 =	vor.u32 v39, v41;
	[tilespmem:s29+$0x1C0] =	vst v4;
	v45 =	vld.idx.msk [tilespmem:v62+s11+$0x0], $0xffff  }
0x26e: {  	v1 =	vor.u32 v38, v50;
	v4 =	vld.idx.msk [tilespmem:v57+s11+$0x0], $0xffff  }
0x26f: {  	v61 =	vor.u32 v38, v42;
	[tilespmem:s29+$0xFFFFFDC0] =	vst v63;
	v63 =	vld.idx.msk [tilespmem:v59+s11+$0x0], $0xffff  }
0x270: {  	[tilespmem:s25+$0x1E0] =	vst v51;
	v62 =	vor.u32 v38, v48;
	v2 =	vld.idx.msk [tilespmem:v2+s11+$0x0], $0xffff  }
0x271: {  	v55 =	vor.u32 v38, v49;
	[tilespmem:s25+$0xFFFFFFE0] =	vst v58;
	v40 =	vld.idx.msk [tilespmem:v56+s11+$0x0], $0xffff  }
0x272: {  	v41 =	vld.idx.msk [tilespmem:v60+s11+$0x0], $0xffff;
	[tilespmem:s29+$0x3D0] =	vst v44  }
0x273: {  	v57 =	vor.u32 v39, v43;
	v1 =	vld.idx.msk [tilespmem:v1+s11+$0x0], $0xffff;
	[tilespmem:s29+$0xFFFFFFD0] =	vst v45  }
0x274: {  	v58 =	vor.u32 v39, v50;
	[tilespmem:s29+$0x1D0] =	vst v4;
	v45 =	vld.idx.msk [tilespmem:v61+s11+$0x0], $0xffff  }
0x275: {  	v4 =	vor.u32 v39, v42;
	[tilespmem:s29+$0xFFFFFDD0] =	vst v2;
	v2 =	vld.idx.msk [tilespmem:v62+s11+$0x0], $0xffff  }
0x276: {  	v60 =	vor.u32 v39, v48;
	[tilespmem:s25+$0xFFFFFDE0] =	vst v63;
	v59 =	vld.idx.msk [tilespmem:v55+s11+$0x0], $0xffff  }
0x277: {  	[tilespmem:s25+$0x1F0] =	vst v40;
	v61 =	vor.u32 v39, v49  }
0x278: {  	v43 =	vld.idx.msk [tilespmem:v57+s11+$0x0], $0xffff;
	[tilespmem:s29+$0x3E0] =	vst v1  }
0x279: {  	v1 =	vld.idx.msk [tilespmem:v58+s11+$0x0], $0xffff;
	[tilespmem:s29+$0xFFFFFFE0] =	vst v45  }
0x27a: {  	[tilespmem:s29+$0x1E0] =	vst v2;
	v4 =	vld.idx.msk [tilespmem:v4+s11+$0x0], $0xffff  }
0x27b: {  	[tilespmem:s29+$0xFFFFFDE0] =	vst v59;
	v2 =	vld.idx.msk [tilespmem:v60+s11+$0x0], $0xffff  }
0x27c: {  	[tilespmem:s25+$0xFFFFFFF0] =	vst v41;
	v62 =	vld.idx.msk [tilespmem:v61+s11+$0x0], $0xffff  }
0x27d: {  	p0 =	seq.s32 s23, $0x18;
	[tilespmem:s25+$0xFFFFFDF0] =	vst v43  }
0x27e: {  	s31 =	sshll.u32 s23, $0x14;
	[tilespmem:s29+$0x3F0] =	vst v1;
	v1 =	vlaneseq.u32 @!p0  }
0x27f: {  	s25 =	sor.u32 s6, s31;
	[tilespmem:s29+$0xFFFFFFF0] =	vst v4;
	v1 =	vmul.u32 @!p0 $0x32, v1  }
0x280: {  	s26 =	sadd.s32 @!p0 $0x2, s28;
	s25 =	sshrl.u32 s25, $0x3;
	[tilespmem:s29+$0x1F0] =	vst v2  }
0x281: {  	s25 =	sadd.s32 s2, s25;
	[tilespmem:s29+$0xFFFFFDF0] =	vst v62;
	v2 =	vadd.s32 @!p0 s26, v1  }
0x282: {  	[hbm4b:s25+s15] =	stream.strided.scatter [tilespmem:s17], [sflag:$0x3], $0x4000, s16, s15, $0x38;
	[tilespmem:$0x11A00] =	vst v63  }
0x283: {  	_ =	swait.ge [sflag:s18], $0x4000  }
0x284: {  	[sflag:s18] =	ssyncset.done $0x0  }
0x285: {  	s25 =	simm.s32 @!p0 $0x0;
	[sflag:s18] =	ssyncadd.s32 $0xFFFFC000  }
0x286: {  	v4 =	vadd.s32 @!p0 $0x320, v1;
	v2 =	vld.idx.msk @!p0 [tilespmem:v2+s25+$0x0], $0xffff  }
0x287: {  	v4 =	vadd.s32 @!p0 s26, v4;
	_ =	sdelay $0x3  }
0x288: {  	[tilespmem:$0x1900] =	vst @!p0 v2  }
0x289: {  	v2 =	vld.idx.msk @!p0 [tilespmem:v4+s25+$0x0], $0xffff;
	v4 =	vadd.s32 @!p0 $0x640, v1  }
0x28a: {  	v4 =	vadd.s32 @!p0 s26, v4;
	_ =	sdelay $0x3  }
0x28b: {  	[tilespmem:$0x1910] =	vst @!p0 v2  }
0x28c: {  	v2 =	vld.idx.msk @!p0 [tilespmem:v4+s25+$0x0], $0xffff;
	v4 =	vadd.s32 @!p0 $0x960, v1  }
0x28d: {  	v4 =	vadd.s32 @!p0 s26, v4;
	_ =	sdelay $0x3  }
0x28e: {  	[tilespmem:$0x1920] =	vst @!p0 v2  }
0x28f: {  	v2 =	vld.idx.msk @!p0 [tilespmem:v4+s25+$0x0], $0xffff;
	v4 =	vadd.s32 @!p0 $0xC80, v1  }
0x290: {  	v4 =	vadd.s32 @!p0 s26, v4;
	_ =	sdelay $0x3  }
0x291: {  	[tilespmem:$0x1930] =	vst @!p0 v2  }
0x292: {  	v2 =	vld.idx.msk @!p0 [tilespmem:v4+s25+$0x0], $0xffff;
	v4 =	vadd.s32 @!p0 $0xFA0, v1  }
0x293: {  	v4 =	vadd.s32 @!p0 s26, v4;
	_ =	sdelay $0x3  }
0x294: {  	[tilespmem:$0x1940] =	vst @!p0 v2  }
0x295: {  	v2 =	vld.idx.msk @!p0 [tilespmem:v4+s25+$0x0], $0xffff;
	v4 =	vadd.s32 @!p0 $0x12C0, v1  }
0x296: {  	v4 =	vadd.s32 @!p0 s26, v4;
	_ =	sdelay $0x3  }
0x297: {  	[tilespmem:$0x1950] =	vst @!p0 v2  }
0x298: {  	v1 =	vadd.s32 @!p0 $0x15E0, v1;
	v2 =	vld.idx.msk @!p0 [tilespmem:v4+s25+$0x0], $0xffff  }
0x299: {  	v1 =	vadd.s32 @!p0 s26, v1;
	_ =	sdelay $0x3  }
0x29a: {  	[tilespmem:$0x1960] =	vst @!p0 v2  }
0x29b: {  	v1 =	vld.idx.msk @!p0 [tilespmem:v1+s25+$0x0], $0xffff;
	_ =	sdelay $0x4  }
0x29c: {  	s28 =	simm.s32 @!p0 $0x1A00;
	s26 =	simm.s32 @!p0 $0x1900;
	s25 =	simm.s32 @!p0 $0x80;
	[tilespmem:$0x1970] =	vst @!p0 v1  }
0x29d: {  	[tilespmem:s28], [sflag:$0x1] =	stream.indirect.gather @!p0 [hbm4b:s4+s25], $0x80, s26, s25, $0xb8;
	[tilespmem:$0x11A00] =	vst v63  }
0x29e: {  	s26 =	simm.s32 $0x3  }
0x29f: {  	s31 =	simm.s32 $0x1;
	v1 =	vmov s26  }
0x2a0: {  	v2 =	vmov s31;
	v1 =	vand.u32 $0x1F, v1  }
0x2a1: {  	v2 =	vand.u32 $0x1D, v2;
	s26 =	simm.s32 $0x2;
	v48 =	vbroadcast v1, $0x0  }
0x2a2: {  	s31 =	simm.s32 $0x0;
	v49 =	vbroadcast v2, $0x0;
	v1 =	vmov s26  }
0x2a3: {  	p1 =	seq.s32 @!p0 s23, $0x0;
	v2 =	vmov s31;
	v1 =	vand.u32 $0x1E, v1;
	v4 =	vor.u32 v3, v48  }
0x2a4: {  	v63 =	vor.u32 v3, v49;
	p0 =	por p0, !p1;
	v46 =	vbroadcast v1, $0x0;
	v1 =	vand.u32 $0x1C, v2  }
0x2a5: {  	_ =	swait.ge @p0 [sflag:s21], $0x4000;
	v45 =	vbroadcast v1, $0x0  }
0x2a6: {  	[sflag:s21] =	ssyncset.done @p0 $0x0;
	v1 =	vor.u32 v3, v46  }
0x2a7: {  	[sflag:s21] =	ssyncadd.s32 @p0 $0xFFFFC000;
	v2 =	vor.u32 v3, v45  }
0x2a8: {  	v4 =	vld.idx.msk [tilespmem:v4+s14+$0x0], $0xffff  }
0x2a9: {  	v40 =	vld.idx.msk [tilespmem:v63+s14+$0x0], $0xffff;
	v50 =	vor.u32 v9, v48  }
0x2aa: {  	v51 =	vor.u32 v9, v49  }
0x2ab: {  	v1 =	vld.idx.msk [tilespmem:v1+s14+$0x0], $0xffff  }
0x2ac: {  	s26 =	simm.s32 $0xE1F0;
	v52 =	vor.u32 v9, v46;
	v2 =	vld.idx.msk [tilespmem:v2+s14+$0x0], $0xffff  }
0x2ad: {  	v53 =	vor.u32 v9, v45;
	[tilespmem:s26+$0xFFFFFE10] =	vst v4  }
0x2ae: {  	[tilespmem:s26+$0xFFFFFA10] =	vst v40;
	v4 =	vld.idx.msk [tilespmem:v50+s14+$0x0], $0xffff  }
0x2af: {  	v54 =	vor.u32 v10, v48;
	v40 =	vld.idx.msk [tilespmem:v51+s14+$0x0], $0xffff  }
0x2b0: {  	[tilespmem:s26+$0xFFFFFC10] =	vst v1;
	v1 =	vor.u32 v10, v49  }
0x2b1: {  	[tilespmem:s26+$0xFFFFF810] =	vst v2;
	v2 =	vld.idx.msk [tilespmem:v52+s14+$0x0], $0xffff  }
0x2b2: {  	v56 =	vor.u32 v10, v46;
	v55 =	vld.idx.msk [tilespmem:v53+s14+$0x0], $0xffff  }
0x2b3: {  	v57 =	vor.u32 v10, v45;
	[tilespmem:s26+$0xFFFFFE20] =	vst v4  }
0x2b4: {  	[tilespmem:s26+$0xFFFFFA20] =	vst v40;
	v4 =	vld.idx.msk [tilespmem:v54+s14+$0x0], $0xffff  }
0x2b5: {  	v58 =	vor.u32 v11, v48;
	v1 =	vld.idx.msk [tilespmem:v1+s14+$0x0], $0xffff  }
0x2b6: {  	[tilespmem:s26+$0xFFFFFC20] =	vst v2;
	v2 =	vor.u32 v11, v49  }
0x2b7: {  	[tilespmem:s26+$0xFFFFF820] =	vst v55;
	v59 =	vld.idx.msk [tilespmem:v56+s14+$0x0], $0xffff  }
0x2b8: {  	v60 =	vor.u32 v11, v46;
	v42 =	vld.idx.msk [tilespmem:v57+s14+$0x0], $0xffff  }
0x2b9: {  	v61 =	vor.u32 v11, v45;
	[tilespmem:s26+$0xFFFFFE30] =	vst v4  }
0x2ba: {  	[tilespmem:s26+$0xFFFFFA30] =	vst v1;
	v1 =	vld.idx.msk [tilespmem:v58+s14+$0x0], $0xffff  }
0x2bb: {  	v4 =	vor.u32 v12, v48;
	v2 =	vld.idx.msk [tilespmem:v2+s14+$0x0], $0xffff  }
0x2bc: {  	v62 =	vor.u32 v12, v49;
	[tilespmem:s26+$0xFFFFFC30] =	vst v59  }
0x2bd: {  	[tilespmem:s26+$0xFFFFF830] =	vst v42;
	v41 =	vld.idx.msk [tilespmem:v60+s14+$0x0], $0xffff  }
0x2be: {  	v63 =	vor.u32 v12, v46;
	v42 =	vld.idx.msk [tilespmem:v61+s14+$0x0], $0xffff  }
0x2bf: {  	v50 =	vor.u32 v12, v45;
	[tilespmem:s26+$0xFFFFFE40] =	vst v1  }
0x2c0: {  	[tilespmem:s26+$0xFFFFFA40] =	vst v2;
	v1 =	vld.idx.msk [tilespmem:v4+s14+$0x0], $0xffff  }
0x2c1: {  	v2 =	vld.idx.msk [tilespmem:v62+s14+$0x0], $0xffff;
	v4 =	vor.u32 v13, v48  }
0x2c2: {  	v51 =	vor.u32 v13, v49;
	[tilespmem:s26+$0xFFFFFC40] =	vst v41  }
0x2c3: {  	[tilespmem:s26+$0xFFFFF840] =	vst v42;
	v41 =	vld.idx.msk [tilespmem:v63+s14+$0x0], $0xffff  }
0x2c4: {  	v52 =	vor.u32 v13, v46;
	v42 =	vld.idx.msk [tilespmem:v50+s14+$0x0], $0xffff  }
0x2c5: {  	v53 =	vor.u32 v13, v45;
	[tilespmem:s26+$0xFFFFFE50] =	vst v1  }
0x2c6: {  	[tilespmem:s26+$0xFFFFFA50] =	vst v2;
	v1 =	vld.idx.msk [tilespmem:v4+s14+$0x0], $0xffff  }
0x2c7: {  	v2 =	vld.idx.msk [tilespmem:v51+s14+$0x0], $0xffff;
	v4 =	vor.u32 v14, v48  }
0x2c8: {  	v54 =	vor.u32 v14, v49;
	[tilespmem:s26+$0xFFFFFC50] =	vst v41  }
0x2c9: {  	[tilespmem:s26+$0xFFFFF850] =	vst v42;
	v41 =	vld.idx.msk [tilespmem:v52+s14+$0x0], $0xffff  }
0x2ca: {  	v55 =	vor.u32 v14, v46;
	v42 =	vld.idx.msk [tilespmem:v53+s14+$0x0], $0xffff  }
0x2cb: {  	v56 =	vor.u32 v14, v45;
	[tilespmem:s26+$0xFFFFFE60] =	vst v1  }
0x2cc: {  	[tilespmem:s26+$0xFFFFFA60] =	vst v2;
	v1 =	vld.idx.msk [tilespmem:v4+s14+$0x0], $0xffff  }
0x2cd: {  	v2 =	vld.idx.msk [tilespmem:v54+s14+$0x0], $0xffff;
	v4 =	vor.u32 v15, v48  }
0x2ce: {  	v57 =	vor.u32 v15, v49;
	[tilespmem:s26+$0xFFFFFC60] =	vst v41  }
0x2cf: {  	[tilespmem:s26+$0xFFFFF860] =	vst v42;
	v41 =	vld.idx.msk [tilespmem:v55+s14+$0x0], $0xffff  }
0x2d0: {  	v58 =	vor.u32 v15, v46;
	v42 =	vld.idx.msk [tilespmem:v56+s14+$0x0], $0xffff  }
0x2d1: {  	v59 =	vor.u32 v15, v45;
	[tilespmem:s26+$0xFFFFFE70] =	vst v1  }
0x2d2: {  	[tilespmem:s26+$0xFFFFFA70] =	vst v2;
	v1 =	vld.idx.msk [tilespmem:v4+s14+$0x0], $0xffff  }
0x2d3: {  	v2 =	vld.idx.msk [tilespmem:v57+s14+$0x0], $0xffff;
	v4 =	vor.u32 v16, v48  }
0x2d4: {  	v60 =	vor.u32 v16, v49;
	[tilespmem:s26+$0xFFFFFC70] =	vst v41  }
0x2d5: {  	[tilespmem:s26+$0xFFFFF870] =	vst v42;
	v41 =	vld.idx.msk [tilespmem:v58+s14+$0x0], $0xffff  }
0x2d6: {  	v61 =	vor.u32 v16, v46;
	v42 =	vld.idx.msk [tilespmem:v59+s14+$0x0], $0xffff  }
0x2d7: {  	v62 =	vor.u32 v16, v45;
	[tilespmem:s26+$0xFFFFFE80] =	vst v1  }
0x2d8: {  	[tilespmem:s26+$0xFFFFFA80] =	vst v2;
	v1 =	vld.idx.msk [tilespmem:v4+s14+$0x0], $0xffff  }
0x2d9: {  	v2 =	vld.idx.msk [tilespmem:v60+s14+$0x0], $0xffff;
	v4 =	vor.u32 v17, v48  }
0x2da: {  	v63 =	vor.u32 v17, v49;
	[tilespmem:s26+$0xFFFFFC80] =	vst v41  }
0x2db: {  	[tilespmem:s26+$0xFFFFF880] =	vst v42;
	v41 =	vld.idx.msk [tilespmem:v61+s14+$0x0], $0xffff  }
0x2dc: {  	v50 =	vor.u32 v17, v46;
	v42 =	vld.idx.msk [tilespmem:v62+s14+$0x0], $0xffff  }
0x2dd: {  	v51 =	vor.u32 v17, v45;
	[tilespmem:s26+$0xFFFFFE90] =	vst v1  }
0x2de: {  	[tilespmem:s26+$0xFFFFFA90] =	vst v2;
	v1 =	vld.idx.msk [tilespmem:v4+s14+$0x0], $0xffff  }
0x2df: {  	v2 =	vld.idx.msk [tilespmem:v63+s14+$0x0], $0xffff;
	v4 =	vor.u32 v18, v48  }
0x2e0: {  	v52 =	vor.u32 v18, v49;
	[tilespmem:s26+$0xFFFFFC90] =	vst v41  }
0x2e1: {  	[tilespmem:s26+$0xFFFFF890] =	vst v42;
	v41 =	vld.idx.msk [tilespmem:v50+s14+$0x0], $0xffff  }
0x2e2: {  	v53 =	vor.u32 v18, v46;
	v42 =	vld.idx.msk [tilespmem:v51+s14+$0x0], $0xffff  }
0x2e3: {  	v54 =	vor.u32 v18, v45;
	[tilespmem:s26+$0xFFFFFEA0] =	vst v1  }
0x2e4: {  	[tilespmem:s26+$0xFFFFFAA0] =	vst v2;
	v1 =	vld.idx.msk [tilespmem:v4+s14+$0x0], $0xffff  }
0x2e5: {  	v2 =	vld.idx.msk [tilespmem:v52+s14+$0x0], $0xffff;
	v4 =	vor.u32 v19, v48  }
0x2e6: {  	v55 =	vor.u32 v19, v49;
	[tilespmem:s26+$0xFFFFFCA0] =	vst v41  }
0x2e7: {  	[tilespmem:s26+$0xFFFFF8A0] =	vst v42;
	v41 =	vld.idx.msk [tilespmem:v53+s14+$0x0], $0xffff  }
0x2e8: {  	v56 =	vor.u32 v19, v46;
	v42 =	vld.idx.msk [tilespmem:v54+s14+$0x0], $0xffff  }
0x2e9: {  	v57 =	vor.u32 v19, v45;
	[tilespmem:s26+$0xFFFFFEB0] =	vst v1  }
0x2ea: {  	[tilespmem:s26+$0xFFFFFAB0] =	vst v2;
	v1 =	vld.idx.msk [tilespmem:v4+s14+$0x0], $0xffff  }
0x2eb: {  	v2 =	vld.idx.msk [tilespmem:v55+s14+$0x0], $0xffff;
	v4 =	vor.u32 v20, v48  }
0x2ec: {  	v58 =	vor.u32 v20, v49;
	[tilespmem:s26+$0xFFFFFCB0] =	vst v41  }
0x2ed: {  	[tilespmem:s26+$0xFFFFF8B0] =	vst v42;
	v41 =	vld.idx.msk [tilespmem:v56+s14+$0x0], $0xffff  }
0x2ee: {  	v59 =	vor.u32 v20, v46;
	v42 =	vld.idx.msk [tilespmem:v57+s14+$0x0], $0xffff  }
0x2ef: {  	v60 =	vor.u32 v20, v45;
	[tilespmem:s26+$0xFFFFFEC0] =	vst v1  }
0x2f0: {  	[tilespmem:s26+$0xFFFFFAC0] =	vst v2;
	v1 =	vld.idx.msk [tilespmem:v4+s14+$0x0], $0xffff  }
0x2f1: {  	v2 =	vld.idx.msk [tilespmem:v58+s14+$0x0], $0xffff;
	v4 =	vor.u32 v21, v48  }
0x2f2: {  	v61 =	vor.u32 v21, v49;
	[tilespmem:s26+$0xFFFFFCC0] =	vst v41  }
0x2f3: {  	[tilespmem:s26+$0xFFFFF8C0] =	vst v42;
	v41 =	vld.idx.msk [tilespmem:v59+s14+$0x0], $0xffff  }
0x2f4: {  	v62 =	vor.u32 v21, v46;
	v42 =	vld.idx.msk [tilespmem:v60+s14+$0x0], $0xffff  }
0x2f5: {  	v63 =	vor.u32 v21, v45;
	[tilespmem:s26+$0xFFFFFED0] =	vst v1  }
0x2f6: {  	[tilespmem:s26+$0xFFFFFAD0] =	vst v2;
	v1 =	vld.idx.msk [tilespmem:v4+s14+$0x0], $0xffff  }
0x2f7: {  	v2 =	vld.idx.msk [tilespmem:v61+s14+$0x0], $0xffff;
	v4 =	vor.u32 v22, v48  }
0x2f8: {  	v50 =	vor.u32 v22, v49;
	[tilespmem:s26+$0xFFFFFCD0] =	vst v41  }
0x2f9: {  	[tilespmem:s26+$0xFFFFF8D0] =	vst v42;
	v41 =	vld.idx.msk [tilespmem:v62+s14+$0x0], $0xffff  }
0x2fa: {  	v51 =	vor.u32 v22, v46;
	v42 =	vld.idx.msk [tilespmem:v63+s14+$0x0], $0xffff  }
0x2fb: {  	v52 =	vor.u32 v22, v45;
	[tilespmem:s26+$0xFFFFFEE0] =	vst v1  }
0x2fc: {  	[tilespmem:s26+$0xFFFFFAE0] =	vst v2;
	v1 =	vld.idx.msk [tilespmem:v4+s14+$0x0], $0xffff  }
0x2fd: {  	v2 =	vld.idx.msk [tilespmem:v50+s14+$0x0], $0xffff;
	v4 =	vor.u32 v23, v48  }
0x2fe: {  	v53 =	vor.u32 v23, v49;
	[tilespmem:s26+$0xFFFFFCE0] =	vst v41  }
0x2ff: {  	[tilespmem:s26+$0xFFFFF8E0] =	vst v42;
	v41 =	vld.idx.msk [tilespmem:v51+s14+$0x0], $0xffff  }
0x300: {  	v54 =	vor.u32 v23, v46;
	v42 =	vld.idx.msk [tilespmem:v52+s14+$0x0], $0xffff  }
0x301: {  	v55 =	vor.u32 v23, v45;
	[tilespmem:s26+$0xFFFFFEF0] =	vst v1  }
0x302: {  	[tilespmem:s26+$0xFFFFFAF0] =	vst v2;
	v1 =	vld.idx.msk [tilespmem:v4+s14+$0x0], $0xffff  }
0x303: {  	v2 =	vld.idx.msk [tilespmem:v53+s14+$0x0], $0xffff;
	v4 =	vor.u32 v24, v48  }
0x304: {  	v56 =	vor.u32 v24, v49;
	[tilespmem:s26+$0xFFFFFCF0] =	vst v41  }
0x305: {  	s31 =	simm.s32 $0x5;
	[tilespmem:s26+$0xFFFFF8F0] =	vst v42;
	v57 =	vld.idx.msk [tilespmem:v54+s14+$0x0], $0xffff  }
0x306: {  	v59 =	vor.u32 v24, v46;
	v60 =	vmov s31;
	s31 =	simm.s32 $0x6;
	v58 =	vld.idx.msk [tilespmem:v55+s14+$0x0], $0xffff  }
0x307: {  	v61 =	vor.u32 v24, v45;
	v62 =	vmov s31;
	[tilespmem:s26+$0xFFFFFF00] =	vst v1  }
0x308: {  	v40 =	vand.u32 $0x1E, v62;
	v1 =	vand.u32 $0x1D, v60;
	[tilespmem:s26+$0xFFFFFB00] =	vst v2;
	v2 =	vld.idx.msk [tilespmem:v4+s14+$0x0], $0xffff  }
0x309: {  	v40 =	vbroadcast v40, $0x0;
	v41 =	vbroadcast v1, $0x0;
	v1 =	vld.idx.msk [tilespmem:v56+s14+$0x0], $0xffff;
	v4 =	vor.u32 v25, v48  }
0x30a: {  	v63 =	vor.u32 v25, v49;
	[tilespmem:s26+$0xFFFFFD00] =	vst v57  }
0x30b: {  	v53 =	vor.u32 v3, v40;
	[tilespmem:s26+$0xFFFFF900] =	vst v58;
	v57 =	vld.idx.msk [tilespmem:v59+s14+$0x0], $0xffff  }
0x30c: {  	s31 =	simm.s32 $0x7;
	v58 =	vor.u32 v25, v46;
	v47 =	vld.idx.msk [tilespmem:v61+s14+$0x0], $0xffff  }
0x30d: {  	v59 =	vor.u32 v25, v45;
	[tilespmem:s26+$0xFFFFFF10] =	vst v2;
	v2 =	vmov s31  }
0x30e: {  	v56 =	vor.u32 v3, v41;
	[tilespmem:s26+$0xFFFFFB10] =	vst v1;
	v1 =	vld.idx.msk [tilespmem:v4+s14+$0x0], $0xffff;
	v2 =	vand.u32 $0x1F, v2  }
0x30f: {  	s31 =	simm.s32 $0x4;
	v4 =	vld.idx.msk [tilespmem:v63+s14+$0x0], $0xffff;
	v44 =	vbroadcast v2, $0x0;
	v2 =	vor.u32 v26, v48  }
0x310: {  	s28 =	simm.s32 $0x9;
	v54 =	vor.u32 v26, v49;
	v53 =	vld.idx.msk [tilespmem:v53+s14+$0x0], $0xffff;
	v60 =	vmov s31;
	[tilespmem:s26+$0xFFFFFD10] =	vst v57  }
0x311: {  	v61 =	vmov s28;
	v42 =	vand.u32 $0x1C, v60;
	[tilespmem:s26+$0xFFFFF910] =	vst v47;
	v47 =	vld.idx.msk [tilespmem:v58+s14+$0x0], $0xffff;
	v62 =	vor.u32 v3, v44  }
0x312: {  	v63 =	vand.u32 $0x1D, v61;
	v60 =	vor.u32 v26, v46;
	v43 =	vbroadcast v42, $0x0;
	v52 =	vld.idx.msk [tilespmem:v59+s14+$0x0], $0xffff  }
0x313: {  	v61 =	vor.u32 v26, v45;
	v50 =	vld.idx.msk [tilespmem:v56+s14+$0x0], $0xffff;
	v42 =	vbroadcast v63, $0x0;
	[tilespmem:s26+$0xFFFFFF20] =	vst v1  }
0x314: {  	v1 =	vor.u32 v3, v43;
	[tilespmem:s26+$0xFFFFFB20] =	vst v4;
	v2 =	vld.idx.msk [tilespmem:v2+s14+$0x0], $0xffff  }
0x315: {  	v4 =	vor.u32 v3, v42;
	v54 =	vld.idx.msk [tilespmem:v54+s14+$0x0], $0xffff  }
0x316: {  	[tilespmem:s26+$0xFFFFFD20] =	vst v47;
	v51 =	vld.idx.msk [tilespmem:v62+s14+$0x0], $0xffff;
	v62 =	vor.u32 v27, v48  }
0x317: {  	v63 =	vor.u32 v27, v49;
	[tilespmem:s26+$0xFFFFF920] =	vst v52;
	v56 =	vld.idx.msk [tilespmem:v60+s14+$0x0], $0xffff  }
0x318: {  	v60 =	vor.u32 v9, v44;
	v55 =	vld.idx.msk [tilespmem:v61+s14+$0x0], $0xffff  }
0x319: {  	v61 =	vor.u32 v9, v41;
	v1 =	vld.idx.msk [tilespmem:v1+s14+$0x0], $0xffff  }
0x31a: {  	v47 =	vld.idx.msk [tilespmem:v4+s14+$0x0], $0xffff;
	v4 =	vor.u32 v9, v40;
	[tilespmem:s26+$0xFFFFFF30] =	vst v2  }
0x31b: {  	s25 =	simm.s32 $0xE9F0;
	v2 =	vor.u32 v9, v43;
	[tilespmem:s26+$0xFFFFFB30] =	vst v54;
	v54 =	vld.idx.msk [tilespmem:v62+s14+$0x0], $0xffff  }
0x31c: {  	[tilespmem:s25+$0xFFFFFE10] =	vst v51;
	v51 =	vld.idx.msk [tilespmem:v63+s14+$0x0], $0xffff;
	v62 =	vor.u32 v27, v46  }
0x31d: {  	[tilespmem:s25+$0xFFFFFA10] =	vst v50;
	v63 =	vor.u32 v28, v48;
	v50 =	vld.idx.msk [tilespmem:v60+s14+$0x0], $0xffff  }
0x31e: {  	[tilespmem:s25+$0xFFFFFC10] =	vst v53;
	v58 =	vld.idx.msk [tilespmem:v61+s14+$0x0], $0xffff;
	v60 =	vor.u32 v27, v45  }
0x31f: {  	[tilespmem:s25+$0xFFFFF810] =	vst v1;
	v1 =	vld.idx.msk [tilespmem:v4+s14+$0x0], $0xffff;
	v4 =	vor.u32 v10, v44  }
0x320: {  	v59 =	vor.u32 v10, v41;
	[tilespmem:s26+$0xFFFFFD30] =	vst v56;
	v2 =	vld.idx.msk [tilespmem:v2+s14+$0x0], $0xffff  }
0x321: {  	v61 =	vor.u32 v10, v40;
	v52 =	vld.idx.msk [tilespmem:v62+s14+$0x0], $0xffff;
	[tilespmem:s26+$0xFFFFFF40] =	vst v54  }
0x322: {  	[tilespmem:s26+$0xFFFFF930] =	vst v55;
	v62 =	vor.u32 v10, v43;
	v55 =	vld.idx.msk [tilespmem:v63+s14+$0x0], $0xffff  }
0x323: {  	[tilespmem:s25+$0xFFFFFE20] =	vst v50;
	v50 =	vld.idx.msk [tilespmem:v60+s14+$0x0], $0xffff;
	v63 =	vor.u32 v28, v49  }
0x324: {  	[tilespmem:s25+$0xFFFFFA20] =	vst v58;
	v60 =	vor.u32 v29, v48;
	v4 =	vld.idx.msk [tilespmem:v4+s14+$0x0], $0xffff  }
0x325: {  	v58 =	vld.idx.msk [tilespmem:v59+s14+$0x0], $0xffff;
	[tilespmem:s25+$0xFFFFFC20] =	vst v1;
	v1 =	vor.u32 v28, v46  }
0x326: {  	[tilespmem:s25+$0xFFFFF820] =	vst v2;
	v2 =	vld.idx.msk [tilespmem:v61+s14+$0x0], $0xffff;
	v61 =	vor.u32 v11, v44  }
0x327: {  	[tilespmem:s26+$0xFFFFFB40] =	vst v51;
	v59 =	vor.u32 v11, v41;
	v54 =	vld.idx.msk [tilespmem:v62+s14+$0x0], $0xffff  }
0x328: {  	v62 =	vor.u32 v11, v40;
	v53 =	vld.idx.msk [tilespmem:v63+s14+$0x0], $0xffff;
	[tilespmem:s26+$0xFFFFFF50] =	vst v55  }
0x329: {  	[tilespmem:s26+$0xFFFFFD40] =	vst v52;
	v63 =	vor.u32 v11, v43;
	v60 =	vld.idx.msk [tilespmem:v60+s14+$0x0], $0xffff  }
0x32a: {  	[tilespmem:s25+$0xFFFFFE30] =	vst v4;
	v4 =	vor.u32 v28, v45;
	v1 =	vld.idx.msk [tilespmem:v1+s14+$0x0], $0xffff  }
0x32b: {  	[tilespmem:s25+$0xFFFFFA30] =	vst v58;
	v56 =	vld.idx.msk [tilespmem:v61+s14+$0x0], $0xffff;
	v61 =	vor.u32 v30, v48  }
0x32c: {  	v58 =	vld.idx.msk [tilespmem:v59+s14+$0x0], $0xffff;
	[tilespmem:s25+$0xFFFFFC30] =	vst v2;
	v2 =	vor.u32 v29, v49  }
0x32d: {  	[tilespmem:s25+$0xFFFFF830] =	vst v54;
	v51 =	vld.idx.msk [tilespmem:v62+s14+$0x0], $0xffff;
	v54 =	vor.u32 v12, v44  }
0x32e: {  	[tilespmem:s26+$0xFFFFF940] =	vst v50;
	v62 =	vor.u32 v12, v41;
	v55 =	vld.idx.msk [tilespmem:v63+s14+$0x0], $0xffff  }
0x32f: {  	v63 =	vor.u32 v12, v40;
	v4 =	vld.idx.msk [tilespmem:v4+s14+$0x0], $0xffff;
	[tilespmem:s26+$0xFFFFFF60] =	vst v60  }
0x330: {  	[tilespmem:s26+$0xFFFFFB50] =	vst v53;
	v60 =	vor.u32 v12, v43;
	v53 =	vld.idx.msk [tilespmem:v61+s14+$0x0], $0xffff  }
0x331: {  	[tilespmem:s25+$0xFFFFFE40] =	vst v56;
	v2 =	vld.idx.msk [tilespmem:v2+s14+$0x0], $0xffff;
	v61 =	vor.u32 v29, v46  }
0x332: {  	v57 =	vor.u32 v31, v48;
	[tilespmem:s25+$0xFFFFFA40] =	vst v58;
	v54 =	vld.idx.msk [tilespmem:v54+s14+$0x0], $0xffff  }
0x333: {  	v58 =	vld.idx.msk [tilespmem:v62+s14+$0x0], $0xffff;
	[tilespmem:s25+$0xFFFFFC40] =	vst v51;
	v62 =	vor.u32 v29, v45  }
0x334: {  	[tilespmem:s25+$0xFFFFF840] =	vst v55;
	v50 =	vld.idx.msk [tilespmem:v63+s14+$0x0], $0xffff;
	v63 =	vor.u32 v13, v44  }
0x335: {  	[tilespmem:s26+$0xFFFFFD50] =	vst v1;
	v52 =	vld.idx.msk [tilespmem:v60+s14+$0x0], $0xffff;
	v60 =	vor.u32 v13, v41  }
0x336: {  	v1 =	vor.u32 v13, v40;
	v56 =	vld.idx.msk [tilespmem:v61+s14+$0x0], $0xffff;
	[tilespmem:s26+$0xFFFFFF70] =	vst v53  }
0x337: {  	[tilespmem:s26+$0xFFFFF950] =	vst v4;
	v61 =	vor.u32 v13, v43;
	v4 =	vld.idx.msk [tilespmem:v57+s14+$0x0], $0xffff  }
0x338: {  	[tilespmem:s25+$0xFFFFFE50] =	vst v54;
	v51 =	vld.idx.msk [tilespmem:v62+s14+$0x0], $0xffff;
	v54 =	vor.u32 v30, v49  }
0x339: {  	[tilespmem:s25+$0xFFFFFA50] =	vst v58;
	v62 =	vor.u32 v32, v48;
	v55 =	vld.idx.msk [tilespmem:v63+s14+$0x0], $0xffff  }
0x33a: {  	[tilespmem:s25+$0xFFFFFC50] =	vst v50;
	v63 =	vor.u32 v30, v46;
	v58 =	vld.idx.msk [tilespmem:v60+s14+$0x0], $0xffff  }
0x33b: {  	[tilespmem:s25+$0xFFFFF850] =	vst v52;
	v1 =	vld.idx.msk [tilespmem:v1+s14+$0x0], $0xffff;
	v60 =	vor.u32 v14, v44  }
0x33c: {  	[tilespmem:s26+$0xFFFFFB60] =	vst v2;
	v53 =	vld.idx.msk [tilespmem:v61+s14+$0x0], $0xffff;
	v61 =	vor.u32 v14, v41  }
0x33d: {  	v2 =	vor.u32 v14, v40;
	[tilespmem:s26+$0xFFFFFF80] =	vst v4;
	v54 =	vld.idx.msk [tilespmem:v54+s14+$0x0], $0xffff  }
0x33e: {  	[tilespmem:s26+$0xFFFFFD60] =	vst v56;
	v4 =	vor.u32 v14, v43;
	v56 =	vld.idx.msk [tilespmem:v62+s14+$0x0], $0xffff  }
0x33f: {  	v62 =	vor.u32 v30, v45;
	[tilespmem:s25+$0xFFFFFE60] =	vst v55;
	v50 =	vld.idx.msk [tilespmem:v63+s14+$0x0], $0xffff  }
0x340: {  	v63 =	vor.u32 v33, v48;
	[tilespmem:s25+$0xFFFFFA60] =	vst v58;
	v52 =	vld.idx.msk [tilespmem:v60+s14+$0x0], $0xffff  }
0x341: {  	[tilespmem:s25+$0xFFFFFC60] =	vst v1;
	v1 =	vor.u32 v31, v49;
	v58 =	vld.idx.msk [tilespmem:v61+s14+$0x0], $0xffff  }
0x342: {  	v60 =	vor.u32 v15, v44;
	[tilespmem:s25+$0xFFFFF860] =	vst v53;
	v2 =	vld.idx.msk [tilespmem:v2+s14+$0x0], $0xffff  }
0x343: {  	v59 =	vor.u32 v15, v41;
	[tilespmem:s26+$0xFFFFF960] =	vst v51;
	v4 =	vld.idx.msk [tilespmem:v4+s14+$0x0], $0xffff  }
0x344: {  	v61 =	vor.u32 v15, v40;
	v55 =	vld.idx.msk [tilespmem:v62+s14+$0x0], $0xffff;
	[tilespmem:s26+$0xFFFFFF90] =	vst v56  }
0x345: {  	v62 =	vor.u32 v15, v43;
	[tilespmem:s26+$0xFFFFFB70] =	vst v54;
	v54 =	vld.idx.msk [tilespmem:v63+s14+$0x0], $0xffff  }
0x346: {  	v63 =	vor.u32 v31, v46;
	[tilespmem:s25+$0xFFFFFE70] =	vst v52;
	v1 =	vld.idx.msk [tilespmem:v1+s14+$0x0], $0xffff  }
0x347: {  	[tilespmem:s25+$0xFFFFFA70] =	vst v58;
	v53 =	vld.idx.msk [tilespmem:v60+s14+$0x0], $0xffff;
	v60 =	vor.u32 v34, v48  }
0x348: {  	[tilespmem:s25+$0xFFFFFC70] =	vst v2;
	v2 =	vor.u32 v31, v45;
	v58 =	vld.idx.msk [tilespmem:v59+s14+$0x0], $0xffff  }
0x349: {  	[tilespmem:s25+$0xFFFFF870] =	vst v4;
	v4 =	vld.idx.msk [tilespmem:v61+s14+$0x0], $0xffff;
	v61 =	vor.u32 v16, v44  }
0x34a: {  	[tilespmem:s26+$0xFFFFFD70] =	vst v50;
	v59 =	vor.u32 v16, v41;
	v56 =	vld.idx.msk [tilespmem:v62+s14+$0x0], $0xffff  }
0x34b: {  	v62 =	vor.u32 v16, v40;
	v52 =	vld.idx.msk [tilespmem:v63+s14+$0x0], $0xffff;
	[tilespmem:s26+$0xFFFFFFA0] =	vst v54  }
0x34c: {  	[tilespmem:s26+$0xFFFFF970] =	vst v55;
	v63 =	vor.u32 v16, v43;
	v55 =	vld.idx.msk [tilespmem:v60+s14+$0x0], $0xffff  }
0x34d: {  	[tilespmem:s25+$0xFFFFFE80] =	vst v53;
	v2 =	vld.idx.msk [tilespmem:v2+s14+$0x0], $0xffff;
	v60 =	vor.u32 v32, v49  }
0x34e: {  	[tilespmem:s25+$0xFFFFFA80] =	vst v58;
	v51 =	vld.idx.msk [tilespmem:v61+s14+$0x0], $0xffff;
	v61 =	vor.u32 v35, v48  }
0x34f: {  	[tilespmem:s25+$0xFFFFFC80] =	vst v4;
	v4 =	vor.u32 v32, v46;
	v58 =	vld.idx.msk [tilespmem:v59+s14+$0x0], $0xffff  }
0x350: {  	[tilespmem:s25+$0xFFFFF880] =	vst v56;
	v50 =	vld.idx.msk [tilespmem:v62+s14+$0x0], $0xffff;
	v62 =	vor.u32 v17, v44  }
0x351: {  	[tilespmem:s26+$0xFFFFFB80] =	vst v1;
	v54 =	vld.idx.msk [tilespmem:v63+s14+$0x0], $0xffff;
	v63 =	vor.u32 v17, v41  }
0x352: {  	v1 =	vor.u32 v17, v40;
	v53 =	vld.idx.msk [tilespmem:v60+s14+$0x0], $0xffff;
	[tilespmem:s26+$0xFFFFFFB0] =	vst v55  }
0x353: {  	[tilespmem:s26+$0xFFFFFD80] =	vst v52;
	v60 =	vor.u32 v17, v43;
	v52 =	vld.idx.msk [tilespmem:v61+s14+$0x0], $0xffff  }
0x354: {  	[tilespmem:s25+$0xFFFFFE90] =	vst v51;
	v61 =	vor.u32 v32, v45;
	v4 =	vld.idx.msk [tilespmem:v4+s14+$0x0], $0xffff  }
0x355: {  	v57 =	vor.u32 v36, v48;
	[tilespmem:s25+$0xFFFFFA90] =	vst v58;
	v56 =	vld.idx.msk [tilespmem:v62+s14+$0x0], $0xffff  }
0x356: {  	[tilespmem:s25+$0xFFFFFC90] =	vst v50;
	v62 =	vor.u32 v33, v49;
	v58 =	vld.idx.msk [tilespmem:v63+s14+$0x0], $0xffff  }
0x357: {  	[tilespmem:s25+$0xFFFFF890] =	vst v54;
	v1 =	vld.idx.msk [tilespmem:v1+s14+$0x0], $0xffff;
	v63 =	vor.u32 v18, v44  }
0x358: {  	[tilespmem:s26+$0xFFFFF980] =	vst v2;
	v2 =	vor.u32 v18, v40;
	v55 =	vld.idx.msk [tilespmem:v60+s14+$0x0], $0xffff  }
0x359: {  	v60 =	vor.u32 v18, v41;
	v51 =	vld.idx.msk [tilespmem:v61+s14+$0x0], $0xffff;
	[tilespmem:s26+$0xFFFFFFC0] =	vst v52  }
0x35a: {  	[tilespmem:s26+$0xFFFFFB90] =	vst v53;
	v61 =	vor.u32 v18, v43;
	v53 =	vld.idx.msk [tilespmem:v57+s14+$0x0], $0xffff  }
0x35b: {  	[tilespmem:s25+$0xFFFFFEA0] =	vst v56;
	v50 =	vld.idx.msk [tilespmem:v62+s14+$0x0], $0xffff;
	v62 =	vor.u32 v33, v46  }
0x35c: {  	v54 =	vld.idx.msk [tilespmem:v63+s14+$0x0], $0xffff;
	v63 =	vor.u32 v37, v48;
	[tilespmem:s25+$0xFFFFFCA0] =	vst v1  }
0x35d: {  	[tilespmem:s25+$0xFFFFFAA0] =	vst v58;
	v1 =	vor.u32 v33, v45;
	v2 =	vld.idx.msk [tilespmem:v2+s14+$0x0], $0xffff  }
0x35e: {  	v58 =	vld.idx.msk [tilespmem:v60+s14+$0x0], $0xffff;
	[tilespmem:s25+$0xFFFFF8A0] =	vst v55;
	v60 =	vor.u32 v19, v44  }
0x35f: {  	[tilespmem:s26+$0xFFFFFD90] =	vst v4;
	v4 =	vor.u32 v19, v40;
	v52 =	vld.idx.msk [tilespmem:v61+s14+$0x0], $0xffff  }
0x360: {  	v61 =	vor.u32 v19, v41;
	v56 =	vld.idx.msk [tilespmem:v62+s14+$0x0], $0xffff;
	[tilespmem:s26+$0xFFFFFFD0] =	vst v53  }
0x361: {  	[tilespmem:s26+$0xFFFFF990] =	vst v51;
	v62 =	vor.u32 v19, v43;
	v51 =	vld.idx.msk [tilespmem:v63+s14+$0x0], $0xffff  }
0x362: {  	[tilespmem:s25+$0xFFFFFEB0] =	vst v54;
	v1 =	vld.idx.msk [tilespmem:v1+s14+$0x0], $0xffff;
	v63 =	vor.u32 v34, v49  }
0x363: {  	v57 =	vor.u32 v38, v48;
	[tilespmem:s25+$0xFFFFFCB0] =	vst v2;
	v55 =	vld.idx.msk [tilespmem:v60+s14+$0x0], $0xffff  }
0x364: {  	v2 =	vor.u32 v34, v46;
	[tilespmem:s25+$0xFFFFFAB0] =	vst v58;
	v4 =	vld.idx.msk [tilespmem:v4+s14+$0x0], $0xffff  }
0x365: {  	v60 =	vor.u32 v20, v44;
	v58 =	vld.idx.msk [tilespmem:v61+s14+$0x0], $0xffff;
	[tilespmem:s25+$0xFFFFF8B0] =	vst v52  }
0x366: {  	[tilespmem:s26+$0xFFFFFBA0] =	vst v50;
	v61 =	vor.u32 v20, v41;
	v53 =	vld.idx.msk [tilespmem:v62+s14+$0x0], $0xffff  }
0x367: {  	v62 =	vor.u32 v20, v40;
	v54 =	vld.idx.msk [tilespmem:v63+s14+$0x0], $0xffff;
	[tilespmem:s26+$0xFFFFFFE0] =	vst v51  }
0x368: {  	[tilespmem:s26+$0xFFFFFDA0] =	vst v56;
	v63 =	vor.u32 v20, v43;
	v56 =	vld.idx.msk [tilespmem:v57+s14+$0x0], $0xffff  }
0x369: {  	v2 =	vld.idx.msk [tilespmem:v2+s14+$0x0], $0xffff;
	[tilespmem:s25+$0xFFFFFEC0] =	vst v55;
	v55 =	vor.u32 v34, v45  }
0x36a: {  	v57 =	vor.u32 v39, v48;
	[tilespmem:s25+$0xFFFFFAC0] =	vst v58;
	v52 =	vld.idx.msk [tilespmem:v60+s14+$0x0], $0xffff  }
0x36b: {  	s28 =	simm.s32 $0xA;
	[tilespmem:s25+$0xFFFFFCC0] =	vst v4;
	v4 =	vor.u32 v35, v49;
	v58 =	vld.idx.msk [tilespmem:v61+s14+$0x0], $0xffff  }
0x36c: {  	v60 =	vmov s28;
	[tilespmem:s25+$0xFFFFF8C0] =	vst v53;
	v50 =	vld.idx.msk [tilespmem:v62+s14+$0x0], $0xffff;
	v53 =	vor.u32 v21, v44  }
0x36d: {  	v59 =	vor.u32 v21, v41;
	[tilespmem:s26+$0xFFFFF9A0] =	vst v1;
	v1 =	vand.u32 $0x1E, v60;
	v51 =	vld.idx.msk [tilespmem:v63+s14+$0x0], $0xffff  }
0x36e: {  	v60 =	vor.u32 v21, v40;
	v48 =	vbroadcast v1, $0x0;
	[tilespmem:s26+$0xFFFFFFF0] =	vst v56;
	v55 =	vld.idx.msk [tilespmem:v55+s14+$0x0], $0xffff  }
0x36f: {  	v1 =	vor.u32 v21, v43;
	[tilespmem:s26+$0xFFFFFBB0] =	vst v54;
	v54 =	vld.idx.msk [tilespmem:v57+s14+$0x0], $0xffff  }
0x370: {  	v4 =	vld.idx.msk [tilespmem:v4+s14+$0x0], $0xffff;
	v56 =	vor.u32 v3, v48;
	[tilespmem:s25+$0xFFFFFED0] =	vst v52  }
0x371: {  	v52 =	vor.u32 v35, v46;
	[tilespmem:s25+$0xFFFFFAD0] =	vst v58;
	v53 =	vld.idx.msk [tilespmem:v53+s14+$0x0], $0xffff  }
0x372: {  	[tilespmem:s25+$0xFFFFFCD0] =	vst v50;
	v50 =	vor.u32 v35, v45;
	v57 =	vld.idx.msk [tilespmem:v59+s14+$0x0], $0xffff  }
0x373: {  	[tilespmem:s25+$0xFFFFF8D0] =	vst v51;
	v58 =	vld.idx.msk [tilespmem:v60+s14+$0x0], $0xffff;
	v59 =	vor.u32 v22, v44  }
0x374: {  	[tilespmem:s26+$0xFFFFFDB0] =	vst v2;
	v60 =	vor.u32 v22, v41;
	v1 =	vld.idx.msk [tilespmem:v1+s14+$0x0], $0xffff  }
0x375: {  	v2 =	vor.u32 v22, v40;
	[tilespmem:s26+$0x0] =	vst v54;
	v51 =	vld.idx.msk [tilespmem:v56+s14+$0x0], $0xffff  }
0x376: {  	v54 =	vor.u32 v22, v43;
	[tilespmem:s26+$0xFFFFF9B0] =	vst v55;
	v52 =	vld.idx.msk [tilespmem:v52+s14+$0x0], $0xffff  }
0x377: {  	[tilespmem:s25+$0xFFFFFEE0] =	vst v53;
	v50 =	vld.idx.msk [tilespmem:v50+s14+$0x0], $0xffff;
	v53 =	vor.u32 v36, v49  }
0x378: {  	v62 =	vor.u32 v36, v46;
	[tilespmem:s25+$0xFFFFFAE0] =	vst v57;
	v61 =	vld.idx.msk [tilespmem:v59+s14+$0x0], $0xffff  }
0x379: {  	v63 =	vor.u32 v36, v45;
	[tilespmem:s25+$0xFFFFFCE0] =	vst v58;
	v57 =	vld.idx.msk [tilespmem:v60+s14+$0x0], $0xffff  }
0x37a: {  	[tilespmem:s25+$0xFFFFF8E0] =	vst v1;
	v1 =	vld.idx.msk [tilespmem:v2+s14+$0x0], $0xffff;
	v2 =	vor.u32 v23, v44  }
0x37b: {  	[tilespmem:s26+$0xFFFFFBC0] =	vst v4;
	v59 =	vor.u32 v23, v41;
	v54 =	vld.idx.msk [tilespmem:v54+s14+$0x0], $0xffff  }
0x37c: {  	v4 =	vor.u32 v23, v40;
	[tilespmem:s26+$0xFFFFFDC0] =	vst v52;
	v53 =	vld.idx.msk [tilespmem:v53+s14+$0x0], $0xffff  }
0x37d: {  	v52 =	vor.u32 v23, v43;
	[tilespmem:s26+$0xFFFFF9C0] =	vst v50;
	v60 =	vld.idx.msk [tilespmem:v62+s14+$0x0], $0xffff  }
0x37e: {  	v62 =	vor.u32 v37, v49;
	[tilespmem:s25+$0xFFFFFEF0] =	vst v61;
	v61 =	vld.idx.msk [tilespmem:v63+s14+$0x0], $0xffff  }
0x37f: {  	v63 =	vor.u32 v37, v46;
	[tilespmem:s25+$0xFFFFFAF0] =	vst v57;
	v2 =	vld.idx.msk [tilespmem:v2+s14+$0x0], $0xffff  }
0x380: {  	[tilespmem:s25+$0xFFFFFCF0] =	vst v1;
	v1 =	vor.u32 v37, v45;
	v58 =	vld.idx.msk [tilespmem:v59+s14+$0x0], $0xffff  }
0x381: {  	[tilespmem:s25+$0xFFFFF8F0] =	vst v54;
	v4 =	vld.idx.msk [tilespmem:v4+s14+$0x0], $0xffff;
	v54 =	vor.u32 v24, v44  }
0x382: {  	v59 =	vor.u32 v24, v41;
	v52 =	vld.idx.msk [tilespmem:v52+s14+$0x0], $0xffff;
	[tilespmem:s26+$0xFFFFFBD0] =	vst v53  }
0x383: {  	v53 =	vor.u32 v24, v40;
	[tilespmem:s26+$0xFFFFFDD0] =	vst v60;
	v56 =	vld.idx.msk [tilespmem:v62+s14+$0x0], $0xffff  }
0x384: {  	v50 =	vor.u32 v24, v43;
	[tilespmem:s26+$0xFFFFF9D0] =	vst v61;
	v60 =	vld.idx.msk [tilespmem:v63+s14+$0x0], $0xffff  }
0x385: {  	[tilespmem:s25+$0xFFFFFF00] =	vst v2;
	v1 =	vld.idx.msk [tilespmem:v1+s14+$0x0], $0xffff;
	v2 =	vor.u32 v38, v49  }
0x386: {  	v5 =	vor.u32 v38, v46;
	[tilespmem:s25+$0xFFFFFB00] =	vst v58;
	v63 =	vld.idx.msk [tilespmem:v54+s14+$0x0], $0xffff  }
0x387: {  	[tilespmem:s25+$0xFFFFFD00] =	vst v4;
	v4 =	vor.u32 v38, v45;
	v61 =	vld.idx.msk [tilespmem:v59+s14+$0x0], $0xffff  }
0x388: {  	v62 =	vor.u32 v25, v44;
	[tilespmem:s25+$0xFFFFF900] =	vst v52;
	v59 =	vld.idx.msk [tilespmem:v53+s14+$0x0], $0xffff  }
0x389: {  	v58 =	vor.u32 v25, v41;
	v57 =	vld.idx.msk [tilespmem:v50+s14+$0x0], $0xffff;
	[tilespmem:s26+$0xFFFFFBE0] =	vst v56  }
0x38a: {  	v54 =	vor.u32 v25, v40;
	[tilespmem:s26+$0xFFFFFDE0] =	vst v60;
	v55 =	vld.idx.msk [tilespmem:v2+s14+$0x0], $0xffff  }
0x38b: {  	v52 =	vor.u32 v25, v43;
	[tilespmem:s26+$0xFFFFF9E0] =	vst v1;
	v56 =	vld.idx.msk [tilespmem:v5+s14+$0x0], $0xffff  }
0x38c: {  	s30 =	simm.s32 $0xB;
	s29 =	simm.s32 $0xC;
	s28 =	simm.s32 $0x8;
	v53 =	vor.u32 v39, v49;
	[tilespmem:s25+$0xFFFFFF10] =	vst v63;
	v60 =	vld.idx.msk [tilespmem:v4+s14+$0x0], $0xffff  }
.LBB2_5:
0x38d: {  	p0 =	slt.u32 s29, $0x1C;
	v1 =	vmov s30;
	[tilespmem:s25+$0xFFFFFB10] =	vst v61;
	v2 =	vld.idx.msk [tilespmem:v62+s14+$0x0], $0xffff;
	v4 =	vor.u32 v39, v46;
	v46 =	vmovc v40;
	v40 =	vmov v48  }
0x38e: {  	v50 =	vor.u32 v39, v45;
	v45 =	vmov v43;
	v1 =	vand.u32 $0x1F, v1;
	v5 =	vld.idx.msk [tilespmem:v58+s14+$0x0], $0xffff;
	[tilespmem:s25+$0xFFFFFD10] =	vst v59  }
0x38f: {  	v48 =	vbroadcast v1, $0x0;
	[tilespmem:s25+$0xFFFFF910] =	vst v57;
	v1 =	vld.idx.msk [tilespmem:v54+s14+$0x0], $0xffff;
	v54 =	vor.u32 v26, v44  }
0x390: {  	s30 =	sadd.s32 $0x1, s29;
	v43 =	vmov s28;
	s28 =	smov.u32 s29;
	v57 =	vor.u32 v26, v41;
	v52 =	vld.idx.msk [tilespmem:v52+s14+$0x0], $0xffff;
	[tilespmem:s26+$0xFFFFFBF0] =	vst v55  }
0x391: {  	v49 =	vmov s30;
	v43 =	vand.u32 $0x1C, v43;
	v55 =	vor.u32 v3, v48;
	v53 =	vld.idx.msk [tilespmem:v53+s14+$0x0], $0xffff;
	[tilespmem:s26+$0xFFFFFDF0] =	vst v56  }
0x392: {  	v49 =	vand.u32 $0x1D, v49;
	v43 =	vbroadcast v43, $0x0;
	v56 =	vor.u32 v26, v46;
	[tilespmem:s26+$0xFFFFF9F0] =	vst v60;
	v4 =	vld.idx.msk [tilespmem:v4+s14+$0x0], $0xffff  }
0x393: {  	v58 =	vor.u32 v26, v45;
	v49 =	vbroadcast v49, $0x0;
	[tilespmem:s25+$0xFFFFFF20] =	vst v2;
	v2 =	vld.idx.msk [tilespmem:v50+s14+$0x0], $0xffff  }
0x394: {  	v50 =	vor.u32 v3, v43;
	[tilespmem:s25+$0xFFFFFB20] =	vst v5;
	v5 =	vld.idx.msk [tilespmem:v54+s14+$0x0], $0xffff  }
0x395: {  	v54 =	vor.u32 v3, v49;
	v57 =	vld.idx.msk [tilespmem:v57+s14+$0x0], $0xffff;
	[tilespmem:s25+$0xFFFFFD20] =	vst v1  }
0x396: {  	v1 =	vld.idx.msk [tilespmem:v55+s14+$0x0], $0xffff;
	[tilespmem:s25+$0xFFFFF920] =	vst v52;
	v52 =	vor.u32 v27, v44  }
0x397: {  	v55 =	vor.u32 v27, v41;
	v56 =	vld.idx.msk [tilespmem:v56+s14+$0x0], $0xffff;
	[tilespmem:s26+$0xFFFFFC00] =	vst v53  }
0x398: {  	v53 =	vor.u32 v9, v48;
	v58 =	vld.idx.msk [tilespmem:v58+s14+$0x0], $0xffff;
	[tilespmem:s26+$0xFFFFFE00] =	vst v4  }
0x399: {  	v4 =	vld.idx.msk [tilespmem:v50+s14+$0x0], $0xffff;
	v50 =	vor.u32 v9, v42;
	[tilespmem:s26+$0xFFFFFA00] =	vst v2;
	s26 =	smov.u32 s25  }
0x39a: {  	v2 =	vld.idx.msk [tilespmem:v54+s14+$0x0], $0xffff;
	v54 =	vor.u32 v9, v40;
	[tilespmem:s25+$0xFFFFFF30] =	vst v5  }
0x39b: {  	v5 =	vor.u32 v9, v43;
	s25 =	sadd.s32 $0x800, s25;
	[tilespmem:s26+$0xFFFFFB30] =	vst v57;
	v52 =	vld.idx.msk [tilespmem:v52+s14+$0x0], $0xffff  }
0x39c: {  	[tilespmem:s25+$0xFFFFFE10] =	vst v1;
	v1 =	vld.idx.msk [tilespmem:v55+s14+$0x0], $0xffff;
	v55 =	vor.u32 v27, v46  }
0x39d: {  	v57 =	vor.u32 v28, v44;
	[tilespmem:s25+$0xFFFFFA10] =	vst v47;
	v53 =	vld.idx.msk [tilespmem:v53+s14+$0x0], $0xffff  }
0x39e: {  	v50 =	vld.idx.msk [tilespmem:v50+s14+$0x0], $0xffff;
	[tilespmem:s25+$0xFFFFFC10] =	vst v51;
	v51 =	vor.u32 v27, v45  }
0x39f: {  	[tilespmem:s25+$0xFFFFF810] =	vst v4;
	v4 =	vld.idx.msk [tilespmem:v54+s14+$0x0], $0xffff;
	v54 =	vor.u32 v10, v48  }
0x3a0: {  	v59 =	vor.u32 v10, v42;
	v47 =	vmov v2;
	v5 =	vld.idx.msk [tilespmem:v5+s14+$0x0], $0xffff;
	[tilespmem:s26+$0xFFFFFD30] =	vst v56  }
0x3a1: {  	v2 =	vor.u32 v10, v40;
	v55 =	vld.idx.msk [tilespmem:v55+s14+$0x0], $0xffff;
	[tilespmem:s26+$0xFFFFFF40] =	vst v52  }
0x3a2: {  	v52 =	vor.u32 v10, v43;
	[tilespmem:s26+$0xFFFFF930] =	vst v58;
	v56 =	vld.idx.msk [tilespmem:v57+s14+$0x0], $0xffff  }
0x3a3: {  	[tilespmem:s25+$0xFFFFFE20] =	vst v53;
	v51 =	vld.idx.msk [tilespmem:v51+s14+$0x0], $0xffff;
	v53 =	vor.u32 v28, v41  }
0x3a4: {  	[tilespmem:s25+$0xFFFFFA20] =	vst v50;
	v50 =	vld.idx.msk [tilespmem:v54+s14+$0x0], $0xffff;
	v54 =	vor.u32 v29, v44  }
0x3a5: {  	v57 =	vld.idx.msk [tilespmem:v59+s14+$0x0], $0xffff;
	[tilespmem:s25+$0xFFFFFC20] =	vst v4;
	v4 =	vor.u32 v28, v46  }
0x3a6: {  	[tilespmem:s25+$0xFFFFF820] =	vst v5;
	v2 =	vld.idx.msk [tilespmem:v2+s14+$0x0], $0xffff;
	v5 =	vor.u32 v11, v48  }
0x3a7: {  	v58 =	vor.u32 v11, v42;
	v52 =	vld.idx.msk [tilespmem:v52+s14+$0x0], $0xffff;
	[tilespmem:s26+$0xFFFFFB40] =	vst v1  }
0x3a8: {  	v1 =	vor.u32 v11, v40;
	v53 =	vld.idx.msk [tilespmem:v53+s14+$0x0], $0xffff;
	[tilespmem:s26+$0xFFFFFF50] =	vst v56  }
0x3a9: {  	v56 =	vor.u32 v11, v43;
	[tilespmem:s26+$0xFFFFFD40] =	vst v55;
	v54 =	vld.idx.msk [tilespmem:v54+s14+$0x0], $0xffff  }
0x3aa: {  	[tilespmem:s25+$0xFFFFFE30] =	vst v50;
	v50 =	vor.u32 v28, v45;
	v4 =	vld.idx.msk [tilespmem:v4+s14+$0x0], $0xffff  }
0x3ab: {  	v55 =	vor.u32 v30, v44;
	[tilespmem:s25+$0xFFFFFA30] =	vst v57;
	v5 =	vld.idx.msk [tilespmem:v5+s14+$0x0], $0xffff  }
0x3ac: {  	v57 =	vld.idx.msk [tilespmem:v58+s14+$0x0], $0xffff;
	[tilespmem:s25+$0xFFFFFC30] =	vst v2;
	v2 =	vor.u32 v29, v41  }
0x3ad: {  	[tilespmem:s25+$0xFFFFF830] =	vst v52;
	v1 =	vld.idx.msk [tilespmem:v1+s14+$0x0], $0xffff;
	v52 =	vor.u32 v12, v48  }
0x3ae: {  	v58 =	vor.u32 v12, v42;
	v56 =	vld.idx.msk [tilespmem:v56+s14+$0x0], $0xffff;
	[tilespmem:s26+$0xFFFFF940] =	vst v51  }
0x3af: {  	v51 =	vor.u32 v12, v40;
	v50 =	vld.idx.msk [tilespmem:v50+s14+$0x0], $0xffff;
	[tilespmem:s26+$0xFFFFFF60] =	vst v54  }
0x3b0: {  	v54 =	vor.u32 v12, v43;
	[tilespmem:s26+$0xFFFFFB50] =	vst v53;
	v53 =	vld.idx.msk [tilespmem:v55+s14+$0x0], $0xffff  }
0x3b1: {  	[tilespmem:s25+$0xFFFFFE40] =	vst v5;
	v2 =	vld.idx.msk [tilespmem:v2+s14+$0x0], $0xffff;
	v5 =	vor.u32 v29, v46  }
0x3b2: {  	v55 =	vor.u32 v31, v44;
	[tilespmem:s25+$0xFFFFFA40] =	vst v57;
	v52 =	vld.idx.msk [tilespmem:v52+s14+$0x0], $0xffff  }
0x3b3: {  	v57 =	vld.idx.msk [tilespmem:v58+s14+$0x0], $0xffff;
	[tilespmem:s25+$0xFFFFFC40] =	vst v1;
	v1 =	vor.u32 v29, v45  }
0x3b4: {  	[tilespmem:s25+$0xFFFFF840] =	vst v56;
	v51 =	vld.idx.msk [tilespmem:v51+s14+$0x0], $0xffff;
	v56 =	vor.u32 v13, v48  }
0x3b5: {  	v58 =	vor.u32 v13, v42;
	v54 =	vld.idx.msk [tilespmem:v54+s14+$0x0], $0xffff;
	[tilespmem:s26+$0xFFFFFD50] =	vst v4  }
0x3b6: {  	v4 =	vor.u32 v13, v40;
	v5 =	vld.idx.msk [tilespmem:v5+s14+$0x0], $0xffff;
	[tilespmem:s26+$0xFFFFFF70] =	vst v53  }
0x3b7: {  	v53 =	vor.u32 v13, v43;
	[tilespmem:s26+$0xFFFFF950] =	vst v50;
	v50 =	vld.idx.msk [tilespmem:v55+s14+$0x0], $0xffff  }
0x3b8: {  	[tilespmem:s25+$0xFFFFFE50] =	vst v52;
	v1 =	vld.idx.msk [tilespmem:v1+s14+$0x0], $0xffff;
	v52 =	vor.u32 v30, v41  }
0x3b9: {  	[tilespmem:s25+$0xFFFFFA50] =	vst v57;
	v55 =	vld.idx.msk [tilespmem:v56+s14+$0x0], $0xffff;
	v56 =	vor.u32 v32, v44  }
0x3ba: {  	v57 =	vld.idx.msk [tilespmem:v58+s14+$0x0], $0xffff;
	[tilespmem:s25+$0xFFFFFC50] =	vst v51;
	v51 =	vor.u32 v30, v46  }
0x3bb: {  	[tilespmem:s25+$0xFFFFF850] =	vst v54;
	v4 =	vld.idx.msk [tilespmem:v4+s14+$0x0], $0xffff;
	v54 =	vor.u32 v14, v48  }
0x3bc: {  	v58 =	vor.u32 v14, v42;
	v53 =	vld.idx.msk [tilespmem:v53+s14+$0x0], $0xffff;
	[tilespmem:s26+$0xFFFFFB60] =	vst v2  }
0x3bd: {  	v2 =	vor.u32 v14, v40;
	v52 =	vld.idx.msk [tilespmem:v52+s14+$0x0], $0xffff;
	[tilespmem:s26+$0xFFFFFF80] =	vst v50  }
0x3be: {  	v50 =	vor.u32 v14, v43;
	[tilespmem:s26+$0xFFFFFD60] =	vst v5;
	v5 =	vld.idx.msk [tilespmem:v56+s14+$0x0], $0xffff  }
0x3bf: {  	[tilespmem:s25+$0xFFFFFE60] =	vst v55;
	v55 =	vor.u32 v30, v45;
	v51 =	vld.idx.msk [tilespmem:v51+s14+$0x0], $0xffff  }
0x3c0: {  	v56 =	vor.u32 v33, v44;
	[tilespmem:s25+$0xFFFFFA60] =	vst v57;
	v54 =	vld.idx.msk [tilespmem:v54+s14+$0x0], $0xffff  }
0x3c1: {  	v57 =	vld.idx.msk [tilespmem:v58+s14+$0x0], $0xffff;
	[tilespmem:s25+$0xFFFFFC60] =	vst v4;
	v4 =	vor.u32 v31, v41  }
0x3c2: {  	[tilespmem:s25+$0xFFFFF860] =	vst v53;
	v2 =	vld.idx.msk [tilespmem:v2+s14+$0x0], $0xffff;
	v53 =	vor.u32 v15, v48  }
0x3c3: {  	v58 =	vor.u32 v15, v42;
	v50 =	vld.idx.msk [tilespmem:v50+s14+$0x0], $0xffff;
	[tilespmem:s26+$0xFFFFF960] =	vst v1  }
0x3c4: {  	v1 =	vor.u32 v15, v40;
	v55 =	vld.idx.msk [tilespmem:v55+s14+$0x0], $0xffff;
	[tilespmem:s26+$0xFFFFFF90] =	vst v5  }
0x3c5: {  	v5 =	vor.u32 v15, v43;
	[tilespmem:s26+$0xFFFFFB70] =	vst v52;
	v52 =	vld.idx.msk [tilespmem:v56+s14+$0x0], $0xffff  }
0x3c6: {  	[tilespmem:s25+$0xFFFFFE70] =	vst v54;
	v4 =	vld.idx.msk [tilespmem:v4+s14+$0x0], $0xffff;
	v54 =	vor.u32 v31, v46  }
0x3c7: {  	v56 =	vor.u32 v34, v44;
	[tilespmem:s25+$0xFFFFFA70] =	vst v57;
	v53 =	vld.idx.msk [tilespmem:v53+s14+$0x0], $0xffff  }
0x3c8: {  	v57 =	vld.idx.msk [tilespmem:v58+s14+$0x0], $0xffff;
	[tilespmem:s25+$0xFFFFFC70] =	vst v2;
	v2 =	vor.u32 v31, v45  }
0x3c9: {  	[tilespmem:s25+$0xFFFFF870] =	vst v50;
	v1 =	vld.idx.msk [tilespmem:v1+s14+$0x0], $0xffff;
	v50 =	vor.u32 v16, v48  }
0x3ca: {  	v58 =	vor.u32 v16, v42;
	v5 =	vld.idx.msk [tilespmem:v5+s14+$0x0], $0xffff;
	[tilespmem:s26+$0xFFFFFD70] =	vst v51  }
0x3cb: {  	v51 =	vor.u32 v16, v40;
	v54 =	vld.idx.msk [tilespmem:v54+s14+$0x0], $0xffff;
	[tilespmem:s26+$0xFFFFFFA0] =	vst v52  }
0x3cc: {  	v52 =	vor.u32 v16, v43;
	[tilespmem:s26+$0xFFFFF970] =	vst v55;
	v55 =	vld.idx.msk [tilespmem:v56+s14+$0x0], $0xffff  }
0x3cd: {  	[tilespmem:s25+$0xFFFFFE80] =	vst v53;
	v2 =	vld.idx.msk [tilespmem:v2+s14+$0x0], $0xffff;
	v53 =	vor.u32 v32, v41  }
0x3ce: {  	v56 =	vor.u32 v35, v44;
	[tilespmem:s25+$0xFFFFFA80] =	vst v57;
	v50 =	vld.idx.msk [tilespmem:v50+s14+$0x0], $0xffff  }
0x3cf: {  	v57 =	vld.idx.msk [tilespmem:v58+s14+$0x0], $0xffff;
	[tilespmem:s25+$0xFFFFFC80] =	vst v1;
	v1 =	vor.u32 v32, v46  }
0x3d0: {  	[tilespmem:s25+$0xFFFFF880] =	vst v5;
	v5 =	vld.idx.msk [tilespmem:v51+s14+$0x0], $0xffff;
	v51 =	vor.u32 v17, v48  }
0x3d1: {  	v58 =	vor.u32 v17, v42;
	v52 =	vld.idx.msk [tilespmem:v52+s14+$0x0], $0xffff;
	[tilespmem:s26+$0xFFFFFB80] =	vst v4  }
0x3d2: {  	v4 =	vor.u32 v17, v40;
	v53 =	vld.idx.msk [tilespmem:v53+s14+$0x0], $0xffff;
	[tilespmem:s26+$0xFFFFFFB0] =	vst v55  }
0x3d3: {  	v55 =	vor.u32 v17, v43;
	[tilespmem:s26+$0xFFFFFD80] =	vst v54;
	v54 =	vld.idx.msk [tilespmem:v56+s14+$0x0], $0xffff  }
0x3d4: {  	[tilespmem:s25+$0xFFFFFE90] =	vst v50;
	v50 =	vor.u32 v32, v45;
	v1 =	vld.idx.msk [tilespmem:v1+s14+$0x0], $0xffff  }
0x3d5: {  	v56 =	vor.u32 v36, v44;
	[tilespmem:s25+$0xFFFFFA90] =	vst v57;
	v51 =	vld.idx.msk [tilespmem:v51+s14+$0x0], $0xffff  }
0x3d6: {  	v57 =	vld.idx.msk [tilespmem:v58+s14+$0x0], $0xffff;
	[tilespmem:s25+$0xFFFFFC90] =	vst v5;
	v5 =	vor.u32 v33, v41  }
0x3d7: {  	[tilespmem:s25+$0xFFFFF890] =	vst v52;
	v4 =	vld.idx.msk [tilespmem:v4+s14+$0x0], $0xffff;
	v52 =	vor.u32 v18, v48  }
0x3d8: {  	v58 =	vor.u32 v18, v42;
	v55 =	vld.idx.msk [tilespmem:v55+s14+$0x0], $0xffff;
	[tilespmem:s26+$0xFFFFF980] =	vst v2  }
0x3d9: {  	v2 =	vor.u32 v18, v40;
	v50 =	vld.idx.msk [tilespmem:v50+s14+$0x0], $0xffff;
	[tilespmem:s26+$0xFFFFFFC0] =	vst v54  }
0x3da: {  	v54 =	vor.u32 v18, v43;
	[tilespmem:s26+$0xFFFFFB90] =	vst v53;
	v53 =	vld.idx.msk [tilespmem:v56+s14+$0x0], $0xffff  }
0x3db: {  	[tilespmem:s25+$0xFFFFFEA0] =	vst v51;
	v5 =	vld.idx.msk [tilespmem:v5+s14+$0x0], $0xffff;
	v51 =	vor.u32 v33, v46  }
0x3dc: {  	v56 =	vor.u32 v37, v44;
	[tilespmem:s25+$0xFFFFFAA0] =	vst v57;
	v52 =	vld.idx.msk [tilespmem:v52+s14+$0x0], $0xffff  }
0x3dd: {  	v57 =	vld.idx.msk [tilespmem:v58+s14+$0x0], $0xffff;
	[tilespmem:s25+$0xFFFFFCA0] =	vst v4;
	v4 =	vor.u32 v33, v45  }
0x3de: {  	[tilespmem:s25+$0xFFFFF8A0] =	vst v55;
	v2 =	vld.idx.msk [tilespmem:v2+s14+$0x0], $0xffff;
	v55 =	vor.u32 v19, v48  }
0x3df: {  	v58 =	vor.u32 v19, v42;
	v54 =	vld.idx.msk [tilespmem:v54+s14+$0x0], $0xffff;
	[tilespmem:s26+$0xFFFFFD90] =	vst v1  }
0x3e0: {  	v1 =	vor.u32 v19, v40;
	v51 =	vld.idx.msk [tilespmem:v51+s14+$0x0], $0xffff;
	[tilespmem:s26+$0xFFFFFFD0] =	vst v53  }
0x3e1: {  	v53 =	vor.u32 v19, v43;
	[tilespmem:s26+$0xFFFFF990] =	vst v50;
	v50 =	vld.idx.msk [tilespmem:v56+s14+$0x0], $0xffff  }
0x3e2: {  	[tilespmem:s25+$0xFFFFFEB0] =	vst v52;
	v4 =	vld.idx.msk [tilespmem:v4+s14+$0x0], $0xffff;
	v52 =	vor.u32 v34, v41  }
0x3e3: {  	v56 =	vor.u32 v38, v44;
	[tilespmem:s25+$0xFFFFFAB0] =	vst v57;
	v55 =	vld.idx.msk [tilespmem:v55+s14+$0x0], $0xffff  }
0x3e4: {  	v57 =	vld.idx.msk [tilespmem:v58+s14+$0x0], $0xffff;
	[tilespmem:s25+$0xFFFFFCB0] =	vst v2;
	v2 =	vor.u32 v34, v46  }
0x3e5: {  	[tilespmem:s25+$0xFFFFF8B0] =	vst v54;
	v1 =	vld.idx.msk [tilespmem:v1+s14+$0x0], $0xffff;
	v54 =	vor.u32 v20, v48  }
0x3e6: {  	v58 =	vor.u32 v20, v42;
	v53 =	vld.idx.msk [tilespmem:v53+s14+$0x0], $0xffff;
	[tilespmem:s26+$0xFFFFFBA0] =	vst v5  }
0x3e7: {  	v5 =	vor.u32 v20, v40;
	v52 =	vld.idx.msk [tilespmem:v52+s14+$0x0], $0xffff;
	[tilespmem:s26+$0xFFFFFFE0] =	vst v50  }
0x3e8: {  	v50 =	vor.u32 v20, v43;
	[tilespmem:s26+$0xFFFFFDA0] =	vst v51;
	v51 =	vld.idx.msk [tilespmem:v56+s14+$0x0], $0xffff  }
0x3e9: {  	[tilespmem:s25+$0xFFFFFEC0] =	vst v55;
	v55 =	vor.u32 v34, v45;
	v2 =	vld.idx.msk [tilespmem:v2+s14+$0x0], $0xffff  }
0x3ea: {  	v56 =	vor.u32 v39, v44;
	v44 =	vmov v48;
	[tilespmem:s25+$0xFFFFFAC0] =	vst v57;
	v54 =	vld.idx.msk [tilespmem:v54+s14+$0x0], $0xffff  }
0x3eb: {  	v57 =	vld.idx.msk [tilespmem:v58+s14+$0x0], $0xffff;
	[tilespmem:s25+$0xFFFFFCC0] =	vst v1;
	v1 =	vor.u32 v35, v41  }
0x3ec: {  	s30 =	sadd.s32 $0x2, s29;
	[tilespmem:s25+$0xFFFFF8C0] =	vst v53;
	v5 =	vld.idx.msk [tilespmem:v5+s14+$0x0], $0xffff;
	v53 =	vor.u32 v21, v44  }
0x3ed: {  	v48 =	vmov s30;
	v58 =	vor.u32 v21, v42;
	v50 =	vld.idx.msk [tilespmem:v50+s14+$0x0], $0xffff;
	[tilespmem:s26+$0xFFFFF9A0] =	vst v4  }
0x3ee: {  	v59 =	vor.u32 v21, v40;
	v4 =	vand.u32 $0x1E, v48;
	v55 =	vld.idx.msk [tilespmem:v55+s14+$0x0], $0xffff;
	[tilespmem:s26+$0xFFFFFFF0] =	vst v51  }
0x3ef: {  	v48 =	vbroadcast v4, $0x0;
	v4 =	vor.u32 v21, v43;
	[tilespmem:s26+$0xFFFFFBB0] =	vst v52;
	v51 =	vld.idx.msk [tilespmem:v56+s14+$0x0], $0xffff  }
0x3f0: {  	v52 =	vor.u32 v35, v46;
	[tilespmem:s25+$0xFFFFFED0] =	vst v54;
	v1 =	vld.idx.msk [tilespmem:v1+s14+$0x0], $0xffff  }
0x3f1: {  	v54 =	vor.u32 v3, v48;
	[tilespmem:s25+$0xFFFFFAD0] =	vst v57;
	v53 =	vld.idx.msk [tilespmem:v53+s14+$0x0], $0xffff  }
0x3f2: {  	v56 =	vld.idx.msk [tilespmem:v58+s14+$0x0], $0xffff;
	[tilespmem:s25+$0xFFFFFCD0] =	vst v5;
	v5 =	vor.u32 v35, v45  }
0x3f3: {  	v57 =	vor.u32 v22, v44;
	[tilespmem:s25+$0xFFFFF8D0] =	vst v50;
	v50 =	vld.idx.msk [tilespmem:v59+s14+$0x0], $0xffff  }
0x3f4: {  	v58 =	vor.u32 v22, v42;
	v4 =	vld.idx.msk [tilespmem:v4+s14+$0x0], $0xffff;
	[tilespmem:s26+$0xFFFFFDB0] =	vst v2  }
0x3f5: {  	v2 =	vor.u32 v22, v40;
	v52 =	vld.idx.msk [tilespmem:v52+s14+$0x0], $0xffff;
	[tilespmem:s26+$0x0] =	vst v51  }
0x3f6: {  	v51 =	vld.idx.msk [tilespmem:v54+s14+$0x0], $0xffff;
	v54 =	vor.u32 v22, v43;
	[tilespmem:s26+$0xFFFFF9B0] =	vst v55  }
0x3f7: {  	[tilespmem:s25+$0xFFFFFEE0] =	vst v53;
	v5 =	vld.idx.msk [tilespmem:v5+s14+$0x0], $0xffff;
	v53 =	vor.u32 v36, v41  }
0x3f8: {  	[tilespmem:s25+$0xFFFFFAE0] =	vst v56;
	v55 =	vld.idx.msk [tilespmem:v57+s14+$0x0], $0xffff;
	v56 =	vor.u32 v36, v46  }
0x3f9: {  	v57 =	vld.idx.msk [tilespmem:v58+s14+$0x0], $0xffff;
	[tilespmem:s25+$0xFFFFFCE0] =	vst v50;
	v50 =	vor.u32 v36, v45  }
0x3fa: {  	[tilespmem:s25+$0xFFFFF8E0] =	vst v4;
	v2 =	vld.idx.msk [tilespmem:v2+s14+$0x0], $0xffff;
	v4 =	vor.u32 v23, v44  }
0x3fb: {  	v58 =	vor.u32 v23, v42;
	v54 =	vld.idx.msk [tilespmem:v54+s14+$0x0], $0xffff;
	[tilespmem:s26+$0xFFFFFBC0] =	vst v1  }
0x3fc: {  	v1 =	vor.u32 v23, v40;
	v53 =	vld.idx.msk [tilespmem:v53+s14+$0x0], $0xffff;
	[tilespmem:s26+$0xFFFFFDC0] =	vst v52  }
0x3fd: {  	v52 =	vor.u32 v23, v43;
	[tilespmem:s26+$0xFFFFF9C0] =	vst v5;
	v5 =	vld.idx.msk [tilespmem:v56+s14+$0x0], $0xffff  }
0x3fe: {  	[tilespmem:s25+$0xFFFFFEF0] =	vst v55;
	v50 =	vld.idx.msk [tilespmem:v50+s14+$0x0], $0xffff;
	v55 =	vor.u32 v37, v41  }
0x3ff: {  	v56 =	vor.u32 v37, v46;
	[tilespmem:s25+$0xFFFFFAF0] =	vst v57;
	v4 =	vld.idx.msk [tilespmem:v4+s14+$0x0], $0xffff  }
0x400: {  	v57 =	vld.idx.msk [tilespmem:v58+s14+$0x0], $0xffff;
	[tilespmem:s25+$0xFFFFFCF0] =	vst v2;
	v2 =	vor.u32 v37, v45  }
0x401: {  	[tilespmem:s25+$0xFFFFF8F0] =	vst v54;
	v1 =	vld.idx.msk [tilespmem:v1+s14+$0x0], $0xffff;
	v54 =	vor.u32 v24, v44  }
0x402: {  	v58 =	vor.u32 v24, v42;
	v52 =	vld.idx.msk [tilespmem:v52+s14+$0x0], $0xffff;
	[tilespmem:s26+$0xFFFFFBD0] =	vst v53  }
0x403: {  	v53 =	vor.u32 v24, v40;
	v55 =	vld.idx.msk [tilespmem:v55+s14+$0x0], $0xffff;
	[tilespmem:s26+$0xFFFFFDD0] =	vst v5  }
0x404: {  	v5 =	vor.u32 v24, v43;
	[tilespmem:s26+$0xFFFFF9D0] =	vst v50;
	v50 =	vld.idx.msk [tilespmem:v56+s14+$0x0], $0xffff  }
0x405: {  	[tilespmem:s25+$0xFFFFFF00] =	vst v4;
	v2 =	vld.idx.msk [tilespmem:v2+s14+$0x0], $0xffff;
	v4 =	vor.u32 v38, v41  }
0x406: {  	v56 =	vor.u32 v38, v46;
	[tilespmem:s25+$0xFFFFFB00] =	vst v57;
	v60 =	vld.idx.msk [tilespmem:v54+s14+$0x0], $0xffff  }
0x407: {  	v61 =	vld.idx.msk [tilespmem:v58+s14+$0x0], $0xffff;
	[tilespmem:s25+$0xFFFFFD00] =	vst v1;
	v1 =	vor.u32 v38, v45  }
.Ltmp1:
0x408: {  	v62 =	vor.u32 v25, v44;
	[tilespmem:s25+$0xFFFFF900] =	vst v52;
	v59 =	vld.idx.msk [tilespmem:v53+s14+$0x0], $0xffff;
	(pc) =	sbr.rel @p0 .LBB2_5-.Ltmp1, $4  }
0x409: {  	v58 =	vor.u32 v25, v42;
	v57 =	vld.idx.msk [tilespmem:v5+s14+$0x0], $0xffff;
	[tilespmem:s26+$0xFFFFFBE0] =	vst v55  }
0x40a: {  	v54 =	vor.u32 v25, v40;
	v55 =	vld.idx.msk [tilespmem:v4+s14+$0x0], $0xffff;
	[tilespmem:s26+$0xFFFFFDE0] =	vst v50  }
0x40b: {  	v52 =	vor.u32 v25, v43;
	[tilespmem:s26+$0xFFFFF9E0] =	vst v2;
	v56 =	vld.idx.msk [tilespmem:v56+s14+$0x0], $0xffff  }
0x40c: {  	s29 =	sadd.s32 $0x4, s29;
	s30 =	sadd.s32 $0x3, s28;
	v53 =	vor.u32 v39, v41;
	v41 =	vmov v42;
	v42 =	vmov v49;
	[tilespmem:s25+$0xFFFFFF10] =	vst v60;
	v60 =	vld.idx.msk [tilespmem:v1+s14+$0x0], $0xffff  }
0x40d: {  	v1 =	vmov s30  }
0x40e: {  	v1 =	vand.u32 $0x1F, v1  }
0x40f: {  	v50 =	vbroadcast v1, $0x0  }
0x410: {  	v1 =	vmov s28  }
0x411: {  	v1 =	vand.u32 $0x1C, v1;
	v2 =	vor.u32 v3, v50  }
0x412: {  	v49 =	vbroadcast v1, $0x0;
	_ =	sdelay $0x1  }
0x413: {  	[tilespmem:s25+$0xFFFFFB10] =	vst v61;
	v1 =	vor.u32 v3, v49  }
0x414: {  	[tilespmem:s25+$0xFFFFFD10] =	vst v59;
	v4 =	vld.idx.msk [tilespmem:v62+s14+$0x0], $0xffff  }
0x415: {  	s31 =	sadd.s32 $0x800, s25;
	[tilespmem:s25+$0xFFFFF910] =	vst v57;
	v2 =	vld.idx.msk [tilespmem:v2+s14+$0x0], $0xffff  }
0x416: {  	[tilespmem:s31+$0xFFFFFA10] =	vst v47;
	v5 =	vor.u32 v9, v50  }
0x417: {  	v61 =	vor.u32 v9, v42;
	[tilespmem:s31+$0xFFFFFC10] =	vst v51  }
0x418: {  	v62 =	vor.u32 v9, v48;
	[tilespmem:s26+$0xFFFFFBF0] =	vst v55;
	v1 =	vld.idx.msk [tilespmem:v1+s14+$0x0], $0xffff  }
0x419: {  	v63 =	vld.idx.msk [tilespmem:v58+s14+$0x0], $0xffff;
	[tilespmem:s25+$0xFFFFFF20] =	vst v4;
	v4 =	vor.u32 v9, v49  }
0x41a: {  	v54 =	vld.idx.msk [tilespmem:v54+s14+$0x0], $0xffff;
	[tilespmem:s31+$0xFFFFFE10] =	vst v2  }
0x41b: {  	[tilespmem:s26+$0xFFFFFDF0] =	vst v56;
	v2 =	vld.idx.msk [tilespmem:v5+s14+$0x0], $0xffff  }
0x41c: {  	[tilespmem:s26+$0xFFFFF9F0] =	vst v60;
	v58 =	vor.u32 v10, v50;
	v5 =	vld.idx.msk [tilespmem:v61+s14+$0x0], $0xffff  }
0x41d: {  	v59 =	vor.u32 v10, v42;
	[tilespmem:s31+$0xFFFFF810] =	vst v1;
	v1 =	vld.idx.msk [tilespmem:v62+s14+$0x0], $0xffff  }
0x41e: {  	v60 =	vor.u32 v10, v48;
	[tilespmem:s25+$0xFFFFFB20] =	vst v63;
	v4 =	vld.idx.msk [tilespmem:v4+s14+$0x0], $0xffff  }
0x41f: {  	v52 =	vld.idx.msk [tilespmem:v52+s14+$0x0], $0xffff;
	[tilespmem:s25+$0xFFFFFD20] =	vst v54;
	v61 =	vor.u32 v10, v49  }
0x420: {  	v46 =	vor.u32 v39, v46;
	v53 =	vld.idx.msk [tilespmem:v53+s14+$0x0], $0xffff;
	[tilespmem:s31+$0xFFFFFE20] =	vst v2  }
0x421: {  	v2 =	vor.u32 v39, v45;
	[tilespmem:s31+$0xFFFFFA20] =	vst v5;
	v5 =	vld.idx.msk [tilespmem:v58+s14+$0x0], $0xffff  }
0x422: {  	v62 =	vld.idx.msk [tilespmem:v59+s14+$0x0], $0xffff;
	[tilespmem:s31+$0xFFFFFC20] =	vst v1;
	v1 =	vor.u32 v11, v50  }
0x423: {  	v63 =	vor.u32 v11, v42;
	[tilespmem:s31+$0xFFFFF820] =	vst v4;
	v4 =	vld.idx.msk [tilespmem:v60+s14+$0x0], $0xffff  }
0x424: {  	[tilespmem:s25+$0xFFFFF920] =	vst v52;
	v58 =	vor.u32 v11, v48;
	v57 =	vld.idx.msk [tilespmem:v61+s14+$0x0], $0xffff  }
0x425: {  	v46 =	vld.idx.msk [tilespmem:v46+s14+$0x0], $0xffff;
	[tilespmem:s26+$0xFFFFFC00] =	vst v53;
	v59 =	vor.u32 v11, v49  }
0x426: {  	v60 =	vor.u32 v26, v44;
	v2 =	vld.idx.msk [tilespmem:v2+s14+$0x0], $0xffff;
	[tilespmem:s31+$0xFFFFFE30] =	vst v5  }
0x427: {  	v5 =	vor.u32 v26, v41;
	[tilespmem:s31+$0xFFFFFA30] =	vst v62;
	v1 =	vld.idx.msk [tilespmem:v1+s14+$0x0], $0xffff  }
0x428: {  	v45 =	vld.idx.msk [tilespmem:v63+s14+$0x0], $0xffff;
	[tilespmem:s31+$0xFFFFFC30] =	vst v4;
	v4 =	vor.u32 v12, v50  }
0x429: {  	v62 =	vor.u32 v12, v42;
	[tilespmem:s31+$0xFFFFF830] =	vst v57;
	v61 =	vld.idx.msk [tilespmem:v58+s14+$0x0], $0xffff  }
0x42a: {  	[tilespmem:s26+$0xFFFFFE00] =	vst v46;
	v57 =	vor.u32 v12, v48;
	v63 =	vld.idx.msk [tilespmem:v59+s14+$0x0], $0xffff  }
0x42b: {  	v58 =	vld.idx.msk [tilespmem:v60+s14+$0x0], $0xffff;
	[tilespmem:s26+$0xFFFFFA00] =	vst v2;
	v2 =	vor.u32 v12, v49  }
0x42c: {  	v59 =	vor.u32 v26, v40;
	v5 =	vld.idx.msk [tilespmem:v5+s14+$0x0], $0xffff;
	[tilespmem:s31+$0xFFFFFE40] =	vst v1  }
0x42d: {  	v1 =	vor.u32 v27, v44;
	[tilespmem:s31+$0xFFFFFA40] =	vst v45;
	v4 =	vld.idx.msk [tilespmem:v4+s14+$0x0], $0xffff  }
0x42e: {  	v60 =	vor.u32 v13, v50;
	v45 =	vld.idx.msk [tilespmem:v62+s14+$0x0], $0xffff;
	[tilespmem:s31+$0xFFFFFC40] =	vst v61  }
0x42f: {  	v62 =	vor.u32 v13, v42;
	[tilespmem:s31+$0xFFFFF840] =	vst v63;
	v61 =	vld.idx.msk [tilespmem:v57+s14+$0x0], $0xffff  }
0x430: {  	[tilespmem:s25+$0xFFFFFF30] =	vst v58;
	v63 =	vor.u32 v13, v48;
	v2 =	vld.idx.msk [tilespmem:v2+s14+$0x0], $0xffff  }
0x431: {  	v57 =	vld.idx.msk [tilespmem:v59+s14+$0x0], $0xffff;
	[tilespmem:s25+$0xFFFFFB30] =	vst v5;
	v5 =	vor.u32 v13, v49  }
0x432: {  	v58 =	vor.u32 v26, v43;
	v1 =	vld.idx.msk [tilespmem:v1+s14+$0x0], $0xffff;
	[tilespmem:s31+$0xFFFFFE50] =	vst v4  }
0x433: {  	v4 =	vor.u32 v27, v41;
	[tilespmem:s31+$0xFFFFFA50] =	vst v45;
	v59 =	vld.idx.msk [tilespmem:v60+s14+$0x0], $0xffff  }
0x434: {  	v60 =	vld.idx.msk [tilespmem:v62+s14+$0x0], $0xffff;
	[tilespmem:s31+$0xFFFFFC50] =	vst v61;
	v61 =	vor.u32 v14, v50  }
0x435: {  	v62 =	vor.u32 v14, v42;
	[tilespmem:s31+$0xFFFFF850] =	vst v2;
	v2 =	vld.idx.msk [tilespmem:v63+s14+$0x0], $0xffff  }
0x436: {  	[tilespmem:s25+$0xFFFFFD30] =	vst v57;
	v63 =	vor.u32 v14, v48;
	v5 =	vld.idx.msk [tilespmem:v5+s14+$0x0], $0xffff  }
0x437: {  	v57 =	vld.idx.msk [tilespmem:v58+s14+$0x0], $0xffff;
	[tilespmem:s25+$0xFFFFFF40] =	vst v1;
	v1 =	vor.u32 v14, v49  }
0x438: {  	v58 =	vor.u32 v28, v44;
	v4 =	vld.idx.msk [tilespmem:v4+s14+$0x0], $0xffff;
	[tilespmem:s31+$0xFFFFFE60] =	vst v59  }
0x439: {  	v59 =	vor.u32 v27, v40;
	[tilespmem:s31+$0xFFFFFA60] =	vst v60;
	v46 =	vld.idx.msk [tilespmem:v61+s14+$0x0], $0xffff  }
0x43a: {  	v47 =	vld.idx.msk [tilespmem:v62+s14+$0x0], $0xffff;
	[tilespmem:s31+$0xFFFFFC60] =	vst v2;
	v2 =	vor.u32 v15, v50  }
0x43b: {  	v60 =	vor.u32 v15, v42;
	[tilespmem:s31+$0xFFFFF860] =	vst v5;
	v5 =	vld.idx.msk [tilespmem:v63+s14+$0x0], $0xffff  }
0x43c: {  	[tilespmem:s25+$0xFFFFF930] =	vst v57;
	v61 =	vor.u32 v15, v48;
	v1 =	vld.idx.msk [tilespmem:v1+s14+$0x0], $0xffff  }
0x43d: {  	v62 =	vld.idx.msk [tilespmem:v58+s14+$0x0], $0xffff;
	[tilespmem:s25+$0xFFFFFB40] =	vst v4;
	v4 =	vor.u32 v15, v49  }
0x43e: {  	v63 =	vor.u32 v27, v43;
	v45 =	vld.idx.msk [tilespmem:v59+s14+$0x0], $0xffff;
	[tilespmem:s31+$0xFFFFFE70] =	vst v46  }
0x43f: {  	v57 =	vor.u32 v29, v44;
	[tilespmem:s31+$0xFFFFFA70] =	vst v47;
	v2 =	vld.idx.msk [tilespmem:v2+s14+$0x0], $0xffff  }
0x440: {  	v47 =	vld.idx.msk [tilespmem:v60+s14+$0x0], $0xffff;
	[tilespmem:s31+$0xFFFFFC70] =	vst v5;
	v5 =	vor.u32 v16, v50  }
0x441: {  	v58 =	vor.u32 v16, v42;
	[tilespmem:s31+$0xFFFFF870] =	vst v1;
	v1 =	vld.idx.msk [tilespmem:v61+s14+$0x0], $0xffff  }
0x442: {  	v59 =	vor.u32 v16, v48;
	[tilespmem:s25+$0xFFFFFF50] =	vst v62;
	v4 =	vld.idx.msk [tilespmem:v4+s14+$0x0], $0xffff  }
0x443: {  	v60 =	vld.idx.msk [tilespmem:v63+s14+$0x0], $0xffff;
	v61 =	vor.u32 v16, v49;
	[tilespmem:s25+$0xFFFFFD40] =	vst v45  }
0x444: {  	v62 =	vor.u32 v28, v41;
	v46 =	vld.idx.msk [tilespmem:v57+s14+$0x0], $0xffff;
	[tilespmem:s31+$0xFFFFFE80] =	vst v2  }
0x445: {  	v2 =	vor.u32 v28, v40;
	[tilespmem:s31+$0xFFFFFA80] =	vst v47;
	v5 =	vld.idx.msk [tilespmem:v5+s14+$0x0], $0xffff  }
0x446: {  	v47 =	vld.idx.msk [tilespmem:v58+s14+$0x0], $0xffff;
	[tilespmem:s31+$0xFFFFFC80] =	vst v1;
	v1 =	vor.u32 v17, v50  }
0x447: {  	v63 =	vor.u32 v17, v42;
	[tilespmem:s31+$0xFFFFF880] =	vst v4;
	v4 =	vld.idx.msk [tilespmem:v59+s14+$0x0], $0xffff  }
0x448: {  	v57 =	vor.u32 v17, v48;
	[tilespmem:s25+$0xFFFFF940] =	vst v60;
	v45 =	vld.idx.msk [tilespmem:v61+s14+$0x0], $0xffff  }
0x449: {  	[tilespmem:s25+$0xFFFFFF60] =	vst v46;
	v58 =	vld.idx.msk [tilespmem:v62+s14+$0x0], $0xffff;
	v59 =	vor.u32 v17, v49  }
0x44a: {  	v60 =	vor.u32 v30, v44;
	v2 =	vld.idx.msk [tilespmem:v2+s14+$0x0], $0xffff;
	[tilespmem:s31+$0xFFFFFE90] =	vst v5  }
0x44b: {  	v5 =	vor.u32 v28, v43;
	[tilespmem:s31+$0xFFFFFA90] =	vst v47;
	v1 =	vld.idx.msk [tilespmem:v1+s14+$0x0], $0xffff  }
0x44c: {  	v47 =	vld.idx.msk [tilespmem:v63+s14+$0x0], $0xffff;
	[tilespmem:s31+$0xFFFFFC90] =	vst v4;
	v4 =	vor.u32 v18, v50  }
0x44d: {  	v62 =	vor.u32 v18, v42;
	[tilespmem:s31+$0xFFFFF890] =	vst v45;
	v61 =	vld.idx.msk [tilespmem:v57+s14+$0x0], $0xffff  }
0x44e: {  	[tilespmem:s25+$0xFFFFFB50] =	vst v58;
	v63 =	vor.u32 v18, v48;
	v46 =	vld.idx.msk [tilespmem:v59+s14+$0x0], $0xffff  }
0x44f: {  	v57 =	vld.idx.msk [tilespmem:v60+s14+$0x0], $0xffff;
	[tilespmem:s25+$0xFFFFFD50] =	vst v2;
	v2 =	vor.u32 v18, v49  }
0x450: {  	v58 =	vor.u32 v29, v41;
	v5 =	vld.idx.msk [tilespmem:v5+s14+$0x0], $0xffff;
	[tilespmem:s31+$0xFFFFFEA0] =	vst v1  }
0x451: {  	v1 =	vor.u32 v31, v44;
	[tilespmem:s31+$0xFFFFFAA0] =	vst v47;
	v4 =	vld.idx.msk [tilespmem:v4+s14+$0x0], $0xffff  }
0x452: {  	v59 =	vor.u32 v19, v50;
	v47 =	vld.idx.msk [tilespmem:v62+s14+$0x0], $0xffff;
	[tilespmem:s31+$0xFFFFFCA0] =	vst v61  }
0x453: {  	v61 =	vor.u32 v19, v42;
	[tilespmem:s31+$0xFFFFF8A0] =	vst v46;
	v60 =	vld.idx.msk [tilespmem:v63+s14+$0x0], $0xffff  }
0x454: {  	[tilespmem:s25+$0xFFFFFF70] =	vst v57;
	v62 =	vor.u32 v19, v48;
	v2 =	vld.idx.msk [tilespmem:v2+s14+$0x0], $0xffff  }
0x455: {  	v63 =	vld.idx.msk [tilespmem:v58+s14+$0x0], $0xffff;
	[tilespmem:s25+$0xFFFFF950] =	vst v5;
	v5 =	vor.u32 v19, v49  }
0x456: {  	v57 =	vor.u32 v29, v40;
	v1 =	vld.idx.msk [tilespmem:v1+s14+$0x0], $0xffff;
	[tilespmem:s31+$0xFFFFFEB0] =	vst v4  }
0x457: {  	v4 =	vor.u32 v29, v43;
	[tilespmem:s31+$0xFFFFFAB0] =	vst v47;
	v45 =	vld.idx.msk [tilespmem:v59+s14+$0x0], $0xffff  }
0x458: {  	v58 =	vor.u32 v20, v50;
	v47 =	vld.idx.msk [tilespmem:v61+s14+$0x0], $0xffff;
	[tilespmem:s31+$0xFFFFFCB0] =	vst v60  }
0x459: {  	v59 =	vor.u32 v20, v42;
	[tilespmem:s31+$0xFFFFF8B0] =	vst v2;
	v2 =	vld.idx.msk [tilespmem:v62+s14+$0x0], $0xffff  }
0x45a: {  	[tilespmem:s25+$0xFFFFFB60] =	vst v63;
	v60 =	vor.u32 v20, v48;
	v5 =	vld.idx.msk [tilespmem:v5+s14+$0x0], $0xffff  }
0x45b: {  	v61 =	vld.idx.msk [tilespmem:v57+s14+$0x0], $0xffff;
	[tilespmem:s25+$0xFFFFFF80] =	vst v1;
	v1 =	vor.u32 v20, v49  }
0x45c: {  	v63 =	vor.u32 v30, v41;
	v4 =	vld.idx.msk [tilespmem:v4+s14+$0x0], $0xffff;
	[tilespmem:s31+$0xFFFFFEC0] =	vst v45  }
0x45d: {  	v62 =	vor.u32 v32, v44;
	[tilespmem:s31+$0xFFFFFAC0] =	vst v47;
	v46 =	vld.idx.msk [tilespmem:v58+s14+$0x0], $0xffff  }
0x45e: {  	v47 =	vld.idx.msk [tilespmem:v59+s14+$0x0], $0xffff;
	[tilespmem:s31+$0xFFFFFCC0] =	vst v2;
	v2 =	vor.u32 v21, v50  }
0x45f: {  	v57 =	vor.u32 v21, v42;
	[tilespmem:s31+$0xFFFFF8C0] =	vst v5;
	v5 =	vld.idx.msk [tilespmem:v60+s14+$0x0], $0xffff  }
0x460: {  	[tilespmem:s25+$0xFFFFFD60] =	vst v61;
	v58 =	vor.u32 v21, v48;
	v1 =	vld.idx.msk [tilespmem:v1+s14+$0x0], $0xffff  }
0x461: {  	v45 =	vld.idx.msk [tilespmem:v63+s14+$0x0], $0xffff;
	[tilespmem:s25+$0xFFFFF960] =	vst v4;
	v4 =	vor.u32 v21, v49  }
0x462: {  	v59 =	vld.idx.msk [tilespmem:v62+s14+$0x0], $0xffff;
	v60 =	vor.u32 v30, v40;
	[tilespmem:s31+$0xFFFFFED0] =	vst v46  }
0x463: {  	v61 =	vor.u32 v33, v44;
	[tilespmem:s31+$0xFFFFFAD0] =	vst v47;
	v2 =	vld.idx.msk [tilespmem:v2+s14+$0x0], $0xffff  }
0x464: {  	v47 =	vld.idx.msk [tilespmem:v57+s14+$0x0], $0xffff;
	[tilespmem:s31+$0xFFFFFCD0] =	vst v5;
	v5 =	vor.u32 v22, v50  }
0x465: {  	v62 =	vor.u32 v22, v42;
	[tilespmem:s31+$0xFFFFF8D0] =	vst v1;
	v1 =	vld.idx.msk [tilespmem:v58+s14+$0x0], $0xffff  }
0x466: {  	v63 =	vor.u32 v22, v48;
	[tilespmem:s25+$0xFFFFFB70] =	vst v45;
	v4 =	vld.idx.msk [tilespmem:v4+s14+$0x0], $0xffff  }
0x467: {  	[tilespmem:s25+$0xFFFFFF90] =	vst v59;
	v57 =	vld.idx.msk [tilespmem:v60+s14+$0x0], $0xffff;
	v58 =	vor.u32 v22, v49  }
0x468: {  	v59 =	vor.u32 v30, v43;
	v46 =	vld.idx.msk [tilespmem:v61+s14+$0x0], $0xffff;
	[tilespmem:s31+$0xFFFFFEE0] =	vst v2  }
0x469: {  	v2 =	vor.u32 v31, v41;
	[tilespmem:s31+$0xFFFFFAE0] =	vst v47;
	v5 =	vld.idx.msk [tilespmem:v5+s14+$0x0], $0xffff  }
0x46a: {  	v47 =	vld.idx.msk [tilespmem:v62+s14+$0x0], $0xffff;
	[tilespmem:s31+$0xFFFFFCE0] =	vst v1;
	v1 =	vor.u32 v23, v50  }
0x46b: {  	v60 =	vor.u32 v23, v42;
	[tilespmem:s31+$0xFFFFF8E0] =	vst v4;
	v4 =	vld.idx.msk [tilespmem:v63+s14+$0x0], $0xffff  }
0x46c: {  	v61 =	vor.u32 v23, v48;
	[tilespmem:s25+$0xFFFFFD70] =	vst v57;
	v45 =	vld.idx.msk [tilespmem:v58+s14+$0x0], $0xffff  }
0x46d: {  	[tilespmem:s25+$0xFFFFFFA0] =	vst v46;
	v62 =	vld.idx.msk [tilespmem:v59+s14+$0x0], $0xffff;
	v63 =	vor.u32 v23, v49  }
0x46e: {  	v57 =	vor.u32 v34, v44;
	v2 =	vld.idx.msk [tilespmem:v2+s14+$0x0], $0xffff;
	[tilespmem:s31+$0xFFFFFEF0] =	vst v5  }
0x46f: {  	v5 =	vor.u32 v31, v40;
	[tilespmem:s31+$0xFFFFFAF0] =	vst v47;
	v1 =	vld.idx.msk [tilespmem:v1+s14+$0x0], $0xffff  }
0x470: {  	v47 =	vld.idx.msk [tilespmem:v60+s14+$0x0], $0xffff;
	[tilespmem:s31+$0xFFFFFCF0] =	vst v4;
	v4 =	vor.u32 v24, v50  }
0x471: {  	v59 =	vor.u32 v24, v42;
	[tilespmem:s31+$0xFFFFF8F0] =	vst v45;
	v58 =	vld.idx.msk [tilespmem:v61+s14+$0x0], $0xffff  }
0x472: {  	[tilespmem:s25+$0xFFFFF970] =	vst v62;
	v60 =	vor.u32 v24, v48;
	v46 =	vld.idx.msk [tilespmem:v63+s14+$0x0], $0xffff  }
0x473: {  	v61 =	vld.idx.msk [tilespmem:v57+s14+$0x0], $0xffff;
	[tilespmem:s25+$0xFFFFFB80] =	vst v2;
	v2 =	vor.u32 v24, v49  }
0x474: {  	v62 =	vor.u32 v31, v43;
	v5 =	vld.idx.msk [tilespmem:v5+s14+$0x0], $0xffff;
	[tilespmem:s31+$0xFFFFFF00] =	vst v1  }
0x475: {  	v1 =	vor.u32 v35, v44;
	[tilespmem:s31+$0xFFFFFB00] =	vst v47;
	v4 =	vld.idx.msk [tilespmem:v4+s14+$0x0], $0xffff  }
0x476: {  	v63 =	vor.u32 v25, v50;
	v47 =	vld.idx.msk [tilespmem:v59+s14+$0x0], $0xffff;
	[tilespmem:s31+$0xFFFFFD00] =	vst v58  }
0x477: {  	v58 =	vor.u32 v25, v42;
	[tilespmem:s31+$0xFFFFF900] =	vst v46;
	v57 =	vld.idx.msk [tilespmem:v60+s14+$0x0], $0xffff  }
0x478: {  	[tilespmem:s25+$0xFFFFFFB0] =	vst v61;
	v59 =	vor.u32 v25, v48;
	v2 =	vld.idx.msk [tilespmem:v2+s14+$0x0], $0xffff  }
0x479: {  	v60 =	vld.idx.msk [tilespmem:v62+s14+$0x0], $0xffff;
	[tilespmem:s25+$0xFFFFFD80] =	vst v5;
	v5 =	vor.u32 v25, v49  }
0x47a: {  	v61 =	vor.u32 v32, v41;
	v1 =	vld.idx.msk [tilespmem:v1+s14+$0x0], $0xffff;
	[tilespmem:s31+$0xFFFFFF10] =	vst v4  }
0x47b: {  	v4 =	vor.u32 v32, v40;
	[tilespmem:s31+$0xFFFFFB10] =	vst v47;
	v45 =	vld.idx.msk [tilespmem:v63+s14+$0x0], $0xffff  }
0x47c: {  	v62 =	vor.u32 v26, v50;
	v47 =	vld.idx.msk [tilespmem:v58+s14+$0x0], $0xffff;
	[tilespmem:s31+$0xFFFFFD10] =	vst v57  }
0x47d: {  	v63 =	vor.u32 v26, v42;
	[tilespmem:s31+$0xFFFFF910] =	vst v2;
	v2 =	vld.idx.msk [tilespmem:v59+s14+$0x0], $0xffff  }
0x47e: {  	[tilespmem:s25+$0xFFFFF980] =	vst v60;
	v57 =	vor.u32 v26, v48;
	v5 =	vld.idx.msk [tilespmem:v5+s14+$0x0], $0xffff  }
0x47f: {  	v58 =	vld.idx.msk [tilespmem:v61+s14+$0x0], $0xffff;
	[tilespmem:s25+$0xFFFFFFC0] =	vst v1;
	v1 =	vor.u32 v26, v49  }
0x480: {  	v60 =	vor.u32 v32, v43;
	v4 =	vld.idx.msk [tilespmem:v4+s14+$0x0], $0xffff;
	[tilespmem:s31+$0xFFFFFF20] =	vst v45  }
0x481: {  	v59 =	vor.u32 v36, v44;
	[tilespmem:s31+$0xFFFFFB20] =	vst v47;
	v46 =	vld.idx.msk [tilespmem:v62+s14+$0x0], $0xffff  }
0x482: {  	v47 =	vld.idx.msk [tilespmem:v63+s14+$0x0], $0xffff;
	[tilespmem:s31+$0xFFFFFD20] =	vst v2;
	v2 =	vor.u32 v27, v50  }
0x483: {  	[tilespmem:s31+$0xFFFFF920] =	vst v5;
	v5 =	vor.u32 v27, v42;
	v61 =	vld.idx.msk [tilespmem:v57+s14+$0x0], $0xffff  }
0x484: {  	[tilespmem:s25+$0xFFFFFB90] =	vst v58;
	v62 =	vor.u32 v27, v48;
	v1 =	vld.idx.msk [tilespmem:v1+s14+$0x0], $0xffff  }
0x485: {  	v45 =	vld.idx.msk [tilespmem:v60+s14+$0x0], $0xffff;
	[tilespmem:s25+$0xFFFFFD90] =	vst v4;
	v4 =	vor.u32 v27, v49  }
0x486: {  	v63 =	vld.idx.msk [tilespmem:v59+s14+$0x0], $0xffff;
	v57 =	vor.u32 v33, v41;
	[tilespmem:s31+$0xFFFFFF30] =	vst v46  }
0x487: {  	v58 =	vor.u32 v37, v44;
	[tilespmem:s31+$0xFFFFFB30] =	vst v47;
	v2 =	vld.idx.msk [tilespmem:v2+s14+$0x0], $0xffff  }
0x488: {  	v59 =	vor.u32 v28, v50;
	v5 =	vld.idx.msk [tilespmem:v5+s14+$0x0], $0xffff;
	[tilespmem:s31+$0xFFFFFD30] =	vst v61  }
0x489: {  	v51 =	vld.idx.msk [tilespmem:v62+s14+$0x0], $0xffff;
	[tilespmem:s31+$0xFFFFF930] =	vst v1;
	v1 =	vor.u32 v28, v42  }
0x48a: {  	v60 =	vor.u32 v28, v48;
	[tilespmem:s25+$0xFFFFF990] =	vst v45;
	v4 =	vld.idx.msk [tilespmem:v4+s14+$0x0], $0xffff  }
0x48b: {  	[tilespmem:s25+$0xFFFFFFD0] =	vst v63;
	v61 =	vld.idx.msk [tilespmem:v57+s14+$0x0], $0xffff;
	v62 =	vor.u32 v28, v49  }
0x48c: {  	v63 =	vor.u32 v33, v40;
	v46 =	vld.idx.msk [tilespmem:v58+s14+$0x0], $0xffff;
	[tilespmem:s31+$0xFFFFFF40] =	vst v2  }
0x48d: {  	v2 =	vor.u32 v33, v43;
	[tilespmem:s31+$0xFFFFFB40] =	vst v5;
	v47 =	vld.idx.msk [tilespmem:v59+s14+$0x0], $0xffff  }
0x48e: {  	v5 =	vor.u32 v29, v50;
	v1 =	vld.idx.msk [tilespmem:v1+s14+$0x0], $0xffff;
	[tilespmem:s31+$0xFFFFFD40] =	vst v51  }
0x48f: {  	v57 =	vor.u32 v29, v42;
	v51 =	vld.idx.msk [tilespmem:v60+s14+$0x0], $0xffff;
	[tilespmem:s31+$0xFFFFF940] =	vst v4  }
0x490: {  	v58 =	vor.u32 v29, v48;
	[tilespmem:s25+$0xFFFFFBA0] =	vst v61;
	v4 =	vld.idx.msk [tilespmem:v62+s14+$0x0], $0xffff  }
0x491: {  	[tilespmem:s25+$0xFFFFFFE0] =	vst v46;
	v59 =	vld.idx.msk [tilespmem:v63+s14+$0x0], $0xffff;
	v60 =	vor.u32 v29, v49  }
0x492: {  	v61 =	vor.u32 v38, v44;
	v2 =	vld.idx.msk [tilespmem:v2+s14+$0x0], $0xffff;
	[tilespmem:s31+$0xFFFFFF50] =	vst v47  }
0x493: {  	v62 =	vor.u32 v34, v41;
	[tilespmem:s31+$0xFFFFFB50] =	vst v1;
	v5 =	vld.idx.msk [tilespmem:v5+s14+$0x0], $0xffff  }
0x494: {  	v1 =	vor.u32 v30, v50;
	v52 =	vld.idx.msk [tilespmem:v57+s14+$0x0], $0xffff;
	[tilespmem:s31+$0xFFFFFD50] =	vst v51  }
0x495: {  	v45 =	vld.idx.msk [tilespmem:v58+s14+$0x0], $0xffff;
	[tilespmem:s31+$0xFFFFF950] =	vst v4;
	v4 =	vor.u32 v30, v42  }
0x496: {  	v63 =	vor.u32 v30, v48;
	[tilespmem:s25+$0xFFFFFDA0] =	vst v59;
	v46 =	vld.idx.msk [tilespmem:v60+s14+$0x0], $0xffff  }
0x497: {  	v57 =	vld.idx.msk [tilespmem:v61+s14+$0x0], $0xffff;
	[tilespmem:s25+$0xFFFFF9A0] =	vst v2;
	v2 =	vor.u32 v30, v49  }
0x498: {  	v58 =	vor.u32 v34, v40;
	v47 =	vld.idx.msk [tilespmem:v62+s14+$0x0], $0xffff;
	[tilespmem:s31+$0xFFFFFF60] =	vst v5  }
0x499: {  	v5 =	vor.u32 v39, v44;
	[tilespmem:s31+$0xFFFFFB60] =	vst v52;
	v1 =	vld.idx.msk [tilespmem:v1+s14+$0x0], $0xffff  }
0x49a: {  	v59 =	vor.u32 v31, v50;
	v4 =	vld.idx.msk [tilespmem:v4+s14+$0x0], $0xffff;
	[tilespmem:s31+$0xFFFFFD60] =	vst v45  }
0x49b: {  	v60 =	vor.u32 v31, v42;
	v45 =	vld.idx.msk [tilespmem:v63+s14+$0x0], $0xffff;
	[tilespmem:s31+$0xFFFFF960] =	vst v46  }
0x49c: {  	v61 =	vor.u32 v31, v48;
	[tilespmem:s25+$0xFFFFFFF0] =	vst v57;
	v2 =	vld.idx.msk [tilespmem:v2+s14+$0x0], $0xffff  }
0x49d: {  	v62 =	vld.idx.msk [tilespmem:v58+s14+$0x0], $0xffff;
	[tilespmem:s25+$0xFFFFFBB0] =	vst v47;
	v63 =	vor.u32 v31, v49  }
0x49e: {  	v56 =	vor.u32 v34, v43;
	v5 =	vld.idx.msk [tilespmem:v5+s14+$0x0], $0xffff;
	[tilespmem:s31+$0xFFFFFF70] =	vst v1  }
0x49f: {  	v1 =	vor.u32 v35, v41;
	[tilespmem:s31+$0xFFFFFB70] =	vst v4;
	v44 =	vld.idx.msk [tilespmem:v59+s14+$0x0], $0xffff  }
0x4a0: {  	v4 =	vor.u32 v32, v50;
	v51 =	vld.idx.msk [tilespmem:v60+s14+$0x0], $0xffff;
	[tilespmem:s31+$0xFFFFFD70] =	vst v45  }
0x4a1: {  	v45 =	vld.idx.msk [tilespmem:v61+s14+$0x0], $0xffff;
	[tilespmem:s31+$0xFFFFF970] =	vst v2;
	v2 =	vor.u32 v32, v42  }
0x4a2: {  	v58 =	vor.u32 v32, v48;
	[tilespmem:s25+$0xFFFFFDB0] =	vst v62;
	v57 =	vld.idx.msk [tilespmem:v63+s14+$0x0], $0xffff  }
0x4a3: {  	v59 =	vld.idx.msk [tilespmem:v56+s14+$0x0], $0xffff;
	[tilespmem:s25+$0x0] =	vst v5;
	v5 =	vor.u32 v32, v49  }
0x4a4: {  	v61 =	vor.u32 v35, v43;
	v1 =	vld.idx.msk [tilespmem:v1+s14+$0x0], $0xffff;
	[tilespmem:s31+$0xFFFFFF80] =	vst v44  }
0x4a5: {  	v60 =	vor.u32 v35, v40;
	[tilespmem:s31+$0xFFFFFB80] =	vst v51;
	v4 =	vld.idx.msk [tilespmem:v4+s14+$0x0], $0xffff  }
0x4a6: {  	v62 =	vor.u32 v33, v50;
	v2 =	vld.idx.msk [tilespmem:v2+s14+$0x0], $0xffff;
	[tilespmem:s31+$0xFFFFFD80] =	vst v45  }
0x4a7: {  	v63 =	vor.u32 v33, v42;
	v45 =	vld.idx.msk [tilespmem:v58+s14+$0x0], $0xffff;
	[tilespmem:s31+$0xFFFFF980] =	vst v57  }
0x4a8: {  	v56 =	vor.u32 v33, v48;
	[tilespmem:s25+$0xFFFFF9B0] =	vst v59;
	v5 =	vld.idx.msk [tilespmem:v5+s14+$0x0], $0xffff  }
0x4a9: {  	v44 =	vld.idx.msk [tilespmem:v61+s14+$0x0], $0xffff;
	[tilespmem:s25+$0xFFFFFBC0] =	vst v1;
	v1 =	vor.u32 v33, v49  }
0x4aa: {  	v57 =	vld.idx.msk [tilespmem:v60+s14+$0x0], $0xffff;
	v58 =	vor.u32 v36, v41;
	[tilespmem:s31+$0xFFFFFF90] =	vst v4  }
0x4ab: {  	v4 =	vor.u32 v36, v40;
	[tilespmem:s31+$0xFFFFFB90] =	vst v2;
	v51 =	vld.idx.msk [tilespmem:v62+s14+$0x0], $0xffff  }
0x4ac: {  	v2 =	vor.u32 v34, v50;
	v47 =	vld.idx.msk [tilespmem:v63+s14+$0x0], $0xffff;
	[tilespmem:s31+$0xFFFFFD90] =	vst v45  }
0x4ad: {  	v45 =	vld.idx.msk [tilespmem:v56+s14+$0x0], $0xffff;
	[tilespmem:s31+$0xFFFFF990] =	vst v5;
	v5 =	vor.u32 v34, v42  }
0x4ae: {  	v59 =	vor.u32 v34, v48;
	[tilespmem:s25+$0xFFFFF9C0] =	vst v44;
	v1 =	vld.idx.msk [tilespmem:v1+s14+$0x0], $0xffff  }
0x4af: {  	v61 =	vor.u32 v34, v49;
	[tilespmem:s25+$0xFFFFFDC0] =	vst v57;
	v60 =	vld.idx.msk [tilespmem:v58+s14+$0x0], $0xffff  }
0x4b0: {  	v63 =	vor.u32 v37, v41;
	v4 =	vld.idx.msk [tilespmem:v4+s14+$0x0], $0xffff;
	[tilespmem:s31+$0xFFFFFFA0] =	vst v51  }
0x4b1: {  	v62 =	vor.u32 v36, v43;
	[tilespmem:s31+$0xFFFFFBA0] =	vst v47;
	v2 =	vld.idx.msk [tilespmem:v2+s14+$0x0], $0xffff  }
0x4b2: {  	v56 =	vor.u32 v35, v50;
	v5 =	vld.idx.msk [tilespmem:v5+s14+$0x0], $0xffff;
	[tilespmem:s31+$0xFFFFFDA0] =	vst v45  }
0x4b3: {  	v57 =	vor.u32 v35, v42;
	v45 =	vld.idx.msk [tilespmem:v59+s14+$0x0], $0xffff;
	[tilespmem:s31+$0xFFFFF9A0] =	vst v1  }
0x4b4: {  	v58 =	vor.u32 v35, v48;
	[tilespmem:s25+$0xFFFFFBD0] =	vst v60;
	v1 =	vld.idx.msk [tilespmem:v61+s14+$0x0], $0xffff  }
0x4b5: {  	v51 =	vld.idx.msk [tilespmem:v63+s14+$0x0], $0xffff;
	[tilespmem:s25+$0xFFFFFDD0] =	vst v4;
	v4 =	vor.u32 v35, v49  }
0x4b6: {  	v60 =	vor.u32 v37, v40;
	v59 =	vld.idx.msk [tilespmem:v62+s14+$0x0], $0xffff;
	[tilespmem:s31+$0xFFFFFFB0] =	vst v2  }
0x4b7: {  	v2 =	vor.u32 v37, v43;
	[tilespmem:s31+$0xFFFFFBB0] =	vst v5;
	v47 =	vld.idx.msk [tilespmem:v56+s14+$0x0], $0xffff  }
0x4b8: {  	v5 =	vor.u32 v36, v50;
	v46 =	vld.idx.msk [tilespmem:v57+s14+$0x0], $0xffff;
	[tilespmem:s31+$0xFFFFFDB0] =	vst v45  }
0x4b9: {  	v44 =	vld.idx.msk [tilespmem:v58+s14+$0x0], $0xffff;
	[tilespmem:s31+$0xFFFFF9B0] =	vst v1;
	v1 =	vor.u32 v36, v42  }
0x4ba: {  	v61 =	vor.u32 v36, v48;
	[tilespmem:s25+$0xFFFFFBE0] =	vst v51;
	v4 =	vld.idx.msk [tilespmem:v4+s14+$0x0], $0xffff  }
0x4bb: {  	v63 =	vor.u32 v36, v49;
	v62 =	vld.idx.msk [tilespmem:v60+s14+$0x0], $0xffff;
	[tilespmem:s25+$0xFFFFF9D0] =	vst v59  }
0x4bc: {  	v56 =	vor.u32 v38, v41;
	v2 =	vld.idx.msk [tilespmem:v2+s14+$0x0], $0xffff;
	[tilespmem:s31+$0xFFFFFFC0] =	vst v47  }
0x4bd: {  	v57 =	vor.u32 v38, v40;
	[tilespmem:s31+$0xFFFFFBC0] =	vst v46;
	v5 =	vld.idx.msk [tilespmem:v5+s14+$0x0], $0xffff  }
0x4be: {  	v58 =	vor.u32 v37, v50;
	v1 =	vld.idx.msk [tilespmem:v1+s14+$0x0], $0xffff;
	[tilespmem:s31+$0xFFFFFDC0] =	vst v44  }
0x4bf: {  	v59 =	vor.u32 v37, v42;
	[tilespmem:s31+$0xFFFFF9C0] =	vst v4;
	v4 =	vld.idx.msk [tilespmem:v61+s14+$0x0], $0xffff  }
0x4c0: {  	[tilespmem:s25+$0xFFFFFDE0] =	vst v62;
	v61 =	vor.u32 v37, v48;
	v60 =	vld.idx.msk [tilespmem:v63+s14+$0x0], $0xffff  }
0x4c1: {  	v62 =	vld.idx.msk [tilespmem:v56+s14+$0x0], $0xffff;
	[tilespmem:s25+$0xFFFFF9E0] =	vst v2;
	v2 =	vor.u32 v37, v49  }
0x4c2: {  	v47 =	vld.idx.msk [tilespmem:v57+s14+$0x0], $0xffff;
	v63 =	vor.u32 v38, v43;
	[tilespmem:s31+$0xFFFFFFD0] =	vst v5  }
0x4c3: {  	v5 =	vor.u32 v39, v41;
	[tilespmem:s31+$0xFFFFFBD0] =	vst v1;
	v54 =	vld.idx.msk [tilespmem:v58+s14+$0x0], $0xffff  }
0x4c4: {  	v1 =	vor.u32 v38, v50;
	v44 =	vld.idx.msk [tilespmem:v59+s14+$0x0], $0xffff;
	[tilespmem:s31+$0xFFFFFDD0] =	vst v4  }
0x4c5: {  	v55 =	vor.u32 v38, v42;
	[tilespmem:s31+$0xFFFFF9D0] =	vst v60;
	v4 =	vld.idx.msk [tilespmem:v61+s14+$0x0], $0xffff  }
0x4c6: {  	v56 =	vor.u32 v38, v48;
	[tilespmem:s25+$0xFFFFFBF0] =	vst v62;
	v2 =	vld.idx.msk [tilespmem:v2+s14+$0x0], $0xffff  }
0x4c7: {  	[tilespmem:s25+$0xFFFFFDF0] =	vst v47;
	v58 =	vor.u32 v38, v49;
	v57 =	vld.idx.msk [tilespmem:v63+s14+$0x0], $0xffff  }
0x4c8: {  	v59 =	vor.u32 v39, v40;
	v5 =	vld.idx.msk [tilespmem:v5+s14+$0x0], $0xffff;
	[tilespmem:s31+$0xFFFFFFE0] =	vst v54  }
0x4c9: {  	v60 =	vor.u32 v39, v43;
	[tilespmem:s31+$0xFFFFFBE0] =	vst v44;
	v1 =	vld.idx.msk [tilespmem:v1+s14+$0x0], $0xffff  }
0x4ca: {  	v61 =	vor.u32 v39, v50;
	v44 =	vld.idx.msk [tilespmem:v55+s14+$0x0], $0xffff;
	[tilespmem:s31+$0xFFFFFDE0] =	vst v4  }
0x4cb: {  	v4 =	vor.u32 v39, v42;
	[tilespmem:s31+$0xFFFFF9E0] =	vst v2;
	v2 =	vld.idx.msk [tilespmem:v56+s14+$0x0], $0xffff  }
0x4cc: {  	v63 =	vor.u32 v39, v48;
	[tilespmem:s25+$0xFFFFF9F0] =	vst v57;
	v62 =	vld.idx.msk [tilespmem:v58+s14+$0x0], $0xffff  }
0x4cd: {  	v40 =	vld.idx.msk [tilespmem:v59+s14+$0x0], $0xffff;
	[tilespmem:s25+$0xFFFFFC00] =	vst v5;
	v5 =	vor.u32 v39, v49  }
0x4ce: {  	v41 =	vld.idx.msk [tilespmem:v60+s14+$0x0], $0xffff;
	[tilespmem:s31+$0xFFFFFFF0] =	vst v1  }
0x4cf: {  	[tilespmem:s31+$0xFFFFFBF0] =	vst v44;
	v1 =	vld.idx.msk [tilespmem:v61+s14+$0x0], $0xffff  }
0x4d0: {  	v4 =	vld.idx.msk [tilespmem:v4+s14+$0x0], $0xffff;
	[tilespmem:s31+$0xFFFFFDF0] =	vst v2  }
0x4d1: {  	[tilespmem:s31+$0xFFFFF9F0] =	vst v62;
	v2 =	vld.idx.msk [tilespmem:v63+s14+$0x0], $0xffff  }
0x4d2: {  	s23 =	sadd.s32 $0x1, s23;
	[tilespmem:s25+$0xFFFFFE00] =	vst v40;
	v5 =	vld.idx.msk [tilespmem:v5+s14+$0x0], $0xffff  }
0x4d3: {  	p0 =	sne.s32 s23, $0x19;
	[tilespmem:s25+$0xFFFFFA00] =	vst v41  }
.Ltmp2:
0x4d4: {  	s24 =	sshll.u32 s24, $0x13;
	[tilespmem:s31+$0x0] =	vst v1;
	(pc) =	sbr.rel @p0 .LBB2_2-.Ltmp2, $4  }
0x4d5: {  	s24 =	sor.u32 s6, s24;
	[tilespmem:s31+$0xFFFFFC00] =	vst v4  }
0x4d6: {  	s24 =	sshrl.u32 s24, $0x3;
	[tilespmem:s31+$0xFFFFFE00] =	vst v2  }
0x4d7: {  	s24 =	sadd.s32 s2, s24;
	[tilespmem:s31+$0xFFFFFA00] =	vst v5  }
0x4d8: {  	[hbm4b:s24+s15] =	stream.strided.scatter [tilespmem:s19], [sflag:$0x4], $0x4000, s16, s15, $0x38;
	[tilespmem:$0x11A00] =	vst v63  }
0x4d9: {  	s22 =	sadd.s32 $0x1, s22  }
0x4da: {  	_ =	swait.ge [sflag:s20], $0x4000;
	p0 =	sne.s32 s22, s7  }
.Ltmp3:
0x4db: {  	[sflag:s20] =	ssyncset.done $0x0;
	(pc) =	sbr.rel @p0 .LBB2_1-.Ltmp3, $4  }
0x4dc: {  	[sflag:s20] =	ssyncadd.s32 $0xFFFFC000  }
0x4dd: {  	_ =	swait.ge [sflag:s21], $0x4000  }
0x4de: {  	[sflag:s21] =	ssyncset.done $0x0  }
0x4df: {  	[sflag:s21] =	ssyncadd.s32 $0xFFFFC000  }
0x4e0: {  	_ =	sfence.sel $0x180000  }
0x4e1: {  	[bflag:$0x0] =	sbarrier.arrive $0xFFFF  }
0x4e2: {  	p0 =	sne.s32 s0, $0x0;
	_ =	strace $0x90000047  }
0x4e3: {  	s0 =	sadd.s32 @!p0 $0x100000, s1;
	[bflag:$0x2] =	sbarrier.arrive $0xFFFF  }
0x4e4: {  	[sflag:s0] =	ssyncadd.tile.s32 @!p0 $0x1;
	_ =	shalt  }
.Lfunc_end2:
_tile_overlayer_lowered:
.L_overlay_start_2:
0x4e5: {  	(tag) =	ssettag $0x2  }
0x4e6: {  	s0 =	rddreg [dreg:$0x0];
	s2 =	stileid.u32  }
0x4e7: {  	s1 =	rddreg [dreg:$0x1];
	p0 =	sne.s32 s2, $0x0  }
0x4e8: {  	s3 =	rddreg [dreg:$0x2];
	[bflag:$0x3] =	sbarrier.arrive $0xFFFF;
	s2 =	simm.s32 @!p0 $0x1C05  }
0x4e9: {  	[timem:s3], [sflag:s2] =	dma.local @!p0 [hbm:s0], s1  }
0x4ea: {  	s0 =	simm.s32 @!p0 $0x5  }
0x4eb: {  	_ =	swait.ge @!p0 [sflag:s0], s1  }
0x4ec: {  	s1 =	ssub.s32 @!p0 $0x0, s1;
	[sflag:s0] =	ssyncset.done @!p0 $0x0  }
0x4ed: {  	[sflag:s0] =	ssyncadd.s32 @!p0 s1  }
0x4ee: {  	[bflag:$0x3] =	sbarrier.arrive $0xFFFF  }
0x4ef: {  	_ =	shalt  }

</sc_bundles>
